<compile_context>
chip_gen: v7x
topology: tpu7x:2x2x1
jax: 0.10.2.dev20260603
libtpu: 0.0.44.dev20260713+nightly
codegen_flags: <defaults>
</compile_context>

<pallas_src>
import jax
import jax.numpy as jnp
from jax import lax
from jax.experimental import pallas as pl
from jax.experimental.pallas import tpu as pltpu
from jax.experimental.pallas import tpu_sc as plsc

_BATCH = 16384
_D = 16
_NC = 2
_NS = 16
_NW = _NC * _NS
_BPW = _BATCH // _NW
_NSLOT = 12


def _efm_body(user_hbm, item_hbm, ue_hbm, ie_hbm, uhe_hbm, ihe_hbm, out_hbm,
              idx_u_v, idx_i_v, ring, out_v, *sems):
    wid = lax.axis_index("s") * _NC + lax.axis_index("c")
    base = wid * _BPW

    pltpu.sync_copy(user_hbm.at[pl.ds(base, _BPW)], idx_u_v)
    pltpu.sync_copy(item_hbm.at[pl.ds(base, _BPW)], idx_i_v)

    tables = (ue_hbm, ie_hbm, uhe_hbm, ihe_hbm)
    lane = lax.iota(jnp.int32, 16)

    def fire_one(e, s):
        evec = jnp.zeros((16,), jnp.int32) + e
        ru = plsc.load_gather(idx_u_v, [evec])[0]
        ri = plsc.load_gather(idx_i_v, [evec])[0]
        for t, (tbl, r) in enumerate(
                zip(tables, (ru, ri, ru, ri))):
            c = pl.multiple_of((r >> 7) * 128, 128)
            pltpu.async_copy(
                tbl.at[:, pl.ds(c, 128)],
                ring.at[s, t],
                sems[s])

    def compute_one(e, s):
        evec = jnp.zeros((16,), jnp.int32) + e
        lu = plsc.load_gather(idx_u_v, [evec]) & 127
        li = plsc.load_gather(idx_i_v, [evec]) & 127
        svec_s = jnp.zeros((16,), jnp.int32) + s
        cols = []
        for t, l in zip(range(4), (lu, li, lu, li)):
            pvec = jnp.zeros((16,), jnp.int32) + t
            cols.append(plsc.load_gather(ring, [svec_s, pvec, lane, l]))
        u, i, uh, ih = cols
        ssum = jnp.sum(u * i + uh * ih)
        g = e >> 4
        r = e & 15
        sl = pl.ds(pl.multiple_of(g * 16, 16), 16)
        out_v[sl] = jnp.where(lane == r, ssum, out_v[sl])

    def super_body(S, carry):
        for s in range(_NSLOT):
            e = S * _NSLOT + s

            @pl.when((e >= _NSLOT) & (e < _BPW + _NSLOT))
            def _():
                for _ in range(len(tables)):
                    pltpu.make_async_copy(
                        ue_hbm.at[:, pl.ds(0, 128)],
                        ring.at[0, 0],
                        sems[s]).wait()
                compute_one(e - _NSLOT, s)

            @pl.when(e < _BPW)
            def _():
                fire_one(e, s)
        return carry

    lax.fori_loop(0, -(-(_BPW + _NSLOT) // _NSLOT), super_body, 0)

    pltpu.sync_copy(out_v, out_hbm.at[pl.ds(base, _BPW)])


@jax.jit
def kernel(user, item, user_emb, item_emb, user_h_emb, item_h_emb):
    mesh = plsc.VectorSubcoreMesh(core_axis_name="c", subcore_axis_name="s")
    run = pl.kernel(
        _efm_body,
        out_type=jax.ShapeDtypeStruct((_BATCH,), jnp.float32),
        mesh=mesh,
        scratch_types=[
            pltpu.VMEM((_BPW,), jnp.int32),
            pltpu.VMEM((_BPW,), jnp.int32),
            pltpu.VMEM((_NSLOT, 4, 16, 128), jnp.float32),
            pltpu.VMEM((_BPW,), jnp.float32),
        ] + [pltpu.SemaphoreType.DMA] * _NSLOT,
        compiler_params=pltpu.CompilerParams(
            needs_layout_passes=False, use_tc_tiling_on_sc=True),
    )
    return run(user, item, user_emb.T, item_emb.T, user_h_emb.T, item_h_emb.T)

# --- scband reference (transcript-rebuilt; emitter-appended) ---
"""Pipeline reference for scband-efm-15453292331474 (READ-ONLY COPY).

The authoritative reference and input builder live on the scoring server;
editing this copy changes nothing except your own understanding.
"""

import jax, jax.numpy as jnp
import numpy as np

USER_NUM = 1000000
ITEM_NUM = 1000000
EMB_DIM = 16
BATCH = 16384


def setup_inputs(seed: int = 0) -> dict:
    key = jax.random.key(seed)
    ks = jax.random.split(key, 6)
    user = jax.random.randint(ks[0], (BATCH,), 0, USER_NUM, dtype=jnp.int64 if jax.config.jax_enable_x64 else jnp.int32)
    item = jax.random.randint(ks[1], (BATCH,), 0, ITEM_NUM, dtype=jnp.int64 if jax.config.jax_enable_x64 else jnp.int32)
    user_emb = jax.random.normal(ks[2], (USER_NUM, EMB_DIM), dtype=jnp.float32) * 0.01
    item_emb = jax.random.normal(ks[3], (ITEM_NUM, EMB_DIM), dtype=jnp.float32) * 0.01
    user_h_emb = jax.random.normal(ks[4], (USER_NUM, EMB_DIM), dtype=jnp.float32) * 0.01
    item_h_emb = jax.random.normal(ks[5], (ITEM_NUM, EMB_DIM), dtype=jnp.float32) * 0.01
    return {
        "user": user,
        "item": item,
        "user_emb": user_emb,
        "item_emb": item_emb,
        "user_h_emb": user_h_emb,
        "item_h_emb": item_h_emb,
    }


def reference(user, item, user_emb, item_emb, user_h_emb, item_h_emb):
    # EFM.predict_rating: gather four embedding rows, concat the (emb, h_emb)
    # halves per side, then per-example dot product.
    u_emb = jnp.take(user_emb, user, axis=0)
    i_emb = jnp.take(item_emb, item, axis=0)
    u_h_emb = jnp.take(user_h_emb, user, axis=0)
    i_h_emb = jnp.take(item_h_emb, item, axis=0)
    complete_u_emb = jnp.concatenate((u_emb, u_h_emb), axis=1)
    complete_i_emb = jnp.concatenate((i_emb, i_h_emb), axis=1)
    rating = jnp.sum(complete_u_emb * complete_i_emb, axis=1)
    return rating

if __name__ == "__main__":
    import jax
    _d = setup_inputs()
    print(jax.jit(kernel)(*tuple(_d.values())))

</pallas_src>

<mosaic_0001>
#map = affine_map<(d0, d1) -> (0)>
#map1 = affine_map<(d0, d1) -> (0, 0)>
module attributes {stable_mosaic.version = 14 : i64} {
  func.func @_efm_body(%arg0: i32, %arg1: i32, %arg2: memref<16384xi32, #tpu.memory_space<hbm>>, %arg3: memref<16384xi32, #tpu.memory_space<hbm>>, %arg4: memref<16x1000000xf32, #tpu.memory_space<hbm>>, %arg5: memref<16x1000000xf32, #tpu.memory_space<hbm>>, %arg6: memref<16x1000000xf32, #tpu.memory_space<hbm>>, %arg7: memref<16x1000000xf32, #tpu.memory_space<hbm>>, %arg8: memref<16384xf32, #tpu.memory_space<hbm>>, %arg9: memref<512xi32, #tpu.memory_space<vmem>>, %arg10: memref<512xi32, #tpu.memory_space<vmem>>, %arg11: memref<12x4x16x128xf32, #tpu.memory_space<vmem>>, %arg12: memref<512xf32, #tpu.memory_space<vmem>>, %arg13: memref<!tpu.dma_semaphore, #tpu.memory_space<semaphore_mem>>, %arg14: memref<!tpu.dma_semaphore, #tpu.memory_space<semaphore_mem>>, %arg15: memref<!tpu.dma_semaphore, #tpu.memory_space<semaphore_mem>>, %arg16: memref<!tpu.dma_semaphore, #tpu.memory_space<semaphore_mem>>, %arg17: memref<!tpu.dma_semaphore, #tpu.memory_space<semaphore_mem>>, %arg18: memref<!tpu.dma_semaphore, #tpu.memory_space<semaphore_mem>>, %arg19: memref<!tpu.dma_semaphore, #tpu.memory_space<semaphore_mem>>, %arg20: memref<!tpu.dma_semaphore, #tpu.memory_space<semaphore_mem>>, %arg21: memref<!tpu.dma_semaphore, #tpu.memory_space<semaphore_mem>>, %arg22: memref<!tpu.dma_semaphore, #tpu.memory_space<semaphore_mem>>, %arg23: memref<!tpu.dma_semaphore, #tpu.memory_space<semaphore_mem>>, %arg24: memref<!tpu.dma_semaphore, #tpu.memory_space<semaphore_mem>>) attributes {dimension_semantics = [#tpu.dimension_semantics<core_parallel>, #tpu.dimension_semantics<subcore_parallel>], iteration_bounds = array<i64: 2, 16>, scalar_prefetch = 0 : i64, scratch_operands = 16 : i64, tpu.core_type = #tpu.core_type<sc_vector_subcore>, window_params = [{transform_indices = #map}, {transform_indices = #map}, {transform_indices = #map1}, {transform_indices = #map1}, {transform_indices = #map1}, {transform_indices = #map1}, {transform_indices = #map}]} {
    %mul3A = arith.constant 2 : i32
    %mul3A_0 = arith.muli %arg1, %mul3A : i32
    %add3A = arith.addi %mul3A_0, %arg0 : i32
    %mul3A_1 = arith.constant 512 : i32
    %mul3A_2 = arith.muli %add3A, %mul3A_1 : i32
    "tpu.region"() ({
      %run_scoped3A = tpu.sem_alloc : memref<!tpu.dma_semaphore, #tpu.memory_space<semaphore_mem>>
      %dma_start3A = tpu.memref_slice %arg2[%mul3A_2] : memref<16384xi32, #tpu.memory_space<hbm>> -> memref<512xi32, #tpu.memory_space<hbm>>
      %dma_start3A_8 = tpu.memref_slice %arg2[%mul3A_2] : memref<16384xi32, #tpu.memory_space<hbm>> -> memref<512xi32, #tpu.memory_space<hbm>>
      tpu.enqueue_dma source(%dma_start3A_8 : memref<512xi32, #tpu.memory_space<hbm>>) target(%arg9 : memref<512xi32, #tpu.memory_space<vmem>>) target_semaphore(%run_scoped3A : memref<!tpu.dma_semaphore, #tpu.memory_space<semaphore_mem>>)
      %dma_wait3A = tpu.memref_slice %arg2[%mul3A_2] : memref<16384xi32, #tpu.memory_space<hbm>> -> memref<512xi32, #tpu.memory_space<hbm>>
      %dma_wait3A_9 = tpu.memref_slice %arg2[%mul3A_2] : memref<16384xi32, #tpu.memory_space<hbm>> -> memref<512xi32, #tpu.memory_space<hbm>>
      tpu.wait_dma2 semaphore(%run_scoped3A : memref<!tpu.dma_semaphore, #tpu.memory_space<semaphore_mem>>) src(%dma_wait3A_9 : memref<512xi32, #tpu.memory_space<hbm>>) dst(%arg9 : memref<512xi32, #tpu.memory_space<vmem>>)
      tpu.yield
    }) : () -> ()
    "tpu.region"() ({
      %run_scoped3A = tpu.sem_alloc : memref<!tpu.dma_semaphore, #tpu.memory_space<semaphore_mem>>
      %dma_start3A = tpu.memref_slice %arg3[%mul3A_2] : memref<16384xi32, #tpu.memory_space<hbm>> -> memref<512xi32, #tpu.memory_space<hbm>>
      %dma_start3A_8 = tpu.memref_slice %arg3[%mul3A_2] : memref<16384xi32, #tpu.memory_space<hbm>> -> memref<512xi32, #tpu.memory_space<hbm>>
      tpu.enqueue_dma source(%dma_start3A_8 : memref<512xi32, #tpu.memory_space<hbm>>) target(%arg10 : memref<512xi32, #tpu.memory_space<vmem>>) target_semaphore(%run_scoped3A : memref<!tpu.dma_semaphore, #tpu.memory_space<semaphore_mem>>)
      %dma_wait3A = tpu.memref_slice %arg3[%mul3A_2] : memref<16384xi32, #tpu.memory_space<hbm>> -> memref<512xi32, #tpu.memory_space<hbm>>
      %dma_wait3A_9 = tpu.memref_slice %arg3[%mul3A_2] : memref<16384xi32, #tpu.memory_space<hbm>> -> memref<512xi32, #tpu.memory_space<hbm>>
      tpu.wait_dma2 semaphore(%run_scoped3A : memref<!tpu.dma_semaphore, #tpu.memory_space<semaphore_mem>>) src(%dma_wait3A_9 : memref<512xi32, #tpu.memory_space<hbm>>) dst(%arg10 : memref<512xi32, #tpu.memory_space<vmem>>)
      tpu.yield
    }) : () -> ()
    %iota3A = tpu.iota {dimensions = array<i32: 0>} : vector<16xi32>
    %scan3A = arith.constant 0 : i32
    %scan3A_3 = arith.constant 0 : i32
    %scan3A_4 = arith.constant 44 : i32
    %scan3A_5 = arith.addi %scan3A_3, %scan3A_4 : i32
    %scan3A_6 = arith.constant 1 : i32
    scf.for %scan3A_8 = %scan3A_3 to %scan3A_5 step %scan3A_6  : i32 {
      %mul3A_9 = arith.constant 12 : i32
      %mul3A_10 = arith.muli %scan3A_8, %mul3A_9 : i32
      %add3A_11 = arith.constant 0 : i32
      %add3A_12 = arith.addi %mul3A_10, %add3A_11 : i32
      %ge3A = arith.constant 12 : i32
      %ge3A_13 = arith.cmpi sge, %add3A_12, %ge3A : i32
      %lt3A = arith.constant 524 : i32
      %lt3A_14 = arith.cmpi slt, %add3A_12, %lt3A : i32
      %and3A = arith.andi %ge3A_13, %lt3A_14 : i1
      %convert_element_type3A = arith.extui %and3A : i1 to i32
      %cond3A = arith.constant 0 : i32
      %cond3A_15 = arith.cmpi ne, %convert_element_type3A, %cond3A : i32
      scf.if %cond3A_15 {
        %dma_wait3A = arith.constant 0 : i32
        %dma_wait3A_208 = arith.constant 0 : i32
        %dma_wait3A_209 = arith.constant 0 : i32
        %dma_wait3A_210 = arith.constant 0 : i32
        %dma_wait3A_211 = tpu.memref_slice %arg11[%dma_wait3A, %dma_wait3A_208, %dma_wait3A_209, %dma_wait3A_210] : memref<12x4x16x128xf32, #tpu.memory_space<vmem>> -> memref<1x1x16x128xf32, #tpu.memory_space<vmem>>
        %dma_wait3A_212 = tpu.memref_squeeze %dma_wait3A_211 : memref<1x1x16x128xf32, #tpu.memory_space<vmem>> -> memref<16x128xf32, #tpu.memory_space<vmem>>
        %dma_wait3A_213 = arith.constant 0 : i32
        %dma_wait3A_214 = arith.constant 0 : i32
        %dma_wait3A_215 = tpu.memref_slice %arg4[%dma_wait3A_213, %dma_wait3A_214] : memref<16x1000000xf32, #tpu.memory_space<hbm>> -> memref<16x128xf32, #tpu.memory_space<hbm>>
        %dma_wait3A_216 = arith.constant 0 : i32
        %dma_wait3A_217 = arith.constant 0 : i32
        %dma_wait3A_218 = tpu.memref_slice %arg11[%dma_wait3A, %dma_wait3A_208, %dma_wait3A_216, %dma_wait3A_217] : memref<12x4x16x128xf32, #tpu.memory_space<vmem>> -> memref<1x1x16x128xf32, #tpu.memory_space<vmem>>
        %dma_wait3A_219 = tpu.memref_squeeze %dma_wait3A_218 : memref<1x1x16x128xf32, #tpu.memory_space<vmem>> -> memref<16x128xf32, #tpu.memory_space<vmem>>
        %dma_wait3A_220 = arith.constant 0 : i32
        %dma_wait3A_221 = arith.constant 0 : i32
        %dma_wait3A_222 = tpu.memref_slice %arg4[%dma_wait3A_220, %dma_wait3A_221] : memref<16x1000000xf32, #tpu.memory_space<hbm>> -> memref<16x128xf32, #tpu.memory_space<hbm>>
        tpu.wait_dma2 semaphore(%arg13 : memref<!tpu.dma_semaphore, #tpu.memory_space<semaphore_mem>>) src(%dma_wait3A_222 : memref<16x128xf32, #tpu.memory_space<hbm>>) dst(%dma_wait3A_219 : memref<16x128xf32, #tpu.memory_space<vmem>>)
        %dma_wait3A_223 = arith.constant 0 : i32
        %dma_wait3A_224 = arith.constant 0 : i32
        %dma_wait3A_225 = arith.constant 0 : i32
        %dma_wait3A_226 = arith.constant 0 : i32
        %dma_wait3A_227 = tpu.memref_slice %arg11[%dma_wait3A_223, %dma_wait3A_224, %dma_wait3A_225, %dma_wait3A_226] : memref<12x4x16x128xf32, #tpu.memory_space<vmem>> -> memref<1x1x16x128xf32, #tpu.memory_space<vmem>>
        %dma_wait3A_228 = tpu.memref_squeeze %dma_wait3A_227 : memref<1x1x16x128xf32, #tpu.memory_space<vmem>> -> memref<16x128xf32, #tpu.memory_space<vmem>>
        %dma_wait3A_229 = arith.constant 0 : i32
        %dma_wait3A_230 = arith.constant 0 : i32
        %dma_wait3A_231 = tpu.memref_slice %arg4[%dma_wait3A_229, %dma_wait3A_230] : memref<16x1000000xf32, #tpu.memory_space<hbm>> -> memref<16x128xf32, #tpu.memory_space<hbm>>
        %dma_wait3A_232 = arith.constant 0 : i32
        %dma_wait3A_233 = arith.constant 0 : i32
        %dma_wait3A_234 = tpu.memref_slice %arg11[%dma_wait3A_223, %dma_wait3A_224, %dma_wait3A_232, %dma_wait3A_233] : memref<12x4x16x128xf32, #tpu.memory_space<vmem>> -> memref<1x1x16x128xf32, #tpu.memory_space<vmem>>
        %dma_wait3A_235 = tpu.memref_squeeze %dma_wait3A_234 : memref<1x1x16x128xf32, #tpu.memory_space<vmem>> -> memref<16x128xf32, #tpu.memory_space<vmem>>
        %dma_wait3A_236 = arith.constant 0 : i32
        %dma_wait3A_237 = arith.constant 0 : i32
        %dma_wait3A_238 = tpu.memref_slice %arg4[%dma_wait3A_236, %dma_wait3A_237] : memref<16x1000000xf32, #tpu.memory_space<hbm>> -> memref<16x128xf32, #tpu.memory_space<hbm>>
        tpu.wait_dma2 semaphore(%arg13 : memref<!tpu.dma_semaphore, #tpu.memory_space<semaphore_mem>>) src(%dma_wait3A_238 : memref<16x128xf32, #tpu.memory_space<hbm>>) dst(%dma_wait3A_235 : memref<16x128xf32, #tpu.memory_space<vmem>>)
        %dma_wait3A_239 = arith.constant 0 : i32
        %dma_wait3A_240 = arith.constant 0 : i32
        %dma_wait3A_241 = arith.constant 0 : i32
        %dma_wait3A_242 = arith.constant 0 : i32
        %dma_wait3A_243 = tpu.memref_slice %arg11[%dma_wait3A_239, %dma_wait3A_240, %dma_wait3A_241, %dma_wait3A_242] : memref<12x4x16x128xf32, #tpu.memory_space<vmem>> -> memref<1x1x16x128xf32, #tpu.memory_space<vmem>>
        %dma_wait3A_244 = tpu.memref_squeeze %dma_wait3A_243 : memref<1x1x16x128xf32, #tpu.memory_space<vmem>> -> memref<16x128xf32, #tpu.memory_space<vmem>>
        %dma_wait3A_245 = arith.constant 0 : i32
        %dma_wait3A_246 = arith.constant 0 : i32
        %dma_wait3A_247 = tpu.memref_slice %arg4[%dma_wait3A_245, %dma_wait3A_246] : memref<16x1000000xf32, #tpu.memory_space<hbm>> -> memref<16x128xf32, #tpu.memory_space<hbm>>
        %dma_wait3A_248 = arith.constant 0 : i32
        %dma_wait3A_249 = arith.constant 0 : i32
        %dma_wait3A_250 = tpu.memref_slice %arg11[%dma_wait3A_239, %dma_wait3A_240, %dma_wait3A_248, %dma_wait3A_249] : memref<12x4x16x128xf32, #tpu.memory_space<vmem>> -> memref<1x1x16x128xf32, #tpu.memory_space<vmem>>
        %dma_wait3A_251 = tpu.memref_squeeze %dma_wait3A_250 : memref<1x1x16x128xf32, #tpu.memory_space<vmem>> -> memref<16x128xf32, #tpu.memory_space<vmem>>
        %dma_wait3A_252 = arith.constant 0 : i32
        %dma_wait3A_253 = arith.constant 0 : i32
        %dma_wait3A_254 = tpu.memref_slice %arg4[%dma_wait3A_252, %dma_wait3A_253] : memref<16x1000000xf32, #tpu.memory_space<hbm>> -> memref<16x128xf32, #tpu.memory_space<hbm>>
        tpu.wait_dma2 semaphore(%arg13 : memref<!tpu.dma_semaphore, #tpu.memory_space<semaphore_mem>>) src(%dma_wait3A_254 : memref<16x128xf32, #tpu.memory_space<hbm>>) dst(%dma_wait3A_251 : memref<16x128xf32, #tpu.memory_space<vmem>>)
        %dma_wait3A_255 = arith.constant 0 : i32
        %dma_wait3A_256 = arith.constant 0 : i32
        %dma_wait3A_257 = arith.constant 0 : i32
        %dma_wait3A_258 = arith.constant 0 : i32
        %dma_wait3A_259 = tpu.memref_slice %arg11[%dma_wait3A_255, %dma_wait3A_256, %dma_wait3A_257, %dma_wait3A_258] : memref<12x4x16x128xf32, #tpu.memory_space<vmem>> -> memref<1x1x16x128xf32, #tpu.memory_space<vmem>>
        %dma_wait3A_260 = tpu.memref_squeeze %dma_wait3A_259 : memref<1x1x16x128xf32, #tpu.memory_space<vmem>> -> memref<16x128xf32, #tpu.memory_space<vmem>>
        %dma_wait3A_261 = arith.constant 0 : i32
        %dma_wait3A_262 = arith.constant 0 : i32
        %dma_wait3A_263 = tpu.memref_slice %arg4[%dma_wait3A_261, %dma_wait3A_262] : memref<16x1000000xf32, #tpu.memory_space<hbm>> -> memref<16x128xf32, #tpu.memory_space<hbm>>
        %dma_wait3A_264 = arith.constant 0 : i32
        %dma_wait3A_265 = arith.constant 0 : i32
        %dma_wait3A_266 = tpu.memref_slice %arg11[%dma_wait3A_255, %dma_wait3A_256, %dma_wait3A_264, %dma_wait3A_265] : memref<12x4x16x128xf32, #tpu.memory_space<vmem>> -> memref<1x1x16x128xf32, #tpu.memory_space<vmem>>
        %dma_wait3A_267 = tpu.memref_squeeze %dma_wait3A_266 : memref<1x1x16x128xf32, #tpu.memory_space<vmem>> -> memref<16x128xf32, #tpu.memory_space<vmem>>
        %dma_wait3A_268 = arith.constant 0 : i32
        %dma_wait3A_269 = arith.constant 0 : i32
        %dma_wait3A_270 = tpu.memref_slice %arg4[%dma_wait3A_268, %dma_wait3A_269] : memref<16x1000000xf32, #tpu.memory_space<hbm>> -> memref<16x128xf32, #tpu.memory_space<hbm>>
        tpu.wait_dma2 semaphore(%arg13 : memref<!tpu.dma_semaphore, #tpu.memory_space<semaphore_mem>>) src(%dma_wait3A_270 : memref<16x128xf32, #tpu.memory_space<hbm>>) dst(%dma_wait3A_267 : memref<16x128xf32, #tpu.memory_space<vmem>>)
        %sub3A = arith.constant 12 : i32
        %sub3A_271 = arith.subi %add3A_12, %sub3A : i32
        %broadcast_in_dim3A = arith.constant 0 : i32
        %broadcast_in_dim3A_272 = vector.broadcast %broadcast_in_dim3A : i32 to vector<16xi32>
        %add3A_273 = vector.broadcast %sub3A_271 : i32 to vector<16xi32>
        %add3A_274 = arith.addi %broadcast_in_dim3A_272, %add3A_273 : vector<16xi32>
        %gather3A = tpu.vector_load_idx %arg9[%add3A_274] : memref<512xi32, #tpu.memory_space<vmem>>[vector<16xi32>], vector<16xi32>,
        %and3A_275 = arith.constant 127 : i32
        %and3A_276 = vector.broadcast %and3A_275 : i32 to vector<16xi32>
        %and3A_277 = arith.andi %gather3A, %and3A_276 : vector<16xi32>
        %gather3A_278 = tpu.vector_load_idx %arg10[%add3A_274] : memref<512xi32, #tpu.memory_space<vmem>>[vector<16xi32>], vector<16xi32>,
        %and3A_279 = arith.constant 127 : i32
        %and3A_280 = vector.broadcast %and3A_279 : i32 to vector<16xi32>
        %and3A_281 = arith.andi %gather3A_278, %and3A_280 : vector<16xi32>
        %broadcast_in_dim3A_282 = arith.constant 0 : i32
        %broadcast_in_dim3A_283 = vector.broadcast %broadcast_in_dim3A_282 : i32 to vector<16xi32>
        %add3A_284 = arith.constant 0 : i32
        %add3A_285 = vector.broadcast %add3A_284 : i32 to vector<16xi32>
        %add3A_286 = arith.addi %broadcast_in_dim3A_283, %add3A_285 : vector<16xi32>
        %broadcast_in_dim3A_287 = arith.constant 0 : i32
        %broadcast_in_dim3A_288 = vector.broadcast %broadcast_in_dim3A_287 : i32 to vector<16xi32>
        %add3A_289 = arith.constant 0 : i32
        %add3A_290 = vector.broadcast %add3A_289 : i32 to vector<16xi32>
        %add3A_291 = arith.addi %broadcast_in_dim3A_288, %add3A_290 : vector<16xi32>
        %gather3A_292 = tpu.vector_load_idx %arg11[%add3A_286, %add3A_291, %iota3A, %and3A_277] : memref<12x4x16x128xf32, #tpu.memory_space<vmem>>[vector<16xi32>, vector<16xi32>, vector<16xi32>, vector<16xi32>], vector<16xf32>,
        %broadcast_in_dim3A_293 = arith.constant 0 : i32
        %broadcast_in_dim3A_294 = vector.broadcast %broadcast_in_dim3A_293 : i32 to vector<16xi32>
        %add3A_295 = arith.constant 1 : i32
        %add3A_296 = vector.broadcast %add3A_295 : i32 to vector<16xi32>
        %add3A_297 = arith.addi %broadcast_in_dim3A_294, %add3A_296 : vector<16xi32>
        %gather3A_298 = tpu.vector_load_idx %arg11[%add3A_286, %add3A_297, %iota3A, %and3A_281] : memref<12x4x16x128xf32, #tpu.memory_space<vmem>>[vector<16xi32>, vector<16xi32>, vector<16xi32>, vector<16xi32>], vector<16xf32>,
        %broadcast_in_dim3A_299 = arith.constant 0 : i32
        %broadcast_in_dim3A_300 = vector.broadcast %broadcast_in_dim3A_299 : i32 to vector<16xi32>
        %add3A_301 = arith.constant 2 : i32
        %add3A_302 = vector.broadcast %add3A_301 : i32 to vector<16xi32>
        %add3A_303 = arith.addi %broadcast_in_dim3A_300, %add3A_302 : vector<16xi32>
        %gather3A_304 = tpu.vector_load_idx %arg11[%add3A_286, %add3A_303, %iota3A, %and3A_277] : memref<12x4x16x128xf32, #tpu.memory_space<vmem>>[vector<16xi32>, vector<16xi32>, vector<16xi32>, vector<16xi32>], vector<16xf32>,
        %broadcast_in_dim3A_305 = arith.constant 0 : i32
        %broadcast_in_dim3A_306 = vector.broadcast %broadcast_in_dim3A_305 : i32 to vector<16xi32>
        %add3A_307 = arith.constant 3 : i32
        %add3A_308 = vector.broadcast %add3A_307 : i32 to vector<16xi32>
        %add3A_309 = arith.addi %broadcast_in_dim3A_306, %add3A_308 : vector<16xi32>
        %gather3A_310 = tpu.vector_load_idx %arg11[%add3A_286, %add3A_309, %iota3A, %and3A_281] : memref<12x4x16x128xf32, #tpu.memory_space<vmem>>[vector<16xi32>, vector<16xi32>, vector<16xi32>, vector<16xi32>], vector<16xf32>,
        %mul3A_311 = arith.mulf %gather3A_292, %gather3A_298 : vector<16xf32>
        %mul3A_312 = arith.mulf %gather3A_304, %gather3A_310 : vector<16xf32>
        %add3A_313 = arith.addf %mul3A_311, %mul3A_312 : vector<16xf32>
        %reduce_sum3A = arith.constant true
        %reduce_sum3A_314 = vector.broadcast %reduce_sum3A : i1 to vector<16xi1>
        %reduce_sum3A_315 = tpu.scan <sum>, %add3A_313 masked %reduce_sum3A_314 : vector<16xf32>, vector<16xi1> -> vector<16xf32>
        %reduce_sum3A_316 = vector.extract %reduce_sum3A_315[15] : f32 from vector<16xf32>
        %shift_right_arithmetic3A = arith.constant 4 : i32
        %shift_right_arithmetic3A_317 = arith.shrsi %sub3A_271, %shift_right_arithmetic3A : i32
        %and3A_318 = arith.constant 15 : i32
        %and3A_319 = arith.andi %sub3A_271, %and3A_318 : i32
        %mul3A_320 = arith.constant 16 : i32
        %mul3A_321 = arith.muli %shift_right_arithmetic3A_317, %mul3A_320 : i32
        %multiple_of3A = tpu.assume_multiple %mul3A_321, 16 : i32
        %eq3A = vector.broadcast %and3A_319 : i32 to vector<16xi32>
        %eq3A_322 = arith.cmpi eq, %iota3A, %eq3A : vector<16xi32>
        %get3A = arith.index_cast %multiple_of3A : i32 to index
        %get3A_323 = tpu.vector_load %arg12[%get3A] {strides = array<i32>} : memref<512xf32, #tpu.memory_space<vmem>>, vector<16xf32>,
        %broadcast_in_dim3A_324 = vector.broadcast %reduce_sum3A_316 : f32 to vector<16xf32>
        %select_n3A = arith.select %eq3A_322, %broadcast_in_dim3A_324, %get3A_323 : vector<16xi1>, vector<16xf32>
        %swap3A = arith.index_cast %multiple_of3A : i32 to index
        %swap3A_325 = tpu.vector_load %arg12[%swap3A] {strides = array<i32>} : memref<512xf32, #tpu.memory_space<vmem>>, vector<16xf32>,
        tpu.vector_store %arg12[%swap3A], %select_n3A {strides = array<i32>} : memref<512xf32, #tpu.memory_space<vmem>>, vector<16xf32>,
      } else {
      }
      %lt3A_16 = arith.constant 512 : i32
      %lt3A_17 = arith.cmpi slt, %add3A_12, %lt3A_16 : i32
      %convert_element_type3A_18 = arith.extui %lt3A_17 : i1 to i32
      %cond3A_19 = arith.constant 0 : i32
      %cond3A_20 = arith.cmpi ne, %convert_element_type3A_18, %cond3A_19 : i32
      scf.if %cond3A_20 {
        %broadcast_in_dim3A = arith.constant 0 : i32
        %broadcast_in_dim3A_208 = vector.broadcast %broadcast_in_dim3A : i32 to vector<16xi32>
        %add3A_209 = vector.broadcast %add3A_12 : i32 to vector<16xi32>
        %add3A_210 = arith.addi %broadcast_in_dim3A_208, %add3A_209 : vector<16xi32>
        %gather3A = tpu.vector_load_idx %arg9[%add3A_210] : memref<512xi32, #tpu.memory_space<vmem>>[vector<16xi32>], vector<16xi32>,
        %slice3A = vector.extract_strided_slice %gather3A {offsets = [0], sizes = [1], strides = [1]} : vector<16xi32> to vector<1xi32>
        %squeeze3A = vector.extract %slice3A[0] : i32 from vector<1xi32>
        %gather3A_211 = tpu.vector_load_idx %arg10[%add3A_210] : memref<512xi32, #tpu.memory_space<vmem>>[vector<16xi32>], vector<16xi32>,
        %slice3A_212 = vector.extract_strided_slice %gather3A_211 {offsets = [0], sizes = [1], strides = [1]} : vector<16xi32> to vector<1xi32>
        %squeeze3A_213 = vector.extract %slice3A_212[0] : i32 from vector<1xi32>
        %shift_right_arithmetic3A = arith.constant 7 : i32
        %shift_right_arithmetic3A_214 = arith.shrsi %squeeze3A, %shift_right_arithmetic3A : i32
        %mul3A_215 = arith.constant 128 : i32
        %mul3A_216 = arith.muli %shift_right_arithmetic3A_214, %mul3A_215 : i32
        %multiple_of3A = tpu.assume_multiple %mul3A_216, 128 : i32
        %dma_start3A = arith.constant 0 : i32
        %dma_start3A_217 = arith.constant 0 : i32
        %dma_start3A_218 = arith.constant 0 : i32
        %dma_start3A_219 = arith.constant 0 : i32
        %dma_start3A_220 = tpu.memref_slice %arg11[%dma_start3A, %dma_start3A_217, %dma_start3A_218, %dma_start3A_219] : memref<12x4x16x128xf32, #tpu.memory_space<vmem>> -> memref<1x1x16x128xf32, #tpu.memory_space<vmem>>
        %dma_start3A_221 = tpu.memref_squeeze %dma_start3A_220 : memref<1x1x16x128xf32, #tpu.memory_space<vmem>> -> memref<16x128xf32, #tpu.memory_space<vmem>>
        %dma_start3A_222 = arith.constant 0 : i32
        %dma_start3A_223 = tpu.memref_slice %arg4[%dma_start3A_222, %multiple_of3A] : memref<16x1000000xf32, #tpu.memory_space<hbm>> -> memref<16x128xf32, #tpu.memory_space<hbm>>
        %dma_start3A_224 = arith.constant 0 : i32
        %dma_start3A_225 = arith.constant 0 : i32
        %dma_start3A_226 = tpu.memref_slice %arg11[%dma_start3A, %dma_start3A_217, %dma_start3A_224, %dma_start3A_225] : memref<12x4x16x128xf32, #tpu.memory_space<vmem>> -> memref<1x1x16x128xf32, #tpu.memory_space<vmem>>
        %dma_start3A_227 = tpu.memref_squeeze %dma_start3A_226 : memref<1x1x16x128xf32, #tpu.memory_space<vmem>> -> memref<16x128xf32, #tpu.memory_space<vmem>>
        %dma_start3A_228 = arith.constant 0 : i32
        %dma_start3A_229 = tpu.memref_slice %arg4[%dma_start3A_228, %multiple_of3A] : memref<16x1000000xf32, #tpu.memory_space<hbm>> -> memref<16x128xf32, #tpu.memory_space<hbm>>
        tpu.enqueue_dma source(%dma_start3A_229 : memref<16x128xf32, #tpu.memory_space<hbm>>) target(%dma_start3A_227 : memref<16x128xf32, #tpu.memory_space<vmem>>) target_semaphore(%arg13 : memref<!tpu.dma_semaphore, #tpu.memory_space<semaphore_mem>>)
        %shift_right_arithmetic3A_230 = arith.constant 7 : i32
        %shift_right_arithmetic3A_231 = arith.shrsi %squeeze3A_213, %shift_right_arithmetic3A_230 : i32
        %mul3A_232 = arith.constant 128 : i32
        %mul3A_233 = arith.muli %shift_right_arithmetic3A_231, %mul3A_232 : i32
        %multiple_of3A_234 = tpu.assume_multiple %mul3A_233, 128 : i32
        %dma_start3A_235 = arith.constant 0 : i32
        %dma_start3A_236 = arith.constant 1 : i32
        %dma_start3A_237 = arith.constant 0 : i32
        %dma_start3A_238 = arith.constant 0 : i32
        %dma_start3A_239 = tpu.memref_slice %arg11[%dma_start3A_235, %dma_start3A_236, %dma_start3A_237, %dma_start3A_238] : memref<12x4x16x128xf32, #tpu.memory_space<vmem>> -> memref<1x1x16x128xf32, #tpu.memory_space<vmem>>
        %dma_start3A_240 = tpu.memref_squeeze %dma_start3A_239 : memref<1x1x16x128xf32, #tpu.memory_space<vmem>> -> memref<16x128xf32, #tpu.memory_space<vmem>>
        %dma_start3A_241 = arith.constant 0 : i32
        %dma_start3A_242 = tpu.memref_slice %arg5[%dma_start3A_241, %multiple_of3A_234] : memref<16x1000000xf32, #tpu.memory_space<hbm>> -> memref<16x128xf32, #tpu.memory_space<hbm>>
        %dma_start3A_243 = arith.constant 0 : i32
        %dma_start3A_244 = arith.constant 0 : i32
        %dma_start3A_245 = tpu.memref_slice %arg11[%dma_start3A_235, %dma_start3A_236, %dma_start3A_243, %dma_start3A_244] : memref<12x4x16x128xf32, #tpu.memory_space<vmem>> -> memref<1x1x16x128xf32, #tpu.memory_space<vmem>>
        %dma_start3A_246 = tpu.memref_squeeze %dma_start3A_245 : memref<1x1x16x128xf32, #tpu.memory_space<vmem>> -> memref<16x128xf32, #tpu.memory_space<vmem>>
        %dma_start3A_247 = arith.constant 0 : i32
        %dma_start3A_248 = tpu.memref_slice %arg5[%dma_start3A_247, %multiple_of3A_234] : memref<16x1000000xf32, #tpu.memory_space<hbm>> -> memref<16x128xf32, #tpu.memory_space<hbm>>
        tpu.enqueue_dma source(%dma_start3A_248 : memref<16x128xf32, #tpu.memory_space<hbm>>) target(%dma_start3A_246 : memref<16x128xf32, #tpu.memory_space<vmem>>) target_semaphore(%arg13 : memref<!tpu.dma_semaphore, #tpu.memory_space<semaphore_mem>>)
        %shift_right_arithmetic3A_249 = arith.constant 7 : i32
        %shift_right_arithmetic3A_250 = arith.shrsi %squeeze3A, %shift_right_arithmetic3A_249 : i32
        %mul3A_251 = arith.constant 128 : i32
        %mul3A_252 = arith.muli %shift_right_arithmetic3A_250, %mul3A_251 : i32
        %multiple_of3A_253 = tpu.assume_multiple %mul3A_252, 128 : i32
        %dma_start3A_254 = arith.constant 0 : i32
        %dma_start3A_255 = arith.constant 2 : i32
        %dma_start3A_256 = arith.constant 0 : i32
        %dma_start3A_257 = arith.constant 0 : i32
        %dma_start3A_258 = tpu.memref_slice %arg11[%dma_start3A_254, %dma_start3A_255, %dma_start3A_256, %dma_start3A_257] : memref<12x4x16x128xf32, #tpu.memory_space<vmem>> -> memref<1x1x16x128xf32, #tpu.memory_space<vmem>>
        %dma_start3A_259 = tpu.memref_squeeze %dma_start3A_258 : memref<1x1x16x128xf32, #tpu.memory_space<vmem>> -> memref<16x128xf32, #tpu.memory_space<vmem>>
        %dma_start3A_260 = arith.constant 0 : i32
        %dma_start3A_261 = tpu.memref_slice %arg6[%dma_start3A_260, %multiple_of3A_253] : memref<16x1000000xf32, #tpu.memory_space<hbm>> -> memref<16x128xf32, #tpu.memory_space<hbm>>
        %dma_start3A_262 = arith.constant 0 : i32
        %dma_start3A_263 = arith.constant 0 : i32
        %dma_start3A_264 = tpu.memref_slice %arg11[%dma_start3A_254, %dma_start3A_255, %dma_start3A_262, %dma_start3A_263] : memref<12x4x16x128xf32, #tpu.memory_space<vmem>> -> memref<1x1x16x128xf32, #tpu.memory_space<vmem>>
        %dma_start3A_265 = tpu.memref_squeeze %dma_start3A_264 : memref<1x1x16x128xf32, #tpu.memory_space<vmem>> -> memref<16x128xf32, #tpu.memory_space<vmem>>
        %dma_start3A_266 = arith.constant 0 : i32
        %dma_start3A_267 = tpu.memref_slice %arg6[%dma_start3A_266, %multiple_of3A_253] : memref<16x1000000xf32, #tpu.memory_space<hbm>> -> memref<16x128xf32, #tpu.memory_space<hbm>>
        tpu.enqueue_dma source(%dma_start3A_267 : memref<16x128xf32, #tpu.memory_space<hbm>>) target(%dma_start3A_265 : memref<16x128xf32, #tpu.memory_space<vmem>>) target_semaphore(%arg13 : memref<!tpu.dma_semaphore, #tpu.memory_space<semaphore_mem>>)
        %shift_right_arithmetic3A_268 = arith.constant 7 : i32
        %shift_right_arithmetic3A_269 = arith.shrsi %squeeze3A_213, %shift_right_arithmetic3A_268 : i32
        %mul3A_270 = arith.constant 128 : i32
        %mul3A_271 = arith.muli %shift_right_arithmetic3A_269, %mul3A_270 : i32
        %multiple_of3A_272 = tpu.assume_multiple %mul3A_271, 128 : i32
        %dma_start3A_273 = arith.constant 0 : i32
        %dma_start3A_274 = arith.constant 3 : i32
        %dma_start3A_275 = arith.constant 0 : i32
        %dma_start3A_276 = arith.constant 0 : i32
        %dma_start3A_277 = tpu.memref_slice %arg11[%dma_start3A_273, %dma_start3A_274, %dma_start3A_275, %dma_start3A_276] : memref<12x4x16x128xf32, #tpu.memory_space<vmem>> -> memref<1x1x16x128xf32, #tpu.memory_space<vmem>>
        %dma_start3A_278 = tpu.memref_squeeze %dma_start3A_277 : memref<1x1x16x128xf32, #tpu.memory_space<vmem>> -> memref<16x128xf32, #tpu.memory_space<vmem>>
        %dma_start3A_279 = arith.constant 0 : i32
        %dma_start3A_280 = tpu.memref_slice %arg7[%dma_start3A_279, %multiple_of3A_272] : memref<16x1000000xf32, #tpu.memory_space<hbm>> -> memref<16x128xf32, #tpu.memory_space<hbm>>
        %dma_start3A_281 = arith.constant 0 : i32
        %dma_start3A_282 = arith.constant 0 : i32
        %dma_start3A_283 = tpu.memref_slice %arg11[%dma_start3A_273, %dma_start3A_274, %dma_start3A_281, %dma_start3A_282] : memref<12x4x16x128xf32, #tpu.memory_space<vmem>> -> memref<1x1x16x128xf32, #tpu.memory_space<vmem>>
        %dma_start3A_284 = tpu.memref_squeeze %dma_start3A_283 : memref<1x1x16x128xf32, #tpu.memory_space<vmem>> -> memref<16x128xf32, #tpu.memory_space<vmem>>
        %dma_start3A_285 = arith.constant 0 : i32
        %dma_start3A_286 = tpu.memref_slice %arg7[%dma_start3A_285, %multiple_of3A_272] : memref<16x1000000xf32, #tpu.memory_space<hbm>> -> memref<16x128xf32, #tpu.memory_space<hbm>>
        tpu.enqueue_dma source(%dma_start3A_286 : memref<16x128xf32, #tpu.memory_space<hbm>>) target(%dma_start3A_284 : memref<16x128xf32, #tpu.memory_space<vmem>>) target_semaphore(%arg13 : memref<!tpu.dma_semaphore, #tpu.memory_space<semaphore_mem>>)
      } else {
      }
      %mul3A_21 = arith.constant 12 : i32
      %mul3A_22 = arith.muli %scan3A_8, %mul3A_21 : i32
      %add3A_23 = arith.constant 1 : i32
      %add3A_24 = arith.addi %mul3A_22, %add3A_23 : i32
      %ge3A_25 = arith.constant 12 : i32
      %ge3A_26 = arith.cmpi sge, %add3A_24, %ge3A_25 : i32
      %lt3A_27 = arith.constant 524 : i32
      %lt3A_28 = arith.cmpi slt, %add3A_24, %lt3A_27 : i32
      %and3A_29 = arith.andi %ge3A_26, %lt3A_28 : i1
      %convert_element_type3A_30 = arith.extui %and3A_29 : i1 to i32
      %cond3A_31 = arith.constant 0 : i32
      %cond3A_32 = arith.cmpi ne, %convert_element_type3A_30, %cond3A_31 : i32
      scf.if %cond3A_32 {
        %dma_wait3A = arith.constant 0 : i32
        %dma_wait3A_208 = arith.constant 0 : i32
        %dma_wait3A_209 = arith.constant 0 : i32
        %dma_wait3A_210 = arith.constant 0 : i32
        %dma_wait3A_211 = tpu.memref_slice %arg11[%dma_wait3A, %dma_wait3A_208, %dma_wait3A_209, %dma_wait3A_210] : memref<12x4x16x128xf32, #tpu.memory_space<vmem>> -> memref<1x1x16x128xf32, #tpu.memory_space<vmem>>
        %dma_wait3A_212 = tpu.memref_squeeze %dma_wait3A_211 : memref<1x1x16x128xf32, #tpu.memory_space<vmem>> -> memref<16x128xf32, #tpu.memory_space<vmem>>
        %dma_wait3A_213 = arith.constant 0 : i32
        %dma_wait3A_214 = arith.constant 0 : i32
        %dma_wait3A_215 = tpu.memref_slice %arg4[%dma_wait3A_213, %dma_wait3A_214] : memref<16x1000000xf32, #tpu.memory_space<hbm>> -> memref<16x128xf32, #tpu.memory_space<hbm>>
        %dma_wait3A_216 = arith.constant 0 : i32
        %dma_wait3A_217 = arith.constant 0 : i32
        %dma_wait3A_218 = tpu.memref_slice %arg11[%dma_wait3A, %dma_wait3A_208, %dma_wait3A_216, %dma_wait3A_217] : memref<12x4x16x128xf32, #tpu.memory_space<vmem>> -> memref<1x1x16x128xf32, #tpu.memory_space<vmem>>
        %dma_wait3A_219 = tpu.memref_squeeze %dma_wait3A_218 : memref<1x1x16x128xf32, #tpu.memory_space<vmem>> -> memref<16x128xf32, #tpu.memory_space<vmem>>
        %dma_wait3A_220 = arith.constant 0 : i32
        %dma_wait3A_221 = arith.constant 0 : i32
        %dma_wait3A_222 = tpu.memref_slice %arg4[%dma_wait3A_220, %dma_wait3A_221] : memref<16x1000000xf32, #tpu.memory_space<hbm>> -> memref<16x128xf32, #tpu.memory_space<hbm>>
        tpu.wait_dma2 semaphore(%arg14 : memref<!tpu.dma_semaphore, #tpu.memory_space<semaphore_mem>>) src(%dma_wait3A_222 : memref<16x128xf32, #tpu.memory_space<hbm>>) dst(%dma_wait3A_219 : memref<16x128xf32, #tpu.memory_space<vmem>>)
        %dma_wait3A_223 = arith.constant 0 : i32
        %dma_wait3A_224 = arith.constant 0 : i32
        %dma_wait3A_225 = arith.constant 0 : i32
        %dma_wait3A_226 = arith.constant 0 : i32
        %dma_wait3A_227 = tpu.memref_slice %arg11[%dma_wait3A_223, %dma_wait3A_224, %dma_wait3A_225, %dma_wait3A_226] : memref<12x4x16x128xf32, #tpu.memory_space<vmem>> -> memref<1x1x16x128xf32, #tpu.memory_space<vmem>>
        %dma_wait3A_228 = tpu.memref_squeeze %dma_wait3A_227 : memref<1x1x16x128xf32, #tpu.memory_space<vmem>> -> memref<16x128xf32, #tpu.memory_space<vmem>>
        %dma_wait3A_229 = arith.constant 0 : i32
        %dma_wait3A_230 = arith.constant 0 : i32
        %dma_wait3A_231 = tpu.memref_slice %arg4[%dma_wait3A_229, %dma_wait3A_230] : memref<16x1000000xf32, #tpu.memory_space<hbm>> -> memref<16x128xf32, #tpu.memory_space<hbm>>
        %dma_wait3A_232 = arith.constant 0 : i32
        %dma_wait3A_233 = arith.constant 0 : i32
        %dma_wait3A_234 = tpu.memref_slice %arg11[%dma_wait3A_223, %dma_wait3A_224, %dma_wait3A_232, %dma_wait3A_233] : memref<12x4x16x128xf32, #tpu.memory_space<vmem>> -> memref<1x1x16x128xf32, #tpu.memory_space<vmem>>
        %dma_wait3A_235 = tpu.memref_squeeze %dma_wait3A_234 : memref<1x1x16x128xf32, #tpu.memory_space<vmem>> -> memref<16x128xf32, #tpu.memory_space<vmem>>
        %dma_wait3A_236 = arith.constant 0 : i32
        %dma_wait3A_237 = arith.constant 0 : i32
        %dma_wait3A_238 = tpu.memref_slice %arg4[%dma_wait3A_236, %dma_wait3A_237] : memref<16x1000000xf32, #tpu.memory_space<hbm>> -> memref<16x128xf32, #tpu.memory_space<hbm>>
        tpu.wait_dma2 semaphore(%arg14 : memref<!tpu.dma_semaphore, #tpu.memory_space<semaphore_mem>>) src(%dma_wait3A_238 : memref<16x128xf32, #tpu.memory_space<hbm>>) dst(%dma_wait3A_235 : memref<16x128xf32, #tpu.memory_space<vmem>>)
        %dma_wait3A_239 = arith.constant 0 : i32
        %dma_wait3A_240 = arith.constant 0 : i32
        %dma_wait3A_241 = arith.constant 0 : i32
        %dma_wait3A_242 = arith.constant 0 : i32
        %dma_wait3A_243 = tpu.memref_slice %arg11[%dma_wait3A_239, %dma_wait3A_240, %dma_wait3A_241, %dma_wait3A_242] : memref<12x4x16x128xf32, #tpu.memory_space<vmem>> -> memref<1x1x16x128xf32, #tpu.memory_space<vmem>>
        %dma_wait3A_244 = tpu.memref_squeeze %dma_wait3A_243 : memref<1x1x16x128xf32, #tpu.memory_space<vmem>> -> memref<16x128xf32, #tpu.memory_space<vmem>>
        %dma_wait3A_245 = arith.constant 0 : i32
        %dma_wait3A_246 = arith.constant 0 : i32
        %dma_wait3A_247 = tpu.memref_slice %arg4[%dma_wait3A_245, %dma_wait3A_246] : memref<16x1000000xf32, #tpu.memory_space<hbm>> -> memref<16x128xf32, #tpu.memory_space<hbm>>
        %dma_wait3A_248 = arith.constant 0 : i32
        %dma_wait3A_249 = arith.constant 0 : i32
        %dma_wait3A_250 = tpu.memref_slice %arg11[%dma_wait3A_239, %dma_wait3A_240, %dma_wait3A_248, %dma_wait3A_249] : memref<12x4x16x128xf32, #tpu.memory_space<vmem>> -> memref<1x1x16x128xf32, #tpu.memory_space<vmem>>
        %dma_wait3A_251 = tpu.memref_squeeze %dma_wait3A_250 : memref<1x1x16x128xf32, #tpu.memory_space<vmem>> -> memref<16x128xf32, #tpu.memory_space<vmem>>
        %dma_wait3A_252 = arith.constant 0 : i32
        %dma_wait3A_253 = arith.constant 0 : i32
        %dma_wait3A_254 = tpu.memref_slice %arg4[%dma_wait3A_252, %dma_wait3A_253] : memref<16x1000000xf32, #tpu.memory_space<hbm>> -> memref<16x128xf32, #tpu.memory_space<hbm>>
        tpu.wait_dma2 semaphore(%arg14 : memref<!tpu.dma_semaphore, #tpu.memory_space<semaphore_mem>>) src(%dma_wait3A_254 : memref<16x128xf32, #tpu.memory_space<hbm>>) dst(%dma_wait3A_251 : memref<16x128xf32, #tpu.memory_space<vmem>>)
        %dma_wait3A_255 = arith.constant 0 : i32
        %dma_wait3A_256 = arith.constant 0 : i32
        %dma_wait3A_257 = arith.constant 0 : i32
        %dma_wait3A_258 = arith.constant 0 : i32
        %dma_wait3A_259 = tpu.memref_slice %arg11[%dma_wait3A_255, %dma_wait3A_256, %dma_wait3A_257, %dma_wait3A_258] : memref<12x4x16x128xf32, #tpu.memory_space<vmem>> -> memref<1x1x16x128xf32, #tpu.memory_space<vmem>>
        %dma_wait3A_260 = tpu.memref_squeeze %dma_wait3A_259 : memref<1x1x16x128xf32, #tpu.memory_space<vmem>> -> memref<16x128xf32, #tpu.memory_space<vmem>>
        %dma_wait3A_261 = arith.constant 0 : i32
        %dma_wait3A_262 = arith.constant 0 : i32
        %dma_wait3A_263 = tpu.memref_slice %arg4[%dma_wait3A_261, %dma_wait3A_262] : memref<16x1000000xf32, #tpu.memory_space<hbm>> -> memref<16x128xf32, #tpu.memory_space<hbm>>
        %dma_wait3A_264 = arith.constant 0 : i32
        %dma_wait3A_265 = arith.constant 0 : i32
        %dma_wait3A_266 = tpu.memref_slice %arg11[%dma_wait3A_255, %dma_wait3A_256, %dma_wait3A_264, %dma_wait3A_265] : memref<12x4x16x128xf32, #tpu.memory_space<vmem>> -> memref<1x1x16x128xf32, #tpu.memory_space<vmem>>
        %dma_wait3A_267 = tpu.memref_squeeze %dma_wait3A_266 : memref<1x1x16x128xf32, #tpu.memory_space<vmem>> -> memref<16x128xf32, #tpu.memory_space<vmem>>
        %dma_wait3A_268 = arith.constant 0 : i32
        %dma_wait3A_269 = arith.constant 0 : i32
        %dma_wait3A_270 = tpu.memref_slice %arg4[%dma_wait3A_268, %dma_wait3A_269] : memref<16x1000000xf32, #tpu.memory_space<hbm>> -> memref<16x128xf32, #tpu.memory_space<hbm>>
        tpu.wait_dma2 semaphore(%arg14 : memref<!tpu.dma_semaphore, #tpu.memory_space<semaphore_mem>>) src(%dma_wait3A_270 : memref<16x128xf32, #tpu.memory_space<hbm>>) dst(%dma_wait3A_267 : memref<16x128xf32, #tpu.memory_space<vmem>>)
        %sub3A = arith.constant 12 : i32
        %sub3A_271 = arith.subi %add3A_24, %sub3A : i32
        %broadcast_in_dim3A = arith.constant 0 : i32
        %broadcast_in_dim3A_272 = vector.broadcast %broadcast_in_dim3A : i32 to vector<16xi32>
        %add3A_273 = vector.broadcast %sub3A_271 : i32 to vector<16xi32>
        %add3A_274 = arith.addi %broadcast_in_dim3A_272, %add3A_273 : vector<16xi32>
        %gather3A = tpu.vector_load_idx %arg9[%add3A_274] : memref<512xi32, #tpu.memory_space<vmem>>[vector<16xi32>], vector<16xi32>,
        %and3A_275 = arith.constant 127 : i32
        %and3A_276 = vector.broadcast %and3A_275 : i32 to vector<16xi32>
        %and3A_277 = arith.andi %gather3A, %and3A_276 : vector<16xi32>
        %gather3A_278 = tpu.vector_load_idx %arg10[%add3A_274] : memref<512xi32, #tpu.memory_space<vmem>>[vector<16xi32>], vector<16xi32>,
        %and3A_279 = arith.constant 127 : i32
        %and3A_280 = vector.broadcast %and3A_279 : i32 to vector<16xi32>
        %and3A_281 = arith.andi %gather3A_278, %and3A_280 : vector<16xi32>
        %broadcast_in_dim3A_282 = arith.constant 0 : i32
        %broadcast_in_dim3A_283 = vector.broadcast %broadcast_in_dim3A_282 : i32 to vector<16xi32>
        %add3A_284 = arith.constant 1 : i32
        %add3A_285 = vector.broadcast %add3A_284 : i32 to vector<16xi32>
        %add3A_286 = arith.addi %broadcast_in_dim3A_283, %add3A_285 : vector<16xi32>
        %broadcast_in_dim3A_287 = arith.constant 0 : i32
        %broadcast_in_dim3A_288 = vector.broadcast %broadcast_in_dim3A_287 : i32 to vector<16xi32>
        %add3A_289 = arith.constant 0 : i32
        %add3A_290 = vector.broadcast %add3A_289 : i32 to vector<16xi32>
        %add3A_291 = arith.addi %broadcast_in_dim3A_288, %add3A_290 : vector<16xi32>
        %gather3A_292 = tpu.vector_load_idx %arg11[%add3A_286, %add3A_291, %iota3A, %and3A_277] : memref<12x4x16x128xf32, #tpu.memory_space<vmem>>[vector<16xi32>, vector<16xi32>, vector<16xi32>, vector<16xi32>], vector<16xf32>,
        %broadcast_in_dim3A_293 = arith.constant 0 : i32
        %broadcast_in_dim3A_294 = vector.broadcast %broadcast_in_dim3A_293 : i32 to vector<16xi32>
        %add3A_295 = arith.constant 1 : i32
        %add3A_296 = vector.broadcast %add3A_295 : i32 to vector<16xi32>
        %add3A_297 = arith.addi %broadcast_in_dim3A_294, %add3A_296 : vector<16xi32>
        %gather3A_298 = tpu.vector_load_idx %arg11[%add3A_286, %add3A_297, %iota3A, %and3A_281] : memref<12x4x16x128xf32, #tpu.memory_space<vmem>>[vector<16xi32>, vector<16xi32>, vector<16xi32>, vector<16xi32>], vector<16xf32>,
        %broadcast_in_dim3A_299 = arith.constant 0 : i32
        %broadcast_in_dim3A_300 = vector.broadcast %broadcast_in_dim3A_299 : i32 to vector<16xi32>
        %add3A_301 = arith.constant 2 : i32
        %add3A_302 = vector.broadcast %add3A_301 : i32 to vector<16xi32>
        %add3A_303 = arith.addi %broadcast_in_dim3A_300, %add3A_302 : vector<16xi32>
        %gather3A_304 = tpu.vector_load_idx %arg11[%add3A_286, %add3A_303, %iota3A, %and3A_277] : memref<12x4x16x128xf32, #tpu.memory_space<vmem>>[vector<16xi32>, vector<16xi32>, vector<16xi32>, vector<16xi32>], vector<16xf32>,
        %broadcast_in_dim3A_305 = arith.constant 0 : i32
        %broadcast_in_dim3A_306 = vector.broadcast %broadcast_in_dim3A_305 : i32 to vector<16xi32>
        %add3A_307 = arith.constant 3 : i32
        %add3A_308 = vector.broadcast %add3A_307 : i32 to vector<16xi32>
        %add3A_309 = arith.addi %broadcast_in_dim3A_306, %add3A_308 : vector<16xi32>
        %gather3A_310 = tpu.vector_load_idx %arg11[%add3A_286, %add3A_309, %iota3A, %and3A_281] : memref<12x4x16x128xf32, #tpu.memory_space<vmem>>[vector<16xi32>, vector<16xi32>, vector<16xi32>, vector<16xi32>], vector<16xf32>,
        %mul3A_311 = arith.mulf %gather3A_292, %gather3A_298 : vector<16xf32>
        %mul3A_312 = arith.mulf %gather3A_304, %gather3A_310 : vector<16xf32>
        %add3A_313 = arith.addf %mul3A_311, %mul3A_312 : vector<16xf32>
        %reduce_sum3A = arith.constant true
        %reduce_sum3A_314 = vector.broadcast %reduce_sum3A : i1 to vector<16xi1>
        %reduce_sum3A_315 = tpu.scan <sum>, %add3A_313 masked %reduce_sum3A_314 : vector<16xf32>, vector<16xi1> -> vector<16xf32>
        %reduce_sum3A_316 = vector.extract %reduce_sum3A_315[15] : f32 from vector<16xf32>
        %shift_right_arithmetic3A = arith.constant 4 : i32
        %shift_right_arithmetic3A_317 = arith.shrsi %sub3A_271, %shift_right_arithmetic3A : i32
        %and3A_318 = arith.constant 15 : i32
        %and3A_319 = arith.andi %sub3A_271, %and3A_318 : i32
        %mul3A_320 = arith.constant 16 : i32
        %mul3A_321 = arith.muli %shift_right_arithmetic3A_317, %mul3A_320 : i32
        %multiple_of3A = tpu.assume_multiple %mul3A_321, 16 : i32
        %eq3A = vector.broadcast %and3A_319 : i32 to vector<16xi32>
        %eq3A_322 = arith.cmpi eq, %iota3A, %eq3A : vector<16xi32>
        %get3A = arith.index_cast %multiple_of3A : i32 to index
        %get3A_323 = tpu.vector_load %arg12[%get3A] {strides = array<i32>} : memref<512xf32, #tpu.memory_space<vmem>>, vector<16xf32>,
        %broadcast_in_dim3A_324 = vector.broadcast %reduce_sum3A_316 : f32 to vector<16xf32>
        %select_n3A = arith.select %eq3A_322, %broadcast_in_dim3A_324, %get3A_323 : vector<16xi1>, vector<16xf32>
        %swap3A = arith.index_cast %multiple_of3A : i32 to index
        %swap3A_325 = tpu.vector_load %arg12[%swap3A] {strides = array<i32>} : memref<512xf32, #tpu.memory_space<vmem>>, vector<16xf32>,
        tpu.vector_store %arg12[%swap3A], %select_n3A {strides = array<i32>} : memref<512xf32, #tpu.memory_space<vmem>>, vector<16xf32>,
      } else {
      }
      %lt3A_33 = arith.constant 512 : i32
      %lt3A_34 = arith.cmpi slt, %add3A_24, %lt3A_33 : i32
      %convert_element_type3A_35 = arith.extui %lt3A_34 : i1 to i32
      %cond3A_36 = arith.constant 0 : i32
      %cond3A_37 = arith.cmpi ne, %convert_element_type3A_35, %cond3A_36 : i32
      scf.if %cond3A_37 {
        %broadcast_in_dim3A = arith.constant 0 : i32
        %broadcast_in_dim3A_208 = vector.broadcast %broadcast_in_dim3A : i32 to vector<16xi32>
        %add3A_209 = vector.broadcast %add3A_24 : i32 to vector<16xi32>
        %add3A_210 = arith.addi %broadcast_in_dim3A_208, %add3A_209 : vector<16xi32>
        %gather3A = tpu.vector_load_idx %arg9[%add3A_210] : memref<512xi32, #tpu.memory_space<vmem>>[vector<16xi32>], vector<16xi32>,
        %slice3A = vector.extract_strided_slice %gather3A {offsets = [0], sizes = [1], strides = [1]} : vector<16xi32> to vector<1xi32>
        %squeeze3A = vector.extract %slice3A[0] : i32 from vector<1xi32>
        %gather3A_211 = tpu.vector_load_idx %arg10[%add3A_210] : memref<512xi32, #tpu.memory_space<vmem>>[vector<16xi32>], vector<16xi32>,
        %slice3A_212 = vector.extract_strided_slice %gather3A_211 {offsets = [0], sizes = [1], strides = [1]} : vector<16xi32> to vector<1xi32>
        %squeeze3A_213 = vector.extract %slice3A_212[0] : i32 from vector<1xi32>
        %shift_right_arithmetic3A = arith.constant 7 : i32
        %shift_right_arithmetic3A_214 = arith.shrsi %squeeze3A, %shift_right_arithmetic3A : i32
        %mul3A_215 = arith.constant 128 : i32
        %mul3A_216 = arith.muli %shift_right_arithmetic3A_214, %mul3A_215 : i32
        %multiple_of3A = tpu.assume_multiple %mul3A_216, 128 : i32
        %dma_start3A = arith.constant 1 : i32
        %dma_start3A_217 = arith.constant 0 : i32
        %dma_start3A_218 = arith.constant 0 : i32
        %dma_start3A_219 = arith.constant 0 : i32
        %dma_start3A_220 = tpu.memref_slice %arg11[%dma_start3A, %dma_start3A_217, %dma_start3A_218, %dma_start3A_219] : memref<12x4x16x128xf32, #tpu.memory_space<vmem>> -> memref<1x1x16x128xf32, #tpu.memory_space<vmem>>
        %dma_start3A_221 = tpu.memref_squeeze %dma_start3A_220 : memref<1x1x16x128xf32, #tpu.memory_space<vmem>> -> memref<16x128xf32, #tpu.memory_space<vmem>>
        %dma_start3A_222 = arith.constant 0 : i32
        %dma_start3A_223 = tpu.memref_slice %arg4[%dma_start3A_222, %multiple_of3A] : memref<16x1000000xf32, #tpu.memory_space<hbm>> -> memref<16x128xf32, #tpu.memory_space<hbm>>
        %dma_start3A_224 = arith.constant 0 : i32
        %dma_start3A_225 = arith.constant 0 : i32
        %dma_start3A_226 = tpu.memref_slice %arg11[%dma_start3A, %dma_start3A_217, %dma_start3A_224, %dma_start3A_225] : memref<12x4x16x128xf32, #tpu.memory_space<vmem>> -> memref<1x1x16x128xf32, #tpu.memory_space<vmem>>
        %dma_start3A_227 = tpu.memref_squeeze %dma_start3A_226 : memref<1x1x16x128xf32, #tpu.memory_space<vmem>> -> memref<16x128xf32, #tpu.memory_space<vmem>>
        %dma_start3A_228 = arith.constant 0 : i32
        %dma_start3A_229 = tpu.memref_slice %arg4[%dma_start3A_228, %multiple_of3A] : memref<16x1000000xf32, #tpu.memory_space<hbm>> -> memref<16x128xf32, #tpu.memory_space<hbm>>
        tpu.enqueue_dma source(%dma_start3A_229 : memref<16x128xf32, #tpu.memory_space<hbm>>) target(%dma_start3A_227 : memref<16x128xf32, #tpu.memory_space<vmem>>) target_semaphore(%arg14 : memref<!tpu.dma_semaphore, #tpu.memory_space<semaphore_mem>>)
        %shift_right_arithmetic3A_230 = arith.constant 7 : i32
        %shift_right_arithmetic3A_231 = arith.shrsi %squeeze3A_213, %shift_right_arithmetic3A_230 : i32
        %mul3A_232 = arith.constant 128 : i32
        %mul3A_233 = arith.muli %shift_right_arithmetic3A_231, %mul3A_232 : i32
        %multiple_of3A_234 = tpu.assume_multiple %mul3A_233, 128 : i32
        %dma_start3A_235 = arith.constant 1 : i32
        %dma_start3A_236 = arith.constant 1 : i32
        %dma_start3A_237 = arith.constant 0 : i32
        %dma_start3A_238 = arith.constant 0 : i32
        %dma_start3A_239 = tpu.memref_slice %arg11[%dma_start3A_235, %dma_start3A_236, %dma_start3A_237, %dma_start3A_238] : memref<12x4x16x128xf32, #tpu.memory_space<vmem>> -> memref<1x1x16x128xf32, #tpu.memory_space<vmem>>
        %dma_start3A_240 = tpu.memref_squeeze %dma_start3A_239 : memref<1x1x16x128xf32, #tpu.memory_space<vmem>> -> memref<16x128xf32, #tpu.memory_space<vmem>>
        %dma_start3A_241 = arith.constant 0 : i32
        %dma_start3A_242 = tpu.memref_slice %arg5[%dma_start3A_241, %multiple_of3A_234] : memref<16x1000000xf32, #tpu.memory_space<hbm>> -> memref<16x128xf32, #tpu.memory_space<hbm>>
        %dma_start3A_243 = arith.constant 0 : i32
        %dma_start3A_244 = arith.constant 0 : i32
        %dma_start3A_245 = tpu.memref_slice %arg11[%dma_start3A_235, %dma_start3A_236, %dma_start3A_243, %dma_start3A_244] : memref<12x4x16x128xf32, #tpu.memory_space<vmem>> -> memref<1x1x16x128xf32, #tpu.memory_space<vmem>>
        %dma_start3A_246 = tpu.memref_squeeze %dma_start3A_245 : memref<1x1x16x128xf32, #tpu.memory_space<vmem>> -> memref<16x128xf32, #tpu.memory_space<vmem>>
        %dma_start3A_247 = arith.constant 0 : i32
        %dma_start3A_248 = tpu.memref_slice %arg5[%dma_start3A_247, %multiple_of3A_234] : memref<16x1000000xf32, #tpu.memory_space<hbm>> -> memref<16x128xf32, #tpu.memory_space<hbm>>
        tpu.enqueue_dma source(%dma_start3A_248 : memref<16x128xf32, #tpu.memory_space<hbm>>) target(%dma_start3A_246 : memref<16x128xf32, #tpu.memory_space<vmem>>) target_semaphore(%arg14 : memref<!tpu.dma_semaphore, #tpu.memory_space<semaphore_mem>>)
        %shift_right_arithmetic3A_249 = arith.constant 7 : i32
        %shift_right_arithmetic3A_250 = arith.shrsi %squeeze3A, %shift_right_arithmetic3A_249 : i32
        %mul3A_251 = arith.constant 128 : i32
        %mul3A_252 = arith.muli %shift_right_arithmetic3A_250, %mul3A_251 : i32
        %multiple_of3A_253 = tpu.assume_multiple %mul3A_252, 128 : i32
        %dma_start3A_254 = arith.constant 1 : i32
        %dma_start3A_255 = arith.constant 2 : i32
        %dma_start3A_256 = arith.constant 0 : i32
        %dma_start3A_257 = arith.constant 0 : i32
        %dma_start3A_258 = tpu.memref_slice %arg11[%dma_start3A_254, %dma_start3A_255, %dma_start3A_256, %dma_start3A_257] : memref<12x4x16x128xf32, #tpu.memory_space<vmem>> -> memref<1x1x16x128xf32, #tpu.memory_space<vmem>>
        %dma_start3A_259 = tpu.memref_squeeze %dma_start3A_258 : memref<1x1x16x128xf32, #tpu.memory_space<vmem>> -> memref<16x128xf32, #tpu.memory_space<vmem>>
        %dma_start3A_260 = arith.constant 0 : i32
        %dma_start3A_261 = tpu.memref_slice %arg6[%dma_start3A_260, %multiple_of3A_253] : memref<16x1000000xf32, #tpu.memory_space<hbm>> -> memref<16x128xf32, #tpu.memory_space<hbm>>
        %dma_start3A_262 = arith.constant 0 : i32
        %dma_start3A_263 = arith.constant 0 : i32
        %dma_start3A_264 = tpu.memref_slice %arg11[%dma_start3A_254, %dma_start3A_255, %dma_start3A_262, %dma_start3A_263] : memref<12x4x16x128xf32, #tpu.memory_space<vmem>> -> memref<1x1x16x128xf32, #tpu.memory_space<vmem>>
        %dma_start3A_265 = tpu.memref_squeeze %dma_start3A_264 : memref<1x1x16x128xf32, #tpu.memory_space<vmem>> -> memref<16x128xf32, #tpu.memory_space<vmem>>
        %dma_start3A_266 = arith.constant 0 : i32
        %dma_start3A_267 = tpu.memref_slice %arg6[%dma_start3A_266, %multiple_of3A_253] : memref<16x1000000xf32, #tpu.memory_space<hbm>> -> memref<16x128xf32, #tpu.memory_space<hbm>>
        tpu.enqueue_dma source(%dma_start3A_267 : memref<16x128xf32, #tpu.memory_space<hbm>>) target(%dma_start3A_265 : memref<16x128xf32, #tpu.memory_space<vmem>>) target_semaphore(%arg14 : memref<!tpu.dma_semaphore, #tpu.memory_space<semaphore_mem>>)
        %shift_right_arithmetic3A_268 = arith.constant 7 : i32
        %shift_right_arithmetic3A_269 = arith.shrsi %squeeze3A_213, %shift_right_arithmetic3A_268 : i32
        %mul3A_270 = arith.constant 128 : i32
        %mul3A_271 = arith.muli %shift_right_arithmetic3A_269, %mul3A_270 : i32
        %multiple_of3A_272 = tpu.assume_multiple %mul3A_271, 128 : i32
        %dma_start3A_273 = arith.constant 1 : i32
        %dma_start3A_274 = arith.constant 3 : i32
        %dma_start3A_275 = arith.constant 0 : i32
        %dma_start3A_276 = arith.constant 0 : i32
        %dma_start3A_277 = tpu.memref_slice %arg11[%dma_start3A_273, %dma_start3A_274, %dma_start3A_275, %dma_start3A_276] : memref<12x4x16x128xf32, #tpu.memory_space<vmem>> -> memref<1x1x16x128xf32, #tpu.memory_space<vmem>>
        %dma_start3A_278 = tpu.memref_squeeze %dma_start3A_277 : memref<1x1x16x128xf32, #tpu.memory_space<vmem>> -> memref<16x128xf32, #tpu.memory_space<vmem>>
        %dma_start3A_279 = arith.constant 0 : i32
        %dma_start3A_280 = tpu.memref_slice %arg7[%dma_start3A_279, %multiple_of3A_272] : memref<16x1000000xf32, #tpu.memory_space<hbm>> -> memref<16x128xf32, #tpu.memory_space<hbm>>
        %dma_start3A_281 = arith.constant 0 : i32
        %dma_start3A_282 = arith.constant 0 : i32
        %dma_start3A_283 = tpu.memref_slice %arg11[%dma_start3A_273, %dma_start3A_274, %dma_start3A_281, %dma_start3A_282] : memref<12x4x16x128xf32, #tpu.memory_space<vmem>> -> memref<1x1x16x128xf32, #tpu.memory_space<vmem>>
        %dma_start3A_284 = tpu.memref_squeeze %dma_start3A_283 : memref<1x1x16x128xf32, #tpu.memory_space<vmem>> -> memref<16x128xf32, #tpu.memory_space<vmem>>
        %dma_start3A_285 = arith.constant 0 : i32
        %dma_start3A_286 = tpu.memref_slice %arg7[%dma_start3A_285, %multiple_of3A_272] : memref<16x1000000xf32, #tpu.memory_space<hbm>> -> memref<16x128xf32, #tpu.memory_space<hbm>>
        tpu.enqueue_dma source(%dma_start3A_286 : memref<16x128xf32, #tpu.memory_space<hbm>>) target(%dma_start3A_284 : memref<16x128xf32, #tpu.memory_space<vmem>>) target_semaphore(%arg14 : memref<!tpu.dma_semaphore, #tpu.memory_space<semaphore_mem>>)
      } else {
      }
      %mul3A_38 = arith.constant 12 : i32
      %mul3A_39 = arith.muli %scan3A_8, %mul3A_38 : i32
      %add3A_40 = arith.constant 2 : i32
      %add3A_41 = arith.addi %mul3A_39, %add3A_40 : i32
      %ge3A_42 = arith.constant 12 : i32
      %ge3A_43 = arith.cmpi sge, %add3A_41, %ge3A_42 : i32
      %lt3A_44 = arith.constant 524 : i32
      %lt3A_45 = arith.cmpi slt, %add3A_41, %lt3A_44 : i32
      %and3A_46 = arith.andi %ge3A_43, %lt3A_45 : i1
      %convert_element_type3A_47 = arith.extui %and3A_46 : i1 to i32
      %cond3A_48 = arith.constant 0 : i32
      %cond3A_49 = arith.cmpi ne, %convert_element_type3A_47, %cond3A_48 : i32
      scf.if %cond3A_49 {
        %dma_wait3A = arith.constant 0 : i32
        %dma_wait3A_208 = arith.constant 0 : i32
        %dma_wait3A_209 = arith.constant 0 : i32
        %dma_wait3A_210 = arith.constant 0 : i32
        %dma_wait3A_211 = tpu.memref_slice %arg11[%dma_wait3A, %dma_wait3A_208, %dma_wait3A_209, %dma_wait3A_210] : memref<12x4x16x128xf32, #tpu.memory_space<vmem>> -> memref<1x1x16x128xf32, #tpu.memory_space<vmem>>
        %dma_wait3A_212 = tpu.memref_squeeze %dma_wait3A_211 : memref<1x1x16x128xf32, #tpu.memory_space<vmem>> -> memref<16x128xf32, #tpu.memory_space<vmem>>
        %dma_wait3A_213 = arith.constant 0 : i32
        %dma_wait3A_214 = arith.constant 0 : i32
        %dma_wait3A_215 = tpu.memref_slice %arg4[%dma_wait3A_213, %dma_wait3A_214] : memref<16x1000000xf32, #tpu.memory_space<hbm>> -> memref<16x128xf32, #tpu.memory_space<hbm>>
        %dma_wait3A_216 = arith.constant 0 : i32
        %dma_wait3A_217 = arith.constant 0 : i32
        %dma_wait3A_218 = tpu.memref_slice %arg11[%dma_wait3A, %dma_wait3A_208, %dma_wait3A_216, %dma_wait3A_217] : memref<12x4x16x128xf32, #tpu.memory_space<vmem>> -> memref<1x1x16x128xf32, #tpu.memory_space<vmem>>
        %dma_wait3A_219 = tpu.memref_squeeze %dma_wait3A_218 : memref<1x1x16x128xf32, #tpu.memory_space<vmem>> -> memref<16x128xf32, #tpu.memory_space<vmem>>
        %dma_wait3A_220 = arith.constant 0 : i32
        %dma_wait3A_221 = arith.constant 0 : i32
        %dma_wait3A_222 = tpu.memref_slice %arg4[%dma_wait3A_220, %dma_wait3A_221] : memref<16x1000000xf32, #tpu.memory_space<hbm>> -> memref<16x128xf32, #tpu.memory_space<hbm>>
        tpu.wait_dma2 semaphore(%arg15 : memref<!tpu.dma_semaphore, #tpu.memory_space<semaphore_mem>>) src(%dma_wait3A_222 : memref<16x128xf32, #tpu.memory_space<hbm>>) dst(%dma_wait3A_219 : memref<16x128xf32, #tpu.memory_space<vmem>>)
        %dma_wait3A_223 = arith.constant 0 : i32
        %dma_wait3A_224 = arith.constant 0 : i32
        %dma_wait3A_225 = arith.constant 0 : i32
        %dma_wait3A_226 = arith.constant 0 : i32
        %dma_wait3A_227 = tpu.memref_slice %arg11[%dma_wait3A_223, %dma_wait3A_224, %dma_wait3A_225, %dma_wait3A_226] : memref<12x4x16x128xf32, #tpu.memory_space<vmem>> -> memref<1x1x16x128xf32, #tpu.memory_space<vmem>>
        %dma_wait3A_228 = tpu.memref_squeeze %dma_wait3A_227 : memref<1x1x16x128xf32, #tpu.memory_space<vmem>> -> memref<16x128xf32, #tpu.memory_space<vmem>>
        %dma_wait3A_229 = arith.constant 0 : i32
        %dma_wait3A_230 = arith.constant 0 : i32
        %dma_wait3A_231 = tpu.memref_slice %arg4[%dma_wait3A_229, %dma_wait3A_230] : memref<16x1000000xf32, #tpu.memory_space<hbm>> -> memref<16x128xf32, #tpu.memory_space<hbm>>
        %dma_wait3A_232 = arith.constant 0 : i32
        %dma_wait3A_233 = arith.constant 0 : i32
        %dma_wait3A_234 = tpu.memref_slice %arg11[%dma_wait3A_223, %dma_wait3A_224, %dma_wait3A_232, %dma_wait3A_233] : memref<12x4x16x128xf32, #tpu.memory_space<vmem>> -> memref<1x1x16x128xf32, #tpu.memory_space<vmem>>
        %dma_wait3A_235 = tpu.memref_squeeze %dma_wait3A_234 : memref<1x1x16x128xf32, #tpu.memory_space<vmem>> -> memref<16x128xf32, #tpu.memory_space<vmem>>
        %dma_wait3A_236 = arith.constant 0 : i32
        %dma_wait3A_237 = arith.constant 0 : i32
        %dma_wait3A_238 = tpu.memref_slice %arg4[%dma_wait3A_236, %dma_wait3A_237] : memref<16x1000000xf32, #tpu.memory_space<hbm>> -> memref<16x128xf32, #tpu.memory_space<hbm>>
        tpu.wait_dma2 semaphore(%arg15 : memref<!tpu.dma_semaphore, #tpu.memory_space<semaphore_mem>>) src(%dma_wait3A_238 : memref<16x128xf32, #tpu.memory_space<hbm>>) dst(%dma_wait3A_235 : memref<16x128xf32, #tpu.memory_space<vmem>>)
        %dma_wait3A_239 = arith.constant 0 : i32
        %dma_wait3A_240 = arith.constant 0 : i32
        %dma_wait3A_241 = arith.constant 0 : i32
        %dma_wait3A_242 = arith.constant 0 : i32
        %dma_wait3A_243 = tpu.memref_slice %arg11[%dma_wait3A_239, %dma_wait3A_240, %dma_wait3A_241, %dma_wait3A_242] : memref<12x4x16x128xf32, #tpu.memory_space<vmem>> -> memref<1x1x16x128xf32, #tpu.memory_space<vmem>>
        %dma_wait3A_244 = tpu.memref_squeeze %dma_wait3A_243 : memref<1x1x16x128xf32, #tpu.memory_space<vmem>> -> memref<16x128xf32, #tpu.memory_space<vmem>>
        %dma_wait3A_245 = arith.constant 0 : i32
        %dma_wait3A_246 = arith.constant 0 : i32
        %dma_wait3A_247 = tpu.memref_slice %arg4[%dma_wait3A_245, %dma_wait3A_246] : memref<16x1000000xf32, #tpu.memory_space<hbm>> -> memref<16x128xf32, #tpu.memory_space<hbm>>
        %dma_wait3A_248 = arith.constant 0 : i32
        %dma_wait3A_249 = arith.constant 0 : i32
        %dma_wait3A_250 = tpu.memref_slice %arg11[%dma_wait3A_239, %dma_wait3A_240, %dma_wait3A_248, %dma_wait3A_249] : memref<12x4x16x128xf32, #tpu.memory_space<vmem>> -> memref<1x1x16x128xf32, #tpu.memory_space<vmem>>
        %dma_wait3A_251 = tpu.memref_squeeze %dma_wait3A_250 : memref<1x1x16x128xf32, #tpu.memory_space<vmem>> -> memref<16x128xf32, #tpu.memory_space<vmem>>
        %dma_wait3A_252 = arith.constant 0 : i32
        %dma_wait3A_253 = arith.constant 0 : i32
        %dma_wait3A_254 = tpu.memref_slice %arg4[%dma_wait3A_252, %dma_wait3A_253] : memref<16x1000000xf32, #tpu.memory_space<hbm>> -> memref<16x128xf32, #tpu.memory_space<hbm>>
        tpu.wait_dma2 semaphore(%arg15 : memref<!tpu.dma_semaphore, #tpu.memory_space<semaphore_mem>>) src(%dma_wait3A_254 : memref<16x128xf32, #tpu.memory_space<hbm>>) dst(%dma_wait3A_251 : memref<16x128xf32, #tpu.memory_space<vmem>>)
        %dma_wait3A_255 = arith.constant 0 : i32
        %dma_wait3A_256 = arith.constant 0 : i32
        %dma_wait3A_257 = arith.constant 0 : i32
        %dma_wait3A_258 = arith.constant 0 : i32
        %dma_wait3A_259 = tpu.memref_slice %arg11[%dma_wait3A_255, %dma_wait3A_256, %dma_wait3A_257, %dma_wait3A_258] : memref<12x4x16x128xf32, #tpu.memory_space<vmem>> -> memref<1x1x16x128xf32, #tpu.memory_space<vmem>>
        %dma_wait3A_260 = tpu.memref_squeeze %dma_wait3A_259 : memref<1x1x16x128xf32, #tpu.memory_space<vmem>> -> memref<16x128xf32, #tpu.memory_space<vmem>>
        %dma_wait3A_261 = arith.constant 0 : i32
        %dma_wait3A_262 = arith.constant 0 : i32
        %dma_wait3A_263 = tpu.memref_slice %arg4[%dma_wait3A_261, %dma_wait3A_262] : memref<16x1000000xf32, #tpu.memory_space<hbm>> -> memref<16x128xf32, #tpu.memory_space<hbm>>
        %dma_wait3A_264 = arith.constant 0 : i32
        %dma_wait3A_265 = arith.constant 0 : i32
        %dma_wait3A_266 = tpu.memref_slice %arg11[%dma_wait3A_255, %dma_wait3A_256, %dma_wait3A_264, %dma_wait3A_265] : memref<12x4x16x128xf32, #tpu.memory_space<vmem>> -> memref<1x1x16x128xf32, #tpu.memory_space<vmem>>
        %dma_wait3A_267 = tpu.memref_squeeze %dma_wait3A_266 : memref<1x1x16x128xf32, #tpu.memory_space<vmem>> -> memref<16x128xf32, #tpu.memory_space<vmem>>
        %dma_wait3A_268 = arith.constant 0 : i32
        %dma_wait3A_269 = arith.constant 0 : i32
        %dma_wait3A_270 = tpu.memref_slice %arg4[%dma_wait3A_268, %dma_wait3A_269] : memref<16x1000000xf32, #tpu.memory_space<hbm>> -> memref<16x128xf32, #tpu.memory_space<hbm>>
        tpu.wait_dma2 semaphore(%arg15 : memref<!tpu.dma_semaphore, #tpu.memory_space<semaphore_mem>>) src(%dma_wait3A_270 : memref<16x128xf32, #tpu.memory_space<hbm>>) dst(%dma_wait3A_267 : memref<16x128xf32, #tpu.memory_space<vmem>>)
        %sub3A = arith.constant 12 : i32
        %sub3A_271 = arith.subi %add3A_41, %sub3A : i32
        %broadcast_in_dim3A = arith.constant 0 : i32
        %broadcast_in_dim3A_272 = vector.broadcast %broadcast_in_dim3A : i32 to vector<16xi32>
        %add3A_273 = vector.broadcast %sub3A_271 : i32 to vector<16xi32>
        %add3A_274 = arith.addi %broadcast_in_dim3A_272, %add3A_273 : vector<16xi32>
        %gather3A = tpu.vector_load_idx %arg9[%add3A_274] : memref<512xi32, #tpu.memory_space<vmem>>[vector<16xi32>], vector<16xi32>,
        %and3A_275 = arith.constant 127 : i32
        %and3A_276 = vector.broadcast %and3A_275 : i32 to vector<16xi32>
        %and3A_277 = arith.andi %gather3A, %and3A_276 : vector<16xi32>
        %gather3A_278 = tpu.vector_load_idx %arg10[%add3A_274] : memref<512xi32, #tpu.memory_space<vmem>>[vector<16xi32>], vector<16xi32>,
        %and3A_279 = arith.constant 127 : i32
        %and3A_280 = vector.broadcast %and3A_279 : i32 to vector<16xi32>
        %and3A_281 = arith.andi %gather3A_278, %and3A_280 : vector<16xi32>
        %broadcast_in_dim3A_282 = arith.constant 0 : i32
        %broadcast_in_dim3A_283 = vector.broadcast %broadcast_in_dim3A_282 : i32 to vector<16xi32>
        %add3A_284 = arith.constant 2 : i32
        %add3A_285 = vector.broadcast %add3A_284 : i32 to vector<16xi32>
        %add3A_286 = arith.addi %broadcast_in_dim3A_283, %add3A_285 : vector<16xi32>
        %broadcast_in_dim3A_287 = arith.constant 0 : i32
        %broadcast_in_dim3A_288 = vector.broadcast %broadcast_in_dim3A_287 : i32 to vector<16xi32>
        %add3A_289 = arith.constant 0 : i32
        %add3A_290 = vector.broadcast %add3A_289 : i32 to vector<16xi32>
        %add3A_291 = arith.addi %broadcast_in_dim3A_288, %add3A_290 : vector<16xi32>
        %gather3A_292 = tpu.vector_load_idx %arg11[%add3A_286, %add3A_291, %iota3A, %and3A_277] : memref<12x4x16x128xf32, #tpu.memory_space<vmem>>[vector<16xi32>, vector<16xi32>, vector<16xi32>, vector<16xi32>], vector<16xf32>,
        %broadcast_in_dim3A_293 = arith.constant 0 : i32
        %broadcast_in_dim3A_294 = vector.broadcast %broadcast_in_dim3A_293 : i32 to vector<16xi32>
        %add3A_295 = arith.constant 1 : i32
        %add3A_296 = vector.broadcast %add3A_295 : i32 to vector<16xi32>
        %add3A_297 = arith.addi %broadcast_in_dim3A_294, %add3A_296 : vector<16xi32>
        %gather3A_298 = tpu.vector_load_idx %arg11[%add3A_286, %add3A_297, %iota3A, %and3A_281] : memref<12x4x16x128xf32, #tpu.memory_space<vmem>>[vector<16xi32>, vector<16xi32>, vector<16xi32>, vector<16xi32>], vector<16xf32>,
        %broadcast_in_dim3A_299 = arith.constant 0 : i32
        %broadcast_in_dim3A_300 = vector.broadcast %broadcast_in_dim3A_299 : i32 to vector<16xi32>
        %add3A_301 = arith.constant 2 : i32
        %add3A_302 = vector.broadcast %add3A_301 : i32 to vector<16xi32>
        %add3A_303 = arith.addi %broadcast_in_dim3A_300, %add3A_302 : vector<16xi32>
        %gather3A_304 = tpu.vector_load_idx %arg11[%add3A_286, %add3A_303, %iota3A, %and3A_277] : memref<12x4x16x128xf32, #tpu.memory_space<vmem>>[vector<16xi32>, vector<16xi32>, vector<16xi32>, vector<16xi32>], vector<16xf32>,
        %broadcast_in_dim3A_305 = arith.constant 0 : i32
        %broadcast_in_dim3A_306 = vector.broadcast %broadcast_in_dim3A_305 : i32 to vector<16xi32>
        %add3A_307 = arith.constant 3 : i32
        %add3A_308 = vector.broadcast %add3A_307 : i32 to vector<16xi32>
        %add3A_309 = arith.addi %broadcast_in_dim3A_306, %add3A_308 : vector<16xi32>
        %gather3A_310 = tpu.vector_load_idx %arg11[%add3A_286, %add3A_309, %iota3A, %and3A_281] : memref<12x4x16x128xf32, #tpu.memory_space<vmem>>[vector<16xi32>, vector<16xi32>, vector<16xi32>, vector<16xi32>], vector<16xf32>,
        %mul3A_311 = arith.mulf %gather3A_292, %gather3A_298 : vector<16xf32>
        %mul3A_312 = arith.mulf %gather3A_304, %gather3A_310 : vector<16xf32>
        %add3A_313 = arith.addf %mul3A_311, %mul3A_312 : vector<16xf32>
        %reduce_sum3A = arith.constant true
        %reduce_sum3A_314 = vector.broadcast %reduce_sum3A : i1 to vector<16xi1>
        %reduce_sum3A_315 = tpu.scan <sum>, %add3A_313 masked %reduce_sum3A_314 : vector<16xf32>, vector<16xi1> -> vector<16xf32>
        %reduce_sum3A_316 = vector.extract %reduce_sum3A_315[15] : f32 from vector<16xf32>
        %shift_right_arithmetic3A = arith.constant 4 : i32
        %shift_right_arithmetic3A_317 = arith.shrsi %sub3A_271, %shift_right_arithmetic3A : i32
        %and3A_318 = arith.constant 15 : i32
        %and3A_319 = arith.andi %sub3A_271, %and3A_318 : i32
        %mul3A_320 = arith.constant 16 : i32
        %mul3A_321 = arith.muli %shift_right_arithmetic3A_317, %mul3A_320 : i32
        %multiple_of3A = tpu.assume_multiple %mul3A_321, 16 : i32
        %eq3A = vector.broadcast %and3A_319 : i32 to vector<16xi32>
        %eq3A_322 = arith.cmpi eq, %iota3A, %eq3A : vector<16xi32>
        %get3A = arith.index_cast %multiple_of3A : i32 to index
        %get3A_323 = tpu.vector_load %arg12[%get3A] {strides = array<i32>} : memref<512xf32, #tpu.memory_space<vmem>>, vector<16xf32>,
        %broadcast_in_dim3A_324 = vector.broadcast %reduce_sum3A_316 : f32 to vector<16xf32>
        %select_n3A = arith.select %eq3A_322, %broadcast_in_dim3A_324, %get3A_323 : vector<16xi1>, vector<16xf32>
        %swap3A = arith.index_cast %multiple_of3A : i32 to index
        %swap3A_325 = tpu.vector_load %arg12[%swap3A] {strides = array<i32>} : memref<512xf32, #tpu.memory_space<vmem>>, vector<16xf32>,
        tpu.vector_store %arg12[%swap3A], %select_n3A {strides = array<i32>} : memref<512xf32, #tpu.memory_space<vmem>>, vector<16xf32>,
      } else {
      }
      %lt3A_50 = arith.constant 512 : i32
      %lt3A_51 = arith.cmpi slt, %add3A_41, %lt3A_50 : i32
      %convert_element_type3A_52 = arith.extui %lt3A_51 : i1 to i32
      %cond3A_53 = arith.constant 0 : i32
      %cond3A_54 = arith.cmpi ne, %convert_element_type3A_52, %cond3A_53 : i32
      scf.if %cond3A_54 {
        %broadcast_in_dim3A = arith.constant 0 : i32
        %broadcast_in_dim3A_208 = vector.broadcast %broadcast_in_dim3A : i32 to vector<16xi32>
        %add3A_209 = vector.broadcast %add3A_41 : i32 to vector<16xi32>
        %add3A_210 = arith.addi %broadcast_in_dim3A_208, %add3A_209 : vector<16xi32>
        %gather3A = tpu.vector_load_idx %arg9[%add3A_210] : memref<512xi32, #tpu.memory_space<vmem>>[vector<16xi32>], vector<16xi32>,
        %slice3A = vector.extract_strided_slice %gather3A {offsets = [0], sizes = [1], strides = [1]} : vector<16xi32> to vector<1xi32>
        %squeeze3A = vector.extract %slice3A[0] : i32 from vector<1xi32>
        %gather3A_211 = tpu.vector_load_idx %arg10[%add3A_210] : memref<512xi32, #tpu.memory_space<vmem>>[vector<16xi32>], vector<16xi32>,
        %slice3A_212 = vector.extract_strided_slice %gather3A_211 {offsets = [0], sizes = [1], strides = [1]} : vector<16xi32> to vector<1xi32>
        %squeeze3A_213 = vector.extract %slice3A_212[0] : i32 from vector<1xi32>
        %shift_right_arithmetic3A = arith.constant 7 : i32
        %shift_right_arithmetic3A_214 = arith.shrsi %squeeze3A, %shift_right_arithmetic3A : i32
        %mul3A_215 = arith.constant 128 : i32
        %mul3A_216 = arith.muli %shift_right_arithmetic3A_214, %mul3A_215 : i32
        %multiple_of3A = tpu.assume_multiple %mul3A_216, 128 : i32
        %dma_start3A = arith.constant 2 : i32
        %dma_start3A_217 = arith.constant 0 : i32
        %dma_start3A_218 = arith.constant 0 : i32
        %dma_start3A_219 = arith.constant 0 : i32
        %dma_start3A_220 = tpu.memref_slice %arg11[%dma_start3A, %dma_start3A_217, %dma_start3A_218, %dma_start3A_219] : memref<12x4x16x128xf32, #tpu.memory_space<vmem>> -> memref<1x1x16x128xf32, #tpu.memory_space<vmem>>
        %dma_start3A_221 = tpu.memref_squeeze %dma_start3A_220 : memref<1x1x16x128xf32, #tpu.memory_space<vmem>> -> memref<16x128xf32, #tpu.memory_space<vmem>>
        %dma_start3A_222 = arith.constant 0 : i32
        %dma_start3A_223 = tpu.memref_slice %arg4[%dma_start3A_222, %multiple_of3A] : memref<16x1000000xf32, #tpu.memory_space<hbm>> -> memref<16x128xf32, #tpu.memory_space<hbm>>
        %dma_start3A_224 = arith.constant 0 : i32
        %dma_start3A_225 = arith.constant 0 : i32
        %dma_start3A_226 = tpu.memref_slice %arg11[%dma_start3A, %dma_start3A_217, %dma_start3A_224, %dma_start3A_225] : memref<12x4x16x128xf32, #tpu.memory_space<vmem>> -> memref<1x1x16x128xf32, #tpu.memory_space<vmem>>
        %dma_start3A_227 = tpu.memref_squeeze %dma_start3A_226 : memref<1x1x16x128xf32, #tpu.memory_space<vmem>> -> memref<16x128xf32, #tpu.memory_space<vmem>>
        %dma_start3A_228 = arith.constant 0 : i32
        %dma_start3A_229 = tpu.memref_slice %arg4[%dma_start3A_228, %multiple_of3A] : memref<16x1000000xf32, #tpu.memory_space<hbm>> -> memref<16x128xf32, #tpu.memory_space<hbm>>
        tpu.enqueue_dma source(%dma_start3A_229 : memref<16x128xf32, #tpu.memory_space<hbm>>) target(%dma_start3A_227 : memref<16x128xf32, #tpu.memory_space<vmem>>) target_semaphore(%arg15 : memref<!tpu.dma_semaphore, #tpu.memory_space<semaphore_mem>>)
        %shift_right_arithmetic3A_230 = arith.constant 7 : i32
        %shift_right_arithmetic3A_231 = arith.shrsi %squeeze3A_213, %shift_right_arithmetic3A_230 : i32
        %mul3A_232 = arith.constant 128 : i32
        %mul3A_233 = arith.muli %shift_right_arithmetic3A_231, %mul3A_232 : i32
        %multiple_of3A_234 = tpu.assume_multiple %mul3A_233, 128 : i32
        %dma_start3A_235 = arith.constant 2 : i32
        %dma_start3A_236 = arith.constant 1 : i32
        %dma_start3A_237 = arith.constant 0 : i32
        %dma_start3A_238 = arith.constant 0 : i32
        %dma_start3A_239 = tpu.memref_slice %arg11[%dma_start3A_235, %dma_start3A_236, %dma_start3A_237, %dma_start3A_238] : memref<12x4x16x128xf32, #tpu.memory_space<vmem>> -> memref<1x1x16x128xf32, #tpu.memory_space<vmem>>
        %dma_start3A_240 = tpu.memref_squeeze %dma_start3A_239 : memref<1x1x16x128xf32, #tpu.memory_space<vmem>> -> memref<16x128xf32, #tpu.memory_space<vmem>>
        %dma_start3A_241 = arith.constant 0 : i32
        %dma_start3A_242 = tpu.memref_slice %arg5[%dma_start3A_241, %multiple_of3A_234] : memref<16x1000000xf32, #tpu.memory_space<hbm>> -> memref<16x128xf32, #tpu.memory_space<hbm>>
        %dma_start3A_243 = arith.constant 0 : i32
        %dma_start3A_244 = arith.constant 0 : i32
        %dma_start3A_245 = tpu.memref_slice %arg11[%dma_start3A_235, %dma_start3A_236, %dma_start3A_243, %dma_start3A_244] : memref<12x4x16x128xf32, #tpu.memory_space<vmem>> -> memref<1x1x16x128xf32, #tpu.memory_space<vmem>>
        %dma_start3A_246 = tpu.memref_squeeze %dma_start3A_245 : memref<1x1x16x128xf32, #tpu.memory_space<vmem>> -> memref<16x128xf32, #tpu.memory_space<vmem>>
        %dma_start3A_247 = arith.constant 0 : i32
        %dma_start3A_248 = tpu.memref_slice %arg5[%dma_start3A_247, %multiple_of3A_234] : memref<16x1000000xf32, #tpu.memory_space<hbm>> -> memref<16x128xf32, #tpu.memory_space<hbm>>
        tpu.enqueue_dma source(%dma_start3A_248 : memref<16x128xf32, #tpu.memory_space<hbm>>) target(%dma_start3A_246 : memref<16x128xf32, #tpu.memory_space<vmem>>) target_semaphore(%arg15 : memref<!tpu.dma_semaphore, #tpu.memory_space<semaphore_mem>>)
        %shift_right_arithmetic3A_249 = arith.constant 7 : i32
        %shift_right_arithmetic3A_250 = arith.shrsi %squeeze3A, %shift_right_arithmetic3A_249 : i32
        %mul3A_251 = arith.constant 128 : i32
        %mul3A_252 = arith.muli %shift_right_arithmetic3A_250, %mul3A_251 : i32
        %multiple_of3A_253 = tpu.assume_multiple %mul3A_252, 128 : i32
        %dma_start3A_254 = arith.constant 2 : i32
        %dma_start3A_255 = arith.constant 2 : i32
        %dma_start3A_256 = arith.constant 0 : i32
        %dma_start3A_257 = arith.constant 0 : i32
        %dma_start3A_258 = tpu.memref_slice %arg11[%dma_start3A_254, %dma_start3A_255, %dma_start3A_256, %dma_start3A_257] : memref<12x4x16x128xf32, #tpu.memory_space<vmem>> -> memref<1x1x16x128xf32, #tpu.memory_space<vmem>>
        %dma_start3A_259 = tpu.memref_squeeze %dma_start3A_258 : memref<1x1x16x128xf32, #tpu.memory_space<vmem>> -> memref<16x128xf32, #tpu.memory_space<vmem>>
        %dma_start3A_260 = arith.constant 0 : i32
        %dma_start3A_261 = tpu.memref_slice %arg6[%dma_start3A_260, %multiple_of3A_253] : memref<16x1000000xf32, #tpu.memory_space<hbm>> -> memref<16x128xf32, #tpu.memory_space<hbm>>
        %dma_start3A_262 = arith.constant 0 : i32
        %dma_start3A_263 = arith.constant 0 : i32
        %dma_start3A_264 = tpu.memref_slice %arg11[%dma_start3A_254, %dma_start3A_255, %dma_start3A_262, %dma_start3A_263] : memref<12x4x16x128xf32, #tpu.memory_space<vmem>> -> memref<1x1x16x128xf32, #tpu.memory_space<vmem>>
        %dma_start3A_265 = tpu.memref_squeeze %dma_start3A_264 : memref<1x1x16x128xf32, #tpu.memory_space<vmem>> -> memref<16x128xf32, #tpu.memory_space<vmem>>
        %dma_start3A_266 = arith.constant 0 : i32
        %dma_start3A_267 = tpu.memref_slice %arg6[%dma_start3A_266, %multiple_of3A_253] : memref<16x1000000xf32, #tpu.memory_space<hbm>> -> memref<16x128xf32, #tpu.memory_space<hbm>>
        tpu.enqueue_dma source(%dma_start3A_267 : memref<16x128xf32, #tpu.memory_space<hbm>>) target(%dma_start3A_265 : memref<16x128xf32, #tpu.memory_space<vmem>>) target_semaphore(%arg15 : memref<!tpu.dma_semaphore, #tpu.memory_space<semaphore_mem>>)
        %shift_right_arithmetic3A_268 = arith.constant 7 : i32
        %shift_right_arithmetic3A_269 = arith.shrsi %squeeze3A_213, %shift_right_arithmetic3A_268 : i32
        %mul3A_270 = arith.constant 128 : i32
        %mul3A_271 = arith.muli %shift_right_arithmetic3A_269, %mul3A_270 : i32
        %multiple_of3A_272 = tpu.assume_multiple %mul3A_271, 128 : i32
        %dma_start3A_273 = arith.constant 2 : i32
        %dma_start3A_274 = arith.constant 3 : i32
        %dma_start3A_275 = arith.constant 0 : i32
        %dma_start3A_276 = arith.constant 0 : i32
        %dma_start3A_277 = tpu.memref_slice %arg11[%dma_start3A_273, %dma_start3A_274, %dma_start3A_275, %dma_start3A_276] : memref<12x4x16x128xf32, #tpu.memory_space<vmem>> -> memref<1x1x16x128xf32, #tpu.memory_space<vmem>>
        %dma_start3A_278 = tpu.memref_squeeze %dma_start3A_277 : memref<1x1x16x128xf32, #tpu.memory_space<vmem>> -> memref<16x128xf32, #tpu.memory_space<vmem>>
        %dma_start3A_279 = arith.constant 0 : i32
        %dma_start3A_280 = tpu.memref_slice %arg7[%dma_start3A_279, %multiple_of3A_272] : memref<16x1000000xf32, #tpu.memory_space<hbm>> -> memref<16x128xf32, #tpu.memory_space<hbm>>
        %dma_start3A_281 = arith.constant 0 : i32
        %dma_start3A_282 = arith.constant 0 : i32
        %dma_start3A_283 = tpu.memref_slice %arg11[%dma_start3A_273, %dma_start3A_274, %dma_start3A_281, %dma_start3A_282] : memref<12x4x16x128xf32, #tpu.memory_space<vmem>> -> memref<1x1x16x128xf32, #tpu.memory_space<vmem>>
        %dma_start3A_284 = tpu.memref_squeeze %dma_start3A_283 : memref<1x1x16x128xf32, #tpu.memory_space<vmem>> -> memref<16x128xf32, #tpu.memory_space<vmem>>
        %dma_start3A_285 = arith.constant 0 : i32
        %dma_start3A_286 = tpu.memref_slice %arg7[%dma_start3A_285, %multiple_of3A_272] : memref<16x1000000xf32, #tpu.memory_space<hbm>> -> memref<16x128xf32, #tpu.memory_space<hbm>>
        tpu.enqueue_dma source(%dma_start3A_286 : memref<16x128xf32, #tpu.memory_space<hbm>>) target(%dma_start3A_284 : memref<16x128xf32, #tpu.memory_space<vmem>>) target_semaphore(%arg15 : memref<!tpu.dma_semaphore, #tpu.memory_space<semaphore_mem>>)
      } else {
      }
      %mul3A_55 = arith.constant 12 : i32
      %mul3A_56 = arith.muli %scan3A_8, %mul3A_55 : i32
      %add3A_57 = arith.constant 3 : i32
      %add3A_58 = arith.addi %mul3A_56, %add3A_57 : i32
      %ge3A_59 = arith.constant 12 : i32
      %ge3A_60 = arith.cmpi sge, %add3A_58, %ge3A_59 : i32
      %lt3A_61 = arith.constant 524 : i32
      %lt3A_62 = arith.cmpi slt, %add3A_58, %lt3A_61 : i32
      %and3A_63 = arith.andi %ge3A_60, %lt3A_62 : i1
      %convert_element_type3A_64 = arith.extui %and3A_63 : i1 to i32
      %cond3A_65 = arith.constant 0 : i32
      %cond3A_66 = arith.cmpi ne, %convert_element_type3A_64, %cond3A_65 : i32
      scf.if %cond3A_66 {
        %dma_wait3A = arith.constant 0 : i32
        %dma_wait3A_208 = arith.constant 0 : i32
        %dma_wait3A_209 = arith.constant 0 : i32
        %dma_wait3A_210 = arith.constant 0 : i32
        %dma_wait3A_211 = tpu.memref_slice %arg11[%dma_wait3A, %dma_wait3A_208, %dma_wait3A_209, %dma_wait3A_210] : memref<12x4x16x128xf32, #tpu.memory_space<vmem>> -> memref<1x1x16x128xf32, #tpu.memory_space<vmem>>
        %dma_wait3A_212 = tpu.memref_squeeze %dma_wait3A_211 : memref<1x1x16x128xf32, #tpu.memory_space<vmem>> -> memref<16x128xf32, #tpu.memory_space<vmem>>
        %dma_wait3A_213 = arith.constant 0 : i32
        %dma_wait3A_214 = arith.constant 0 : i32
        %dma_wait3A_215 = tpu.memref_slice %arg4[%dma_wait3A_213, %dma_wait3A_214] : memref<16x1000000xf32, #tpu.memory_space<hbm>> -> memref<16x128xf32, #tpu.memory_space<hbm>>
        %dma_wait3A_216 = arith.constant 0 : i32
        %dma_wait3A_217 = arith.constant 0 : i32
        %dma_wait3A_218 = tpu.memref_slice %arg11[%dma_wait3A, %dma_wait3A_208, %dma_wait3A_216, %dma_wait3A_217] : memref<12x4x16x128xf32, #tpu.memory_space<vmem>> -> memref<1x1x16x128xf32, #tpu.memory_space<vmem>>
        %dma_wait3A_219 = tpu.memref_squeeze %dma_wait3A_218 : memref<1x1x16x128xf32, #tpu.memory_space<vmem>> -> memref<16x128xf32, #tpu.memory_space<vmem>>
        %dma_wait3A_220 = arith.constant 0 : i32
        %dma_wait3A_221 = arith.constant 0 : i32
        %dma_wait3A_222 = tpu.memref_slice %arg4[%dma_wait3A_220, %dma_wait3A_221] : memref<16x1000000xf32, #tpu.memory_space<hbm>> -> memref<16x128xf32, #tpu.memory_space<hbm>>
        tpu.wait_dma2 semaphore(%arg16 : memref<!tpu.dma_semaphore, #tpu.memory_space<semaphore_mem>>) src(%dma_wait3A_222 : memref<16x128xf32, #tpu.memory_space<hbm>>) dst(%dma_wait3A_219 : memref<16x128xf32, #tpu.memory_space<vmem>>)
        %dma_wait3A_223 = arith.constant 0 : i32
        %dma_wait3A_224 = arith.constant 0 : i32
        %dma_wait3A_225 = arith.constant 0 : i32
        %dma_wait3A_226 = arith.constant 0 : i32
        %dma_wait3A_227 = tpu.memref_slice %arg11[%dma_wait3A_223, %dma_wait3A_224, %dma_wait3A_225, %dma_wait3A_226] : memref<12x4x16x128xf32, #tpu.memory_space<vmem>> -> memref<1x1x16x128xf32, #tpu.memory_space<vmem>>
        %dma_wait3A_228 = tpu.memref_squeeze %dma_wait3A_227 : memref<1x1x16x128xf32, #tpu.memory_space<vmem>> -> memref<16x128xf32, #tpu.memory_space<vmem>>
        %dma_wait3A_229 = arith.constant 0 : i32
        %dma_wait3A_230 = arith.constant 0 : i32
        %dma_wait3A_231 = tpu.memref_slice %arg4[%dma_wait3A_229, %dma_wait3A_230] : memref<16x1000000xf32, #tpu.memory_space<hbm>> -> memref<16x128xf32, #tpu.memory_space<hbm>>
        %dma_wait3A_232 = arith.constant 0 : i32
        %dma_wait3A_233 = arith.constant 0 : i32
        %dma_wait3A_234 = tpu.memref_slice %arg11[%dma_wait3A_223, %dma_wait3A_224, %dma_wait3A_232, %dma_wait3A_233] : memref<12x4x16x128xf32, #tpu.memory_space<vmem>> -> memref<1x1x16x128xf32, #tpu.memory_space<vmem>>
        %dma_wait3A_235 = tpu.memref_squeeze %dma_wait3A_234 : memref<1x1x16x128xf32, #tpu.memory_space<vmem>> -> memref<16x128xf32, #tpu.memory_space<vmem>>
        %dma_wait3A_236 = arith.constant 0 : i32
        %dma_wait3A_237 = arith.constant 0 : i32
        %dma_wait3A_238 = tpu.memref_slice %arg4[%dma_wait3A_236, %dma_wait3A_237] : memref<16x1000000xf32, #tpu.memory_space<hbm>> -> memref<16x128xf32, #tpu.memory_space<hbm>>
        tpu.wait_dma2 semaphore(%arg16 : memref<!tpu.dma_semaphore, #tpu.memory_space<semaphore_mem>>) src(%dma_wait3A_238 : memref<16x128xf32, #tpu.memory_space<hbm>>) dst(%dma_wait3A_235 : memref<16x128xf32, #tpu.memory_space<vmem>>)
        %dma_wait3A_239 = arith.constant 0 : i32
        %dma_wait3A_240 = arith.constant 0 : i32
        %dma_wait3A_241 = arith.constant 0 : i32
        %dma_wait3A_242 = arith.constant 0 : i32
        %dma_wait3A_243 = tpu.memref_slice %arg11[%dma_wait3A_239, %dma_wait3A_240, %dma_wait3A_241, %dma_wait3A_242] : memref<12x4x16x128xf32, #tpu.memory_space<vmem>> -> memref<1x1x16x128xf32, #tpu.memory_space<vmem>>
        %dma_wait3A_244 = tpu.memref_squeeze %dma_wait3A_243 : memref<1x1x16x128xf32, #tpu.memory_space<vmem>> -> memref<16x128xf32, #tpu.memory_space<vmem>>
        %dma_wait3A_245 = arith.constant 0 : i32
        %dma_wait3A_246 = arith.constant 0 : i32
        %dma_wait3A_247 = tpu.memref_slice %arg4[%dma_wait3A_245, %dma_wait3A_246] : memref<16x1000000xf32, #tpu.memory_space<hbm>> -> memref<16x128xf32, #tpu.memory_space<hbm>>
        %dma_wait3A_248 = arith.constant 0 : i32
        %dma_wait3A_249 = arith.constant 0 : i32
        %dma_wait3A_250 = tpu.memref_slice %arg11[%dma_wait3A_239, %dma_wait3A_240, %dma_wait3A_248, %dma_wait3A_249] : memref<12x4x16x128xf32, #tpu.memory_space<vmem>> -> memref<1x1x16x128xf32, #tpu.memory_space<vmem>>
        %dma_wait3A_251 = tpu.memref_squeeze %dma_wait3A_250 : memref<1x1x16x128xf32, #tpu.memory_space<vmem>> -> memref<16x128xf32, #tpu.memory_space<vmem>>
        %dma_wait3A_252 = arith.constant 0 : i32
        %dma_wait3A_253 = arith.constant 0 : i32
        %dma_wait3A_254 = tpu.memref_slice %arg4[%dma_wait3A_252, %dma_wait3A_253] : memref<16x1000000xf32, #tpu.memory_space<hbm>> -> memref<16x128xf32, #tpu.memory_space<hbm>>
        tpu.wait_dma2 semaphore(%arg16 : memref<!tpu.dma_semaphore, #tpu.memory_space<semaphore_mem>>) src(%dma_wait3A_254 : memref<16x128xf32, #tpu.memory_space<hbm>>) dst(%dma_wait3A_251 : memref<16x128xf32, #tpu.memory_space<vmem>>)
        %dma_wait3A_255 = arith.constant 0 : i32
        %dma_wait3A_256 = arith.constant 0 : i32
        %dma_wait3A_257 = arith.constant 0 : i32
        %dma_wait3A_258 = arith.constant 0 : i32
        %dma_wait3A_259 = tpu.memref_slice %arg11[%dma_wait3A_255, %dma_wait3A_256, %dma_wait3A_257, %dma_wait3A_258] : memref<12x4x16x128xf32, #tpu.memory_space<vmem>> -> memref<1x1x16x128xf32, #tpu.memory_space<vmem>>
        %dma_wait3A_260 = tpu.memref_squeeze %dma_wait3A_259 : memref<1x1x16x128xf32, #tpu.memory_space<vmem>> -> memref<16x128xf32, #tpu.memory_space<vmem>>
        %dma_wait3A_261 = arith.constant 0 : i32
        %dma_wait3A_262 = arith.constant 0 : i32
        %dma_wait3A_263 = tpu.memref_slice %arg4[%dma_wait3A_261, %dma_wait3A_262] : memref<16x1000000xf32, #tpu.memory_space<hbm>> -> memref<16x128xf32, #tpu.memory_space<hbm>>
        %dma_wait3A_264 = arith.constant 0 : i32
        %dma_wait3A_265 = arith.constant 0 : i32
        %dma_wait3A_266 = tpu.memref_slice %arg11[%dma_wait3A_255, %dma_wait3A_256, %dma_wait3A_264, %dma_wait3A_265] : memref<12x4x16x128xf32, #tpu.memory_space<vmem>> -> memref<1x1x16x128xf32, #tpu.memory_space<vmem>>
        %dma_wait3A_267 = tpu.memref_squeeze %dma_wait3A_266 : memref<1x1x16x128xf32, #tpu.memory_space<vmem>> -> memref<16x128xf32, #tpu.memory_space<vmem>>
        %dma_wait3A_268 = arith.constant 0 : i32
        %dma_wait3A_269 = arith.constant 0 : i32
        %dma_wait3A_270 = tpu.memref_slice %arg4[%dma_wait3A_268, %dma_wait3A_269] : memref<16x1000000xf32, #tpu.memory_space<hbm>> -> memref<16x128xf32, #tpu.memory_space<hbm>>
        tpu.wait_dma2 semaphore(%arg16 : memref<!tpu.dma_semaphore, #tpu.memory_space<semaphore_mem>>) src(%dma_wait3A_270 : memref<16x128xf32, #tpu.memory_space<hbm>>) dst(%dma_wait3A_267 : memref<16x128xf32, #tpu.memory_space<vmem>>)
        %sub3A = arith.constant 12 : i32
        %sub3A_271 = arith.subi %add3A_58, %sub3A : i32
        %broadcast_in_dim3A = arith.constant 0 : i32
        %broadcast_in_dim3A_272 = vector.broadcast %broadcast_in_dim3A : i32 to vector<16xi32>
        %add3A_273 = vector.broadcast %sub3A_271 : i32 to vector<16xi32>
        %add3A_274 = arith.addi %broadcast_in_dim3A_272, %add3A_273 : vector<16xi32>
        %gather3A = tpu.vector_load_idx %arg9[%add3A_274] : memref<512xi32, #tpu.memory_space<vmem>>[vector<16xi32>], vector<16xi32>,
        %and3A_275 = arith.constant 127 : i32
        %and3A_276 = vector.broadcast %and3A_275 : i32 to vector<16xi32>
        %and3A_277 = arith.andi %gather3A, %and3A_276 : vector<16xi32>
        %gather3A_278 = tpu.vector_load_idx %arg10[%add3A_274] : memref<512xi32, #tpu.memory_space<vmem>>[vector<16xi32>], vector<16xi32>,
        %and3A_279 = arith.constant 127 : i32
        %and3A_280 = vector.broadcast %and3A_279 : i32 to vector<16xi32>
        %and3A_281 = arith.andi %gather3A_278, %and3A_280 : vector<16xi32>
        %broadcast_in_dim3A_282 = arith.constant 0 : i32
        %broadcast_in_dim3A_283 = vector.broadcast %broadcast_in_dim3A_282 : i32 to vector<16xi32>
        %add3A_284 = arith.constant 3 : i32
        %add3A_285 = vector.broadcast %add3A_284 : i32 to vector<16xi32>
        %add3A_286 = arith.addi %broadcast_in_dim3A_283, %add3A_285 : vector<16xi32>
        %broadcast_in_dim3A_287 = arith.constant 0 : i32
        %broadcast_in_dim3A_288 = vector.broadcast %broadcast_in_dim3A_287 : i32 to vector<16xi32>
        %add3A_289 = arith.constant 0 : i32
        %add3A_290 = vector.broadcast %add3A_289 : i32 to vector<16xi32>
        %add3A_291 = arith.addi %broadcast_in_dim3A_288, %add3A_290 : vector<16xi32>
        %gather3A_292 = tpu.vector_load_idx %arg11[%add3A_286, %add3A_291, %iota3A, %and3A_277] : memref<12x4x16x128xf32, #tpu.memory_space<vmem>>[vector<16xi32>, vector<16xi32>, vector<16xi32>, vector<16xi32>], vector<16xf32>,
        %broadcast_in_dim3A_293 = arith.constant 0 : i32
        %broadcast_in_dim3A_294 = vector.broadcast %broadcast_in_dim3A_293 : i32 to vector<16xi32>
        %add3A_295 = arith.constant 1 : i32
        %add3A_296 = vector.broadcast %add3A_295 : i32 to vector<16xi32>
        %add3A_297 = arith.addi %broadcast_in_dim3A_294, %add3A_296 : vector<16xi32>
        %gather3A_298 = tpu.vector_load_idx %arg11[%add3A_286, %add3A_297, %iota3A, %and3A_281] : memref<12x4x16x128xf32, #tpu.memory_space<vmem>>[vector<16xi32>, vector<16xi32>, vector<16xi32>, vector<16xi32>], vector<16xf32>,
        %broadcast_in_dim3A_299 = arith.constant 0 : i32
        %broadcast_in_dim3A_300 = vector.broadcast %broadcast_in_dim3A_299 : i32 to vector<16xi32>
        %add3A_301 = arith.constant 2 : i32
        %add3A_302 = vector.broadcast %add3A_301 : i32 to vector<16xi32>
        %add3A_303 = arith.addi %broadcast_in_dim3A_300, %add3A_302 : vector<16xi32>
        %gather3A_304 = tpu.vector_load_idx %arg11[%add3A_286, %add3A_303, %iota3A, %and3A_277] : memref<12x4x16x128xf32, #tpu.memory_space<vmem>>[vector<16xi32>, vector<16xi32>, vector<16xi32>, vector<16xi32>], vector<16xf32>,
        %broadcast_in_dim3A_305 = arith.constant 0 : i32
        %broadcast_in_dim3A_306 = vector.broadcast %broadcast_in_dim3A_305 : i32 to vector<16xi32>
        %add3A_307 = arith.constant 3 : i32
        %add3A_308 = vector.broadcast %add3A_307 : i32 to vector<16xi32>
        %add3A_309 = arith.addi %broadcast_in_dim3A_306, %add3A_308 : vector<16xi32>
        %gather3A_310 = tpu.vector_load_idx %arg11[%add3A_286, %add3A_309, %iota3A, %and3A_281] : memref<12x4x16x128xf32, #tpu.memory_space<vmem>>[vector<16xi32>, vector<16xi32>, vector<16xi32>, vector<16xi32>], vector<16xf32>,
        %mul3A_311 = arith.mulf %gather3A_292, %gather3A_298 : vector<16xf32>
        %mul3A_312 = arith.mulf %gather3A_304, %gather3A_310 : vector<16xf32>
        %add3A_313 = arith.addf %mul3A_311, %mul3A_312 : vector<16xf32>
        %reduce_sum3A = arith.constant true
        %reduce_sum3A_314 = vector.broadcast %reduce_sum3A : i1 to vector<16xi1>
        %reduce_sum3A_315 = tpu.scan <sum>, %add3A_313 masked %reduce_sum3A_314 : vector<16xf32>, vector<16xi1> -> vector<16xf32>
        %reduce_sum3A_316 = vector.extract %reduce_sum3A_315[15] : f32 from vector<16xf32>
        %shift_right_arithmetic3A = arith.constant 4 : i32
        %shift_right_arithmetic3A_317 = arith.shrsi %sub3A_271, %shift_right_arithmetic3A : i32
        %and3A_318 = arith.constant 15 : i32
        %and3A_319 = arith.andi %sub3A_271, %and3A_318 : i32
        %mul3A_320 = arith.constant 16 : i32
        %mul3A_321 = arith.muli %shift_right_arithmetic3A_317, %mul3A_320 : i32
        %multiple_of3A = tpu.assume_multiple %mul3A_321, 16 : i32
        %eq3A = vector.broadcast %and3A_319 : i32 to vector<16xi32>
        %eq3A_322 = arith.cmpi eq, %iota3A, %eq3A : vector<16xi32>
        %get3A = arith.index_cast %multiple_of3A : i32 to index
        %get3A_323 = tpu.vector_load %arg12[%get3A] {strides = array<i32>} : memref<512xf32, #tpu.memory_space<vmem>>, vector<16xf32>,
        %broadcast_in_dim3A_324 = vector.broadcast %reduce_sum3A_316 : f32 to vector<16xf32>
        %select_n3A = arith.select %eq3A_322, %broadcast_in_dim3A_324, %get3A_323 : vector<16xi1>, vector<16xf32>
        %swap3A = arith.index_cast %multiple_of3A : i32 to index
        %swap3A_325 = tpu.vector_load %arg12[%swap3A] {strides = array<i32>} : memref<512xf32, #tpu.memory_space<vmem>>, vector<16xf32>,
        tpu.vector_store %arg12[%swap3A], %select_n3A {strides = array<i32>} : memref<512xf32, #tpu.memory_space<vmem>>, vector<16xf32>,
      } else {
      }
      %lt3A_67 = arith.constant 512 : i32
      %lt3A_68 = arith.cmpi slt, %add3A_58, %lt3A_67 : i32
      %convert_element_type3A_69 = arith.extui %lt3A_68 : i1 to i32
      %cond3A_70 = arith.constant 0 : i32
      %cond3A_71 = arith.cmpi ne, %convert_element_type3A_69, %cond3A_70 : i32
      scf.if %cond3A_71 {
        %broadcast_in_dim3A = arith.constant 0 : i32
        %broadcast_in_dim3A_208 = vector.broadcast %broadcast_in_dim3A : i32 to vector<16xi32>
        %add3A_209 = vector.broadcast %add3A_58 : i32 to vector<16xi32>
        %add3A_210 = arith.addi %broadcast_in_dim3A_208, %add3A_209 : vector<16xi32>
        %gather3A = tpu.vector_load_idx %arg9[%add3A_210] : memref<512xi32, #tpu.memory_space<vmem>>[vector<16xi32>], vector<16xi32>,
        %slice3A = vector.extract_strided_slice %gather3A {offsets = [0], sizes = [1], strides = [1]} : vector<16xi32> to vector<1xi32>
        %squeeze3A = vector.extract %slice3A[0] : i32 from vector<1xi32>
        %gather3A_211 = tpu.vector_load_idx %arg10[%add3A_210] : memref<512xi32, #tpu.memory_space<vmem>>[vector<16xi32>], vector<16xi32>,
        %slice3A_212 = vector.extract_strided_slice %gather3A_211 {offsets = [0], sizes = [1], strides = [1]} : vector<16xi32> to vector<1xi32>
        %squeeze3A_213 = vector.extract %slice3A_212[0] : i32 from vector<1xi32>
        %shift_right_arithmetic3A = arith.constant 7 : i32
        %shift_right_arithmetic3A_214 = arith.shrsi %squeeze3A, %shift_right_arithmetic3A : i32
        %mul3A_215 = arith.constant 128 : i32
        %mul3A_216 = arith.muli %shift_right_arithmetic3A_214, %mul3A_215 : i32
        %multiple_of3A = tpu.assume_multiple %mul3A_216, 128 : i32
        %dma_start3A = arith.constant 3 : i32
        %dma_start3A_217 = arith.constant 0 : i32
        %dma_start3A_218 = arith.constant 0 : i32
        %dma_start3A_219 = arith.constant 0 : i32
        %dma_start3A_220 = tpu.memref_slice %arg11[%dma_start3A, %dma_start3A_217, %dma_start3A_218, %dma_start3A_219] : memref<12x4x16x128xf32, #tpu.memory_space<vmem>> -> memref<1x1x16x128xf32, #tpu.memory_space<vmem>>
        %dma_start3A_221 = tpu.memref_squeeze %dma_start3A_220 : memref<1x1x16x128xf32, #tpu.memory_space<vmem>> -> memref<16x128xf32, #tpu.memory_space<vmem>>
        %dma_start3A_222 = arith.constant 0 : i32
        %dma_start3A_223 = tpu.memref_slice %arg4[%dma_start3A_222, %multiple_of3A] : memref<16x1000000xf32, #tpu.memory_space<hbm>> -> memref<16x128xf32, #tpu.memory_space<hbm>>
        %dma_start3A_224 = arith.constant 0 : i32
        %dma_start3A_225 = arith.constant 0 : i32
        %dma_start3A_226 = tpu.memref_slice %arg11[%dma_start3A, %dma_start3A_217, %dma_start3A_224, %dma_start3A_225] : memref<12x4x16x128xf32, #tpu.memory_space<vmem>> -> memref<1x1x16x128xf32, #tpu.memory_space<vmem>>
        %dma_start3A_227 = tpu.memref_squeeze %dma_start3A_226 : memref<1x1x16x128xf32, #tpu.memory_space<vmem>> -> memref<16x128xf32, #tpu.memory_space<vmem>>
        %dma_start3A_228 = arith.constant 0 : i32
        %dma_start3A_229 = tpu.memref_slice %arg4[%dma_start3A_228, %multiple_of3A] : memref<16x1000000xf32, #tpu.memory_space<hbm>> -> memref<16x128xf32, #tpu.memory_space<hbm>>
        tpu.enqueue_dma source(%dma_start3A_229 : memref<16x128xf32, #tpu.memory_space<hbm>>) target(%dma_start3A_227 : memref<16x128xf32, #tpu.memory_space<vmem>>) target_semaphore(%arg16 : memref<!tpu.dma_semaphore, #tpu.memory_space<semaphore_mem>>)
        %shift_right_arithmetic3A_230 = arith.constant 7 : i32
        %shift_right_arithmetic3A_231 = arith.shrsi %squeeze3A_213, %shift_right_arithmetic3A_230 : i32
        %mul3A_232 = arith.constant 128 : i32
        %mul3A_233 = arith.muli %shift_right_arithmetic3A_231, %mul3A_232 : i32
        %multiple_of3A_234 = tpu.assume_multiple %mul3A_233, 128 : i32
        %dma_start3A_235 = arith.constant 3 : i32
        %dma_start3A_236 = arith.constant 1 : i32
        %dma_start3A_237 = arith.constant 0 : i32
        %dma_start3A_238 = arith.constant 0 : i32
        %dma_start3A_239 = tpu.memref_slice %arg11[%dma_start3A_235, %dma_start3A_236, %dma_start3A_237, %dma_start3A_238] : memref<12x4x16x128xf32, #tpu.memory_space<vmem>> -> memref<1x1x16x128xf32, #tpu.memory_space<vmem>>
        %dma_start3A_240 = tpu.memref_squeeze %dma_start3A_239 : memref<1x1x16x128xf32, #tpu.memory_space<vmem>> -> memref<16x128xf32, #tpu.memory_space<vmem>>
        %dma_start3A_241 = arith.constant 0 : i32
        %dma_start3A_242 = tpu.memref_slice %arg5[%dma_start3A_241, %multiple_of3A_234] : memref<16x1000000xf32, #tpu.memory_space<hbm>> -> memref<16x128xf32, #tpu.memory_space<hbm>>
        %dma_start3A_243 = arith.constant 0 : i32
        %dma_start3A_244 = arith.constant 0 : i32
        %dma_start3A_245 = tpu.memref_slice %arg11[%dma_start3A_235, %dma_start3A_236, %dma_start3A_243, %dma_start3A_244] : memref<12x4x16x128xf32, #tpu.memory_space<vmem>> -> memref<1x1x16x128xf32, #tpu.memory_space<vmem>>
        %dma_start3A_246 = tpu.memref_squeeze %dma_start3A_245 : memref<1x1x16x128xf32, #tpu.memory_space<vmem>> -> memref<16x128xf32, #tpu.memory_space<vmem>>
        %dma_start3A_247 = arith.constant 0 : i32
        %dma_start3A_248 = tpu.memref_slice %arg5[%dma_start3A_247, %multiple_of3A_234] : memref<16x1000000xf32, #tpu.memory_space<hbm>> -> memref<16x128xf32, #tpu.memory_space<hbm>>
        tpu.enqueue_dma source(%dma_start3A_248 : memref<16x128xf32, #tpu.memory_space<hbm>>) target(%dma_start3A_246 : memref<16x128xf32, #tpu.memory_space<vmem>>) target_semaphore(%arg16 : memref<!tpu.dma_semaphore, #tpu.memory_space<semaphore_mem>>)
        %shift_right_arithmetic3A_249 = arith.constant 7 : i32
        %shift_right_arithmetic3A_250 = arith.shrsi %squeeze3A, %shift_right_arithmetic3A_249 : i32
        %mul3A_251 = arith.constant 128 : i32
        %mul3A_252 = arith.muli %shift_right_arithmetic3A_250, %mul3A_251 : i32
        %multiple_of3A_253 = tpu.assume_multiple %mul3A_252, 128 : i32
        %dma_start3A_254 = arith.constant 3 : i32
        %dma_start3A_255 = arith.constant 2 : i32
        %dma_start3A_256 = arith.constant 0 : i32
        %dma_start3A_257 = arith.constant 0 : i32
        %dma_start3A_258 = tpu.memref_slice %arg11[%dma_start3A_254, %dma_start3A_255, %dma_start3A_256, %dma_start3A_257] : memref<12x4x16x128xf32, #tpu.memory_space<vmem>> -> memref<1x1x16x128xf32, #tpu.memory_space<vmem>>
        %dma_start3A_259 = tpu.memref_squeeze %dma_start3A_258 : memref<1x1x16x128xf32, #tpu.memory_space<vmem>> -> memref<16x128xf32, #tpu.memory_space<vmem>>
        %dma_start3A_260 = arith.constant 0 : i32
        %dma_start3A_261 = tpu.memref_slice %arg6[%dma_start3A_260, %multiple_of3A_253] : memref<16x1000000xf32, #tpu.memory_space<hbm>> -> memref<16x128xf32, #tpu.memory_space<hbm>>
        %dma_start3A_262 = arith.constant 0 : i32
        %dma_start3A_263 = arith.constant 0 : i32
        %dma_start3A_264 = tpu.memref_slice %arg11[%dma_start3A_254, %dma_start3A_255, %dma_start3A_262, %dma_start3A_263] : memref<12x4x16x128xf32, #tpu.memory_space<vmem>> -> memref<1x1x16x128xf32, #tpu.memory_space<vmem>>
        %dma_start3A_265 = tpu.memref_squeeze %dma_start3A_264 : memref<1x1x16x128xf32, #tpu.memory_space<vmem>> -> memref<16x128xf32, #tpu.memory_space<vmem>>
        %dma_start3A_266 = arith.constant 0 : i32
        %dma_start3A_267 = tpu.memref_slice %arg6[%dma_start3A_266, %multiple_of3A_253] : memref<16x1000000xf32, #tpu.memory_space<hbm>> -> memref<16x128xf32, #tpu.memory_space<hbm>>
        tpu.enqueue_dma source(%dma_start3A_267 : memref<16x128xf32, #tpu.memory_space<hbm>>) target(%dma_start3A_265 : memref<16x128xf32, #tpu.memory_space<vmem>>) target_semaphore(%arg16 : memref<!tpu.dma_semaphore, #tpu.memory_space<semaphore_mem>>)
        %shift_right_arithmetic3A_268 = arith.constant 7 : i32
        %shift_right_arithmetic3A_269 = arith.shrsi %squeeze3A_213, %shift_right_arithmetic3A_268 : i32
        %mul3A_270 = arith.constant 128 : i32
        %mul3A_271 = arith.muli %shift_right_arithmetic3A_269, %mul3A_270 : i32
        %multiple_of3A_272 = tpu.assume_multiple %mul3A_271, 128 : i32
        %dma_start3A_273 = arith.constant 3 : i32
        %dma_start3A_274 = arith.constant 3 : i32
        %dma_start3A_275 = arith.constant 0 : i32
        %dma_start3A_276 = arith.constant 0 : i32
        %dma_start3A_277 = tpu.memref_slice %arg11[%dma_start3A_273, %dma_start3A_274, %dma_start3A_275, %dma_start3A_276] : memref<12x4x16x128xf32, #tpu.memory_space<vmem>> -> memref<1x1x16x128xf32, #tpu.memory_space<vmem>>
        %dma_start3A_278 = tpu.memref_squeeze %dma_start3A_277 : memref<1x1x16x128xf32, #tpu.memory_space<vmem>> -> memref<16x128xf32, #tpu.memory_space<vmem>>
        %dma_start3A_279 = arith.constant 0 : i32
        %dma_start3A_280 = tpu.memref_slice %arg7[%dma_start3A_279, %multiple_of3A_272] : memref<16x1000000xf32, #tpu.memory_space<hbm>> -> memref<16x128xf32, #tpu.memory_space<hbm>>
        %dma_start3A_281 = arith.constant 0 : i32
        %dma_start3A_282 = arith.constant 0 : i32
        %dma_start3A_283 = tpu.memref_slice %arg11[%dma_start3A_273, %dma_start3A_274, %dma_start3A_281, %dma_start3A_282] : memref<12x4x16x128xf32, #tpu.memory_space<vmem>> -> memref<1x1x16x128xf32, #tpu.memory_space<vmem>>
        %dma_start3A_284 = tpu.memref_squeeze %dma_start3A_283 : memref<1x1x16x128xf32, #tpu.memory_space<vmem>> -> memref<16x128xf32, #tpu.memory_space<vmem>>
        %dma_start3A_285 = arith.constant 0 : i32
        %dma_start3A_286 = tpu.memref_slice %arg7[%dma_start3A_285, %multiple_of3A_272] : memref<16x1000000xf32, #tpu.memory_space<hbm>> -> memref<16x128xf32, #tpu.memory_space<hbm>>
        tpu.enqueue_dma source(%dma_start3A_286 : memref<16x128xf32, #tpu.memory_space<hbm>>) target(%dma_start3A_284 : memref<16x128xf32, #tpu.memory_space<vmem>>) target_semaphore(%arg16 : memref<!tpu.dma_semaphore, #tpu.memory_space<semaphore_mem>>)
      } else {
      }
      %mul3A_72 = arith.constant 12 : i32
      %mul3A_73 = arith.muli %scan3A_8, %mul3A_72 : i32
      %add3A_74 = arith.constant 4 : i32
      %add3A_75 = arith.addi %mul3A_73, %add3A_74 : i32
      %ge3A_76 = arith.constant 12 : i32
      %ge3A_77 = arith.cmpi sge, %add3A_75, %ge3A_76 : i32
      %lt3A_78 = arith.constant 524 : i32
      %lt3A_79 = arith.cmpi slt, %add3A_75, %lt3A_78 : i32
      %and3A_80 = arith.andi %ge3A_77, %lt3A_79 : i1
      %convert_element_type3A_81 = arith.extui %and3A_80 : i1 to i32
      %cond3A_82 = arith.constant 0 : i32
      %cond3A_83 = arith.cmpi ne, %convert_element_type3A_81, %cond3A_82 : i32
      scf.if %cond3A_83 {
        %dma_wait3A = arith.constant 0 : i32
        %dma_wait3A_208 = arith.constant 0 : i32
        %dma_wait3A_209 = arith.constant 0 : i32
        %dma_wait3A_210 = arith.constant 0 : i32
        %dma_wait3A_211 = tpu.memref_slice %arg11[%dma_wait3A, %dma_wait3A_208, %dma_wait3A_209, %dma_wait3A_210] : memref<12x4x16x128xf32, #tpu.memory_space<vmem>> -> memref<1x1x16x128xf32, #tpu.memory_space<vmem>>
        %dma_wait3A_212 = tpu.memref_squeeze %dma_wait3A_211 : memref<1x1x16x128xf32, #tpu.memory_space<vmem>> -> memref<16x128xf32, #tpu.memory_space<vmem>>
        %dma_wait3A_213 = arith.constant 0 : i32
        %dma_wait3A_214 = arith.constant 0 : i32
        %dma_wait3A_215 = tpu.memref_slice %arg4[%dma_wait3A_213, %dma_wait3A_214] : memref<16x1000000xf32, #tpu.memory_space<hbm>> -> memref<16x128xf32, #tpu.memory_space<hbm>>
        %dma_wait3A_216 = arith.constant 0 : i32
        %dma_wait3A_217 = arith.constant 0 : i32
        %dma_wait3A_218 = tpu.memref_slice %arg11[%dma_wait3A, %dma_wait3A_208, %dma_wait3A_216, %dma_wait3A_217] : memref<12x4x16x128xf32, #tpu.memory_space<vmem>> -> memref<1x1x16x128xf32, #tpu.memory_space<vmem>>
        %dma_wait3A_219 = tpu.memref_squeeze %dma_wait3A_218 : memref<1x1x16x128xf32, #tpu.memory_space<vmem>> -> memref<16x128xf32, #tpu.memory_space<vmem>>
        %dma_wait3A_220 = arith.constant 0 : i32
        %dma_wait3A_221 = arith.constant 0 : i32
        %dma_wait3A_222 = tpu.memref_slice %arg4[%dma_wait3A_220, %dma_wait3A_221] : memref<16x1000000xf32, #tpu.memory_space<hbm>> -> memref<16x128xf32, #tpu.memory_space<hbm>>
        tpu.wait_dma2 semaphore(%arg17 : memref<!tpu.dma_semaphore, #tpu.memory_space<semaphore_mem>>) src(%dma_wait3A_222 : memref<16x128xf32, #tpu.memory_space<hbm>>) dst(%dma_wait3A_219 : memref<16x128xf32, #tpu.memory_space<vmem>>)
        %dma_wait3A_223 = arith.constant 0 : i32
        %dma_wait3A_224 = arith.constant 0 : i32
        %dma_wait3A_225 = arith.constant 0 : i32
        %dma_wait3A_226 = arith.constant 0 : i32
        %dma_wait3A_227 = tpu.memref_slice %arg11[%dma_wait3A_223, %dma_wait3A_224, %dma_wait3A_225, %dma_wait3A_226] : memref<12x4x16x128xf32, #tpu.memory_space<vmem>> -> memref<1x1x16x128xf32, #tpu.memory_space<vmem>>
        %dma_wait3A_228 = tpu.memref_squeeze %dma_wait3A_227 : memref<1x1x16x128xf32, #tpu.memory_space<vmem>> -> memref<16x128xf32, #tpu.memory_space<vmem>>
        %dma_wait3A_229 = arith.constant 0 : i32
        %dma_wait3A_230 = arith.constant 0 : i32
        %dma_wait3A_231 = tpu.memref_slice %arg4[%dma_wait3A_229, %dma_wait3A_230] : memref<16x1000000xf32, #tpu.memory_space<hbm>> -> memref<16x128xf32, #tpu.memory_space<hbm>>
        %dma_wait3A_232 = arith.constant 0 : i32
        %dma_wait3A_233 = arith.constant 0 : i32
        %dma_wait3A_234 = tpu.memref_slice %arg11[%dma_wait3A_223, %dma_wait3A_224, %dma_wait3A_232, %dma_wait3A_233] : memref<12x4x16x128xf32, #tpu.memory_space<vmem>> -> memref<1x1x16x128xf32, #tpu.memory_space<vmem>>
        %dma_wait3A_235 = tpu.memref_squeeze %dma_wait3A_234 : memref<1x1x16x128xf32, #tpu.memory_space<vmem>> -> memref<16x128xf32, #tpu.memory_space<vmem>>
        %dma_wait3A_236 = arith.constant 0 : i32
        %dma_wait3A_237 = arith.constant 0 : i32
        %dma_wait3A_238 = tpu.memref_slice %arg4[%dma_wait3A_236, %dma_wait3A_237] : memref<16x1000000xf32, #tpu.memory_space<hbm>> -> memref<16x128xf32, #tpu.memory_space<hbm>>
        tpu.wait_dma2 semaphore(%arg17 : memref<!tpu.dma_semaphore, #tpu.memory_space<semaphore_mem>>) src(%dma_wait3A_238 : memref<16x128xf32, #tpu.memory_space<hbm>>) dst(%dma_wait3A_235 : memref<16x128xf32, #tpu.memory_space<vmem>>)
        %dma_wait3A_239 = arith.constant 0 : i32
        %dma_wait3A_240 = arith.constant 0 : i32
        %dma_wait3A_241 = arith.constant 0 : i32
        %dma_wait3A_242 = arith.constant 0 : i32
        %dma_wait3A_243 = tpu.memref_slice %arg11[%dma_wait3A_239, %dma_wait3A_240, %dma_wait3A_241, %dma_wait3A_242] : memref<12x4x16x128xf32, #tpu.memory_space<vmem>> -> memref<1x1x16x128xf32, #tpu.memory_space<vmem>>
        %dma_wait3A_244 = tpu.memref_squeeze %dma_wait3A_243 : memref<1x1x16x128xf32, #tpu.memory_space<vmem>> -> memref<16x128xf32, #tpu.memory_space<vmem>>
        %dma_wait3A_245 = arith.constant 0 : i32
        %dma_wait3A_246 = arith.constant 0 : i32
        %dma_wait3A_247 = tpu.memref_slice %arg4[%dma_wait3A_245, %dma_wait3A_246] : memref<16x1000000xf32, #tpu.memory_space<hbm>> -> memref<16x128xf32, #tpu.memory_space<hbm>>
        %dma_wait3A_248 = arith.constant 0 : i32
        %dma_wait3A_249 = arith.constant 0 : i32
        %dma_wait3A_250 = tpu.memref_slice %arg11[%dma_wait3A_239, %dma_wait3A_240, %dma_wait3A_248, %dma_wait3A_249] : memref<12x4x16x128xf32, #tpu.memory_space<vmem>> -> memref<1x1x16x128xf32, #tpu.memory_space<vmem>>
        %dma_wait3A_251 = tpu.memref_squeeze %dma_wait3A_250 : memref<1x1x16x128xf32, #tpu.memory_space<vmem>> -> memref<16x128xf32, #tpu.memory_space<vmem>>
        %dma_wait3A_252 = arith.constant 0 : i32
        %dma_wait3A_253 = arith.constant 0 : i32
        %dma_wait3A_254 = tpu.memref_slice %arg4[%dma_wait3A_252, %dma_wait3A_253] : memref<16x1000000xf32, #tpu.memory_space<hbm>> -> memref<16x128xf32, #tpu.memory_space<hbm>>
        tpu.wait_dma2 semaphore(%arg17 : memref<!tpu.dma_semaphore, #tpu.memory_space<semaphore_mem>>) src(%dma_wait3A_254 : memref<16x128xf32, #tpu.memory_space<hbm>>) dst(%dma_wait3A_251 : memref<16x128xf32, #tpu.memory_space<vmem>>)
        %dma_wait3A_255 = arith.constant 0 : i32
        %dma_wait3A_256 = arith.constant 0 : i32
        %dma_wait3A_257 = arith.constant 0 : i32
        %dma_wait3A_258 = arith.constant 0 : i32
        %dma_wait3A_259 = tpu.memref_slice %arg11[%dma_wait3A_255, %dma_wait3A_256, %dma_wait3A_257, %dma_wait3A_258] : memref<12x4x16x128xf32, #tpu.memory_space<vmem>> -> memref<1x1x16x128xf32, #tpu.memory_space<vmem>>
        %dma_wait3A_260 = tpu.memref_squeeze %dma_wait3A_259 : memref<1x1x16x128xf32, #tpu.memory_space<vmem>> -> memref<16x128xf32, #tpu.memory_space<vmem>>
        %dma_wait3A_261 = arith.constant 0 : i32
        %dma_wait3A_262 = arith.constant 0 : i32
        %dma_wait3A_263 = tpu.memref_slice %arg4[%dma_wait3A_261, %dma_wait3A_262] : memref<16x1000000xf32, #tpu.memory_space<hbm>> -> memref<16x128xf32, #tpu.memory_space<hbm>>
        %dma_wait3A_264 = arith.constant 0 : i32
        %dma_wait3A_265 = arith.constant 0 : i32
        %dma_wait3A_266 = tpu.memref_slice %arg11[%dma_wait3A_255, %dma_wait3A_256, %dma_wait3A_264, %dma_wait3A_265] : memref<12x4x16x128xf32, #tpu.memory_space<vmem>> -> memref<1x1x16x128xf32, #tpu.memory_space<vmem>>
        %dma_wait3A_267 = tpu.memref_squeeze %dma_wait3A_266 : memref<1x1x16x128xf32, #tpu.memory_space<vmem>> -> memref<16x128xf32, #tpu.memory_space<vmem>>
        %dma_wait3A_268 = arith.constant 0 : i32
        %dma_wait3A_269 = arith.constant 0 : i32
        %dma_wait3A_270 = tpu.memref_slice %arg4[%dma_wait3A_268, %dma_wait3A_269] : memref<16x1000000xf32, #tpu.memory_space<hbm>> -> memref<16x128xf32, #tpu.memory_space<hbm>>
        tpu.wait_dma2 semaphore(%arg17 : memref<!tpu.dma_semaphore, #tpu.memory_space<semaphore_mem>>) src(%dma_wait3A_270 : memref<16x128xf32, #tpu.memory_space<hbm>>) dst(%dma_wait3A_267 : memref<16x128xf32, #tpu.memory_space<vmem>>)
        %sub3A = arith.constant 12 : i32
        %sub3A_271 = arith.subi %add3A_75, %sub3A : i32
        %broadcast_in_dim3A = arith.constant 0 : i32
        %broadcast_in_dim3A_272 = vector.broadcast %broadcast_in_dim3A : i32 to vector<16xi32>
        %add3A_273 = vector.broadcast %sub3A_271 : i32 to vector<16xi32>
        %add3A_274 = arith.addi %broadcast_in_dim3A_272, %add3A_273 : vector<16xi32>
        %gather3A = tpu.vector_load_idx %arg9[%add3A_274] : memref<512xi32, #tpu.memory_space<vmem>>[vector<16xi32>], vector<16xi32>,
        %and3A_275 = arith.constant 127 : i32
        %and3A_276 = vector.broadcast %and3A_275 : i32 to vector<16xi32>
        %and3A_277 = arith.andi %gather3A, %and3A_276 : vector<16xi32>
        %gather3A_278 = tpu.vector_load_idx %arg10[%add3A_274] : memref<512xi32, #tpu.memory_space<vmem>>[vector<16xi32>], vector<16xi32>,
        %and3A_279 = arith.constant 127 : i32
        %and3A_280 = vector.broadcast %and3A_279 : i32 to vector<16xi32>
        %and3A_281 = arith.andi %gather3A_278, %and3A_280 : vector<16xi32>
        %broadcast_in_dim3A_282 = arith.constant 0 : i32
        %broadcast_in_dim3A_283 = vector.broadcast %broadcast_in_dim3A_282 : i32 to vector<16xi32>
        %add3A_284 = arith.constant 4 : i32
        %add3A_285 = vector.broadcast %add3A_284 : i32 to vector<16xi32>
        %add3A_286 = arith.addi %broadcast_in_dim3A_283, %add3A_285 : vector<16xi32>
        %broadcast_in_dim3A_287 = arith.constant 0 : i32
        %broadcast_in_dim3A_288 = vector.broadcast %broadcast_in_dim3A_287 : i32 to vector<16xi32>
        %add3A_289 = arith.constant 0 : i32
        %add3A_290 = vector.broadcast %add3A_289 : i32 to vector<16xi32>
        %add3A_291 = arith.addi %broadcast_in_dim3A_288, %add3A_290 : vector<16xi32>
        %gather3A_292 = tpu.vector_load_idx %arg11[%add3A_286, %add3A_291, %iota3A, %and3A_277] : memref<12x4x16x128xf32, #tpu.memory_space<vmem>>[vector<16xi32>, vector<16xi32>, vector<16xi32>, vector<16xi32>], vector<16xf32>,
        %broadcast_in_dim3A_293 = arith.constant 0 : i32
        %broadcast_in_dim3A_294 = vector.broadcast %broadcast_in_dim3A_293 : i32 to vector<16xi32>
        %add3A_295 = arith.constant 1 : i32
        %add3A_296 = vector.broadcast %add3A_295 : i32 to vector<16xi32>
        %add3A_297 = arith.addi %broadcast_in_dim3A_294, %add3A_296 : vector<16xi32>
        %gather3A_298 = tpu.vector_load_idx %arg11[%add3A_286, %add3A_297, %iota3A, %and3A_281] : memref<12x4x16x128xf32, #tpu.memory_space<vmem>>[vector<16xi32>, vector<16xi32>, vector<16xi32>, vector<16xi32>], vector<16xf32>,
        %broadcast_in_dim3A_299 = arith.constant 0 : i32
        %broadcast_in_dim3A_300 = vector.broadcast %broadcast_in_dim3A_299 : i32 to vector<16xi32>
        %add3A_301 = arith.constant 2 : i32
        %add3A_302 = vector.broadcast %add3A_301 : i32 to vector<16xi32>
        %add3A_303 = arith.addi %broadcast_in_dim3A_300, %add3A_302 : vector<16xi32>
        %gather3A_304 = tpu.vector_load_idx %arg11[%add3A_286, %add3A_303, %iota3A, %and3A_277] : memref<12x4x16x128xf32, #tpu.memory_space<vmem>>[vector<16xi32>, vector<16xi32>, vector<16xi32>, vector<16xi32>], vector<16xf32>,
        %broadcast_in_dim3A_305 = arith.constant 0 : i32
        %broadcast_in_dim3A_306 = vector.broadcast %broadcast_in_dim3A_305 : i32 to vector<16xi32>
        %add3A_307 = arith.constant 3 : i32
        %add3A_308 = vector.broadcast %add3A_307 : i32 to vector<16xi32>
        %add3A_309 = arith.addi %broadcast_in_dim3A_306, %add3A_308 : vector<16xi32>
        %gather3A_310 = tpu.vector_load_idx %arg11[%add3A_286, %add3A_309, %iota3A, %and3A_281] : memref<12x4x16x128xf32, #tpu.memory_space<vmem>>[vector<16xi32>, vector<16xi32>, vector<16xi32>, vector<16xi32>], vector<16xf32>,
        %mul3A_311 = arith.mulf %gather3A_292, %gather3A_298 : vector<16xf32>
        %mul3A_312 = arith.mulf %gather3A_304, %gather3A_310 : vector<16xf32>
        %add3A_313 = arith.addf %mul3A_311, %mul3A_312 : vector<16xf32>
        %reduce_sum3A = arith.constant true
        %reduce_sum3A_314 = vector.broadcast %reduce_sum3A : i1 to vector<16xi1>
        %reduce_sum3A_315 = tpu.scan <sum>, %add3A_313 masked %reduce_sum3A_314 : vector<16xf32>, vector<16xi1> -> vector<16xf32>
        %reduce_sum3A_316 = vector.extract %reduce_sum3A_315[15] : f32 from vector<16xf32>
        %shift_right_arithmetic3A = arith.constant 4 : i32
        %shift_right_arithmetic3A_317 = arith.shrsi %sub3A_271, %shift_right_arithmetic3A : i32
        %and3A_318 = arith.constant 15 : i32
        %and3A_319 = arith.andi %sub3A_271, %and3A_318 : i32
        %mul3A_320 = arith.constant 16 : i32
        %mul3A_321 = arith.muli %shift_right_arithmetic3A_317, %mul3A_320 : i32
        %multiple_of3A = tpu.assume_multiple %mul3A_321, 16 : i32
        %eq3A = vector.broadcast %and3A_319 : i32 to vector<16xi32>
        %eq3A_322 = arith.cmpi eq, %iota3A, %eq3A : vector<16xi32>
        %get3A = arith.index_cast %multiple_of3A : i32 to index
        %get3A_323 = tpu.vector_load %arg12[%get3A] {strides = array<i32>} : memref<512xf32, #tpu.memory_space<vmem>>, vector<16xf32>,
        %broadcast_in_dim3A_324 = vector.broadcast %reduce_sum3A_316 : f32 to vector<16xf32>
        %select_n3A = arith.select %eq3A_322, %broadcast_in_dim3A_324, %get3A_323 : vector<16xi1>, vector<16xf32>
        %swap3A = arith.index_cast %multiple_of3A : i32 to index
        %swap3A_325 = tpu.vector_load %arg12[%swap3A] {strides = array<i32>} : memref<512xf32, #tpu.memory_space<vmem>>, vector<16xf32>,
        tpu.vector_store %arg12[%swap3A], %select_n3A {strides = array<i32>} : memref<512xf32, #tpu.memory_space<vmem>>, vector<16xf32>,
      } else {
      }
      %lt3A_84 = arith.constant 512 : i32
      %lt3A_85 = arith.cmpi slt, %add3A_75, %lt3A_84 : i32
      %convert_element_type3A_86 = arith.extui %lt3A_85 : i1 to i32
      %cond3A_87 = arith.constant 0 : i32
      %cond3A_88 = arith.cmpi ne, %convert_element_type3A_86, %cond3A_87 : i32
      scf.if %cond3A_88 {
        %broadcast_in_dim3A = arith.constant 0 : i32
        %broadcast_in_dim3A_208 = vector.broadcast %broadcast_in_dim3A : i32 to vector<16xi32>
        %add3A_209 = vector.broadcast %add3A_75 : i32 to vector<16xi32>
        %add3A_210 = arith.addi %broadcast_in_dim3A_208, %add3A_209 : vector<16xi32>
        %gather3A = tpu.vector_load_idx %arg9[%add3A_210] : memref<512xi32, #tpu.memory_space<vmem>>[vector<16xi32>], vector<16xi32>,
        %slice3A = vector.extract_strided_slice %gather3A {offsets = [0], sizes = [1], strides = [1]} : vector<16xi32> to vector<1xi32>
        %squeeze3A = vector.extract %slice3A[0] : i32 from vector<1xi32>
        %gather3A_211 = tpu.vector_load_idx %arg10[%add3A_210] : memref<512xi32, #tpu.memory_space<vmem>>[vector<16xi32>], vector<16xi32>,
        %slice3A_212 = vector.extract_strided_slice %gather3A_211 {offsets = [0], sizes = [1], strides = [1]} : vector<16xi32> to vector<1xi32>
        %squeeze3A_213 = vector.extract %slice3A_212[0] : i32 from vector<1xi32>
        %shift_right_arithmetic3A = arith.constant 7 : i32
        %shift_right_arithmetic3A_214 = arith.shrsi %squeeze3A, %shift_right_arithmetic3A : i32
        %mul3A_215 = arith.constant 128 : i32
        %mul3A_216 = arith.muli %shift_right_arithmetic3A_214, %mul3A_215 : i32
        %multiple_of3A = tpu.assume_multiple %mul3A_216, 128 : i32
        %dma_start3A = arith.constant 4 : i32
        %dma_start3A_217 = arith.constant 0 : i32
        %dma_start3A_218 = arith.constant 0 : i32
        %dma_start3A_219 = arith.constant 0 : i32
        %dma_start3A_220 = tpu.memref_slice %arg11[%dma_start3A, %dma_start3A_217, %dma_start3A_218, %dma_start3A_219] : memref<12x4x16x128xf32, #tpu.memory_space<vmem>> -> memref<1x1x16x128xf32, #tpu.memory_space<vmem>>
        %dma_start3A_221 = tpu.memref_squeeze %dma_start3A_220 : memref<1x1x16x128xf32, #tpu.memory_space<vmem>> -> memref<16x128xf32, #tpu.memory_space<vmem>>
        %dma_start3A_222 = arith.constant 0 : i32
        %dma_start3A_223 = tpu.memref_slice %arg4[%dma_start3A_222, %multiple_of3A] : memref<16x1000000xf32, #tpu.memory_space<hbm>> -> memref<16x128xf32, #tpu.memory_space<hbm>>
        %dma_start3A_224 = arith.constant 0 : i32
        %dma_start3A_225 = arith.constant 0 : i32
        %dma_start3A_226 = tpu.memref_slice %arg11[%dma_start3A, %dma_start3A_217, %dma_start3A_224, %dma_start3A_225] : memref<12x4x16x128xf32, #tpu.memory_space<vmem>> -> memref<1x1x16x128xf32, #tpu.memory_space<vmem>>
        %dma_start3A_227 = tpu.memref_squeeze %dma_start3A_226 : memref<1x1x16x128xf32, #tpu.memory_space<vmem>> -> memref<16x128xf32, #tpu.memory_space<vmem>>
        %dma_start3A_228 = arith.constant 0 : i32
        %dma_start3A_229 = tpu.memref_slice %arg4[%dma_start3A_228, %multiple_of3A] : memref<16x1000000xf32, #tpu.memory_space<hbm>> -> memref<16x128xf32, #tpu.memory_space<hbm>>
        tpu.enqueue_dma source(%dma_start3A_229 : memref<16x128xf32, #tpu.memory_space<hbm>>) target(%dma_start3A_227 : memref<16x128xf32, #tpu.memory_space<vmem>>) target_semaphore(%arg17 : memref<!tpu.dma_semaphore, #tpu.memory_space<semaphore_mem>>)
        %shift_right_arithmetic3A_230 = arith.constant 7 : i32
        %shift_right_arithmetic3A_231 = arith.shrsi %squeeze3A_213, %shift_right_arithmetic3A_230 : i32
        %mul3A_232 = arith.constant 128 : i32
        %mul3A_233 = arith.muli %shift_right_arithmetic3A_231, %mul3A_232 : i32
        %multiple_of3A_234 = tpu.assume_multiple %mul3A_233, 128 : i32
        %dma_start3A_235 = arith.constant 4 : i32
        %dma_start3A_236 = arith.constant 1 : i32
        %dma_start3A_237 = arith.constant 0 : i32
        %dma_start3A_238 = arith.constant 0 : i32
        %dma_start3A_239 = tpu.memref_slice %arg11[%dma_start3A_235, %dma_start3A_236, %dma_start3A_237, %dma_start3A_238] : memref<12x4x16x128xf32, #tpu.memory_space<vmem>> -> memref<1x1x16x128xf32, #tpu.memory_space<vmem>>
        %dma_start3A_240 = tpu.memref_squeeze %dma_start3A_239 : memref<1x1x16x128xf32, #tpu.memory_space<vmem>> -> memref<16x128xf32, #tpu.memory_space<vmem>>
        %dma_start3A_241 = arith.constant 0 : i32
        %dma_start3A_242 = tpu.memref_slice %arg5[%dma_start3A_241, %multiple_of3A_234] : memref<16x1000000xf32, #tpu.memory_space<hbm>> -> memref<16x128xf32, #tpu.memory_space<hbm>>
        %dma_start3A_243 = arith.constant 0 : i32
        %dma_start3A_244 = arith.constant 0 : i32
        %dma_start3A_245 = tpu.memref_slice %arg11[%dma_start3A_235, %dma_start3A_236, %dma_start3A_243, %dma_start3A_244] : memref<12x4x16x128xf32, #tpu.memory_space<vmem>> -> memref<1x1x16x128xf32, #tpu.memory_space<vmem>>
        %dma_start3A_246 = tpu.memref_squeeze %dma_start3A_245 : memref<1x1x16x128xf32, #tpu.memory_space<vmem>> -> memref<16x128xf32, #tpu.memory_space<vmem>>
        %dma_start3A_247 = arith.constant 0 : i32
        %dma_start3A_248 = tpu.memref_slice %arg5[%dma_start3A_247, %multiple_of3A_234] : memref<16x1000000xf32, #tpu.memory_space<hbm>> -> memref<16x128xf32, #tpu.memory_space<hbm>>
        tpu.enqueue_dma source(%dma_start3A_248 : memref<16x128xf32, #tpu.memory_space<hbm>>) target(%dma_start3A_246 : memref<16x128xf32, #tpu.memory_space<vmem>>) target_semaphore(%arg17 : memref<!tpu.dma_semaphore, #tpu.memory_space<semaphore_mem>>)
        %shift_right_arithmetic3A_249 = arith.constant 7 : i32
        %shift_right_arithmetic3A_250 = arith.shrsi %squeeze3A, %shift_right_arithmetic3A_249 : i32
        %mul3A_251 = arith.constant 128 : i32
        %mul3A_252 = arith.muli %shift_right_arithmetic3A_250, %mul3A_251 : i32
        %multiple_of3A_253 = tpu.assume_multiple %mul3A_252, 128 : i32
        %dma_start3A_254 = arith.constant 4 : i32
        %dma_start3A_255 = arith.constant 2 : i32
        %dma_start3A_256 = arith.constant 0 : i32
        %dma_start3A_257 = arith.constant 0 : i32
        %dma_start3A_258 = tpu.memref_slice %arg11[%dma_start3A_254, %dma_start3A_255, %dma_start3A_256, %dma_start3A_257] : memref<12x4x16x128xf32, #tpu.memory_space<vmem>> -> memref<1x1x16x128xf32, #tpu.memory_space<vmem>>
        %dma_start3A_259 = tpu.memref_squeeze %dma_start3A_258 : memref<1x1x16x128xf32, #tpu.memory_space<vmem>> -> memref<16x128xf32, #tpu.memory_space<vmem>>
        %dma_start3A_260 = arith.constant 0 : i32
        %dma_start3A_261 = tpu.memref_slice %arg6[%dma_start3A_260, %multiple_of3A_253] : memref<16x1000000xf32, #tpu.memory_space<hbm>> -> memref<16x128xf32, #tpu.memory_space<hbm>>
        %dma_start3A_262 = arith.constant 0 : i32
        %dma_start3A_263 = arith.constant 0 : i32
        %dma_start3A_264 = tpu.memref_slice %arg11[%dma_start3A_254, %dma_start3A_255, %dma_start3A_262, %dma_start3A_263] : memref<12x4x16x128xf32, #tpu.memory_space<vmem>> -> memref<1x1x16x128xf32, #tpu.memory_space<vmem>>
        %dma_start3A_265 = tpu.memref_squeeze %dma_start3A_264 : memref<1x1x16x128xf32, #tpu.memory_space<vmem>> -> memref<16x128xf32, #tpu.memory_space<vmem>>
        %dma_start3A_266 = arith.constant 0 : i32
        %dma_start3A_267 = tpu.memref_slice %arg6[%dma_start3A_266, %multiple_of3A_253] : memref<16x1000000xf32, #tpu.memory_space<hbm>> -> memref<16x128xf32, #tpu.memory_space<hbm>>
        tpu.enqueue_dma source(%dma_start3A_267 : memref<16x128xf32, #tpu.memory_space<hbm>>) target(%dma_start3A_265 : memref<16x128xf32, #tpu.memory_space<vmem>>) target_semaphore(%arg17 : memref<!tpu.dma_semaphore, #tpu.memory_space<semaphore_mem>>)
        %shift_right_arithmetic3A_268 = arith.constant 7 : i32
        %shift_right_arithmetic3A_269 = arith.shrsi %squeeze3A_213, %shift_right_arithmetic3A_268 : i32
        %mul3A_270 = arith.constant 128 : i32
        %mul3A_271 = arith.muli %shift_right_arithmetic3A_269, %mul3A_270 : i32
        %multiple_of3A_272 = tpu.assume_multiple %mul3A_271, 128 : i32
        %dma_start3A_273 = arith.constant 4 : i32
        %dma_start3A_274 = arith.constant 3 : i32
        %dma_start3A_275 = arith.constant 0 : i32
        %dma_start3A_276 = arith.constant 0 : i32
        %dma_start3A_277 = tpu.memref_slice %arg11[%dma_start3A_273, %dma_start3A_274, %dma_start3A_275, %dma_start3A_276] : memref<12x4x16x128xf32, #tpu.memory_space<vmem>> -> memref<1x1x16x128xf32, #tpu.memory_space<vmem>>
        %dma_start3A_278 = tpu.memref_squeeze %dma_start3A_277 : memref<1x1x16x128xf32, #tpu.memory_space<vmem>> -> memref<16x128xf32, #tpu.memory_space<vmem>>
        %dma_start3A_279 = arith.constant 0 : i32
        %dma_start3A_280 = tpu.memref_slice %arg7[%dma_start3A_279, %multiple_of3A_272] : memref<16x1000000xf32, #tpu.memory_space<hbm>> -> memref<16x128xf32, #tpu.memory_space<hbm>>
        %dma_start3A_281 = arith.constant 0 : i32
        %dma_start3A_282 = arith.constant 0 : i32
        %dma_start3A_283 = tpu.memref_slice %arg11[%dma_start3A_273, %dma_start3A_274, %dma_start3A_281, %dma_start3A_282] : memref<12x4x16x128xf32, #tpu.memory_space<vmem>> -> memref<1x1x16x128xf32, #tpu.memory_space<vmem>>
        %dma_start3A_284 = tpu.memref_squeeze %dma_start3A_283 : memref<1x1x16x128xf32, #tpu.memory_space<vmem>> -> memref<16x128xf32, #tpu.memory_space<vmem>>
        %dma_start3A_285 = arith.constant 0 : i32
        %dma_start3A_286 = tpu.memref_slice %arg7[%dma_start3A_285, %multiple_of3A_272] : memref<16x1000000xf32, #tpu.memory_space<hbm>> -> memref<16x128xf32, #tpu.memory_space<hbm>>
        tpu.enqueue_dma source(%dma_start3A_286 : memref<16x128xf32, #tpu.memory_space<hbm>>) target(%dma_start3A_284 : memref<16x128xf32, #tpu.memory_space<vmem>>) target_semaphore(%arg17 : memref<!tpu.dma_semaphore, #tpu.memory_space<semaphore_mem>>)
      } else {
      }
      %mul3A_89 = arith.constant 12 : i32
      %mul3A_90 = arith.muli %scan3A_8, %mul3A_89 : i32
      %add3A_91 = arith.constant 5 : i32
      %add3A_92 = arith.addi %mul3A_90, %add3A_91 : i32
      %ge3A_93 = arith.constant 12 : i32
      %ge3A_94 = arith.cmpi sge, %add3A_92, %ge3A_93 : i32
      %lt3A_95 = arith.constant 524 : i32
      %lt3A_96 = arith.cmpi slt, %add3A_92, %lt3A_95 : i32
      %and3A_97 = arith.andi %ge3A_94, %lt3A_96 : i1
      %convert_element_type3A_98 = arith.extui %and3A_97 : i1 to i32
      %cond3A_99 = arith.constant 0 : i32
      %cond3A_100 = arith.cmpi ne, %convert_element_type3A_98, %cond3A_99 : i32
      scf.if %cond3A_100 {
        %dma_wait3A = arith.constant 0 : i32
        %dma_wait3A_208 = arith.constant 0 : i32
        %dma_wait3A_209 = arith.constant 0 : i32
        %dma_wait3A_210 = arith.constant 0 : i32
        %dma_wait3A_211 = tpu.memref_slice %arg11[%dma_wait3A, %dma_wait3A_208, %dma_wait3A_209, %dma_wait3A_210] : memref<12x4x16x128xf32, #tpu.memory_space<vmem>> -> memref<1x1x16x128xf32, #tpu.memory_space<vmem>>
        %dma_wait3A_212 = tpu.memref_squeeze %dma_wait3A_211 : memref<1x1x16x128xf32, #tpu.memory_space<vmem>> -> memref<16x128xf32, #tpu.memory_space<vmem>>
        %dma_wait3A_213 = arith.constant 0 : i32
        %dma_wait3A_214 = arith.constant 0 : i32
        %dma_wait3A_215 = tpu.memref_slice %arg4[%dma_wait3A_213, %dma_wait3A_214] : memref<16x1000000xf32, #tpu.memory_space<hbm>> -> memref<16x128xf32, #tpu.memory_space<hbm>>
        %dma_wait3A_216 = arith.constant 0 : i32
        %dma_wait3A_217 = arith.constant 0 : i32
        %dma_wait3A_218 = tpu.memref_slice %arg11[%dma_wait3A, %dma_wait3A_208, %dma_wait3A_216, %dma_wait3A_217] : memref<12x4x16x128xf32, #tpu.memory_space<vmem>> -> memref<1x1x16x128xf32, #tpu.memory_space<vmem>>
        %dma_wait3A_219 = tpu.memref_squeeze %dma_wait3A_218 : memref<1x1x16x128xf32, #tpu.memory_space<vmem>> -> memref<16x128xf32, #tpu.memory_space<vmem>>
        %dma_wait3A_220 = arith.constant 0 : i32
        %dma_wait3A_221 = arith.constant 0 : i32
        %dma_wait3A_222 = tpu.memref_slice %arg4[%dma_wait3A_220, %dma_wait3A_221] : memref<16x1000000xf32, #tpu.memory_space<hbm>> -> memref<16x128xf32, #tpu.memory_space<hbm>>
        tpu.wait_dma2 semaphore(%arg18 : memref<!tpu.dma_semaphore, #tpu.memory_space<semaphore_mem>>) src(%dma_wait3A_222 : memref<16x128xf32, #tpu.memory_space<hbm>>) dst(%dma_wait3A_219 : memref<16x128xf32, #tpu.memory_space<vmem>>)
        %dma_wait3A_223 = arith.constant 0 : i32
        %dma_wait3A_224 = arith.constant 0 : i32
        %dma_wait3A_225 = arith.constant 0 : i32
        %dma_wait3A_226 = arith.constant 0 : i32
        %dma_wait3A_227 = tpu.memref_slice %arg11[%dma_wait3A_223, %dma_wait3A_224, %dma_wait3A_225, %dma_wait3A_226] : memref<12x4x16x128xf32, #tpu.memory_space<vmem>> -> memref<1x1x16x128xf32, #tpu.memory_space<vmem>>
        %dma_wait3A_228 = tpu.memref_squeeze %dma_wait3A_227 : memref<1x1x16x128xf32, #tpu.memory_space<vmem>> -> memref<16x128xf32, #tpu.memory_space<vmem>>
        %dma_wait3A_229 = arith.constant 0 : i32
        %dma_wait3A_230 = arith.constant 0 : i32
        %dma_wait3A_231 = tpu.memref_slice %arg4[%dma_wait3A_229, %dma_wait3A_230] : memref<16x1000000xf32, #tpu.memory_space<hbm>> -> memref<16x128xf32, #tpu.memory_space<hbm>>
        %dma_wait3A_232 = arith.constant 0 : i32
        %dma_wait3A_233 = arith.constant 0 : i32
        %dma_wait3A_234 = tpu.memref_slice %arg11[%dma_wait3A_223, %dma_wait3A_224, %dma_wait3A_232, %dma_wait3A_233] : memref<12x4x16x128xf32, #tpu.memory_space<vmem>> -> memref<1x1x16x128xf32, #tpu.memory_space<vmem>>
        %dma_wait3A_235 = tpu.memref_squeeze %dma_wait3A_234 : memref<1x1x16x128xf32, #tpu.memory_space<vmem>> -> memref<16x128xf32, #tpu.memory_space<vmem>>
        %dma_wait3A_236 = arith.constant 0 : i32
        %dma_wait3A_237 = arith.constant 0 : i32
        %dma_wait3A_238 = tpu.memref_slice %arg4[%dma_wait3A_236, %dma_wait3A_237] : memref<16x1000000xf32, #tpu.memory_space<hbm>> -> memref<16x128xf32, #tpu.memory_space<hbm>>
        tpu.wait_dma2 semaphore(%arg18 : memref<!tpu.dma_semaphore, #tpu.memory_space<semaphore_mem>>) src(%dma_wait3A_238 : memref<16x128xf32, #tpu.memory_space<hbm>>) dst(%dma_wait3A_235 : memref<16x128xf32, #tpu.memory_space<vmem>>)
        %dma_wait3A_239 = arith.constant 0 : i32
        %dma_wait3A_240 = arith.constant 0 : i32
        %dma_wait3A_241 = arith.constant 0 : i32
        %dma_wait3A_242 = arith.constant 0 : i32
        %dma_wait3A_243 = tpu.memref_slice %arg11[%dma_wait3A_239, %dma_wait3A_240, %dma_wait3A_241, %dma_wait3A_242] : memref<12x4x16x128xf32, #tpu.memory_space<vmem>> -> memref<1x1x16x128xf32, #tpu.memory_space<vmem>>
        %dma_wait3A_244 = tpu.memref_squeeze %dma_wait3A_243 : memref<1x1x16x128xf32, #tpu.memory_space<vmem>> -> memref<16x128xf32, #tpu.memory_space<vmem>>
        %dma_wait3A_245 = arith.constant 0 : i32
        %dma_wait3A_246 = arith.constant 0 : i32
        %dma_wait3A_247 = tpu.memref_slice %arg4[%dma_wait3A_245, %dma_wait3A_246] : memref<16x1000000xf32, #tpu.memory_space<hbm>> -> memref<16x128xf32, #tpu.memory_space<hbm>>
        %dma_wait3A_248 = arith.constant 0 : i32
        %dma_wait3A_249 = arith.constant 0 : i32
        %dma_wait3A_250 = tpu.memref_slice %arg11[%dma_wait3A_239, %dma_wait3A_240, %dma_wait3A_248, %dma_wait3A_249] : memref<12x4x16x128xf32, #tpu.memory_space<vmem>> -> memref<1x1x16x128xf32, #tpu.memory_space<vmem>>
        %dma_wait3A_251 = tpu.memref_squeeze %dma_wait3A_250 : memref<1x1x16x128xf32, #tpu.memory_space<vmem>> -> memref<16x128xf32, #tpu.memory_space<vmem>>
        %dma_wait3A_252 = arith.constant 0 : i32
        %dma_wait3A_253 = arith.constant 0 : i32
        %dma_wait3A_254 = tpu.memref_slice %arg4[%dma_wait3A_252, %dma_wait3A_253] : memref<16x1000000xf32, #tpu.memory_space<hbm>> -> memref<16x128xf32, #tpu.memory_space<hbm>>
        tpu.wait_dma2 semaphore(%arg18 : memref<!tpu.dma_semaphore, #tpu.memory_space<semaphore_mem>>) src(%dma_wait3A_254 : memref<16x128xf32, #tpu.memory_space<hbm>>) dst(%dma_wait3A_251 : memref<16x128xf32, #tpu.memory_space<vmem>>)
        %dma_wait3A_255 = arith.constant 0 : i32
        %dma_wait3A_256 = arith.constant 0 : i32
        %dma_wait3A_257 = arith.constant 0 : i32
        %dma_wait3A_258 = arith.constant 0 : i32
        %dma_wait3A_259 = tpu.memref_slice %arg11[%dma_wait3A_255, %dma_wait3A_256, %dma_wait3A_257, %dma_wait3A_258] : memref<12x4x16x128xf32, #tpu.memory_space<vmem>> -> memref<1x1x16x128xf32, #tpu.memory_space<vmem>>
        %dma_wait3A_260 = tpu.memref_squeeze %dma_wait3A_259 : memref<1x1x16x128xf32, #tpu.memory_space<vmem>> -> memref<16x128xf32, #tpu.memory_space<vmem>>
        %dma_wait3A_261 = arith.constant 0 : i32
        %dma_wait3A_262 = arith.constant 0 : i32
        %dma_wait3A_263 = tpu.memref_slice %arg4[%dma_wait3A_261, %dma_wait3A_262] : memref<16x1000000xf32, #tpu.memory_space<hbm>> -> memref<16x128xf32, #tpu.memory_space<hbm>>
        %dma_wait3A_264 = arith.constant 0 : i32
        %dma_wait3A_265 = arith.constant 0 : i32
        %dma_wait3A_266 = tpu.memref_slice %arg11[%dma_wait3A_255, %dma_wait3A_256, %dma_wait3A_264, %dma_wait3A_265] : memref<12x4x16x128xf32, #tpu.memory_space<vmem>> -> memref<1x1x16x128xf32, #tpu.memory_space<vmem>>
        %dma_wait3A_267 = tpu.memref_squeeze %dma_wait3A_266 : memref<1x1x16x128xf32, #tpu.memory_space<vmem>> -> memref<16x128xf32, #tpu.memory_space<vmem>>
        %dma_wait3A_268 = arith.constant 0 : i32
        %dma_wait3A_269 = arith.constant 0 : i32
        %dma_wait3A_270 = tpu.memref_slice %arg4[%dma_wait3A_268, %dma_wait3A_269] : memref<16x1000000xf32, #tpu.memory_space<hbm>> -> memref<16x128xf32, #tpu.memory_space<hbm>>
        tpu.wait_dma2 semaphore(%arg18 : memref<!tpu.dma_semaphore, #tpu.memory_space<semaphore_mem>>) src(%dma_wait3A_270 : memref<16x128xf32, #tpu.memory_space<hbm>>) dst(%dma_wait3A_267 : memref<16x128xf32, #tpu.memory_space<vmem>>)
        %sub3A = arith.constant 12 : i32
        %sub3A_271 = arith.subi %add3A_92, %sub3A : i32
        %broadcast_in_dim3A = arith.constant 0 : i32
        %broadcast_in_dim3A_272 = vector.broadcast %broadcast_in_dim3A : i32 to vector<16xi32>
        %add3A_273 = vector.broadcast %sub3A_271 : i32 to vector<16xi32>
        %add3A_274 = arith.addi %broadcast_in_dim3A_272, %add3A_273 : vector<16xi32>
        %gather3A = tpu.vector_load_idx %arg9[%add3A_274] : memref<512xi32, #tpu.memory_space<vmem>>[vector<16xi32>], vector<16xi32>,
        %and3A_275 = arith.constant 127 : i32
        %and3A_276 = vector.broadcast %and3A_275 : i32 to vector<16xi32>
        %and3A_277 = arith.andi %gather3A, %and3A_276 : vector<16xi32>
        %gather3A_278 = tpu.vector_load_idx %arg10[%add3A_274] : memref<512xi32, #tpu.memory_space<vmem>>[vector<16xi32>], vector<16xi32>,
        %and3A_279 = arith.constant 127 : i32
        %and3A_280 = vector.broadcast %and3A_279 : i32 to vector<16xi32>
        %and3A_281 = arith.andi %gather3A_278, %and3A_280 : vector<16xi32>
        %broadcast_in_dim3A_282 = arith.constant 0 : i32
        %broadcast_in_dim3A_283 = vector.broadcast %broadcast_in_dim3A_282 : i32 to vector<16xi32>
        %add3A_284 = arith.constant 5 : i32
        %add3A_285 = vector.broadcast %add3A_284 : i32 to vector<16xi32>
        %add3A_286 = arith.addi %broadcast_in_dim3A_283, %add3A_285 : vector<16xi32>
        %broadcast_in_dim3A_287 = arith.constant 0 : i32
        %broadcast_in_dim3A_288 = vector.broadcast %broadcast_in_dim3A_287 : i32 to vector<16xi32>
        %add3A_289 = arith.constant 0 : i32
        %add3A_290 = vector.broadcast %add3A_289 : i32 to vector<16xi32>
        %add3A_291 = arith.addi %broadcast_in_dim3A_288, %add3A_290 : vector<16xi32>
        %gather3A_292 = tpu.vector_load_idx %arg11[%add3A_286, %add3A_291, %iota3A, %and3A_277] : memref<12x4x16x128xf32, #tpu.memory_space<vmem>>[vector<16xi32>, vector<16xi32>, vector<16xi32>, vector<16xi32>], vector<16xf32>,
        %broadcast_in_dim3A_293 = arith.constant 0 : i32
        %broadcast_in_dim3A_294 = vector.broadcast %broadcast_in_dim3A_293 : i32 to vector<16xi32>
        %add3A_295 = arith.constant 1 : i32
        %add3A_296 = vector.broadcast %add3A_295 : i32 to vector<16xi32>
        %add3A_297 = arith.addi %broadcast_in_dim3A_294, %add3A_296 : vector<16xi32>
        %gather3A_298 = tpu.vector_load_idx %arg11[%add3A_286, %add3A_297, %iota3A, %and3A_281] : memref<12x4x16x128xf32, #tpu.memory_space<vmem>>[vector<16xi32>, vector<16xi32>, vector<16xi32>, vector<16xi32>], vector<16xf32>,
        %broadcast_in_dim3A_299 = arith.constant 0 : i32
        %broadcast_in_dim3A_300 = vector.broadcast %broadcast_in_dim3A_299 : i32 to vector<16xi32>
        %add3A_301 = arith.constant 2 : i32
        %add3A_302 = vector.broadcast %add3A_301 : i32 to vector<16xi32>
        %add3A_303 = arith.addi %broadcast_in_dim3A_300, %add3A_302 : vector<16xi32>
        %gather3A_304 = tpu.vector_load_idx %arg11[%add3A_286, %add3A_303, %iota3A, %and3A_277] : memref<12x4x16x128xf32, #tpu.memory_space<vmem>>[vector<16xi32>, vector<16xi32>, vector<16xi32>, vector<16xi32>], vector<16xf32>,
        %broadcast_in_dim3A_305 = arith.constant 0 : i32
        %broadcast_in_dim3A_306 = vector.broadcast %broadcast_in_dim3A_305 : i32 to vector<16xi32>
        %add3A_307 = arith.constant 3 : i32
        %add3A_308 = vector.broadcast %add3A_307 : i32 to vector<16xi32>
        %add3A_309 = arith.addi %broadcast_in_dim3A_306, %add3A_308 : vector<16xi32>
        %gather3A_310 = tpu.vector_load_idx %arg11[%add3A_286, %add3A_309, %iota3A, %and3A_281] : memref<12x4x16x128xf32, #tpu.memory_space<vmem>>[vector<16xi32>, vector<16xi32>, vector<16xi32>, vector<16xi32>], vector<16xf32>,
        %mul3A_311 = arith.mulf %gather3A_292, %gather3A_298 : vector<16xf32>
        %mul3A_312 = arith.mulf %gather3A_304, %gather3A_310 : vector<16xf32>
        %add3A_313 = arith.addf %mul3A_311, %mul3A_312 : vector<16xf32>
        %reduce_sum3A = arith.constant true
        %reduce_sum3A_314 = vector.broadcast %reduce_sum3A : i1 to vector<16xi1>
        %reduce_sum3A_315 = tpu.scan <sum>, %add3A_313 masked %reduce_sum3A_314 : vector<16xf32>, vector<16xi1> -> vector<16xf32>
        %reduce_sum3A_316 = vector.extract %reduce_sum3A_315[15] : f32 from vector<16xf32>
        %shift_right_arithmetic3A = arith.constant 4 : i32
        %shift_right_arithmetic3A_317 = arith.shrsi %sub3A_271, %shift_right_arithmetic3A : i32
        %and3A_318 = arith.constant 15 : i32
        %and3A_319 = arith.andi %sub3A_271, %and3A_318 : i32
        %mul3A_320 = arith.constant 16 : i32
        %mul3A_321 = arith.muli %shift_right_arithmetic3A_317, %mul3A_320 : i32
        %multiple_of3A = tpu.assume_multiple %mul3A_321, 16 : i32
        %eq3A = vector.broadcast %and3A_319 : i32 to vector<16xi32>
        %eq3A_322 = arith.cmpi eq, %iota3A, %eq3A : vector<16xi32>
        %get3A = arith.index_cast %multiple_of3A : i32 to index
        %get3A_323 = tpu.vector_load %arg12[%get3A] {strides = array<i32>} : memref<512xf32, #tpu.memory_space<vmem>>, vector<16xf32>,
        %broadcast_in_dim3A_324 = vector.broadcast %reduce_sum3A_316 : f32 to vector<16xf32>
        %select_n3A = arith.select %eq3A_322, %broadcast_in_dim3A_324, %get3A_323 : vector<16xi1>, vector<16xf32>
        %swap3A = arith.index_cast %multiple_of3A : i32 to index
        %swap3A_325 = tpu.vector_load %arg12[%swap3A] {strides = array<i32>} : memref<512xf32, #tpu.memory_space<vmem>>, vector<16xf32>,
        tpu.vector_store %arg12[%swap3A], %select_n3A {strides = array<i32>} : memref<512xf32, #tpu.memory_space<vmem>>, vector<16xf32>,
      } else {
      }
      %lt3A_101 = arith.constant 512 : i32
      %lt3A_102 = arith.cmpi slt, %add3A_92, %lt3A_101 : i32
      %convert_element_type3A_103 = arith.extui %lt3A_102 : i1 to i32
      %cond3A_104 = arith.constant 0 : i32
      %cond3A_105 = arith.cmpi ne, %convert_element_type3A_103, %cond3A_104 : i32
      scf.if %cond3A_105 {
        %broadcast_in_dim3A = arith.constant 0 : i32
        %broadcast_in_dim3A_208 = vector.broadcast %broadcast_in_dim3A : i32 to vector<16xi32>
        %add3A_209 = vector.broadcast %add3A_92 : i32 to vector<16xi32>
        %add3A_210 = arith.addi %broadcast_in_dim3A_208, %add3A_209 : vector<16xi32>
        %gather3A = tpu.vector_load_idx %arg9[%add3A_210] : memref<512xi32, #tpu.memory_space<vmem>>[vector<16xi32>], vector<16xi32>,
        %slice3A = vector.extract_strided_slice %gather3A {offsets = [0], sizes = [1], strides = [1]} : vector<16xi32> to vector<1xi32>
        %squeeze3A = vector.extract %slice3A[0] : i32 from vector<1xi32>
        %gather3A_211 = tpu.vector_load_idx %arg10[%add3A_210] : memref<512xi32, #tpu.memory_space<vmem>>[vector<16xi32>], vector<16xi32>,
        %slice3A_212 = vector.extract_strided_slice %gather3A_211 {offsets = [0], sizes = [1], strides = [1]} : vector<16xi32> to vector<1xi32>
        %squeeze3A_213 = vector.extract %slice3A_212[0] : i32 from vector<1xi32>
        %shift_right_arithmetic3A = arith.constant 7 : i32
        %shift_right_arithmetic3A_214 = arith.shrsi %squeeze3A, %shift_right_arithmetic3A : i32
        %mul3A_215 = arith.constant 128 : i32
        %mul3A_216 = arith.muli %shift_right_arithmetic3A_214, %mul3A_215 : i32
        %multiple_of3A = tpu.assume_multiple %mul3A_216, 128 : i32
        %dma_start3A = arith.constant 5 : i32
        %dma_start3A_217 = arith.constant 0 : i32
        %dma_start3A_218 = arith.constant 0 : i32
        %dma_start3A_219 = arith.constant 0 : i32
        %dma_start3A_220 = tpu.memref_slice %arg11[%dma_start3A, %dma_start3A_217, %dma_start3A_218, %dma_start3A_219] : memref<12x4x16x128xf32, #tpu.memory_space<vmem>> -> memref<1x1x16x128xf32, #tpu.memory_space<vmem>>
        %dma_start3A_221 = tpu.memref_squeeze %dma_start3A_220 : memref<1x1x16x128xf32, #tpu.memory_space<vmem>> -> memref<16x128xf32, #tpu.memory_space<vmem>>
        %dma_start3A_222 = arith.constant 0 : i32
        %dma_start3A_223 = tpu.memref_slice %arg4[%dma_start3A_222, %multiple_of3A] : memref<16x1000000xf32, #tpu.memory_space<hbm>> -> memref<16x128xf32, #tpu.memory_space<hbm>>
        %dma_start3A_224 = arith.constant 0 : i32
        %dma_start3A_225 = arith.constant 0 : i32
        %dma_start3A_226 = tpu.memref_slice %arg11[%dma_start3A, %dma_start3A_217, %dma_start3A_224, %dma_start3A_225] : memref<12x4x16x128xf32, #tpu.memory_space<vmem>> -> memref<1x1x16x128xf32, #tpu.memory_space<vmem>>
        %dma_start3A_227 = tpu.memref_squeeze %dma_start3A_226 : memref<1x1x16x128xf32, #tpu.memory_space<vmem>> -> memref<16x128xf32, #tpu.memory_space<vmem>>
        %dma_start3A_228 = arith.constant 0 : i32
        %dma_start3A_229 = tpu.memref_slice %arg4[%dma_start3A_228, %multiple_of3A] : memref<16x1000000xf32, #tpu.memory_space<hbm>> -> memref<16x128xf32, #tpu.memory_space<hbm>>
        tpu.enqueue_dma source(%dma_start3A_229 : memref<16x128xf32, #tpu.memory_space<hbm>>) target(%dma_start3A_227 : memref<16x128xf32, #tpu.memory_space<vmem>>) target_semaphore(%arg18 : memref<!tpu.dma_semaphore, #tpu.memory_space<semaphore_mem>>)
        %shift_right_arithmetic3A_230 = arith.constant 7 : i32
        %shift_right_arithmetic3A_231 = arith.shrsi %squeeze3A_213, %shift_right_arithmetic3A_230 : i32
        %mul3A_232 = arith.constant 128 : i32
        %mul3A_233 = arith.muli %shift_right_arithmetic3A_231, %mul3A_232 : i32
        %multiple_of3A_234 = tpu.assume_multiple %mul3A_233, 128 : i32
        %dma_start3A_235 = arith.constant 5 : i32
        %dma_start3A_236 = arith.constant 1 : i32
        %dma_start3A_237 = arith.constant 0 : i32
        %dma_start3A_238 = arith.constant 0 : i32
        %dma_start3A_239 = tpu.memref_slice %arg11[%dma_start3A_235, %dma_start3A_236, %dma_start3A_237, %dma_start3A_238] : memref<12x4x16x128xf32, #tpu.memory_space<vmem>> -> memref<1x1x16x128xf32, #tpu.memory_space<vmem>>
        %dma_start3A_240 = tpu.memref_squeeze %dma_start3A_239 : memref<1x1x16x128xf32, #tpu.memory_space<vmem>> -> memref<16x128xf32, #tpu.memory_space<vmem>>
        %dma_start3A_241 = arith.constant 0 : i32
        %dma_start3A_242 = tpu.memref_slice %arg5[%dma_start3A_241, %multiple_of3A_234] : memref<16x1000000xf32, #tpu.memory_space<hbm>> -> memref<16x128xf32, #tpu.memory_space<hbm>>
        %dma_start3A_243 = arith.constant 0 : i32
        %dma_start3A_244 = arith.constant 0 : i32
        %dma_start3A_245 = tpu.memref_slice %arg11[%dma_start3A_235, %dma_start3A_236, %dma_start3A_243, %dma_start3A_244] : memref<12x4x16x128xf32, #tpu.memory_space<vmem>> -> memref<1x1x16x128xf32, #tpu.memory_space<vmem>>
        %dma_start3A_246 = tpu.memref_squeeze %dma_start3A_245 : memref<1x1x16x128xf32, #tpu.memory_space<vmem>> -> memref<16x128xf32, #tpu.memory_space<vmem>>
        %dma_start3A_247 = arith.constant 0 : i32
        %dma_start3A_248 = tpu.memref_slice %arg5[%dma_start3A_247, %multiple_of3A_234] : memref<16x1000000xf32, #tpu.memory_space<hbm>> -> memref<16x128xf32, #tpu.memory_space<hbm>>
        tpu.enqueue_dma source(%dma_start3A_248 : memref<16x128xf32, #tpu.memory_space<hbm>>) target(%dma_start3A_246 : memref<16x128xf32, #tpu.memory_space<vmem>>) target_semaphore(%arg18 : memref<!tpu.dma_semaphore, #tpu.memory_space<semaphore_mem>>)
        %shift_right_arithmetic3A_249 = arith.constant 7 : i32
        %shift_right_arithmetic3A_250 = arith.shrsi %squeeze3A, %shift_right_arithmetic3A_249 : i32
        %mul3A_251 = arith.constant 128 : i32
        %mul3A_252 = arith.muli %shift_right_arithmetic3A_250, %mul3A_251 : i32
        %multiple_of3A_253 = tpu.assume_multiple %mul3A_252, 128 : i32
        %dma_start3A_254 = arith.constant 5 : i32
        %dma_start3A_255 = arith.constant 2 : i32
        %dma_start3A_256 = arith.constant 0 : i32
        %dma_start3A_257 = arith.constant 0 : i32
        %dma_start3A_258 = tpu.memref_slice %arg11[%dma_start3A_254, %dma_start3A_255, %dma_start3A_256, %dma_start3A_257] : memref<12x4x16x128xf32, #tpu.memory_space<vmem>> -> memref<1x1x16x128xf32, #tpu.memory_space<vmem>>
        %dma_start3A_259 = tpu.memref_squeeze %dma_start3A_258 : memref<1x1x16x128xf32, #tpu.memory_space<vmem>> -> memref<16x128xf32, #tpu.memory_space<vmem>>
        %dma_start3A_260 = arith.constant 0 : i32
        %dma_start3A_261 = tpu.memref_slice %arg6[%dma_start3A_260, %multiple_of3A_253] : memref<16x1000000xf32, #tpu.memory_space<hbm>> -> memref<16x128xf32, #tpu.memory_space<hbm>>
        %dma_start3A_262 = arith.constant 0 : i32
        %dma_start3A_263 = arith.constant 0 : i32
        %dma_start3A_264 = tpu.memref_slice %arg11[%dma_start3A_254, %dma_start3A_255, %dma_start3A_262, %dma_start3A_263] : memref<12x4x16x128xf32, #tpu.memory_space<vmem>> -> memref<1x1x16x128xf32, #tpu.memory_space<vmem>>
        %dma_start3A_265 = tpu.memref_squeeze %dma_start3A_264 : memref<1x1x16x128xf32, #tpu.memory_space<vmem>> -> memref<16x128xf32, #tpu.memory_space<vmem>>
        %dma_start3A_266 = arith.constant 0 : i32
        %dma_start3A_267 = tpu.memref_slice %arg6[%dma_start3A_266, %multiple_of3A_253] : memref<16x1000000xf32, #tpu.memory_space<hbm>> -> memref<16x128xf32, #tpu.memory_space<hbm>>
        tpu.enqueue_dma source(%dma_start3A_267 : memref<16x128xf32, #tpu.memory_space<hbm>>) target(%dma_start3A_265 : memref<16x128xf32, #tpu.memory_space<vmem>>) target_semaphore(%arg18 : memref<!tpu.dma_semaphore, #tpu.memory_space<semaphore_mem>>)
        %shift_right_arithmetic3A_268 = arith.constant 7 : i32
        %shift_right_arithmetic3A_269 = arith.shrsi %squeeze3A_213, %shift_right_arithmetic3A_268 : i32
        %mul3A_270 = arith.constant 128 : i32
        %mul3A_271 = arith.muli %shift_right_arithmetic3A_269, %mul3A_270 : i32
        %multiple_of3A_272 = tpu.assume_multiple %mul3A_271, 128 : i32
        %dma_start3A_273 = arith.constant 5 : i32
        %dma_start3A_274 = arith.constant 3 : i32
        %dma_start3A_275 = arith.constant 0 : i32
        %dma_start3A_276 = arith.constant 0 : i32
        %dma_start3A_277 = tpu.memref_slice %arg11[%dma_start3A_273, %dma_start3A_274, %dma_start3A_275, %dma_start3A_276] : memref<12x4x16x128xf32, #tpu.memory_space<vmem>> -> memref<1x1x16x128xf32, #tpu.memory_space<vmem>>
        %dma_start3A_278 = tpu.memref_squeeze %dma_start3A_277 : memref<1x1x16x128xf32, #tpu.memory_space<vmem>> -> memref<16x128xf32, #tpu.memory_space<vmem>>
        %dma_start3A_279 = arith.constant 0 : i32
        %dma_start3A_280 = tpu.memref_slice %arg7[%dma_start3A_279, %multiple_of3A_272] : memref<16x1000000xf32, #tpu.memory_space<hbm>> -> memref<16x128xf32, #tpu.memory_space<hbm>>
        %dma_start3A_281 = arith.constant 0 : i32
        %dma_start3A_282 = arith.constant 0 : i32
        %dma_start3A_283 = tpu.memref_slice %arg11[%dma_start3A_273, %dma_start3A_274, %dma_start3A_281, %dma_start3A_282] : memref<12x4x16x128xf32, #tpu.memory_space<vmem>> -> memref<1x1x16x128xf32, #tpu.memory_space<vmem>>
        %dma_start3A_284 = tpu.memref_squeeze %dma_start3A_283 : memref<1x1x16x128xf32, #tpu.memory_space<vmem>> -> memref<16x128xf32, #tpu.memory_space<vmem>>
        %dma_start3A_285 = arith.constant 0 : i32
        %dma_start3A_286 = tpu.memref_slice %arg7[%dma_start3A_285, %multiple_of3A_272] : memref<16x1000000xf32, #tpu.memory_space<hbm>> -> memref<16x128xf32, #tpu.memory_space<hbm>>
        tpu.enqueue_dma source(%dma_start3A_286 : memref<16x128xf32, #tpu.memory_space<hbm>>) target(%dma_start3A_284 : memref<16x128xf32, #tpu.memory_space<vmem>>) target_semaphore(%arg18 : memref<!tpu.dma_semaphore, #tpu.memory_space<semaphore_mem>>)
      } else {
      }
      %mul3A_106 = arith.constant 12 : i32
      %mul3A_107 = arith.muli %scan3A_8, %mul3A_106 : i32
      %add3A_108 = arith.constant 6 : i32
      %add3A_109 = arith.addi %mul3A_107, %add3A_108 : i32
      %ge3A_110 = arith.constant 12 : i32
      %ge3A_111 = arith.cmpi sge, %add3A_109, %ge3A_110 : i32
      %lt3A_112 = arith.constant 524 : i32
      %lt3A_113 = arith.cmpi slt, %add3A_109, %lt3A_112 : i32
      %and3A_114 = arith.andi %ge3A_111, %lt3A_113 : i1
      %convert_element_type3A_115 = arith.extui %and3A_114 : i1 to i32
      %cond3A_116 = arith.constant 0 : i32
      %cond3A_117 = arith.cmpi ne, %convert_element_type3A_115, %cond3A_116 : i32
      scf.if %cond3A_117 {
        %dma_wait3A = arith.constant 0 : i32
        %dma_wait3A_208 = arith.constant 0 : i32
        %dma_wait3A_209 = arith.constant 0 : i32
        %dma_wait3A_210 = arith.constant 0 : i32
        %dma_wait3A_211 = tpu.memref_slice %arg11[%dma_wait3A, %dma_wait3A_208, %dma_wait3A_209, %dma_wait3A_210] : memref<12x4x16x128xf32, #tpu.memory_space<vmem>> -> memref<1x1x16x128xf32, #tpu.memory_space<vmem>>
        %dma_wait3A_212 = tpu.memref_squeeze %dma_wait3A_211 : memref<1x1x16x128xf32, #tpu.memory_space<vmem>> -> memref<16x128xf32, #tpu.memory_space<vmem>>
        %dma_wait3A_213 = arith.constant 0 : i32
        %dma_wait3A_214 = arith.constant 0 : i32
        %dma_wait3A_215 = tpu.memref_slice %arg4[%dma_wait3A_213, %dma_wait3A_214] : memref<16x1000000xf32, #tpu.memory_space<hbm>> -> memref<16x128xf32, #tpu.memory_space<hbm>>
        %dma_wait3A_216 = arith.constant 0 : i32
        %dma_wait3A_217 = arith.constant 0 : i32
        %dma_wait3A_218 = tpu.memref_slice %arg11[%dma_wait3A, %dma_wait3A_208, %dma_wait3A_216, %dma_wait3A_217] : memref<12x4x16x128xf32, #tpu.memory_space<vmem>> -> memref<1x1x16x128xf32, #tpu.memory_space<vmem>>
        %dma_wait3A_219 = tpu.memref_squeeze %dma_wait3A_218 : memref<1x1x16x128xf32, #tpu.memory_space<vmem>> -> memref<16x128xf32, #tpu.memory_space<vmem>>
        %dma_wait3A_220 = arith.constant 0 : i32
        %dma_wait3A_221 = arith.constant 0 : i32
        %dma_wait3A_222 = tpu.memref_slice %arg4[%dma_wait3A_220, %dma_wait3A_221] : memref<16x1000000xf32, #tpu.memory_space<hbm>> -> memref<16x128xf32, #tpu.memory_space<hbm>>
        tpu.wait_dma2 semaphore(%arg19 : memref<!tpu.dma_semaphore, #tpu.memory_space<semaphore_mem>>) src(%dma_wait3A_222 : memref<16x128xf32, #tpu.memory_space<hbm>>) dst(%dma_wait3A_219 : memref<16x128xf32, #tpu.memory_space<vmem>>)
        %dma_wait3A_223 = arith.constant 0 : i32
        %dma_wait3A_224 = arith.constant 0 : i32
        %dma_wait3A_225 = arith.constant 0 : i32
        %dma_wait3A_226 = arith.constant 0 : i32
        %dma_wait3A_227 = tpu.memref_slice %arg11[%dma_wait3A_223, %dma_wait3A_224, %dma_wait3A_225, %dma_wait3A_226] : memref<12x4x16x128xf32, #tpu.memory_space<vmem>> -> memref<1x1x16x128xf32, #tpu.memory_space<vmem>>
        %dma_wait3A_228 = tpu.memref_squeeze %dma_wait3A_227 : memref<1x1x16x128xf32, #tpu.memory_space<vmem>> -> memref<16x128xf32, #tpu.memory_space<vmem>>
        %dma_wait3A_229 = arith.constant 0 : i32
        %dma_wait3A_230 = arith.constant 0 : i32
        %dma_wait3A_231 = tpu.memref_slice %arg4[%dma_wait3A_229, %dma_wait3A_230] : memref<16x1000000xf32, #tpu.memory_space<hbm>> -> memref<16x128xf32, #tpu.memory_space<hbm>>
        %dma_wait3A_232 = arith.constant 0 : i32
        %dma_wait3A_233 = arith.constant 0 : i32
        %dma_wait3A_234 = tpu.memref_slice %arg11[%dma_wait3A_223, %dma_wait3A_224, %dma_wait3A_232, %dma_wait3A_233] : memref<12x4x16x128xf32, #tpu.memory_space<vmem>> -> memref<1x1x16x128xf32, #tpu.memory_space<vmem>>
        %dma_wait3A_235 = tpu.memref_squeeze %dma_wait3A_234 : memref<1x1x16x128xf32, #tpu.memory_space<vmem>> -> memref<16x128xf32, #tpu.memory_space<vmem>>
        %dma_wait3A_236 = arith.constant 0 : i32
        %dma_wait3A_237 = arith.constant 0 : i32
        %dma_wait3A_238 = tpu.memref_slice %arg4[%dma_wait3A_236, %dma_wait3A_237] : memref<16x1000000xf32, #tpu.memory_space<hbm>> -> memref<16x128xf32, #tpu.memory_space<hbm>>
        tpu.wait_dma2 semaphore(%arg19 : memref<!tpu.dma_semaphore, #tpu.memory_space<semaphore_mem>>) src(%dma_wait3A_238 : memref<16x128xf32, #tpu.memory_space<hbm>>) dst(%dma_wait3A_235 : memref<16x128xf32, #tpu.memory_space<vmem>>)
        %dma_wait3A_239 = arith.constant 0 : i32
        %dma_wait3A_240 = arith.constant 0 : i32
        %dma_wait3A_241 = arith.constant 0 : i32
        %dma_wait3A_242 = arith.constant 0 : i32
        %dma_wait3A_243 = tpu.memref_slice %arg11[%dma_wait3A_239, %dma_wait3A_240, %dma_wait3A_241, %dma_wait3A_242] : memref<12x4x16x128xf32, #tpu.memory_space<vmem>> -> memref<1x1x16x128xf32, #tpu.memory_space<vmem>>
        %dma_wait3A_244 = tpu.memref_squeeze %dma_wait3A_243 : memref<1x1x16x128xf32, #tpu.memory_space<vmem>> -> memref<16x128xf32, #tpu.memory_space<vmem>>
        %dma_wait3A_245 = arith.constant 0 : i32
        %dma_wait3A_246 = arith.constant 0 : i32
        %dma_wait3A_247 = tpu.memref_slice %arg4[%dma_wait3A_245, %dma_wait3A_246] : memref<16x1000000xf32, #tpu.memory_space<hbm>> -> memref<16x128xf32, #tpu.memory_space<hbm>>
        %dma_wait3A_248 = arith.constant 0 : i32
        %dma_wait3A_249 = arith.constant 0 : i32
        %dma_wait3A_250 = tpu.memref_slice %arg11[%dma_wait3A_239, %dma_wait3A_240, %dma_wait3A_248, %dma_wait3A_249] : memref<12x4x16x128xf32, #tpu.memory_space<vmem>> -> memref<1x1x16x128xf32, #tpu.memory_space<vmem>>
        %dma_wait3A_251 = tpu.memref_squeeze %dma_wait3A_250 : memref<1x1x16x128xf32, #tpu.memory_space<vmem>> -> memref<16x128xf32, #tpu.memory_space<vmem>>
        %dma_wait3A_252 = arith.constant 0 : i32
        %dma_wait3A_253 = arith.constant 0 : i32
        %dma_wait3A_254 = tpu.memref_slice %arg4[%dma_wait3A_252, %dma_wait3A_253] : memref<16x1000000xf32, #tpu.memory_space<hbm>> -> memref<16x128xf32, #tpu.memory_space<hbm>>
        tpu.wait_dma2 semaphore(%arg19 : memref<!tpu.dma_semaphore, #tpu.memory_space<semaphore_mem>>) src(%dma_wait3A_254 : memref<16x128xf32, #tpu.memory_space<hbm>>) dst(%dma_wait3A_251 : memref<16x128xf32, #tpu.memory_space<vmem>>)
        %dma_wait3A_255 = arith.constant 0 : i32
        %dma_wait3A_256 = arith.constant 0 : i32
        %dma_wait3A_257 = arith.constant 0 : i32
        %dma_wait3A_258 = arith.constant 0 : i32
        %dma_wait3A_259 = tpu.memref_slice %arg11[%dma_wait3A_255, %dma_wait3A_256, %dma_wait3A_257, %dma_wait3A_258] : memref<12x4x16x128xf32, #tpu.memory_space<vmem>> -> memref<1x1x16x128xf32, #tpu.memory_space<vmem>>
        %dma_wait3A_260 = tpu.memref_squeeze %dma_wait3A_259 : memref<1x1x16x128xf32, #tpu.memory_space<vmem>> -> memref<16x128xf32, #tpu.memory_space<vmem>>
        %dma_wait3A_261 = arith.constant 0 : i32
        %dma_wait3A_262 = arith.constant 0 : i32
        %dma_wait3A_263 = tpu.memref_slice %arg4[%dma_wait3A_261, %dma_wait3A_262] : memref<16x1000000xf32, #tpu.memory_space<hbm>> -> memref<16x128xf32, #tpu.memory_space<hbm>>
        %dma_wait3A_264 = arith.constant 0 : i32
        %dma_wait3A_265 = arith.constant 0 : i32
        %dma_wait3A_266 = tpu.memref_slice %arg11[%dma_wait3A_255, %dma_wait3A_256, %dma_wait3A_264, %dma_wait3A_265] : memref<12x4x16x128xf32, #tpu.memory_space<vmem>> -> memref<1x1x16x128xf32, #tpu.memory_space<vmem>>
        %dma_wait3A_267 = tpu.memref_squeeze %dma_wait3A_266 : memref<1x1x16x128xf32, #tpu.memory_space<vmem>> -> memref<16x128xf32, #tpu.memory_space<vmem>>
        %dma_wait3A_268 = arith.constant 0 : i32
        %dma_wait3A_269 = arith.constant 0 : i32
        %dma_wait3A_270 = tpu.memref_slice %arg4[%dma_wait3A_268, %dma_wait3A_269] : memref<16x1000000xf32, #tpu.memory_space<hbm>> -> memref<16x128xf32, #tpu.memory_space<hbm>>
        tpu.wait_dma2 semaphore(%arg19 : memref<!tpu.dma_semaphore, #tpu.memory_space<semaphore_mem>>) src(%dma_wait3A_270 : memref<16x128xf32, #tpu.memory_space<hbm>>) dst(%dma_wait3A_267 : memref<16x128xf32, #tpu.memory_space<vmem>>)
        %sub3A = arith.constant 12 : i32
        %sub3A_271 = arith.subi %add3A_109, %sub3A : i32
        %broadcast_in_dim3A = arith.constant 0 : i32
        %broadcast_in_dim3A_272 = vector.broadcast %broadcast_in_dim3A : i32 to vector<16xi32>
        %add3A_273 = vector.broadcast %sub3A_271 : i32 to vector<16xi32>
        %add3A_274 = arith.addi %broadcast_in_dim3A_272, %add3A_273 : vector<16xi32>
        %gather3A = tpu.vector_load_idx %arg9[%add3A_274] : memref<512xi32, #tpu.memory_space<vmem>>[vector<16xi32>], vector<16xi32>,
        %and3A_275 = arith.constant 127 : i32
        %and3A_276 = vector.broadcast %and3A_275 : i32 to vector<16xi32>
        %and3A_277 = arith.andi %gather3A, %and3A_276 : vector<16xi32>
        %gather3A_278 = tpu.vector_load_idx %arg10[%add3A_274] : memref<512xi32, #tpu.memory_space<vmem>>[vector<16xi32>], vector<16xi32>,
        %and3A_279 = arith.constant 127 : i32
        %and3A_280 = vector.broadcast %and3A_279 : i32 to vector<16xi32>
        %and3A_281 = arith.andi %gather3A_278, %and3A_280 : vector<16xi32>
        %broadcast_in_dim3A_282 = arith.constant 0 : i32
        %broadcast_in_dim3A_283 = vector.broadcast %broadcast_in_dim3A_282 : i32 to vector<16xi32>
        %add3A_284 = arith.constant 6 : i32
        %add3A_285 = vector.broadcast %add3A_284 : i32 to vector<16xi32>
        %add3A_286 = arith.addi %broadcast_in_dim3A_283, %add3A_285 : vector<16xi32>
        %broadcast_in_dim3A_287 = arith.constant 0 : i32
        %broadcast_in_dim3A_288 = vector.broadcast %broadcast_in_dim3A_287 : i32 to vector<16xi32>
        %add3A_289 = arith.constant 0 : i32
        %add3A_290 = vector.broadcast %add3A_289 : i32 to vector<16xi32>
        %add3A_291 = arith.addi %broadcast_in_dim3A_288, %add3A_290 : vector<16xi32>
        %gather3A_292 = tpu.vector_load_idx %arg11[%add3A_286, %add3A_291, %iota3A, %and3A_277] : memref<12x4x16x128xf32, #tpu.memory_space<vmem>>[vector<16xi32>, vector<16xi32>, vector<16xi32>, vector<16xi32>], vector<16xf32>,
        %broadcast_in_dim3A_293 = arith.constant 0 : i32
        %broadcast_in_dim3A_294 = vector.broadcast %broadcast_in_dim3A_293 : i32 to vector<16xi32>
        %add3A_295 = arith.constant 1 : i32
        %add3A_296 = vector.broadcast %add3A_295 : i32 to vector<16xi32>
        %add3A_297 = arith.addi %broadcast_in_dim3A_294, %add3A_296 : vector<16xi32>
        %gather3A_298 = tpu.vector_load_idx %arg11[%add3A_286, %add3A_297, %iota3A, %and3A_281] : memref<12x4x16x128xf32, #tpu.memory_space<vmem>>[vector<16xi32>, vector<16xi32>, vector<16xi32>, vector<16xi32>], vector<16xf32>,
        %broadcast_in_dim3A_299 = arith.constant 0 : i32
        %broadcast_in_dim3A_300 = vector.broadcast %broadcast_in_dim3A_299 : i32 to vector<16xi32>
        %add3A_301 = arith.constant 2 : i32
        %add3A_302 = vector.broadcast %add3A_301 : i32 to vector<16xi32>
        %add3A_303 = arith.addi %broadcast_in_dim3A_300, %add3A_302 : vector<16xi32>
        %gather3A_304 = tpu.vector_load_idx %arg11[%add3A_286, %add3A_303, %iota3A, %and3A_277] : memref<12x4x16x128xf32, #tpu.memory_space<vmem>>[vector<16xi32>, vector<16xi32>, vector<16xi32>, vector<16xi32>], vector<16xf32>,
        %broadcast_in_dim3A_305 = arith.constant 0 : i32
        %broadcast_in_dim3A_306 = vector.broadcast %broadcast_in_dim3A_305 : i32 to vector<16xi32>
        %add3A_307 = arith.constant 3 : i32
        %add3A_308 = vector.broadcast %add3A_307 : i32 to vector<16xi32>
        %add3A_309 = arith.addi %broadcast_in_dim3A_306, %add3A_308 : vector<16xi32>
        %gather3A_310 = tpu.vector_load_idx %arg11[%add3A_286, %add3A_309, %iota3A, %and3A_281] : memref<12x4x16x128xf32, #tpu.memory_space<vmem>>[vector<16xi32>, vector<16xi32>, vector<16xi32>, vector<16xi32>], vector<16xf32>,
        %mul3A_311 = arith.mulf %gather3A_292, %gather3A_298 : vector<16xf32>
        %mul3A_312 = arith.mulf %gather3A_304, %gather3A_310 : vector<16xf32>
        %add3A_313 = arith.addf %mul3A_311, %mul3A_312 : vector<16xf32>
        %reduce_sum3A = arith.constant true
        %reduce_sum3A_314 = vector.broadcast %reduce_sum3A : i1 to vector<16xi1>
        %reduce_sum3A_315 = tpu.scan <sum>, %add3A_313 masked %reduce_sum3A_314 : vector<16xf32>, vector<16xi1> -> vector<16xf32>
        %reduce_sum3A_316 = vector.extract %reduce_sum3A_315[15] : f32 from vector<16xf32>
        %shift_right_arithmetic3A = arith.constant 4 : i32
        %shift_right_arithmetic3A_317 = arith.shrsi %sub3A_271, %shift_right_arithmetic3A : i32
        %and3A_318 = arith.constant 15 : i32
        %and3A_319 = arith.andi %sub3A_271, %and3A_318 : i32
        %mul3A_320 = arith.constant 16 : i32
        %mul3A_321 = arith.muli %shift_right_arithmetic3A_317, %mul3A_320 : i32
        %multiple_of3A = tpu.assume_multiple %mul3A_321, 16 : i32
        %eq3A = vector.broadcast %and3A_319 : i32 to vector<16xi32>
        %eq3A_322 = arith.cmpi eq, %iota3A, %eq3A : vector<16xi32>
        %get3A = arith.index_cast %multiple_of3A : i32 to index
        %get3A_323 = tpu.vector_load %arg12[%get3A] {strides = array<i32>} : memref<512xf32, #tpu.memory_space<vmem>>, vector<16xf32>,
        %broadcast_in_dim3A_324 = vector.broadcast %reduce_sum3A_316 : f32 to vector<16xf32>
        %select_n3A = arith.select %eq3A_322, %broadcast_in_dim3A_324, %get3A_323 : vector<16xi1>, vector<16xf32>
        %swap3A = arith.index_cast %multiple_of3A : i32 to index
        %swap3A_325 = tpu.vector_load %arg12[%swap3A] {strides = array<i32>} : memref<512xf32, #tpu.memory_space<vmem>>, vector<16xf32>,
        tpu.vector_store %arg12[%swap3A], %select_n3A {strides = array<i32>} : memref<512xf32, #tpu.memory_space<vmem>>, vector<16xf32>,
      } else {
      }
      %lt3A_118 = arith.constant 512 : i32
      %lt3A_119 = arith.cmpi slt, %add3A_109, %lt3A_118 : i32
      %convert_element_type3A_120 = arith.extui %lt3A_119 : i1 to i32
      %cond3A_121 = arith.constant 0 : i32
      %cond3A_122 = arith.cmpi ne, %convert_element_type3A_120, %cond3A_121 : i32
      scf.if %cond3A_122 {
        %broadcast_in_dim3A = arith.constant 0 : i32
        %broadcast_in_dim3A_208 = vector.broadcast %broadcast_in_dim3A : i32 to vector<16xi32>
        %add3A_209 = vector.broadcast %add3A_109 : i32 to vector<16xi32>
        %add3A_210 = arith.addi %broadcast_in_dim3A_208, %add3A_209 : vector<16xi32>
        %gather3A = tpu.vector_load_idx %arg9[%add3A_210] : memref<512xi32, #tpu.memory_space<vmem>>[vector<16xi32>], vector<16xi32>,
        %slice3A = vector.extract_strided_slice %gather3A {offsets = [0], sizes = [1], strides = [1]} : vector<16xi32> to vector<1xi32>
        %squeeze3A = vector.extract %slice3A[0] : i32 from vector<1xi32>
        %gather3A_211 = tpu.vector_load_idx %arg10[%add3A_210] : memref<512xi32, #tpu.memory_space<vmem>>[vector<16xi32>], vector<16xi32>,
        %slice3A_212 = vector.extract_strided_slice %gather3A_211 {offsets = [0], sizes = [1], strides = [1]} : vector<16xi32> to vector<1xi32>
        %squeeze3A_213 = vector.extract %slice3A_212[0] : i32 from vector<1xi32>
        %shift_right_arithmetic3A = arith.constant 7 : i32
        %shift_right_arithmetic3A_214 = arith.shrsi %squeeze3A, %shift_right_arithmetic3A : i32
        %mul3A_215 = arith.constant 128 : i32
        %mul3A_216 = arith.muli %shift_right_arithmetic3A_214, %mul3A_215 : i32
        %multiple_of3A = tpu.assume_multiple %mul3A_216, 128 : i32
        %dma_start3A = arith.constant 6 : i32
        %dma_start3A_217 = arith.constant 0 : i32
        %dma_start3A_218 = arith.constant 0 : i32
        %dma_start3A_219 = arith.constant 0 : i32
        %dma_start3A_220 = tpu.memref_slice %arg11[%dma_start3A, %dma_start3A_217, %dma_start3A_218, %dma_start3A_219] : memref<12x4x16x128xf32, #tpu.memory_space<vmem>> -> memref<1x1x16x128xf32, #tpu.memory_space<vmem>>
        %dma_start3A_221 = tpu.memref_squeeze %dma_start3A_220 : memref<1x1x16x128xf32, #tpu.memory_space<vmem>> -> memref<16x128xf32, #tpu.memory_space<vmem>>
        %dma_start3A_222 = arith.constant 0 : i32
        %dma_start3A_223 = tpu.memref_slice %arg4[%dma_start3A_222, %multiple_of3A] : memref<16x1000000xf32, #tpu.memory_space<hbm>> -> memref<16x128xf32, #tpu.memory_space<hbm>>
        %dma_start3A_224 = arith.constant 0 : i32
        %dma_start3A_225 = arith.constant 0 : i32
        %dma_start3A_226 = tpu.memref_slice %arg11[%dma_start3A, %dma_start3A_217, %dma_start3A_224, %dma_start3A_225] : memref<12x4x16x128xf32, #tpu.memory_space<vmem>> -> memref<1x1x16x128xf32, #tpu.memory_space<vmem>>
        %dma_start3A_227 = tpu.memref_squeeze %dma_start3A_226 : memref<1x1x16x128xf32, #tpu.memory_space<vmem>> -> memref<16x128xf32, #tpu.memory_space<vmem>>
        %dma_start3A_228 = arith.constant 0 : i32
        %dma_start3A_229 = tpu.memref_slice %arg4[%dma_start3A_228, %multiple_of3A] : memref<16x1000000xf32, #tpu.memory_space<hbm>> -> memref<16x128xf32, #tpu.memory_space<hbm>>
        tpu.enqueue_dma source(%dma_start3A_229 : memref<16x128xf32, #tpu.memory_space<hbm>>) target(%dma_start3A_227 : memref<16x128xf32, #tpu.memory_space<vmem>>) target_semaphore(%arg19 : memref<!tpu.dma_semaphore, #tpu.memory_space<semaphore_mem>>)
        %shift_right_arithmetic3A_230 = arith.constant 7 : i32
        %shift_right_arithmetic3A_231 = arith.shrsi %squeeze3A_213, %shift_right_arithmetic3A_230 : i32
        %mul3A_232 = arith.constant 128 : i32
        %mul3A_233 = arith.muli %shift_right_arithmetic3A_231, %mul3A_232 : i32
        %multiple_of3A_234 = tpu.assume_multiple %mul3A_233, 128 : i32
        %dma_start3A_235 = arith.constant 6 : i32
        %dma_start3A_236 = arith.constant 1 : i32
        %dma_start3A_237 = arith.constant 0 : i32
        %dma_start3A_238 = arith.constant 0 : i32
        %dma_start3A_239 = tpu.memref_slice %arg11[%dma_start3A_235, %dma_start3A_236, %dma_start3A_237, %dma_start3A_238] : memref<12x4x16x128xf32, #tpu.memory_space<vmem>> -> memref<1x1x16x128xf32, #tpu.memory_space<vmem>>
        %dma_start3A_240 = tpu.memref_squeeze %dma_start3A_239 : memref<1x1x16x128xf32, #tpu.memory_space<vmem>> -> memref<16x128xf32, #tpu.memory_space<vmem>>
        %dma_start3A_241 = arith.constant 0 : i32
        %dma_start3A_242 = tpu.memref_slice %arg5[%dma_start3A_241, %multiple_of3A_234] : memref<16x1000000xf32, #tpu.memory_space<hbm>> -> memref<16x128xf32, #tpu.memory_space<hbm>>
        %dma_start3A_243 = arith.constant 0 : i32
        %dma_start3A_244 = arith.constant 0 : i32
        %dma_start3A_245 = tpu.memref_slice %arg11[%dma_start3A_235, %dma_start3A_236, %dma_start3A_243, %dma_start3A_244] : memref<12x4x16x128xf32, #tpu.memory_space<vmem>> -> memref<1x1x16x128xf32, #tpu.memory_space<vmem>>
        %dma_start3A_246 = tpu.memref_squeeze %dma_start3A_245 : memref<1x1x16x128xf32, #tpu.memory_space<vmem>> -> memref<16x128xf32, #tpu.memory_space<vmem>>
        %dma_start3A_247 = arith.constant 0 : i32
        %dma_start3A_248 = tpu.memref_slice %arg5[%dma_start3A_247, %multiple_of3A_234] : memref<16x1000000xf32, #tpu.memory_space<hbm>> -> memref<16x128xf32, #tpu.memory_space<hbm>>
        tpu.enqueue_dma source(%dma_start3A_248 : memref<16x128xf32, #tpu.memory_space<hbm>>) target(%dma_start3A_246 : memref<16x128xf32, #tpu.memory_space<vmem>>) target_semaphore(%arg19 : memref<!tpu.dma_semaphore, #tpu.memory_space<semaphore_mem>>)
        %shift_right_arithmetic3A_249 = arith.constant 7 : i32
        %shift_right_arithmetic3A_250 = arith.shrsi %squeeze3A, %shift_right_arithmetic3A_249 : i32
        %mul3A_251 = arith.constant 128 : i32
        %mul3A_252 = arith.muli %shift_right_arithmetic3A_250, %mul3A_251 : i32
        %multiple_of3A_253 = tpu.assume_multiple %mul3A_252, 128 : i32
        %dma_start3A_254 = arith.constant 6 : i32
        %dma_start3A_255 = arith.constant 2 : i32
        %dma_start3A_256 = arith.constant 0 : i32
        %dma_start3A_257 = arith.constant 0 : i32
        %dma_start3A_258 = tpu.memref_slice %arg11[%dma_start3A_254, %dma_start3A_255, %dma_start3A_256, %dma_start3A_257] : memref<12x4x16x128xf32, #tpu.memory_space<vmem>> -> memref<1x1x16x128xf32, #tpu.memory_space<vmem>>
        %dma_start3A_259 = tpu.memref_squeeze %dma_start3A_258 : memref<1x1x16x128xf32, #tpu.memory_space<vmem>> -> memref<16x128xf32, #tpu.memory_space<vmem>>
        %dma_start3A_260 = arith.constant 0 : i32
        %dma_start3A_261 = tpu.memref_slice %arg6[%dma_start3A_260, %multiple_of3A_253] : memref<16x1000000xf32, #tpu.memory_space<hbm>> -> memref<16x128xf32, #tpu.memory_space<hbm>>
        %dma_start3A_262 = arith.constant 0 : i32
        %dma_start3A_263 = arith.constant 0 : i32
        %dma_start3A_264 = tpu.memref_slice %arg11[%dma_start3A_254, %dma_start3A_255, %dma_start3A_262, %dma_start3A_263] : memref<12x4x16x128xf32, #tpu.memory_space<vmem>> -> memref<1x1x16x128xf32, #tpu.memory_space<vmem>>
        %dma_start3A_265 = tpu.memref_squeeze %dma_start3A_264 : memref<1x1x16x128xf32, #tpu.memory_space<vmem>> -> memref<16x128xf32, #tpu.memory_space<vmem>>
        %dma_start3A_266 = arith.constant 0 : i32
        %dma_start3A_267 = tpu.memref_slice %arg6[%dma_start3A_266, %multiple_of3A_253] : memref<16x1000000xf32, #tpu.memory_space<hbm>> -> memref<16x128xf32, #tpu.memory_space<hbm>>
        tpu.enqueue_dma source(%dma_start3A_267 : memref<16x128xf32, #tpu.memory_space<hbm>>) target(%dma_start3A_265 : memref<16x128xf32, #tpu.memory_space<vmem>>) target_semaphore(%arg19 : memref<!tpu.dma_semaphore, #tpu.memory_space<semaphore_mem>>)
        %shift_right_arithmetic3A_268 = arith.constant 7 : i32
        %shift_right_arithmetic3A_269 = arith.shrsi %squeeze3A_213, %shift_right_arithmetic3A_268 : i32
        %mul3A_270 = arith.constant 128 : i32
        %mul3A_271 = arith.muli %shift_right_arithmetic3A_269, %mul3A_270 : i32
        %multiple_of3A_272 = tpu.assume_multiple %mul3A_271, 128 : i32
        %dma_start3A_273 = arith.constant 6 : i32
        %dma_start3A_274 = arith.constant 3 : i32
        %dma_start3A_275 = arith.constant 0 : i32
        %dma_start3A_276 = arith.constant 0 : i32
        %dma_start3A_277 = tpu.memref_slice %arg11[%dma_start3A_273, %dma_start3A_274, %dma_start3A_275, %dma_start3A_276] : memref<12x4x16x128xf32, #tpu.memory_space<vmem>> -> memref<1x1x16x128xf32, #tpu.memory_space<vmem>>
        %dma_start3A_278 = tpu.memref_squeeze %dma_start3A_277 : memref<1x1x16x128xf32, #tpu.memory_space<vmem>> -> memref<16x128xf32, #tpu.memory_space<vmem>>
        %dma_start3A_279 = arith.constant 0 : i32
        %dma_start3A_280 = tpu.memref_slice %arg7[%dma_start3A_279, %multiple_of3A_272] : memref<16x1000000xf32, #tpu.memory_space<hbm>> -> memref<16x128xf32, #tpu.memory_space<hbm>>
        %dma_start3A_281 = arith.constant 0 : i32
        %dma_start3A_282 = arith.constant 0 : i32
        %dma_start3A_283 = tpu.memref_slice %arg11[%dma_start3A_273, %dma_start3A_274, %dma_start3A_281, %dma_start3A_282] : memref<12x4x16x128xf32, #tpu.memory_space<vmem>> -> memref<1x1x16x128xf32, #tpu.memory_space<vmem>>
        %dma_start3A_284 = tpu.memref_squeeze %dma_start3A_283 : memref<1x1x16x128xf32, #tpu.memory_space<vmem>> -> memref<16x128xf32, #tpu.memory_space<vmem>>
        %dma_start3A_285 = arith.constant 0 : i32
        %dma_start3A_286 = tpu.memref_slice %arg7[%dma_start3A_285, %multiple_of3A_272] : memref<16x1000000xf32, #tpu.memory_space<hbm>> -> memref<16x128xf32, #tpu.memory_space<hbm>>
        tpu.enqueue_dma source(%dma_start3A_286 : memref<16x128xf32, #tpu.memory_space<hbm>>) target(%dma_start3A_284 : memref<16x128xf32, #tpu.memory_space<vmem>>) target_semaphore(%arg19 : memref<!tpu.dma_semaphore, #tpu.memory_space<semaphore_mem>>)
      } else {
      }
      %mul3A_123 = arith.constant 12 : i32
      %mul3A_124 = arith.muli %scan3A_8, %mul3A_123 : i32
      %add3A_125 = arith.constant 7 : i32
      %add3A_126 = arith.addi %mul3A_124, %add3A_125 : i32
      %ge3A_127 = arith.constant 12 : i32
      %ge3A_128 = arith.cmpi sge, %add3A_126, %ge3A_127 : i32
      %lt3A_129 = arith.constant 524 : i32
      %lt3A_130 = arith.cmpi slt, %add3A_126, %lt3A_129 : i32
      %and3A_131 = arith.andi %ge3A_128, %lt3A_130 : i1
      %convert_element_type3A_132 = arith.extui %and3A_131 : i1 to i32
      %cond3A_133 = arith.constant 0 : i32
      %cond3A_134 = arith.cmpi ne, %convert_element_type3A_132, %cond3A_133 : i32
      scf.if %cond3A_134 {
        %dma_wait3A = arith.constant 0 : i32
        %dma_wait3A_208 = arith.constant 0 : i32
        %dma_wait3A_209 = arith.constant 0 : i32
        %dma_wait3A_210 = arith.constant 0 : i32
        %dma_wait3A_211 = tpu.memref_slice %arg11[%dma_wait3A, %dma_wait3A_208, %dma_wait3A_209, %dma_wait3A_210] : memref<12x4x16x128xf32, #tpu.memory_space<vmem>> -> memref<1x1x16x128xf32, #tpu.memory_space<vmem>>
        %dma_wait3A_212 = tpu.memref_squeeze %dma_wait3A_211 : memref<1x1x16x128xf32, #tpu.memory_space<vmem>> -> memref<16x128xf32, #tpu.memory_space<vmem>>
        %dma_wait3A_213 = arith.constant 0 : i32
        %dma_wait3A_214 = arith.constant 0 : i32
        %dma_wait3A_215 = tpu.memref_slice %arg4[%dma_wait3A_213, %dma_wait3A_214] : memref<16x1000000xf32, #tpu.memory_space<hbm>> -> memref<16x128xf32, #tpu.memory_space<hbm>>
        %dma_wait3A_216 = arith.constant 0 : i32
        %dma_wait3A_217 = arith.constant 0 : i32
        %dma_wait3A_218 = tpu.memref_slice %arg11[%dma_wait3A, %dma_wait3A_208, %dma_wait3A_216, %dma_wait3A_217] : memref<12x4x16x128xf32, #tpu.memory_space<vmem>> -> memref<1x1x16x128xf32, #tpu.memory_space<vmem>>
        %dma_wait3A_219 = tpu.memref_squeeze %dma_wait3A_218 : memref<1x1x16x128xf32, #tpu.memory_space<vmem>> -> memref<16x128xf32, #tpu.memory_space<vmem>>
        %dma_wait3A_220 = arith.constant 0 : i32
        %dma_wait3A_221 = arith.constant 0 : i32
        %dma_wait3A_222 = tpu.memref_slice %arg4[%dma_wait3A_220, %dma_wait3A_221] : memref<16x1000000xf32, #tpu.memory_space<hbm>> -> memref<16x128xf32, #tpu.memory_space<hbm>>
        tpu.wait_dma2 semaphore(%arg20 : memref<!tpu.dma_semaphore, #tpu.memory_space<semaphore_mem>>) src(%dma_wait3A_222 : memref<16x128xf32, #tpu.memory_space<hbm>>) dst(%dma_wait3A_219 : memref<16x128xf32, #tpu.memory_space<vmem>>)
        %dma_wait3A_223 = arith.constant 0 : i32
        %dma_wait3A_224 = arith.constant 0 : i32
        %dma_wait3A_225 = arith.constant 0 : i32
        %dma_wait3A_226 = arith.constant 0 : i32
        %dma_wait3A_227 = tpu.memref_slice %arg11[%dma_wait3A_223, %dma_wait3A_224, %dma_wait3A_225, %dma_wait3A_226] : memref<12x4x16x128xf32, #tpu.memory_space<vmem>> -> memref<1x1x16x128xf32, #tpu.memory_space<vmem>>
        %dma_wait3A_228 = tpu.memref_squeeze %dma_wait3A_227 : memref<1x1x16x128xf32, #tpu.memory_space<vmem>> -> memref<16x128xf32, #tpu.memory_space<vmem>>
        %dma_wait3A_229 = arith.constant 0 : i32
        %dma_wait3A_230 = arith.constant 0 : i32
        %dma_wait3A_231 = tpu.memref_slice %arg4[%dma_wait3A_229, %dma_wait3A_230] : memref<16x1000000xf32, #tpu.memory_space<hbm>> -> memref<16x128xf32, #tpu.memory_space<hbm>>
        %dma_wait3A_232 = arith.constant 0 : i32
        %dma_wait3A_233 = arith.constant 0 : i32
        %dma_wait3A_234 = tpu.memref_slice %arg11[%dma_wait3A_223, %dma_wait3A_224, %dma_wait3A_232, %dma_wait3A_233] : memref<12x4x16x128xf32, #tpu.memory_space<vmem>> -> memref<1x1x16x128xf32, #tpu.memory_space<vmem>>
        %dma_wait3A_235 = tpu.memref_squeeze %dma_wait3A_234 : memref<1x1x16x128xf32, #tpu.memory_space<vmem>> -> memref<16x128xf32, #tpu.memory_space<vmem>>
        %dma_wait3A_236 = arith.constant 0 : i32
        %dma_wait3A_237 = arith.constant 0 : i32
        %dma_wait3A_238 = tpu.memref_slice %arg4[%dma_wait3A_236, %dma_wait3A_237] : memref<16x1000000xf32, #tpu.memory_space<hbm>> -> memref<16x128xf32, #tpu.memory_space<hbm>>
        tpu.wait_dma2 semaphore(%arg20 : memref<!tpu.dma_semaphore, #tpu.memory_space<semaphore_mem>>) src(%dma_wait3A_238 : memref<16x128xf32, #tpu.memory_space<hbm>>) dst(%dma_wait3A_235 : memref<16x128xf32, #tpu.memory_space<vmem>>)
        %dma_wait3A_239 = arith.constant 0 : i32
        %dma_wait3A_240 = arith.constant 0 : i32
        %dma_wait3A_241 = arith.constant 0 : i32
        %dma_wait3A_242 = arith.constant 0 : i32
        %dma_wait3A_243 = tpu.memref_slice %arg11[%dma_wait3A_239, %dma_wait3A_240, %dma_wait3A_241, %dma_wait3A_242] : memref<12x4x16x128xf32, #tpu.memory_space<vmem>> -> memref<1x1x16x128xf32, #tpu.memory_space<vmem>>
        %dma_wait3A_244 = tpu.memref_squeeze %dma_wait3A_243 : memref<1x1x16x128xf32, #tpu.memory_space<vmem>> -> memref<16x128xf32, #tpu.memory_space<vmem>>
        %dma_wait3A_245 = arith.constant 0 : i32
        %dma_wait3A_246 = arith.constant 0 : i32
        %dma_wait3A_247 = tpu.memref_slice %arg4[%dma_wait3A_245, %dma_wait3A_246] : memref<16x1000000xf32, #tpu.memory_space<hbm>> -> memref<16x128xf32, #tpu.memory_space<hbm>>
        %dma_wait3A_248 = arith.constant 0 : i32
        %dma_wait3A_249 = arith.constant 0 : i32
        %dma_wait3A_250 = tpu.memref_slice %arg11[%dma_wait3A_239, %dma_wait3A_240, %dma_wait3A_248, %dma_wait3A_249] : memref<12x4x16x128xf32, #tpu.memory_space<vmem>> -> memref<1x1x16x128xf32, #tpu.memory_space<vmem>>
        %dma_wait3A_251 = tpu.memref_squeeze %dma_wait3A_250 : memref<1x1x16x128xf32, #tpu.memory_space<vmem>> -> memref<16x128xf32, #tpu.memory_space<vmem>>
        %dma_wait3A_252 = arith.constant 0 : i32
        %dma_wait3A_253 = arith.constant 0 : i32
        %dma_wait3A_254 = tpu.memref_slice %arg4[%dma_wait3A_252, %dma_wait3A_253] : memref<16x1000000xf32, #tpu.memory_space<hbm>> -> memref<16x128xf32, #tpu.memory_space<hbm>>
        tpu.wait_dma2 semaphore(%arg20 : memref<!tpu.dma_semaphore, #tpu.memory_space<semaphore_mem>>) src(%dma_wait3A_254 : memref<16x128xf32, #tpu.memory_space<hbm>>) dst(%dma_wait3A_251 : memref<16x128xf32, #tpu.memory_space<vmem>>)
        %dma_wait3A_255 = arith.constant 0 : i32
        %dma_wait3A_256 = arith.constant 0 : i32
        %dma_wait3A_257 = arith.constant 0 : i32
        %dma_wait3A_258 = arith.constant 0 : i32
        %dma_wait3A_259 = tpu.memref_slice %arg11[%dma_wait3A_255, %dma_wait3A_256, %dma_wait3A_257, %dma_wait3A_258] : memref<12x4x16x128xf32, #tpu.memory_space<vmem>> -> memref<1x1x16x128xf32, #tpu.memory_space<vmem>>
        %dma_wait3A_260 = tpu.memref_squeeze %dma_wait3A_259 : memref<1x1x16x128xf32, #tpu.memory_space<vmem>> -> memref<16x128xf32, #tpu.memory_space<vmem>>
        %dma_wait3A_261 = arith.constant 0 : i32
        %dma_wait3A_262 = arith.constant 0 : i32
        %dma_wait3A_263 = tpu.memref_slice %arg4[%dma_wait3A_261, %dma_wait3A_262] : memref<16x1000000xf32, #tpu.memory_space<hbm>> -> memref<16x128xf32, #tpu.memory_space<hbm>>
        %dma_wait3A_264 = arith.constant 0 : i32
        %dma_wait3A_265 = arith.constant 0 : i32
        %dma_wait3A_266 = tpu.memref_slice %arg11[%dma_wait3A_255, %dma_wait3A_256, %dma_wait3A_264, %dma_wait3A_265] : memref<12x4x16x128xf32, #tpu.memory_space<vmem>> -> memref<1x1x16x128xf32, #tpu.memory_space<vmem>>
        %dma_wait3A_267 = tpu.memref_squeeze %dma_wait3A_266 : memref<1x1x16x128xf32, #tpu.memory_space<vmem>> -> memref<16x128xf32, #tpu.memory_space<vmem>>
        %dma_wait3A_268 = arith.constant 0 : i32
        %dma_wait3A_269 = arith.constant 0 : i32
        %dma_wait3A_270 = tpu.memref_slice %arg4[%dma_wait3A_268, %dma_wait3A_269] : memref<16x1000000xf32, #tpu.memory_space<hbm>> -> memref<16x128xf32, #tpu.memory_space<hbm>>
        tpu.wait_dma2 semaphore(%arg20 : memref<!tpu.dma_semaphore, #tpu.memory_space<semaphore_mem>>) src(%dma_wait3A_270 : memref<16x128xf32, #tpu.memory_space<hbm>>) dst(%dma_wait3A_267 : memref<16x128xf32, #tpu.memory_space<vmem>>)
        %sub3A = arith.constant 12 : i32
        %sub3A_271 = arith.subi %add3A_126, %sub3A : i32
        %broadcast_in_dim3A = arith.constant 0 : i32
        %broadcast_in_dim3A_272 = vector.broadcast %broadcast_in_dim3A : i32 to vector<16xi32>
        %add3A_273 = vector.broadcast %sub3A_271 : i32 to vector<16xi32>
        %add3A_274 = arith.addi %broadcast_in_dim3A_272, %add3A_273 : vector<16xi32>
        %gather3A = tpu.vector_load_idx %arg9[%add3A_274] : memref<512xi32, #tpu.memory_space<vmem>>[vector<16xi32>], vector<16xi32>,
        %and3A_275 = arith.constant 127 : i32
        %and3A_276 = vector.broadcast %and3A_275 : i32 to vector<16xi32>
        %and3A_277 = arith.andi %gather3A, %and3A_276 : vector<16xi32>
        %gather3A_278 = tpu.vector_load_idx %arg10[%add3A_274] : memref<512xi32, #tpu.memory_space<vmem>>[vector<16xi32>], vector<16xi32>,
        %and3A_279 = arith.constant 127 : i32
        %and3A_280 = vector.broadcast %and3A_279 : i32 to vector<16xi32>
        %and3A_281 = arith.andi %gather3A_278, %and3A_280 : vector<16xi32>
        %broadcast_in_dim3A_282 = arith.constant 0 : i32
        %broadcast_in_dim3A_283 = vector.broadcast %broadcast_in_dim3A_282 : i32 to vector<16xi32>
        %add3A_284 = arith.constant 7 : i32
        %add3A_285 = vector.broadcast %add3A_284 : i32 to vector<16xi32>
        %add3A_286 = arith.addi %broadcast_in_dim3A_283, %add3A_285 : vector<16xi32>
        %broadcast_in_dim3A_287 = arith.constant 0 : i32
        %broadcast_in_dim3A_288 = vector.broadcast %broadcast_in_dim3A_287 : i32 to vector<16xi32>
        %add3A_289 = arith.constant 0 : i32
        %add3A_290 = vector.broadcast %add3A_289 : i32 to vector<16xi32>
        %add3A_291 = arith.addi %broadcast_in_dim3A_288, %add3A_290 : vector<16xi32>
        %gather3A_292 = tpu.vector_load_idx %arg11[%add3A_286, %add3A_291, %iota3A, %and3A_277] : memref<12x4x16x128xf32, #tpu.memory_space<vmem>>[vector<16xi32>, vector<16xi32>, vector<16xi32>, vector<16xi32>], vector<16xf32>,
        %broadcast_in_dim3A_293 = arith.constant 0 : i32
        %broadcast_in_dim3A_294 = vector.broadcast %broadcast_in_dim3A_293 : i32 to vector<16xi32>
        %add3A_295 = arith.constant 1 : i32
        %add3A_296 = vector.broadcast %add3A_295 : i32 to vector<16xi32>
        %add3A_297 = arith.addi %broadcast_in_dim3A_294, %add3A_296 : vector<16xi32>
        %gather3A_298 = tpu.vector_load_idx %arg11[%add3A_286, %add3A_297, %iota3A, %and3A_281] : memref<12x4x16x128xf32, #tpu.memory_space<vmem>>[vector<16xi32>, vector<16xi32>, vector<16xi32>, vector<16xi32>], vector<16xf32>,
        %broadcast_in_dim3A_299 = arith.constant 0 : i32
        %broadcast_in_dim3A_300 = vector.broadcast %broadcast_in_dim3A_299 : i32 to vector<16xi32>
        %add3A_301 = arith.constant 2 : i32
        %add3A_302 = vector.broadcast %add3A_301 : i32 to vector<16xi32>
        %add3A_303 = arith.addi %broadcast_in_dim3A_300, %add3A_302 : vector<16xi32>
        %gather3A_304 = tpu.vector_load_idx %arg11[%add3A_286, %add3A_303, %iota3A, %and3A_277] : memref<12x4x16x128xf32, #tpu.memory_space<vmem>>[vector<16xi32>, vector<16xi32>, vector<16xi32>, vector<16xi32>], vector<16xf32>,
        %broadcast_in_dim3A_305 = arith.constant 0 : i32
        %broadcast_in_dim3A_306 = vector.broadcast %broadcast_in_dim3A_305 : i32 to vector<16xi32>
        %add3A_307 = arith.constant 3 : i32
        %add3A_308 = vector.broadcast %add3A_307 : i32 to vector<16xi32>
        %add3A_309 = arith.addi %broadcast_in_dim3A_306, %add3A_308 : vector<16xi32>
        %gather3A_310 = tpu.vector_load_idx %arg11[%add3A_286, %add3A_309, %iota3A, %and3A_281] : memref<12x4x16x128xf32, #tpu.memory_space<vmem>>[vector<16xi32>, vector<16xi32>, vector<16xi32>, vector<16xi32>], vector<16xf32>,
        %mul3A_311 = arith.mulf %gather3A_292, %gather3A_298 : vector<16xf32>
        %mul3A_312 = arith.mulf %gather3A_304, %gather3A_310 : vector<16xf32>
        %add3A_313 = arith.addf %mul3A_311, %mul3A_312 : vector<16xf32>
        %reduce_sum3A = arith.constant true
        %reduce_sum3A_314 = vector.broadcast %reduce_sum3A : i1 to vector<16xi1>
        %reduce_sum3A_315 = tpu.scan <sum>, %add3A_313 masked %reduce_sum3A_314 : vector<16xf32>, vector<16xi1> -> vector<16xf32>
        %reduce_sum3A_316 = vector.extract %reduce_sum3A_315[15] : f32 from vector<16xf32>
        %shift_right_arithmetic3A = arith.constant 4 : i32
        %shift_right_arithmetic3A_317 = arith.shrsi %sub3A_271, %shift_right_arithmetic3A : i32
        %and3A_318 = arith.constant 15 : i32
        %and3A_319 = arith.andi %sub3A_271, %and3A_318 : i32
        %mul3A_320 = arith.constant 16 : i32
        %mul3A_321 = arith.muli %shift_right_arithmetic3A_317, %mul3A_320 : i32
        %multiple_of3A = tpu.assume_multiple %mul3A_321, 16 : i32
        %eq3A = vector.broadcast %and3A_319 : i32 to vector<16xi32>
        %eq3A_322 = arith.cmpi eq, %iota3A, %eq3A : vector<16xi32>
        %get3A = arith.index_cast %multiple_of3A : i32 to index
        %get3A_323 = tpu.vector_load %arg12[%get3A] {strides = array<i32>} : memref<512xf32, #tpu.memory_space<vmem>>, vector<16xf32>,
        %broadcast_in_dim3A_324 = vector.broadcast %reduce_sum3A_316 : f32 to vector<16xf32>
        %select_n3A = arith.select %eq3A_322, %broadcast_in_dim3A_324, %get3A_323 : vector<16xi1>, vector<16xf32>
        %swap3A = arith.index_cast %multiple_of3A : i32 to index
        %swap3A_325 = tpu.vector_load %arg12[%swap3A] {strides = array<i32>} : memref<512xf32, #tpu.memory_space<vmem>>, vector<16xf32>,
        tpu.vector_store %arg12[%swap3A], %select_n3A {strides = array<i32>} : memref<512xf32, #tpu.memory_space<vmem>>, vector<16xf32>,
      } else {
      }
      %lt3A_135 = arith.constant 512 : i32
      %lt3A_136 = arith.cmpi slt, %add3A_126, %lt3A_135 : i32
      %convert_element_type3A_137 = arith.extui %lt3A_136 : i1 to i32
      %cond3A_138 = arith.constant 0 : i32
      %cond3A_139 = arith.cmpi ne, %convert_element_type3A_137, %cond3A_138 : i32
      scf.if %cond3A_139 {
        %broadcast_in_dim3A = arith.constant 0 : i32
        %broadcast_in_dim3A_208 = vector.broadcast %broadcast_in_dim3A : i32 to vector<16xi32>
        %add3A_209 = vector.broadcast %add3A_126 : i32 to vector<16xi32>
        %add3A_210 = arith.addi %broadcast_in_dim3A_208, %add3A_209 : vector<16xi32>
        %gather3A = tpu.vector_load_idx %arg9[%add3A_210] : memref<512xi32, #tpu.memory_space<vmem>>[vector<16xi32>], vector<16xi32>,
        %slice3A = vector.extract_strided_slice %gather3A {offsets = [0], sizes = [1], strides = [1]} : vector<16xi32> to vector<1xi32>
        %squeeze3A = vector.extract %slice3A[0] : i32 from vector<1xi32>
        %gather3A_211 = tpu.vector_load_idx %arg10[%add3A_210] : memref<512xi32, #tpu.memory_space<vmem>>[vector<16xi32>], vector<16xi32>,
        %slice3A_212 = vector.extract_strided_slice %gather3A_211 {offsets = [0], sizes = [1], strides = [1]} : vector<16xi32> to vector<1xi32>
        %squeeze3A_213 = vector.extract %slice3A_212[0] : i32 from vector<1xi32>
        %shift_right_arithmetic3A = arith.constant 7 : i32
        %shift_right_arithmetic3A_214 = arith.shrsi %squeeze3A, %shift_right_arithmetic3A : i32
        %mul3A_215 = arith.constant 128 : i32
        %mul3A_216 = arith.muli %shift_right_arithmetic3A_214, %mul3A_215 : i32
        %multiple_of3A = tpu.assume_multiple %mul3A_216, 128 : i32
        %dma_start3A = arith.constant 7 : i32
        %dma_start3A_217 = arith.constant 0 : i32
        %dma_start3A_218 = arith.constant 0 : i32
        %dma_start3A_219 = arith.constant 0 : i32
        %dma_start3A_220 = tpu.memref_slice %arg11[%dma_start3A, %dma_start3A_217, %dma_start3A_218, %dma_start3A_219] : memref<12x4x16x128xf32, #tpu.memory_space<vmem>> -> memref<1x1x16x128xf32, #tpu.memory_space<vmem>>
        %dma_start3A_221 = tpu.memref_squeeze %dma_start3A_220 : memref<1x1x16x128xf32, #tpu.memory_space<vmem>> -> memref<16x128xf32, #tpu.memory_space<vmem>>
        %dma_start3A_222 = arith.constant 0 : i32
        %dma_start3A_223 = tpu.memref_slice %arg4[%dma_start3A_222, %multiple_of3A] : memref<16x1000000xf32, #tpu.memory_space<hbm>> -> memref<16x128xf32, #tpu.memory_space<hbm>>
        %dma_start3A_224 = arith.constant 0 : i32
        %dma_start3A_225 = arith.constant 0 : i32
        %dma_start3A_226 = tpu.memref_slice %arg11[%dma_start3A, %dma_start3A_217, %dma_start3A_224, %dma_start3A_225] : memref<12x4x16x128xf32, #tpu.memory_space<vmem>> -> memref<1x1x16x128xf32, #tpu.memory_space<vmem>>
        %dma_start3A_227 = tpu.memref_squeeze %dma_start3A_226 : memref<1x1x16x128xf32, #tpu.memory_space<vmem>> -> memref<16x128xf32, #tpu.memory_space<vmem>>
        %dma_start3A_228 = arith.constant 0 : i32
        %dma_start3A_229 = tpu.memref_slice %arg4[%dma_start3A_228, %multiple_of3A] : memref<16x1000000xf32, #tpu.memory_space<hbm>> -> memref<16x128xf32, #tpu.memory_space<hbm>>
        tpu.enqueue_dma source(%dma_start3A_229 : memref<16x128xf32, #tpu.memory_space<hbm>>) target(%dma_start3A_227 : memref<16x128xf32, #tpu.memory_space<vmem>>) target_semaphore(%arg20 : memref<!tpu.dma_semaphore, #tpu.memory_space<semaphore_mem>>)
        %shift_right_arithmetic3A_230 = arith.constant 7 : i32
        %shift_right_arithmetic3A_231 = arith.shrsi %squeeze3A_213, %shift_right_arithmetic3A_230 : i32
        %mul3A_232 = arith.constant 128 : i32
        %mul3A_233 = arith.muli %shift_right_arithmetic3A_231, %mul3A_232 : i32
        %multiple_of3A_234 = tpu.assume_multiple %mul3A_233, 128 : i32
        %dma_start3A_235 = arith.constant 7 : i32
        %dma_start3A_236 = arith.constant 1 : i32
        %dma_start3A_237 = arith.constant 0 : i32
        %dma_start3A_238 = arith.constant 0 : i32
        %dma_start3A_239 = tpu.memref_slice %arg11[%dma_start3A_235, %dma_start3A_236, %dma_start3A_237, %dma_start3A_238] : memref<12x4x16x128xf32, #tpu.memory_space<vmem>> -> memref<1x1x16x128xf32, #tpu.memory_space<vmem>>
        %dma_start3A_240 = tpu.memref_squeeze %dma_start3A_239 : memref<1x1x16x128xf32, #tpu.memory_space<vmem>> -> memref<16x128xf32, #tpu.memory_space<vmem>>
        %dma_start3A_241 = arith.constant 0 : i32
        %dma_start3A_242 = tpu.memref_slice %arg5[%dma_start3A_241, %multiple_of3A_234] : memref<16x1000000xf32, #tpu.memory_space<hbm>> -> memref<16x128xf32, #tpu.memory_space<hbm>>
        %dma_start3A_243 = arith.constant 0 : i32
        %dma_start3A_244 = arith.constant 0 : i32
        %dma_start3A_245 = tpu.memref_slice %arg11[%dma_start3A_235, %dma_start3A_236, %dma_start3A_243, %dma_start3A_244] : memref<12x4x16x128xf32, #tpu.memory_space<vmem>> -> memref<1x1x16x128xf32, #tpu.memory_space<vmem>>
        %dma_start3A_246 = tpu.memref_squeeze %dma_start3A_245 : memref<1x1x16x128xf32, #tpu.memory_space<vmem>> -> memref<16x128xf32, #tpu.memory_space<vmem>>
        %dma_start3A_247 = arith.constant 0 : i32
        %dma_start3A_248 = tpu.memref_slice %arg5[%dma_start3A_247, %multiple_of3A_234] : memref<16x1000000xf32, #tpu.memory_space<hbm>> -> memref<16x128xf32, #tpu.memory_space<hbm>>
        tpu.enqueue_dma source(%dma_start3A_248 : memref<16x128xf32, #tpu.memory_space<hbm>>) target(%dma_start3A_246 : memref<16x128xf32, #tpu.memory_space<vmem>>) target_semaphore(%arg20 : memref<!tpu.dma_semaphore, #tpu.memory_space<semaphore_mem>>)
        %shift_right_arithmetic3A_249 = arith.constant 7 : i32
        %shift_right_arithmetic3A_250 = arith.shrsi %squeeze3A, %shift_right_arithmetic3A_249 : i32
        %mul3A_251 = arith.constant 128 : i32
        %mul3A_252 = arith.muli %shift_right_arithmetic3A_250, %mul3A_251 : i32
        %multiple_of3A_253 = tpu.assume_multiple %mul3A_252, 128 : i32
        %dma_start3A_254 = arith.constant 7 : i32
        %dma_start3A_255 = arith.constant 2 : i32
        %dma_start3A_256 = arith.constant 0 : i32
        %dma_start3A_257 = arith.constant 0 : i32
        %dma_start3A_258 = tpu.memref_slice %arg11[%dma_start3A_254, %dma_start3A_255, %dma_start3A_256, %dma_start3A_257] : memref<12x4x16x128xf32, #tpu.memory_space<vmem>> -> memref<1x1x16x128xf32, #tpu.memory_space<vmem>>
        %dma_start3A_259 = tpu.memref_squeeze %dma_start3A_258 : memref<1x1x16x128xf32, #tpu.memory_space<vmem>> -> memref<16x128xf32, #tpu.memory_space<vmem>>
        %dma_start3A_260 = arith.constant 0 : i32
        %dma_start3A_261 = tpu.memref_slice %arg6[%dma_start3A_260, %multiple_of3A_253] : memref<16x1000000xf32, #tpu.memory_space<hbm>> -> memref<16x128xf32, #tpu.memory_space<hbm>>
        %dma_start3A_262 = arith.constant 0 : i32
        %dma_start3A_263 = arith.constant 0 : i32
        %dma_start3A_264 = tpu.memref_slice %arg11[%dma_start3A_254, %dma_start3A_255, %dma_start3A_262, %dma_start3A_263] : memref<12x4x16x128xf32, #tpu.memory_space<vmem>> -> memref<1x1x16x128xf32, #tpu.memory_space<vmem>>
        %dma_start3A_265 = tpu.memref_squeeze %dma_start3A_264 : memref<1x1x16x128xf32, #tpu.memory_space<vmem>> -> memref<16x128xf32, #tpu.memory_space<vmem>>
        %dma_start3A_266 = arith.constant 0 : i32
        %dma_start3A_267 = tpu.memref_slice %arg6[%dma_start3A_266, %multiple_of3A_253] : memref<16x1000000xf32, #tpu.memory_space<hbm>> -> memref<16x128xf32, #tpu.memory_space<hbm>>
        tpu.enqueue_dma source(%dma_start3A_267 : memref<16x128xf32, #tpu.memory_space<hbm>>) target(%dma_start3A_265 : memref<16x128xf32, #tpu.memory_space<vmem>>) target_semaphore(%arg20 : memref<!tpu.dma_semaphore, #tpu.memory_space<semaphore_mem>>)
        %shift_right_arithmetic3A_268 = arith.constant 7 : i32
        %shift_right_arithmetic3A_269 = arith.shrsi %squeeze3A_213, %shift_right_arithmetic3A_268 : i32
        %mul3A_270 = arith.constant 128 : i32
        %mul3A_271 = arith.muli %shift_right_arithmetic3A_269, %mul3A_270 : i32
        %multiple_of3A_272 = tpu.assume_multiple %mul3A_271, 128 : i32
        %dma_start3A_273 = arith.constant 7 : i32
        %dma_start3A_274 = arith.constant 3 : i32
        %dma_start3A_275 = arith.constant 0 : i32
        %dma_start3A_276 = arith.constant 0 : i32
        %dma_start3A_277 = tpu.memref_slice %arg11[%dma_start3A_273, %dma_start3A_274, %dma_start3A_275, %dma_start3A_276] : memref<12x4x16x128xf32, #tpu.memory_space<vmem>> -> memref<1x1x16x128xf32, #tpu.memory_space<vmem>>
        %dma_start3A_278 = tpu.memref_squeeze %dma_start3A_277 : memref<1x1x16x128xf32, #tpu.memory_space<vmem>> -> memref<16x128xf32, #tpu.memory_space<vmem>>
        %dma_start3A_279 = arith.constant 0 : i32
        %dma_start3A_280 = tpu.memref_slice %arg7[%dma_start3A_279, %multiple_of3A_272] : memref<16x1000000xf32, #tpu.memory_space<hbm>> -> memref<16x128xf32, #tpu.memory_space<hbm>>
        %dma_start3A_281 = arith.constant 0 : i32
        %dma_start3A_282 = arith.constant 0 : i32
        %dma_start3A_283 = tpu.memref_slice %arg11[%dma_start3A_273, %dma_start3A_274, %dma_start3A_281, %dma_start3A_282] : memref<12x4x16x128xf32, #tpu.memory_space<vmem>> -> memref<1x1x16x128xf32, #tpu.memory_space<vmem>>
        %dma_start3A_284 = tpu.memref_squeeze %dma_start3A_283 : memref<1x1x16x128xf32, #tpu.memory_space<vmem>> -> memref<16x128xf32, #tpu.memory_space<vmem>>
        %dma_start3A_285 = arith.constant 0 : i32
        %dma_start3A_286 = tpu.memref_slice %arg7[%dma_start3A_285, %multiple_of3A_272] : memref<16x1000000xf32, #tpu.memory_space<hbm>> -> memref<16x128xf32, #tpu.memory_space<hbm>>
        tpu.enqueue_dma source(%dma_start3A_286 : memref<16x128xf32, #tpu.memory_space<hbm>>) target(%dma_start3A_284 : memref<16x128xf32, #tpu.memory_space<vmem>>) target_semaphore(%arg20 : memref<!tpu.dma_semaphore, #tpu.memory_space<semaphore_mem>>)
      } else {
      }
      %mul3A_140 = arith.constant 12 : i32
      %mul3A_141 = arith.muli %scan3A_8, %mul3A_140 : i32
      %add3A_142 = arith.constant 8 : i32
      %add3A_143 = arith.addi %mul3A_141, %add3A_142 : i32
      %ge3A_144 = arith.constant 12 : i32
      %ge3A_145 = arith.cmpi sge, %add3A_143, %ge3A_144 : i32
      %lt3A_146 = arith.constant 524 : i32
      %lt3A_147 = arith.cmpi slt, %add3A_143, %lt3A_146 : i32
      %and3A_148 = arith.andi %ge3A_145, %lt3A_147 : i1
      %convert_element_type3A_149 = arith.extui %and3A_148 : i1 to i32
      %cond3A_150 = arith.constant 0 : i32
      %cond3A_151 = arith.cmpi ne, %convert_element_type3A_149, %cond3A_150 : i32
      scf.if %cond3A_151 {
        %dma_wait3A = arith.constant 0 : i32
        %dma_wait3A_208 = arith.constant 0 : i32
        %dma_wait3A_209 = arith.constant 0 : i32
        %dma_wait3A_210 = arith.constant 0 : i32
        %dma_wait3A_211 = tpu.memref_slice %arg11[%dma_wait3A, %dma_wait3A_208, %dma_wait3A_209, %dma_wait3A_210] : memref<12x4x16x128xf32, #tpu.memory_space<vmem>> -> memref<1x1x16x128xf32, #tpu.memory_space<vmem>>
        %dma_wait3A_212 = tpu.memref_squeeze %dma_wait3A_211 : memref<1x1x16x128xf32, #tpu.memory_space<vmem>> -> memref<16x128xf32, #tpu.memory_space<vmem>>
        %dma_wait3A_213 = arith.constant 0 : i32
        %dma_wait3A_214 = arith.constant 0 : i32
        %dma_wait3A_215 = tpu.memref_slice %arg4[%dma_wait3A_213, %dma_wait3A_214] : memref<16x1000000xf32, #tpu.memory_space<hbm>> -> memref<16x128xf32, #tpu.memory_space<hbm>>
        %dma_wait3A_216 = arith.constant 0 : i32
        %dma_wait3A_217 = arith.constant 0 : i32
        %dma_wait3A_218 = tpu.memref_slice %arg11[%dma_wait3A, %dma_wait3A_208, %dma_wait3A_216, %dma_wait3A_217] : memref<12x4x16x128xf32, #tpu.memory_space<vmem>> -> memref<1x1x16x128xf32, #tpu.memory_space<vmem>>
        %dma_wait3A_219 = tpu.memref_squeeze %dma_wait3A_218 : memref<1x1x16x128xf32, #tpu.memory_space<vmem>> -> memref<16x128xf32, #tpu.memory_space<vmem>>
        %dma_wait3A_220 = arith.constant 0 : i32
        %dma_wait3A_221 = arith.constant 0 : i32
        %dma_wait3A_222 = tpu.memref_slice %arg4[%dma_wait3A_220, %dma_wait3A_221] : memref<16x1000000xf32, #tpu.memory_space<hbm>> -> memref<16x128xf32, #tpu.memory_space<hbm>>
        tpu.wait_dma2 semaphore(%arg21 : memref<!tpu.dma_semaphore, #tpu.memory_space<semaphore_mem>>) src(%dma_wait3A_222 : memref<16x128xf32, #tpu.memory_space<hbm>>) dst(%dma_wait3A_219 : memref<16x128xf32, #tpu.memory_space<vmem>>)
        %dma_wait3A_223 = arith.constant 0 : i32
        %dma_wait3A_224 = arith.constant 0 : i32
        %dma_wait3A_225 = arith.constant 0 : i32
        %dma_wait3A_226 = arith.constant 0 : i32
        %dma_wait3A_227 = tpu.memref_slice %arg11[%dma_wait3A_223, %dma_wait3A_224, %dma_wait3A_225, %dma_wait3A_226] : memref<12x4x16x128xf32, #tpu.memory_space<vmem>> -> memref<1x1x16x128xf32, #tpu.memory_space<vmem>>
        %dma_wait3A_228 = tpu.memref_squeeze %dma_wait3A_227 : memref<1x1x16x128xf32, #tpu.memory_space<vmem>> -> memref<16x128xf32, #tpu.memory_space<vmem>>
        %dma_wait3A_229 = arith.constant 0 : i32
        %dma_wait3A_230 = arith.constant 0 : i32
        %dma_wait3A_231 = tpu.memref_slice %arg4[%dma_wait3A_229, %dma_wait3A_230] : memref<16x1000000xf32, #tpu.memory_space<hbm>> -> memref<16x128xf32, #tpu.memory_space<hbm>>
        %dma_wait3A_232 = arith.constant 0 : i32
        %dma_wait3A_233 = arith.constant 0 : i32
        %dma_wait3A_234 = tpu.memref_slice %arg11[%dma_wait3A_223, %dma_wait3A_224, %dma_wait3A_232, %dma_wait3A_233] : memref<12x4x16x128xf32, #tpu.memory_space<vmem>> -> memref<1x1x16x128xf32, #tpu.memory_space<vmem>>
        %dma_wait3A_235 = tpu.memref_squeeze %dma_wait3A_234 : memref<1x1x16x128xf32, #tpu.memory_space<vmem>> -> memref<16x128xf32, #tpu.memory_space<vmem>>
        %dma_wait3A_236 = arith.constant 0 : i32
        %dma_wait3A_237 = arith.constant 0 : i32
        %dma_wait3A_238 = tpu.memref_slice %arg4[%dma_wait3A_236, %dma_wait3A_237] : memref<16x1000000xf32, #tpu.memory_space<hbm>> -> memref<16x128xf32, #tpu.memory_space<hbm>>
        tpu.wait_dma2 semaphore(%arg21 : memref<!tpu.dma_semaphore, #tpu.memory_space<semaphore_mem>>) src(%dma_wait3A_238 : memref<16x128xf32, #tpu.memory_space<hbm>>) dst(%dma_wait3A_235 : memref<16x128xf32, #tpu.memory_space<vmem>>)
        %dma_wait3A_239 = arith.constant 0 : i32
        %dma_wait3A_240 = arith.constant 0 : i32
        %dma_wait3A_241 = arith.constant 0 : i32
        %dma_wait3A_242 = arith.constant 0 : i32
        %dma_wait3A_243 = tpu.memref_slice %arg11[%dma_wait3A_239, %dma_wait3A_240, %dma_wait3A_241, %dma_wait3A_242] : memref<12x4x16x128xf32, #tpu.memory_space<vmem>> -> memref<1x1x16x128xf32, #tpu.memory_space<vmem>>
        %dma_wait3A_244 = tpu.memref_squeeze %dma_wait3A_243 : memref<1x1x16x128xf32, #tpu.memory_space<vmem>> -> memref<16x128xf32, #tpu.memory_space<vmem>>
        %dma_wait3A_245 = arith.constant 0 : i32
        %dma_wait3A_246 = arith.constant 0 : i32
        %dma_wait3A_247 = tpu.memref_slice %arg4[%dma_wait3A_245, %dma_wait3A_246] : memref<16x1000000xf32, #tpu.memory_space<hbm>> -> memref<16x128xf32, #tpu.memory_space<hbm>>
        %dma_wait3A_248 = arith.constant 0 : i32
        %dma_wait3A_249 = arith.constant 0 : i32
        %dma_wait3A_250 = tpu.memref_slice %arg11[%dma_wait3A_239, %dma_wait3A_240, %dma_wait3A_248, %dma_wait3A_249] : memref<12x4x16x128xf32, #tpu.memory_space<vmem>> -> memref<1x1x16x128xf32, #tpu.memory_space<vmem>>
        %dma_wait3A_251 = tpu.memref_squeeze %dma_wait3A_250 : memref<1x1x16x128xf32, #tpu.memory_space<vmem>> -> memref<16x128xf32, #tpu.memory_space<vmem>>
        %dma_wait3A_252 = arith.constant 0 : i32
        %dma_wait3A_253 = arith.constant 0 : i32
        %dma_wait3A_254 = tpu.memref_slice %arg4[%dma_wait3A_252, %dma_wait3A_253] : memref<16x1000000xf32, #tpu.memory_space<hbm>> -> memref<16x128xf32, #tpu.memory_space<hbm>>
        tpu.wait_dma2 semaphore(%arg21 : memref<!tpu.dma_semaphore, #tpu.memory_space<semaphore_mem>>) src(%dma_wait3A_254 : memref<16x128xf32, #tpu.memory_space<hbm>>) dst(%dma_wait3A_251 : memref<16x128xf32, #tpu.memory_space<vmem>>)
        %dma_wait3A_255 = arith.constant 0 : i32
        %dma_wait3A_256 = arith.constant 0 : i32
        %dma_wait3A_257 = arith.constant 0 : i32
        %dma_wait3A_258 = arith.constant 0 : i32
        %dma_wait3A_259 = tpu.memref_slice %arg11[%dma_wait3A_255, %dma_wait3A_256, %dma_wait3A_257, %dma_wait3A_258] : memref<12x4x16x128xf32, #tpu.memory_space<vmem>> -> memref<1x1x16x128xf32, #tpu.memory_space<vmem>>
        %dma_wait3A_260 = tpu.memref_squeeze %dma_wait3A_259 : memref<1x1x16x128xf32, #tpu.memory_space<vmem>> -> memref<16x128xf32, #tpu.memory_space<vmem>>
        %dma_wait3A_261 = arith.constant 0 : i32
        %dma_wait3A_262 = arith.constant 0 : i32
        %dma_wait3A_263 = tpu.memref_slice %arg4[%dma_wait3A_261, %dma_wait3A_262] : memref<16x1000000xf32, #tpu.memory_space<hbm>> -> memref<16x128xf32, #tpu.memory_space<hbm>>
        %dma_wait3A_264 = arith.constant 0 : i32
        %dma_wait3A_265 = arith.constant 0 : i32
        %dma_wait3A_266 = tpu.memref_slice %arg11[%dma_wait3A_255, %dma_wait3A_256, %dma_wait3A_264, %dma_wait3A_265] : memref<12x4x16x128xf32, #tpu.memory_space<vmem>> -> memref<1x1x16x128xf32, #tpu.memory_space<vmem>>
        %dma_wait3A_267 = tpu.memref_squeeze %dma_wait3A_266 : memref<1x1x16x128xf32, #tpu.memory_space<vmem>> -> memref<16x128xf32, #tpu.memory_space<vmem>>
        %dma_wait3A_268 = arith.constant 0 : i32
        %dma_wait3A_269 = arith.constant 0 : i32
        %dma_wait3A_270 = tpu.memref_slice %arg4[%dma_wait3A_268, %dma_wait3A_269] : memref<16x1000000xf32, #tpu.memory_space<hbm>> -> memref<16x128xf32, #tpu.memory_space<hbm>>
        tpu.wait_dma2 semaphore(%arg21 : memref<!tpu.dma_semaphore, #tpu.memory_space<semaphore_mem>>) src(%dma_wait3A_270 : memref<16x128xf32, #tpu.memory_space<hbm>>) dst(%dma_wait3A_267 : memref<16x128xf32, #tpu.memory_space<vmem>>)
        %sub3A = arith.constant 12 : i32
        %sub3A_271 = arith.subi %add3A_143, %sub3A : i32
        %broadcast_in_dim3A = arith.constant 0 : i32
        %broadcast_in_dim3A_272 = vector.broadcast %broadcast_in_dim3A : i32 to vector<16xi32>
        %add3A_273 = vector.broadcast %sub3A_271 : i32 to vector<16xi32>
        %add3A_274 = arith.addi %broadcast_in_dim3A_272, %add3A_273 : vector<16xi32>
        %gather3A = tpu.vector_load_idx %arg9[%add3A_274] : memref<512xi32, #tpu.memory_space<vmem>>[vector<16xi32>], vector<16xi32>,
        %and3A_275 = arith.constant 127 : i32
        %and3A_276 = vector.broadcast %and3A_275 : i32 to vector<16xi32>
        %and3A_277 = arith.andi %gather3A, %and3A_276 : vector<16xi32>
        %gather3A_278 = tpu.vector_load_idx %arg10[%add3A_274] : memref<512xi32, #tpu.memory_space<vmem>>[vector<16xi32>], vector<16xi32>,
        %and3A_279 = arith.constant 127 : i32
        %and3A_280 = vector.broadcast %and3A_279 : i32 to vector<16xi32>
        %and3A_281 = arith.andi %gather3A_278, %and3A_280 : vector<16xi32>
        %broadcast_in_dim3A_282 = arith.constant 0 : i32
        %broadcast_in_dim3A_283 = vector.broadcast %broadcast_in_dim3A_282 : i32 to vector<16xi32>
        %add3A_284 = arith.constant 8 : i32
        %add3A_285 = vector.broadcast %add3A_284 : i32 to vector<16xi32>
        %add3A_286 = arith.addi %broadcast_in_dim3A_283, %add3A_285 : vector<16xi32>
        %broadcast_in_dim3A_287 = arith.constant 0 : i32
        %broadcast_in_dim3A_288 = vector.broadcast %broadcast_in_dim3A_287 : i32 to vector<16xi32>
        %add3A_289 = arith.constant 0 : i32
        %add3A_290 = vector.broadcast %add3A_289 : i32 to vector<16xi32>
        %add3A_291 = arith.addi %broadcast_in_dim3A_288, %add3A_290 : vector<16xi32>
        %gather3A_292 = tpu.vector_load_idx %arg11[%add3A_286, %add3A_291, %iota3A, %and3A_277] : memref<12x4x16x128xf32, #tpu.memory_space<vmem>>[vector<16xi32>, vector<16xi32>, vector<16xi32>, vector<16xi32>], vector<16xf32>,
        %broadcast_in_dim3A_293 = arith.constant 0 : i32
        %broadcast_in_dim3A_294 = vector.broadcast %broadcast_in_dim3A_293 : i32 to vector<16xi32>
        %add3A_295 = arith.constant 1 : i32
        %add3A_296 = vector.broadcast %add3A_295 : i32 to vector<16xi32>
        %add3A_297 = arith.addi %broadcast_in_dim3A_294, %add3A_296 : vector<16xi32>
        %gather3A_298 = tpu.vector_load_idx %arg11[%add3A_286, %add3A_297, %iota3A, %and3A_281] : memref<12x4x16x128xf32, #tpu.memory_space<vmem>>[vector<16xi32>, vector<16xi32>, vector<16xi32>, vector<16xi32>], vector<16xf32>,
        %broadcast_in_dim3A_299 = arith.constant 0 : i32
        %broadcast_in_dim3A_300 = vector.broadcast %broadcast_in_dim3A_299 : i32 to vector<16xi32>
        %add3A_301 = arith.constant 2 : i32
        %add3A_302 = vector.broadcast %add3A_301 : i32 to vector<16xi32>
        %add3A_303 = arith.addi %broadcast_in_dim3A_300, %add3A_302 : vector<16xi32>
        %gather3A_304 = tpu.vector_load_idx %arg11[%add3A_286, %add3A_303, %iota3A, %and3A_277] : memref<12x4x16x128xf32, #tpu.memory_space<vmem>>[vector<16xi32>, vector<16xi32>, vector<16xi32>, vector<16xi32>], vector<16xf32>,
        %broadcast_in_dim3A_305 = arith.constant 0 : i32
        %broadcast_in_dim3A_306 = vector.broadcast %broadcast_in_dim3A_305 : i32 to vector<16xi32>
        %add3A_307 = arith.constant 3 : i32
        %add3A_308 = vector.broadcast %add3A_307 : i32 to vector<16xi32>
        %add3A_309 = arith.addi %broadcast_in_dim3A_306, %add3A_308 : vector<16xi32>
        %gather3A_310 = tpu.vector_load_idx %arg11[%add3A_286, %add3A_309, %iota3A, %and3A_281] : memref<12x4x16x128xf32, #tpu.memory_space<vmem>>[vector<16xi32>, vector<16xi32>, vector<16xi32>, vector<16xi32>], vector<16xf32>,
        %mul3A_311 = arith.mulf %gather3A_292, %gather3A_298 : vector<16xf32>
        %mul3A_312 = arith.mulf %gather3A_304, %gather3A_310 : vector<16xf32>
        %add3A_313 = arith.addf %mul3A_311, %mul3A_312 : vector<16xf32>
        %reduce_sum3A = arith.constant true
        %reduce_sum3A_314 = vector.broadcast %reduce_sum3A : i1 to vector<16xi1>
        %reduce_sum3A_315 = tpu.scan <sum>, %add3A_313 masked %reduce_sum3A_314 : vector<16xf32>, vector<16xi1> -> vector<16xf32>
        %reduce_sum3A_316 = vector.extract %reduce_sum3A_315[15] : f32 from vector<16xf32>
        %shift_right_arithmetic3A = arith.constant 4 : i32
        %shift_right_arithmetic3A_317 = arith.shrsi %sub3A_271, %shift_right_arithmetic3A : i32
        %and3A_318 = arith.constant 15 : i32
        %and3A_319 = arith.andi %sub3A_271, %and3A_318 : i32
        %mul3A_320 = arith.constant 16 : i32
        %mul3A_321 = arith.muli %shift_right_arithmetic3A_317, %mul3A_320 : i32
        %multiple_of3A = tpu.assume_multiple %mul3A_321, 16 : i32
        %eq3A = vector.broadcast %and3A_319 : i32 to vector<16xi32>
        %eq3A_322 = arith.cmpi eq, %iota3A, %eq3A : vector<16xi32>
        %get3A = arith.index_cast %multiple_of3A : i32 to index
        %get3A_323 = tpu.vector_load %arg12[%get3A] {strides = array<i32>} : memref<512xf32, #tpu.memory_space<vmem>>, vector<16xf32>,
        %broadcast_in_dim3A_324 = vector.broadcast %reduce_sum3A_316 : f32 to vector<16xf32>
        %select_n3A = arith.select %eq3A_322, %broadcast_in_dim3A_324, %get3A_323 : vector<16xi1>, vector<16xf32>
        %swap3A = arith.index_cast %multiple_of3A : i32 to index
        %swap3A_325 = tpu.vector_load %arg12[%swap3A] {strides = array<i32>} : memref<512xf32, #tpu.memory_space<vmem>>, vector<16xf32>,
        tpu.vector_store %arg12[%swap3A], %select_n3A {strides = array<i32>} : memref<512xf32, #tpu.memory_space<vmem>>, vector<16xf32>,
      } else {
      }
      %lt3A_152 = arith.constant 512 : i32
      %lt3A_153 = arith.cmpi slt, %add3A_143, %lt3A_152 : i32
      %convert_element_type3A_154 = arith.extui %lt3A_153 : i1 to i32
      %cond3A_155 = arith.constant 0 : i32
      %cond3A_156 = arith.cmpi ne, %convert_element_type3A_154, %cond3A_155 : i32
      scf.if %cond3A_156 {
        %broadcast_in_dim3A = arith.constant 0 : i32
        %broadcast_in_dim3A_208 = vector.broadcast %broadcast_in_dim3A : i32 to vector<16xi32>
        %add3A_209 = vector.broadcast %add3A_143 : i32 to vector<16xi32>
        %add3A_210 = arith.addi %broadcast_in_dim3A_208, %add3A_209 : vector<16xi32>
        %gather3A = tpu.vector_load_idx %arg9[%add3A_210] : memref<512xi32, #tpu.memory_space<vmem>>[vector<16xi32>], vector<16xi32>,
        %slice3A = vector.extract_strided_slice %gather3A {offsets = [0], sizes = [1], strides = [1]} : vector<16xi32> to vector<1xi32>
        %squeeze3A = vector.extract %slice3A[0] : i32 from vector<1xi32>
        %gather3A_211 = tpu.vector_load_idx %arg10[%add3A_210] : memref<512xi32, #tpu.memory_space<vmem>>[vector<16xi32>], vector<16xi32>,
        %slice3A_212 = vector.extract_strided_slice %gather3A_211 {offsets = [0], sizes = [1], strides = [1]} : vector<16xi32> to vector<1xi32>
        %squeeze3A_213 = vector.extract %slice3A_212[0] : i32 from vector<1xi32>
        %shift_right_arithmetic3A = arith.constant 7 : i32
        %shift_right_arithmetic3A_214 = arith.shrsi %squeeze3A, %shift_right_arithmetic3A : i32
        %mul3A_215 = arith.constant 128 : i32
        %mul3A_216 = arith.muli %shift_right_arithmetic3A_214, %mul3A_215 : i32
        %multiple_of3A = tpu.assume_multiple %mul3A_216, 128 : i32
        %dma_start3A = arith.constant 8 : i32
        %dma_start3A_217 = arith.constant 0 : i32
        %dma_start3A_218 = arith.constant 0 : i32
        %dma_start3A_219 = arith.constant 0 : i32
        %dma_start3A_220 = tpu.memref_slice %arg11[%dma_start3A, %dma_start3A_217, %dma_start3A_218, %dma_start3A_219] : memref<12x4x16x128xf32, #tpu.memory_space<vmem>> -> memref<1x1x16x128xf32, #tpu.memory_space<vmem>>
        %dma_start3A_221 = tpu.memref_squeeze %dma_start3A_220 : memref<1x1x16x128xf32, #tpu.memory_space<vmem>> -> memref<16x128xf32, #tpu.memory_space<vmem>>
        %dma_start3A_222 = arith.constant 0 : i32
        %dma_start3A_223 = tpu.memref_slice %arg4[%dma_start3A_222, %multiple_of3A] : memref<16x1000000xf32, #tpu.memory_space<hbm>> -> memref<16x128xf32, #tpu.memory_space<hbm>>
        %dma_start3A_224 = arith.constant 0 : i32
        %dma_start3A_225 = arith.constant 0 : i32
        %dma_start3A_226 = tpu.memref_slice %arg11[%dma_start3A, %dma_start3A_217, %dma_start3A_224, %dma_start3A_225] : memref<12x4x16x128xf32, #tpu.memory_space<vmem>> -> memref<1x1x16x128xf32, #tpu.memory_space<vmem>>
        %dma_start3A_227 = tpu.memref_squeeze %dma_start3A_226 : memref<1x1x16x128xf32, #tpu.memory_space<vmem>> -> memref<16x128xf32, #tpu.memory_space<vmem>>
        %dma_start3A_228 = arith.constant 0 : i32
        %dma_start3A_229 = tpu.memref_slice %arg4[%dma_start3A_228, %multiple_of3A] : memref<16x1000000xf32, #tpu.memory_space<hbm>> -> memref<16x128xf32, #tpu.memory_space<hbm>>
        tpu.enqueue_dma source(%dma_start3A_229 : memref<16x128xf32, #tpu.memory_space<hbm>>) target(%dma_start3A_227 : memref<16x128xf32, #tpu.memory_space<vmem>>) target_semaphore(%arg21 : memref<!tpu.dma_semaphore, #tpu.memory_space<semaphore_mem>>)
        %shift_right_arithmetic3A_230 = arith.constant 7 : i32
        %shift_right_arithmetic3A_231 = arith.shrsi %squeeze3A_213, %shift_right_arithmetic3A_230 : i32
        %mul3A_232 = arith.constant 128 : i32
        %mul3A_233 = arith.muli %shift_right_arithmetic3A_231, %mul3A_232 : i32
        %multiple_of3A_234 = tpu.assume_multiple %mul3A_233, 128 : i32
        %dma_start3A_235 = arith.constant 8 : i32
        %dma_start3A_236 = arith.constant 1 : i32
        %dma_start3A_237 = arith.constant 0 : i32
        %dma_start3A_238 = arith.constant 0 : i32
        %dma_start3A_239 = tpu.memref_slice %arg11[%dma_start3A_235, %dma_start3A_236, %dma_start3A_237, %dma_start3A_238] : memref<12x4x16x128xf32, #tpu.memory_space<vmem>> -> memref<1x1x16x128xf32, #tpu.memory_space<vmem>>
        %dma_start3A_240 = tpu.memref_squeeze %dma_start3A_239 : memref<1x1x16x128xf32, #tpu.memory_space<vmem>> -> memref<16x128xf32, #tpu.memory_space<vmem>>
        %dma_start3A_241 = arith.constant 0 : i32
        %dma_start3A_242 = tpu.memref_slice %arg5[%dma_start3A_241, %multiple_of3A_234] : memref<16x1000000xf32, #tpu.memory_space<hbm>> -> memref<16x128xf32, #tpu.memory_space<hbm>>
        %dma_start3A_243 = arith.constant 0 : i32
        %dma_start3A_244 = arith.constant 0 : i32
        %dma_start3A_245 = tpu.memref_slice %arg11[%dma_start3A_235, %dma_start3A_236, %dma_start3A_243, %dma_start3A_244] : memref<12x4x16x128xf32, #tpu.memory_space<vmem>> -> memref<1x1x16x128xf32, #tpu.memory_space<vmem>>
        %dma_start3A_246 = tpu.memref_squeeze %dma_start3A_245 : memref<1x1x16x128xf32, #tpu.memory_space<vmem>> -> memref<16x128xf32, #tpu.memory_space<vmem>>
        %dma_start3A_247 = arith.constant 0 : i32
        %dma_start3A_248 = tpu.memref_slice %arg5[%dma_start3A_247, %multiple_of3A_234] : memref<16x1000000xf32, #tpu.memory_space<hbm>> -> memref<16x128xf32, #tpu.memory_space<hbm>>
        tpu.enqueue_dma source(%dma_start3A_248 : memref<16x128xf32, #tpu.memory_space<hbm>>) target(%dma_start3A_246 : memref<16x128xf32, #tpu.memory_space<vmem>>) target_semaphore(%arg21 : memref<!tpu.dma_semaphore, #tpu.memory_space<semaphore_mem>>)
        %shift_right_arithmetic3A_249 = arith.constant 7 : i32
        %shift_right_arithmetic3A_250 = arith.shrsi %squeeze3A, %shift_right_arithmetic3A_249 : i32
        %mul3A_251 = arith.constant 128 : i32
        %mul3A_252 = arith.muli %shift_right_arithmetic3A_250, %mul3A_251 : i32
        %multiple_of3A_253 = tpu.assume_multiple %mul3A_252, 128 : i32
        %dma_start3A_254 = arith.constant 8 : i32
        %dma_start3A_255 = arith.constant 2 : i32
        %dma_start3A_256 = arith.constant 0 : i32
        %dma_start3A_257 = arith.constant 0 : i32
        %dma_start3A_258 = tpu.memref_slice %arg11[%dma_start3A_254, %dma_start3A_255, %dma_start3A_256, %dma_start3A_257] : memref<12x4x16x128xf32, #tpu.memory_space<vmem>> -> memref<1x1x16x128xf32, #tpu.memory_space<vmem>>
        %dma_start3A_259 = tpu.memref_squeeze %dma_start3A_258 : memref<1x1x16x128xf32, #tpu.memory_space<vmem>> -> memref<16x128xf32, #tpu.memory_space<vmem>>
        %dma_start3A_260 = arith.constant 0 : i32
        %dma_start3A_261 = tpu.memref_slice %arg6[%dma_start3A_260, %multiple_of3A_253] : memref<16x1000000xf32, #tpu.memory_space<hbm>> -> memref<16x128xf32, #tpu.memory_space<hbm>>
        %dma_start3A_262 = arith.constant 0 : i32
        %dma_start3A_263 = arith.constant 0 : i32
        %dma_start3A_264 = tpu.memref_slice %arg11[%dma_start3A_254, %dma_start3A_255, %dma_start3A_262, %dma_start3A_263] : memref<12x4x16x128xf32, #tpu.memory_space<vmem>> -> memref<1x1x16x128xf32, #tpu.memory_space<vmem>>
        %dma_start3A_265 = tpu.memref_squeeze %dma_start3A_264 : memref<1x1x16x128xf32, #tpu.memory_space<vmem>> -> memref<16x128xf32, #tpu.memory_space<vmem>>
        %dma_start3A_266 = arith.constant 0 : i32
        %dma_start3A_267 = tpu.memref_slice %arg6[%dma_start3A_266, %multiple_of3A_253] : memref<16x1000000xf32, #tpu.memory_space<hbm>> -> memref<16x128xf32, #tpu.memory_space<hbm>>
        tpu.enqueue_dma source(%dma_start3A_267 : memref<16x128xf32, #tpu.memory_space<hbm>>) target(%dma_start3A_265 : memref<16x128xf32, #tpu.memory_space<vmem>>) target_semaphore(%arg21 : memref<!tpu.dma_semaphore, #tpu.memory_space<semaphore_mem>>)
        %shift_right_arithmetic3A_268 = arith.constant 7 : i32
        %shift_right_arithmetic3A_269 = arith.shrsi %squeeze3A_213, %shift_right_arithmetic3A_268 : i32
        %mul3A_270 = arith.constant 128 : i32
        %mul3A_271 = arith.muli %shift_right_arithmetic3A_269, %mul3A_270 : i32
        %multiple_of3A_272 = tpu.assume_multiple %mul3A_271, 128 : i32
        %dma_start3A_273 = arith.constant 8 : i32
        %dma_start3A_274 = arith.constant 3 : i32
        %dma_start3A_275 = arith.constant 0 : i32
        %dma_start3A_276 = arith.constant 0 : i32
        %dma_start3A_277 = tpu.memref_slice %arg11[%dma_start3A_273, %dma_start3A_274, %dma_start3A_275, %dma_start3A_276] : memref<12x4x16x128xf32, #tpu.memory_space<vmem>> -> memref<1x1x16x128xf32, #tpu.memory_space<vmem>>
        %dma_start3A_278 = tpu.memref_squeeze %dma_start3A_277 : memref<1x1x16x128xf32, #tpu.memory_space<vmem>> -> memref<16x128xf32, #tpu.memory_space<vmem>>
        %dma_start3A_279 = arith.constant 0 : i32
        %dma_start3A_280 = tpu.memref_slice %arg7[%dma_start3A_279, %multiple_of3A_272] : memref<16x1000000xf32, #tpu.memory_space<hbm>> -> memref<16x128xf32, #tpu.memory_space<hbm>>
        %dma_start3A_281 = arith.constant 0 : i32
        %dma_start3A_282 = arith.constant 0 : i32
        %dma_start3A_283 = tpu.memref_slice %arg11[%dma_start3A_273, %dma_start3A_274, %dma_start3A_281, %dma_start3A_282] : memref<12x4x16x128xf32, #tpu.memory_space<vmem>> -> memref<1x1x16x128xf32, #tpu.memory_space<vmem>>
        %dma_start3A_284 = tpu.memref_squeeze %dma_start3A_283 : memref<1x1x16x128xf32, #tpu.memory_space<vmem>> -> memref<16x128xf32, #tpu.memory_space<vmem>>
        %dma_start3A_285 = arith.constant 0 : i32
        %dma_start3A_286 = tpu.memref_slice %arg7[%dma_start3A_285, %multiple_of3A_272] : memref<16x1000000xf32, #tpu.memory_space<hbm>> -> memref<16x128xf32, #tpu.memory_space<hbm>>
        tpu.enqueue_dma source(%dma_start3A_286 : memref<16x128xf32, #tpu.memory_space<hbm>>) target(%dma_start3A_284 : memref<16x128xf32, #tpu.memory_space<vmem>>) target_semaphore(%arg21 : memref<!tpu.dma_semaphore, #tpu.memory_space<semaphore_mem>>)
      } else {
      }
      %mul3A_157 = arith.constant 12 : i32
      %mul3A_158 = arith.muli %scan3A_8, %mul3A_157 : i32
      %add3A_159 = arith.constant 9 : i32
      %add3A_160 = arith.addi %mul3A_158, %add3A_159 : i32
      %ge3A_161 = arith.constant 12 : i32
      %ge3A_162 = arith.cmpi sge, %add3A_160, %ge3A_161 : i32
      %lt3A_163 = arith.constant 524 : i32
      %lt3A_164 = arith.cmpi slt, %add3A_160, %lt3A_163 : i32
      %and3A_165 = arith.andi %ge3A_162, %lt3A_164 : i1
      %convert_element_type3A_166 = arith.extui %and3A_165 : i1 to i32
      %cond3A_167 = arith.constant 0 : i32
      %cond3A_168 = arith.cmpi ne, %convert_element_type3A_166, %cond3A_167 : i32
      scf.if %cond3A_168 {
        %dma_wait3A = arith.constant 0 : i32
        %dma_wait3A_208 = arith.constant 0 : i32
        %dma_wait3A_209 = arith.constant 0 : i32
        %dma_wait3A_210 = arith.constant 0 : i32
        %dma_wait3A_211 = tpu.memref_slice %arg11[%dma_wait3A, %dma_wait3A_208, %dma_wait3A_209, %dma_wait3A_210] : memref<12x4x16x128xf32, #tpu.memory_space<vmem>> -> memref<1x1x16x128xf32, #tpu.memory_space<vmem>>
        %dma_wait3A_212 = tpu.memref_squeeze %dma_wait3A_211 : memref<1x1x16x128xf32, #tpu.memory_space<vmem>> -> memref<16x128xf32, #tpu.memory_space<vmem>>
        %dma_wait3A_213 = arith.constant 0 : i32
        %dma_wait3A_214 = arith.constant 0 : i32
        %dma_wait3A_215 = tpu.memref_slice %arg4[%dma_wait3A_213, %dma_wait3A_214] : memref<16x1000000xf32, #tpu.memory_space<hbm>> -> memref<16x128xf32, #tpu.memory_space<hbm>>
        %dma_wait3A_216 = arith.constant 0 : i32
        %dma_wait3A_217 = arith.constant 0 : i32
        %dma_wait3A_218 = tpu.memref_slice %arg11[%dma_wait3A, %dma_wait3A_208, %dma_wait3A_216, %dma_wait3A_217] : memref<12x4x16x128xf32, #tpu.memory_space<vmem>> -> memref<1x1x16x128xf32, #tpu.memory_space<vmem>>
        %dma_wait3A_219 = tpu.memref_squeeze %dma_wait3A_218 : memref<1x1x16x128xf32, #tpu.memory_space<vmem>> -> memref<16x128xf32, #tpu.memory_space<vmem>>
        %dma_wait3A_220 = arith.constant 0 : i32
        %dma_wait3A_221 = arith.constant 0 : i32
        %dma_wait3A_222 = tpu.memref_slice %arg4[%dma_wait3A_220, %dma_wait3A_221] : memref<16x1000000xf32, #tpu.memory_space<hbm>> -> memref<16x128xf32, #tpu.memory_space<hbm>>
        tpu.wait_dma2 semaphore(%arg22 : memref<!tpu.dma_semaphore, #tpu.memory_space<semaphore_mem>>) src(%dma_wait3A_222 : memref<16x128xf32, #tpu.memory_space<hbm>>) dst(%dma_wait3A_219 : memref<16x128xf32, #tpu.memory_space<vmem>>)
        %dma_wait3A_223 = arith.constant 0 : i32
        %dma_wait3A_224 = arith.constant 0 : i32
        %dma_wait3A_225 = arith.constant 0 : i32
        %dma_wait3A_226 = arith.constant 0 : i32
        %dma_wait3A_227 = tpu.memref_slice %arg11[%dma_wait3A_223, %dma_wait3A_224, %dma_wait3A_225, %dma_wait3A_226] : memref<12x4x16x128xf32, #tpu.memory_space<vmem>> -> memref<1x1x16x128xf32, #tpu.memory_space<vmem>>
        %dma_wait3A_228 = tpu.memref_squeeze %dma_wait3A_227 : memref<1x1x16x128xf32, #tpu.memory_space<vmem>> -> memref<16x128xf32, #tpu.memory_space<vmem>>
        %dma_wait3A_229 = arith.constant 0 : i32
        %dma_wait3A_230 = arith.constant 0 : i32
        %dma_wait3A_231 = tpu.memref_slice %arg4[%dma_wait3A_229, %dma_wait3A_230] : memref<16x1000000xf32, #tpu.memory_space<hbm>> -> memref<16x128xf32, #tpu.memory_space<hbm>>
        %dma_wait3A_232 = arith.constant 0 : i32
        %dma_wait3A_233 = arith.constant 0 : i32
        %dma_wait3A_234 = tpu.memref_slice %arg11[%dma_wait3A_223, %dma_wait3A_224, %dma_wait3A_232, %dma_wait3A_233] : memref<12x4x16x128xf32, #tpu.memory_space<vmem>> -> memref<1x1x16x128xf32, #tpu.memory_space<vmem>>
        %dma_wait3A_235 = tpu.memref_squeeze %dma_wait3A_234 : memref<1x1x16x128xf32, #tpu.memory_space<vmem>> -> memref<16x128xf32, #tpu.memory_space<vmem>>
        %dma_wait3A_236 = arith.constant 0 : i32
        %dma_wait3A_237 = arith.constant 0 : i32
        %dma_wait3A_238 = tpu.memref_slice %arg4[%dma_wait3A_236, %dma_wait3A_237] : memref<16x1000000xf32, #tpu.memory_space<hbm>> -> memref<16x128xf32, #tpu.memory_space<hbm>>
        tpu.wait_dma2 semaphore(%arg22 : memref<!tpu.dma_semaphore, #tpu.memory_space<semaphore_mem>>) src(%dma_wait3A_238 : memref<16x128xf32, #tpu.memory_space<hbm>>) dst(%dma_wait3A_235 : memref<16x128xf32, #tpu.memory_space<vmem>>)
        %dma_wait3A_239 = arith.constant 0 : i32
        %dma_wait3A_240 = arith.constant 0 : i32
        %dma_wait3A_241 = arith.constant 0 : i32
        %dma_wait3A_242 = arith.constant 0 : i32
        %dma_wait3A_243 = tpu.memref_slice %arg11[%dma_wait3A_239, %dma_wait3A_240, %dma_wait3A_241, %dma_wait3A_242] : memref<12x4x16x128xf32, #tpu.memory_space<vmem>> -> memref<1x1x16x128xf32, #tpu.memory_space<vmem>>
        %dma_wait3A_244 = tpu.memref_squeeze %dma_wait3A_243 : memref<1x1x16x128xf32, #tpu.memory_space<vmem>> -> memref<16x128xf32, #tpu.memory_space<vmem>>
        %dma_wait3A_245 = arith.constant 0 : i32
        %dma_wait3A_246 = arith.constant 0 : i32
        %dma_wait3A_247 = tpu.memref_slice %arg4[%dma_wait3A_245, %dma_wait3A_246] : memref<16x1000000xf32, #tpu.memory_space<hbm>> -> memref<16x128xf32, #tpu.memory_space<hbm>>
        %dma_wait3A_248 = arith.constant 0 : i32
        %dma_wait3A_249 = arith.constant 0 : i32
        %dma_wait3A_250 = tpu.memref_slice %arg11[%dma_wait3A_239, %dma_wait3A_240, %dma_wait3A_248, %dma_wait3A_249] : memref<12x4x16x128xf32, #tpu.memory_space<vmem>> -> memref<1x1x16x128xf32, #tpu.memory_space<vmem>>
        %dma_wait3A_251 = tpu.memref_squeeze %dma_wait3A_250 : memref<1x1x16x128xf32, #tpu.memory_space<vmem>> -> memref<16x128xf32, #tpu.memory_space<vmem>>
        %dma_wait3A_252 = arith.constant 0 : i32
        %dma_wait3A_253 = arith.constant 0 : i32
        %dma_wait3A_254 = tpu.memref_slice %arg4[%dma_wait3A_252, %dma_wait3A_253] : memref<16x1000000xf32, #tpu.memory_space<hbm>> -> memref<16x128xf32, #tpu.memory_space<hbm>>
        tpu.wait_dma2 semaphore(%arg22 : memref<!tpu.dma_semaphore, #tpu.memory_space<semaphore_mem>>) src(%dma_wait3A_254 : memref<16x128xf32, #tpu.memory_space<hbm>>) dst(%dma_wait3A_251 : memref<16x128xf32, #tpu.memory_space<vmem>>)
        %dma_wait3A_255 = arith.constant 0 : i32
        %dma_wait3A_256 = arith.constant 0 : i32
        %dma_wait3A_257 = arith.constant 0 : i32
        %dma_wait3A_258 = arith.constant 0 : i32
        %dma_wait3A_259 = tpu.memref_slice %arg11[%dma_wait3A_255, %dma_wait3A_256, %dma_wait3A_257, %dma_wait3A_258] : memref<12x4x16x128xf32, #tpu.memory_space<vmem>> -> memref<1x1x16x128xf32, #tpu.memory_space<vmem>>
        %dma_wait3A_260 = tpu.memref_squeeze %dma_wait3A_259 : memref<1x1x16x128xf32, #tpu.memory_space<vmem>> -> memref<16x128xf32, #tpu.memory_space<vmem>>
        %dma_wait3A_261 = arith.constant 0 : i32
        %dma_wait3A_262 = arith.constant 0 : i32
        %dma_wait3A_263 = tpu.memref_slice %arg4[%dma_wait3A_261, %dma_wait3A_262] : memref<16x1000000xf32, #tpu.memory_space<hbm>> -> memref<16x128xf32, #tpu.memory_space<hbm>>
        %dma_wait3A_264 = arith.constant 0 : i32
        %dma_wait3A_265 = arith.constant 0 : i32
        %dma_wait3A_266 = tpu.memref_slice %arg11[%dma_wait3A_255, %dma_wait3A_256, %dma_wait3A_264, %dma_wait3A_265] : memref<12x4x16x128xf32, #tpu.memory_space<vmem>> -> memref<1x1x16x128xf32, #tpu.memory_space<vmem>>
        %dma_wait3A_267 = tpu.memref_squeeze %dma_wait3A_266 : memref<1x1x16x128xf32, #tpu.memory_space<vmem>> -> memref<16x128xf32, #tpu.memory_space<vmem>>
        %dma_wait3A_268 = arith.constant 0 : i32
        %dma_wait3A_269 = arith.constant 0 : i32
        %dma_wait3A_270 = tpu.memref_slice %arg4[%dma_wait3A_268, %dma_wait3A_269] : memref<16x1000000xf32, #tpu.memory_space<hbm>> -> memref<16x128xf32, #tpu.memory_space<hbm>>
        tpu.wait_dma2 semaphore(%arg22 : memref<!tpu.dma_semaphore, #tpu.memory_space<semaphore_mem>>) src(%dma_wait3A_270 : memref<16x128xf32, #tpu.memory_space<hbm>>) dst(%dma_wait3A_267 : memref<16x128xf32, #tpu.memory_space<vmem>>)
        %sub3A = arith.constant 12 : i32
        %sub3A_271 = arith.subi %add3A_160, %sub3A : i32
        %broadcast_in_dim3A = arith.constant 0 : i32
        %broadcast_in_dim3A_272 = vector.broadcast %broadcast_in_dim3A : i32 to vector<16xi32>
        %add3A_273 = vector.broadcast %sub3A_271 : i32 to vector<16xi32>
        %add3A_274 = arith.addi %broadcast_in_dim3A_272, %add3A_273 : vector<16xi32>
        %gather3A = tpu.vector_load_idx %arg9[%add3A_274] : memref<512xi32, #tpu.memory_space<vmem>>[vector<16xi32>], vector<16xi32>,
        %and3A_275 = arith.constant 127 : i32
        %and3A_276 = vector.broadcast %and3A_275 : i32 to vector<16xi32>
        %and3A_277 = arith.andi %gather3A, %and3A_276 : vector<16xi32>
        %gather3A_278 = tpu.vector_load_idx %arg10[%add3A_274] : memref<512xi32, #tpu.memory_space<vmem>>[vector<16xi32>], vector<16xi32>,
        %and3A_279 = arith.constant 127 : i32
        %and3A_280 = vector.broadcast %and3A_279 : i32 to vector<16xi32>
        %and3A_281 = arith.andi %gather3A_278, %and3A_280 : vector<16xi32>
        %broadcast_in_dim3A_282 = arith.constant 0 : i32
        %broadcast_in_dim3A_283 = vector.broadcast %broadcast_in_dim3A_282 : i32 to vector<16xi32>
        %add3A_284 = arith.constant 9 : i32
        %add3A_285 = vector.broadcast %add3A_284 : i32 to vector<16xi32>
        %add3A_286 = arith.addi %broadcast_in_dim3A_283, %add3A_285 : vector<16xi32>
        %broadcast_in_dim3A_287 = arith.constant 0 : i32
        %broadcast_in_dim3A_288 = vector.broadcast %broadcast_in_dim3A_287 : i32 to vector<16xi32>
        %add3A_289 = arith.constant 0 : i32
        %add3A_290 = vector.broadcast %add3A_289 : i32 to vector<16xi32>
        %add3A_291 = arith.addi %broadcast_in_dim3A_288, %add3A_290 : vector<16xi32>
        %gather3A_292 = tpu.vector_load_idx %arg11[%add3A_286, %add3A_291, %iota3A, %and3A_277] : memref<12x4x16x128xf32, #tpu.memory_space<vmem>>[vector<16xi32>, vector<16xi32>, vector<16xi32>, vector<16xi32>], vector<16xf32>,
        %broadcast_in_dim3A_293 = arith.constant 0 : i32
        %broadcast_in_dim3A_294 = vector.broadcast %broadcast_in_dim3A_293 : i32 to vector<16xi32>
        %add3A_295 = arith.constant 1 : i32
        %add3A_296 = vector.broadcast %add3A_295 : i32 to vector<16xi32>
        %add3A_297 = arith.addi %broadcast_in_dim3A_294, %add3A_296 : vector<16xi32>
        %gather3A_298 = tpu.vector_load_idx %arg11[%add3A_286, %add3A_297, %iota3A, %and3A_281] : memref<12x4x16x128xf32, #tpu.memory_space<vmem>>[vector<16xi32>, vector<16xi32>, vector<16xi32>, vector<16xi32>], vector<16xf32>,
        %broadcast_in_dim3A_299 = arith.constant 0 : i32
        %broadcast_in_dim3A_300 = vector.broadcast %broadcast_in_dim3A_299 : i32 to vector<16xi32>
        %add3A_301 = arith.constant 2 : i32
        %add3A_302 = vector.broadcast %add3A_301 : i32 to vector<16xi32>
        %add3A_303 = arith.addi %broadcast_in_dim3A_300, %add3A_302 : vector<16xi32>
        %gather3A_304 = tpu.vector_load_idx %arg11[%add3A_286, %add3A_303, %iota3A, %and3A_277] : memref<12x4x16x128xf32, #tpu.memory_space<vmem>>[vector<16xi32>, vector<16xi32>, vector<16xi32>, vector<16xi32>], vector<16xf32>,
        %broadcast_in_dim3A_305 = arith.constant 0 : i32
        %broadcast_in_dim3A_306 = vector.broadcast %broadcast_in_dim3A_305 : i32 to vector<16xi32>
        %add3A_307 = arith.constant 3 : i32
        %add3A_308 = vector.broadcast %add3A_307 : i32 to vector<16xi32>
        %add3A_309 = arith.addi %broadcast_in_dim3A_306, %add3A_308 : vector<16xi32>
        %gather3A_310 = tpu.vector_load_idx %arg11[%add3A_286, %add3A_309, %iota3A, %and3A_281] : memref<12x4x16x128xf32, #tpu.memory_space<vmem>>[vector<16xi32>, vector<16xi32>, vector<16xi32>, vector<16xi32>], vector<16xf32>,
        %mul3A_311 = arith.mulf %gather3A_292, %gather3A_298 : vector<16xf32>
        %mul3A_312 = arith.mulf %gather3A_304, %gather3A_310 : vector<16xf32>
        %add3A_313 = arith.addf %mul3A_311, %mul3A_312 : vector<16xf32>
        %reduce_sum3A = arith.constant true
        %reduce_sum3A_314 = vector.broadcast %reduce_sum3A : i1 to vector<16xi1>
        %reduce_sum3A_315 = tpu.scan <sum>, %add3A_313 masked %reduce_sum3A_314 : vector<16xf32>, vector<16xi1> -> vector<16xf32>
        %reduce_sum3A_316 = vector.extract %reduce_sum3A_315[15] : f32 from vector<16xf32>
        %shift_right_arithmetic3A = arith.constant 4 : i32
        %shift_right_arithmetic3A_317 = arith.shrsi %sub3A_271, %shift_right_arithmetic3A : i32
        %and3A_318 = arith.constant 15 : i32
        %and3A_319 = arith.andi %sub3A_271, %and3A_318 : i32
        %mul3A_320 = arith.constant 16 : i32
        %mul3A_321 = arith.muli %shift_right_arithmetic3A_317, %mul3A_320 : i32
        %multiple_of3A = tpu.assume_multiple %mul3A_321, 16 : i32
        %eq3A = vector.broadcast %and3A_319 : i32 to vector<16xi32>
        %eq3A_322 = arith.cmpi eq, %iota3A, %eq3A : vector<16xi32>
        %get3A = arith.index_cast %multiple_of3A : i32 to index
        %get3A_323 = tpu.vector_load %arg12[%get3A] {strides = array<i32>} : memref<512xf32, #tpu.memory_space<vmem>>, vector<16xf32>,
        %broadcast_in_dim3A_324 = vector.broadcast %reduce_sum3A_316 : f32 to vector<16xf32>
        %select_n3A = arith.select %eq3A_322, %broadcast_in_dim3A_324, %get3A_323 : vector<16xi1>, vector<16xf32>
        %swap3A = arith.index_cast %multiple_of3A : i32 to index
        %swap3A_325 = tpu.vector_load %arg12[%swap3A] {strides = array<i32>} : memref<512xf32, #tpu.memory_space<vmem>>, vector<16xf32>,
        tpu.vector_store %arg12[%swap3A], %select_n3A {strides = array<i32>} : memref<512xf32, #tpu.memory_space<vmem>>, vector<16xf32>,
      } else {
      }
      %lt3A_169 = arith.constant 512 : i32
      %lt3A_170 = arith.cmpi slt, %add3A_160, %lt3A_169 : i32
      %convert_element_type3A_171 = arith.extui %lt3A_170 : i1 to i32
      %cond3A_172 = arith.constant 0 : i32
      %cond3A_173 = arith.cmpi ne, %convert_element_type3A_171, %cond3A_172 : i32
      scf.if %cond3A_173 {
        %broadcast_in_dim3A = arith.constant 0 : i32
        %broadcast_in_dim3A_208 = vector.broadcast %broadcast_in_dim3A : i32 to vector<16xi32>
        %add3A_209 = vector.broadcast %add3A_160 : i32 to vector<16xi32>
        %add3A_210 = arith.addi %broadcast_in_dim3A_208, %add3A_209 : vector<16xi32>
        %gather3A = tpu.vector_load_idx %arg9[%add3A_210] : memref<512xi32, #tpu.memory_space<vmem>>[vector<16xi32>], vector<16xi32>,
        %slice3A = vector.extract_strided_slice %gather3A {offsets = [0], sizes = [1], strides = [1]} : vector<16xi32> to vector<1xi32>
        %squeeze3A = vector.extract %slice3A[0] : i32 from vector<1xi32>
        %gather3A_211 = tpu.vector_load_idx %arg10[%add3A_210] : memref<512xi32, #tpu.memory_space<vmem>>[vector<16xi32>], vector<16xi32>,
        %slice3A_212 = vector.extract_strided_slice %gather3A_211 {offsets = [0], sizes = [1], strides = [1]} : vector<16xi32> to vector<1xi32>
        %squeeze3A_213 = vector.extract %slice3A_212[0] : i32 from vector<1xi32>
        %shift_right_arithmetic3A = arith.constant 7 : i32
        %shift_right_arithmetic3A_214 = arith.shrsi %squeeze3A, %shift_right_arithmetic3A : i32
        %mul3A_215 = arith.constant 128 : i32
        %mul3A_216 = arith.muli %shift_right_arithmetic3A_214, %mul3A_215 : i32
        %multiple_of3A = tpu.assume_multiple %mul3A_216, 128 : i32
        %dma_start3A = arith.constant 9 : i32
        %dma_start3A_217 = arith.constant 0 : i32
        %dma_start3A_218 = arith.constant 0 : i32
        %dma_start3A_219 = arith.constant 0 : i32
        %dma_start3A_220 = tpu.memref_slice %arg11[%dma_start3A, %dma_start3A_217, %dma_start3A_218, %dma_start3A_219] : memref<12x4x16x128xf32, #tpu.memory_space<vmem>> -> memref<1x1x16x128xf32, #tpu.memory_space<vmem>>
        %dma_start3A_221 = tpu.memref_squeeze %dma_start3A_220 : memref<1x1x16x128xf32, #tpu.memory_space<vmem>> -> memref<16x128xf32, #tpu.memory_space<vmem>>
        %dma_start3A_222 = arith.constant 0 : i32
        %dma_start3A_223 = tpu.memref_slice %arg4[%dma_start3A_222, %multiple_of3A] : memref<16x1000000xf32, #tpu.memory_space<hbm>> -> memref<16x128xf32, #tpu.memory_space<hbm>>
        %dma_start3A_224 = arith.constant 0 : i32
        %dma_start3A_225 = arith.constant 0 : i32
        %dma_start3A_226 = tpu.memref_slice %arg11[%dma_start3A, %dma_start3A_217, %dma_start3A_224, %dma_start3A_225] : memref<12x4x16x128xf32, #tpu.memory_space<vmem>> -> memref<1x1x16x128xf32, #tpu.memory_space<vmem>>
        %dma_start3A_227 = tpu.memref_squeeze %dma_start3A_226 : memref<1x1x16x128xf32, #tpu.memory_space<vmem>> -> memref<16x128xf32, #tpu.memory_space<vmem>>
        %dma_start3A_228 = arith.constant 0 : i32
        %dma_start3A_229 = tpu.memref_slice %arg4[%dma_start3A_228, %multiple_of3A] : memref<16x1000000xf32, #tpu.memory_space<hbm>> -> memref<16x128xf32, #tpu.memory_space<hbm>>
        tpu.enqueue_dma source(%dma_start3A_229 : memref<16x128xf32, #tpu.memory_space<hbm>>) target(%dma_start3A_227 : memref<16x128xf32, #tpu.memory_space<vmem>>) target_semaphore(%arg22 : memref<!tpu.dma_semaphore, #tpu.memory_space<semaphore_mem>>)
        %shift_right_arithmetic3A_230 = arith.constant 7 : i32
        %shift_right_arithmetic3A_231 = arith.shrsi %squeeze3A_213, %shift_right_arithmetic3A_230 : i32
        %mul3A_232 = arith.constant 128 : i32
        %mul3A_233 = arith.muli %shift_right_arithmetic3A_231, %mul3A_232 : i32
        %multiple_of3A_234 = tpu.assume_multiple %mul3A_233, 128 : i32
        %dma_start3A_235 = arith.constant 9 : i32
        %dma_start3A_236 = arith.constant 1 : i32
        %dma_start3A_237 = arith.constant 0 : i32
        %dma_start3A_238 = arith.constant 0 : i32
        %dma_start3A_239 = tpu.memref_slice %arg11[%dma_start3A_235, %dma_start3A_236, %dma_start3A_237, %dma_start3A_238] : memref<12x4x16x128xf32, #tpu.memory_space<vmem>> -> memref<1x1x16x128xf32, #tpu.memory_space<vmem>>
        %dma_start3A_240 = tpu.memref_squeeze %dma_start3A_239 : memref<1x1x16x128xf32, #tpu.memory_space<vmem>> -> memref<16x128xf32, #tpu.memory_space<vmem>>
        %dma_start3A_241 = arith.constant 0 : i32
        %dma_start3A_242 = tpu.memref_slice %arg5[%dma_start3A_241, %multiple_of3A_234] : memref<16x1000000xf32, #tpu.memory_space<hbm>> -> memref<16x128xf32, #tpu.memory_space<hbm>>
        %dma_start3A_243 = arith.constant 0 : i32
        %dma_start3A_244 = arith.constant 0 : i32
        %dma_start3A_245 = tpu.memref_slice %arg11[%dma_start3A_235, %dma_start3A_236, %dma_start3A_243, %dma_start3A_244] : memref<12x4x16x128xf32, #tpu.memory_space<vmem>> -> memref<1x1x16x128xf32, #tpu.memory_space<vmem>>
        %dma_start3A_246 = tpu.memref_squeeze %dma_start3A_245 : memref<1x1x16x128xf32, #tpu.memory_space<vmem>> -> memref<16x128xf32, #tpu.memory_space<vmem>>
        %dma_start3A_247 = arith.constant 0 : i32
        %dma_start3A_248 = tpu.memref_slice %arg5[%dma_start3A_247, %multiple_of3A_234] : memref<16x1000000xf32, #tpu.memory_space<hbm>> -> memref<16x128xf32, #tpu.memory_space<hbm>>
        tpu.enqueue_dma source(%dma_start3A_248 : memref<16x128xf32, #tpu.memory_space<hbm>>) target(%dma_start3A_246 : memref<16x128xf32, #tpu.memory_space<vmem>>) target_semaphore(%arg22 : memref<!tpu.dma_semaphore, #tpu.memory_space<semaphore_mem>>)
        %shift_right_arithmetic3A_249 = arith.constant 7 : i32
        %shift_right_arithmetic3A_250 = arith.shrsi %squeeze3A, %shift_right_arithmetic3A_249 : i32
        %mul3A_251 = arith.constant 128 : i32
        %mul3A_252 = arith.muli %shift_right_arithmetic3A_250, %mul3A_251 : i32
        %multiple_of3A_253 = tpu.assume_multiple %mul3A_252, 128 : i32
        %dma_start3A_254 = arith.constant 9 : i32
        %dma_start3A_255 = arith.constant 2 : i32
        %dma_start3A_256 = arith.constant 0 : i32
        %dma_start3A_257 = arith.constant 0 : i32
        %dma_start3A_258 = tpu.memref_slice %arg11[%dma_start3A_254, %dma_start3A_255, %dma_start3A_256, %dma_start3A_257] : memref<12x4x16x128xf32, #tpu.memory_space<vmem>> -> memref<1x1x16x128xf32, #tpu.memory_space<vmem>>
        %dma_start3A_259 = tpu.memref_squeeze %dma_start3A_258 : memref<1x1x16x128xf32, #tpu.memory_space<vmem>> -> memref<16x128xf32, #tpu.memory_space<vmem>>
        %dma_start3A_260 = arith.constant 0 : i32
        %dma_start3A_261 = tpu.memref_slice %arg6[%dma_start3A_260, %multiple_of3A_253] : memref<16x1000000xf32, #tpu.memory_space<hbm>> -> memref<16x128xf32, #tpu.memory_space<hbm>>
        %dma_start3A_262 = arith.constant 0 : i32
        %dma_start3A_263 = arith.constant 0 : i32
        %dma_start3A_264 = tpu.memref_slice %arg11[%dma_start3A_254, %dma_start3A_255, %dma_start3A_262, %dma_start3A_263] : memref<12x4x16x128xf32, #tpu.memory_space<vmem>> -> memref<1x1x16x128xf32, #tpu.memory_space<vmem>>
        %dma_start3A_265 = tpu.memref_squeeze %dma_start3A_264 : memref<1x1x16x128xf32, #tpu.memory_space<vmem>> -> memref<16x128xf32, #tpu.memory_space<vmem>>
        %dma_start3A_266 = arith.constant 0 : i32
        %dma_start3A_267 = tpu.memref_slice %arg6[%dma_start3A_266, %multiple_of3A_253] : memref<16x1000000xf32, #tpu.memory_space<hbm>> -> memref<16x128xf32, #tpu.memory_space<hbm>>
        tpu.enqueue_dma source(%dma_start3A_267 : memref<16x128xf32, #tpu.memory_space<hbm>>) target(%dma_start3A_265 : memref<16x128xf32, #tpu.memory_space<vmem>>) target_semaphore(%arg22 : memref<!tpu.dma_semaphore, #tpu.memory_space<semaphore_mem>>)
        %shift_right_arithmetic3A_268 = arith.constant 7 : i32
        %shift_right_arithmetic3A_269 = arith.shrsi %squeeze3A_213, %shift_right_arithmetic3A_268 : i32
        %mul3A_270 = arith.constant 128 : i32
        %mul3A_271 = arith.muli %shift_right_arithmetic3A_269, %mul3A_270 : i32
        %multiple_of3A_272 = tpu.assume_multiple %mul3A_271, 128 : i32
        %dma_start3A_273 = arith.constant 9 : i32
        %dma_start3A_274 = arith.constant 3 : i32
        %dma_start3A_275 = arith.constant 0 : i32
        %dma_start3A_276 = arith.constant 0 : i32
        %dma_start3A_277 = tpu.memref_slice %arg11[%dma_start3A_273, %dma_start3A_274, %dma_start3A_275, %dma_start3A_276] : memref<12x4x16x128xf32, #tpu.memory_space<vmem>> -> memref<1x1x16x128xf32, #tpu.memory_space<vmem>>
        %dma_start3A_278 = tpu.memref_squeeze %dma_start3A_277 : memref<1x1x16x128xf32, #tpu.memory_space<vmem>> -> memref<16x128xf32, #tpu.memory_space<vmem>>
        %dma_start3A_279 = arith.constant 0 : i32
        %dma_start3A_280 = tpu.memref_slice %arg7[%dma_start3A_279, %multiple_of3A_272] : memref<16x1000000xf32, #tpu.memory_space<hbm>> -> memref<16x128xf32, #tpu.memory_space<hbm>>
        %dma_start3A_281 = arith.constant 0 : i32
        %dma_start3A_282 = arith.constant 0 : i32
        %dma_start3A_283 = tpu.memref_slice %arg11[%dma_start3A_273, %dma_start3A_274, %dma_start3A_281, %dma_start3A_282] : memref<12x4x16x128xf32, #tpu.memory_space<vmem>> -> memref<1x1x16x128xf32, #tpu.memory_space<vmem>>
        %dma_start3A_284 = tpu.memref_squeeze %dma_start3A_283 : memref<1x1x16x128xf32, #tpu.memory_space<vmem>> -> memref<16x128xf32, #tpu.memory_space<vmem>>
        %dma_start3A_285 = arith.constant 0 : i32
        %dma_start3A_286 = tpu.memref_slice %arg7[%dma_start3A_285, %multiple_of3A_272] : memref<16x1000000xf32, #tpu.memory_space<hbm>> -> memref<16x128xf32, #tpu.memory_space<hbm>>
        tpu.enqueue_dma source(%dma_start3A_286 : memref<16x128xf32, #tpu.memory_space<hbm>>) target(%dma_start3A_284 : memref<16x128xf32, #tpu.memory_space<vmem>>) target_semaphore(%arg22 : memref<!tpu.dma_semaphore, #tpu.memory_space<semaphore_mem>>)
      } else {
      }
      %mul3A_174 = arith.constant 12 : i32
      %mul3A_175 = arith.muli %scan3A_8, %mul3A_174 : i32
      %add3A_176 = arith.constant 10 : i32
      %add3A_177 = arith.addi %mul3A_175, %add3A_176 : i32
      %ge3A_178 = arith.constant 12 : i32
      %ge3A_179 = arith.cmpi sge, %add3A_177, %ge3A_178 : i32
      %lt3A_180 = arith.constant 524 : i32
      %lt3A_181 = arith.cmpi slt, %add3A_177, %lt3A_180 : i32
      %and3A_182 = arith.andi %ge3A_179, %lt3A_181 : i1
      %convert_element_type3A_183 = arith.extui %and3A_182 : i1 to i32
      %cond3A_184 = arith.constant 0 : i32
      %cond3A_185 = arith.cmpi ne, %convert_element_type3A_183, %cond3A_184 : i32
      scf.if %cond3A_185 {
        %dma_wait3A = arith.constant 0 : i32
        %dma_wait3A_208 = arith.constant 0 : i32
        %dma_wait3A_209 = arith.constant 0 : i32
        %dma_wait3A_210 = arith.constant 0 : i32
        %dma_wait3A_211 = tpu.memref_slice %arg11[%dma_wait3A, %dma_wait3A_208, %dma_wait3A_209, %dma_wait3A_210] : memref<12x4x16x128xf32, #tpu.memory_space<vmem>> -> memref<1x1x16x128xf32, #tpu.memory_space<vmem>>
        %dma_wait3A_212 = tpu.memref_squeeze %dma_wait3A_211 : memref<1x1x16x128xf32, #tpu.memory_space<vmem>> -> memref<16x128xf32, #tpu.memory_space<vmem>>
        %dma_wait3A_213 = arith.constant 0 : i32
        %dma_wait3A_214 = arith.constant 0 : i32
        %dma_wait3A_215 = tpu.memref_slice %arg4[%dma_wait3A_213, %dma_wait3A_214] : memref<16x1000000xf32, #tpu.memory_space<hbm>> -> memref<16x128xf32, #tpu.memory_space<hbm>>
        %dma_wait3A_216 = arith.constant 0 : i32
        %dma_wait3A_217 = arith.constant 0 : i32
        %dma_wait3A_218 = tpu.memref_slice %arg11[%dma_wait3A, %dma_wait3A_208, %dma_wait3A_216, %dma_wait3A_217] : memref<12x4x16x128xf32, #tpu.memory_space<vmem>> -> memref<1x1x16x128xf32, #tpu.memory_space<vmem>>
        %dma_wait3A_219 = tpu.memref_squeeze %dma_wait3A_218 : memref<1x1x16x128xf32, #tpu.memory_space<vmem>> -> memref<16x128xf32, #tpu.memory_space<vmem>>
        %dma_wait3A_220 = arith.constant 0 : i32
        %dma_wait3A_221 = arith.constant 0 : i32
        %dma_wait3A_222 = tpu.memref_slice %arg4[%dma_wait3A_220, %dma_wait3A_221] : memref<16x1000000xf32, #tpu.memory_space<hbm>> -> memref<16x128xf32, #tpu.memory_space<hbm>>
        tpu.wait_dma2 semaphore(%arg23 : memref<!tpu.dma_semaphore, #tpu.memory_space<semaphore_mem>>) src(%dma_wait3A_222 : memref<16x128xf32, #tpu.memory_space<hbm>>) dst(%dma_wait3A_219 : memref<16x128xf32, #tpu.memory_space<vmem>>)
        %dma_wait3A_223 = arith.constant 0 : i32
        %dma_wait3A_224 = arith.constant 0 : i32
        %dma_wait3A_225 = arith.constant 0 : i32
        %dma_wait3A_226 = arith.constant 0 : i32
        %dma_wait3A_227 = tpu.memref_slice %arg11[%dma_wait3A_223, %dma_wait3A_224, %dma_wait3A_225, %dma_wait3A_226] : memref<12x4x16x128xf32, #tpu.memory_space<vmem>> -> memref<1x1x16x128xf32, #tpu.memory_space<vmem>>
        %dma_wait3A_228 = tpu.memref_squeeze %dma_wait3A_227 : memref<1x1x16x128xf32, #tpu.memory_space<vmem>> -> memref<16x128xf32, #tpu.memory_space<vmem>>
        %dma_wait3A_229 = arith.constant 0 : i32
        %dma_wait3A_230 = arith.constant 0 : i32
        %dma_wait3A_231 = tpu.memref_slice %arg4[%dma_wait3A_229, %dma_wait3A_230] : memref<16x1000000xf32, #tpu.memory_space<hbm>> -> memref<16x128xf32, #tpu.memory_space<hbm>>
        %dma_wait3A_232 = arith.constant 0 : i32
        %dma_wait3A_233 = arith.constant 0 : i32
        %dma_wait3A_234 = tpu.memref_slice %arg11[%dma_wait3A_223, %dma_wait3A_224, %dma_wait3A_232, %dma_wait3A_233] : memref<12x4x16x128xf32, #tpu.memory_space<vmem>> -> memref<1x1x16x128xf32, #tpu.memory_space<vmem>>
        %dma_wait3A_235 = tpu.memref_squeeze %dma_wait3A_234 : memref<1x1x16x128xf32, #tpu.memory_space<vmem>> -> memref<16x128xf32, #tpu.memory_space<vmem>>
        %dma_wait3A_236 = arith.constant 0 : i32
        %dma_wait3A_237 = arith.constant 0 : i32
        %dma_wait3A_238 = tpu.memref_slice %arg4[%dma_wait3A_236, %dma_wait3A_237] : memref<16x1000000xf32, #tpu.memory_space<hbm>> -> memref<16x128xf32, #tpu.memory_space<hbm>>
        tpu.wait_dma2 semaphore(%arg23 : memref<!tpu.dma_semaphore, #tpu.memory_space<semaphore_mem>>) src(%dma_wait3A_238 : memref<16x128xf32, #tpu.memory_space<hbm>>) dst(%dma_wait3A_235 : memref<16x128xf32, #tpu.memory_space<vmem>>)
        %dma_wait3A_239 = arith.constant 0 : i32
        %dma_wait3A_240 = arith.constant 0 : i32
        %dma_wait3A_241 = arith.constant 0 : i32
        %dma_wait3A_242 = arith.constant 0 : i32
        %dma_wait3A_243 = tpu.memref_slice %arg11[%dma_wait3A_239, %dma_wait3A_240, %dma_wait3A_241, %dma_wait3A_242] : memref<12x4x16x128xf32, #tpu.memory_space<vmem>> -> memref<1x1x16x128xf32, #tpu.memory_space<vmem>>
        %dma_wait3A_244 = tpu.memref_squeeze %dma_wait3A_243 : memref<1x1x16x128xf32, #tpu.memory_space<vmem>> -> memref<16x128xf32, #tpu.memory_space<vmem>>
        %dma_wait3A_245 = arith.constant 0 : i32
        %dma_wait3A_246 = arith.constant 0 : i32
        %dma_wait3A_247 = tpu.memref_slice %arg4[%dma_wait3A_245, %dma_wait3A_246] : memref<16x1000000xf32, #tpu.memory_space<hbm>> -> memref<16x128xf32, #tpu.memory_space<hbm>>
        %dma_wait3A_248 = arith.constant 0 : i32
        %dma_wait3A_249 = arith.constant 0 : i32
        %dma_wait3A_250 = tpu.memref_slice %arg11[%dma_wait3A_239, %dma_wait3A_240, %dma_wait3A_248, %dma_wait3A_249] : memref<12x4x16x128xf32, #tpu.memory_space<vmem>> -> memref<1x1x16x128xf32, #tpu.memory_space<vmem>>
        %dma_wait3A_251 = tpu.memref_squeeze %dma_wait3A_250 : memref<1x1x16x128xf32, #tpu.memory_space<vmem>> -> memref<16x128xf32, #tpu.memory_space<vmem>>
        %dma_wait3A_252 = arith.constant 0 : i32
        %dma_wait3A_253 = arith.constant 0 : i32
        %dma_wait3A_254 = tpu.memref_slice %arg4[%dma_wait3A_252, %dma_wait3A_253] : memref<16x1000000xf32, #tpu.memory_space<hbm>> -> memref<16x128xf32, #tpu.memory_space<hbm>>
        tpu.wait_dma2 semaphore(%arg23 : memref<!tpu.dma_semaphore, #tpu.memory_space<semaphore_mem>>) src(%dma_wait3A_254 : memref<16x128xf32, #tpu.memory_space<hbm>>) dst(%dma_wait3A_251 : memref<16x128xf32, #tpu.memory_space<vmem>>)
        %dma_wait3A_255 = arith.constant 0 : i32
        %dma_wait3A_256 = arith.constant 0 : i32
        %dma_wait3A_257 = arith.constant 0 : i32
        %dma_wait3A_258 = arith.constant 0 : i32
        %dma_wait3A_259 = tpu.memref_slice %arg11[%dma_wait3A_255, %dma_wait3A_256, %dma_wait3A_257, %dma_wait3A_258] : memref<12x4x16x128xf32, #tpu.memory_space<vmem>> -> memref<1x1x16x128xf32, #tpu.memory_space<vmem>>
        %dma_wait3A_260 = tpu.memref_squeeze %dma_wait3A_259 : memref<1x1x16x128xf32, #tpu.memory_space<vmem>> -> memref<16x128xf32, #tpu.memory_space<vmem>>
        %dma_wait3A_261 = arith.constant 0 : i32
        %dma_wait3A_262 = arith.constant 0 : i32
        %dma_wait3A_263 = tpu.memref_slice %arg4[%dma_wait3A_261, %dma_wait3A_262] : memref<16x1000000xf32, #tpu.memory_space<hbm>> -> memref<16x128xf32, #tpu.memory_space<hbm>>
        %dma_wait3A_264 = arith.constant 0 : i32
        %dma_wait3A_265 = arith.constant 0 : i32
        %dma_wait3A_266 = tpu.memref_slice %arg11[%dma_wait3A_255, %dma_wait3A_256, %dma_wait3A_264, %dma_wait3A_265] : memref<12x4x16x128xf32, #tpu.memory_space<vmem>> -> memref<1x1x16x128xf32, #tpu.memory_space<vmem>>
        %dma_wait3A_267 = tpu.memref_squeeze %dma_wait3A_266 : memref<1x1x16x128xf32, #tpu.memory_space<vmem>> -> memref<16x128xf32, #tpu.memory_space<vmem>>
        %dma_wait3A_268 = arith.constant 0 : i32
        %dma_wait3A_269 = arith.constant 0 : i32
        %dma_wait3A_270 = tpu.memref_slice %arg4[%dma_wait3A_268, %dma_wait3A_269] : memref<16x1000000xf32, #tpu.memory_space<hbm>> -> memref<16x128xf32, #tpu.memory_space<hbm>>
        tpu.wait_dma2 semaphore(%arg23 : memref<!tpu.dma_semaphore, #tpu.memory_space<semaphore_mem>>) src(%dma_wait3A_270 : memref<16x128xf32, #tpu.memory_space<hbm>>) dst(%dma_wait3A_267 : memref<16x128xf32, #tpu.memory_space<vmem>>)
        %sub3A = arith.constant 12 : i32
        %sub3A_271 = arith.subi %add3A_177, %sub3A : i32
        %broadcast_in_dim3A = arith.constant 0 : i32
        %broadcast_in_dim3A_272 = vector.broadcast %broadcast_in_dim3A : i32 to vector<16xi32>
        %add3A_273 = vector.broadcast %sub3A_271 : i32 to vector<16xi32>
        %add3A_274 = arith.addi %broadcast_in_dim3A_272, %add3A_273 : vector<16xi32>
        %gather3A = tpu.vector_load_idx %arg9[%add3A_274] : memref<512xi32, #tpu.memory_space<vmem>>[vector<16xi32>], vector<16xi32>,
        %and3A_275 = arith.constant 127 : i32
        %and3A_276 = vector.broadcast %and3A_275 : i32 to vector<16xi32>
        %and3A_277 = arith.andi %gather3A, %and3A_276 : vector<16xi32>
        %gather3A_278 = tpu.vector_load_idx %arg10[%add3A_274] : memref<512xi32, #tpu.memory_space<vmem>>[vector<16xi32>], vector<16xi32>,
        %and3A_279 = arith.constant 127 : i32
        %and3A_280 = vector.broadcast %and3A_279 : i32 to vector<16xi32>
        %and3A_281 = arith.andi %gather3A_278, %and3A_280 : vector<16xi32>
        %broadcast_in_dim3A_282 = arith.constant 0 : i32
        %broadcast_in_dim3A_283 = vector.broadcast %broadcast_in_dim3A_282 : i32 to vector<16xi32>
        %add3A_284 = arith.constant 10 : i32
        %add3A_285 = vector.broadcast %add3A_284 : i32 to vector<16xi32>
        %add3A_286 = arith.addi %broadcast_in_dim3A_283, %add3A_285 : vector<16xi32>
        %broadcast_in_dim3A_287 = arith.constant 0 : i32
        %broadcast_in_dim3A_288 = vector.broadcast %broadcast_in_dim3A_287 : i32 to vector<16xi32>
        %add3A_289 = arith.constant 0 : i32
        %add3A_290 = vector.broadcast %add3A_289 : i32 to vector<16xi32>
        %add3A_291 = arith.addi %broadcast_in_dim3A_288, %add3A_290 : vector<16xi32>
        %gather3A_292 = tpu.vector_load_idx %arg11[%add3A_286, %add3A_291, %iota3A, %and3A_277] : memref<12x4x16x128xf32, #tpu.memory_space<vmem>>[vector<16xi32>, vector<16xi32>, vector<16xi32>, vector<16xi32>], vector<16xf32>,
        %broadcast_in_dim3A_293 = arith.constant 0 : i32
        %broadcast_in_dim3A_294 = vector.broadcast %broadcast_in_dim3A_293 : i32 to vector<16xi32>
        %add3A_295 = arith.constant 1 : i32
        %add3A_296 = vector.broadcast %add3A_295 : i32 to vector<16xi32>
        %add3A_297 = arith.addi %broadcast_in_dim3A_294, %add3A_296 : vector<16xi32>
        %gather3A_298 = tpu.vector_load_idx %arg11[%add3A_286, %add3A_297, %iota3A, %and3A_281] : memref<12x4x16x128xf32, #tpu.memory_space<vmem>>[vector<16xi32>, vector<16xi32>, vector<16xi32>, vector<16xi32>], vector<16xf32>,
        %broadcast_in_dim3A_299 = arith.constant 0 : i32
        %broadcast_in_dim3A_300 = vector.broadcast %broadcast_in_dim3A_299 : i32 to vector<16xi32>
        %add3A_301 = arith.constant 2 : i32
        %add3A_302 = vector.broadcast %add3A_301 : i32 to vector<16xi32>
        %add3A_303 = arith.addi %broadcast_in_dim3A_300, %add3A_302 : vector<16xi32>
        %gather3A_304 = tpu.vector_load_idx %arg11[%add3A_286, %add3A_303, %iota3A, %and3A_277] : memref<12x4x16x128xf32, #tpu.memory_space<vmem>>[vector<16xi32>, vector<16xi32>, vector<16xi32>, vector<16xi32>], vector<16xf32>,
        %broadcast_in_dim3A_305 = arith.constant 0 : i32
        %broadcast_in_dim3A_306 = vector.broadcast %broadcast_in_dim3A_305 : i32 to vector<16xi32>
        %add3A_307 = arith.constant 3 : i32
        %add3A_308 = vector.broadcast %add3A_307 : i32 to vector<16xi32>
        %add3A_309 = arith.addi %broadcast_in_dim3A_306, %add3A_308 : vector<16xi32>
        %gather3A_310 = tpu.vector_load_idx %arg11[%add3A_286, %add3A_309, %iota3A, %and3A_281] : memref<12x4x16x128xf32, #tpu.memory_space<vmem>>[vector<16xi32>, vector<16xi32>, vector<16xi32>, vector<16xi32>], vector<16xf32>,
        %mul3A_311 = arith.mulf %gather3A_292, %gather3A_298 : vector<16xf32>
        %mul3A_312 = arith.mulf %gather3A_304, %gather3A_310 : vector<16xf32>
        %add3A_313 = arith.addf %mul3A_311, %mul3A_312 : vector<16xf32>
        %reduce_sum3A = arith.constant true
        %reduce_sum3A_314 = vector.broadcast %reduce_sum3A : i1 to vector<16xi1>
        %reduce_sum3A_315 = tpu.scan <sum>, %add3A_313 masked %reduce_sum3A_314 : vector<16xf32>, vector<16xi1> -> vector<16xf32>
        %reduce_sum3A_316 = vector.extract %reduce_sum3A_315[15] : f32 from vector<16xf32>
        %shift_right_arithmetic3A = arith.constant 4 : i32
        %shift_right_arithmetic3A_317 = arith.shrsi %sub3A_271, %shift_right_arithmetic3A : i32
        %and3A_318 = arith.constant 15 : i32
        %and3A_319 = arith.andi %sub3A_271, %and3A_318 : i32
        %mul3A_320 = arith.constant 16 : i32
        %mul3A_321 = arith.muli %shift_right_arithmetic3A_317, %mul3A_320 : i32
        %multiple_of3A = tpu.assume_multiple %mul3A_321, 16 : i32
        %eq3A = vector.broadcast %and3A_319 : i32 to vector<16xi32>
        %eq3A_322 = arith.cmpi eq, %iota3A, %eq3A : vector<16xi32>
        %get3A = arith.index_cast %multiple_of3A : i32 to index
        %get3A_323 = tpu.vector_load %arg12[%get3A] {strides = array<i32>} : memref<512xf32, #tpu.memory_space<vmem>>, vector<16xf32>,
        %broadcast_in_dim3A_324 = vector.broadcast %reduce_sum3A_316 : f32 to vector<16xf32>
        %select_n3A = arith.select %eq3A_322, %broadcast_in_dim3A_324, %get3A_323 : vector<16xi1>, vector<16xf32>
        %swap3A = arith.index_cast %multiple_of3A : i32 to index
        %swap3A_325 = tpu.vector_load %arg12[%swap3A] {strides = array<i32>} : memref<512xf32, #tpu.memory_space<vmem>>, vector<16xf32>,
        tpu.vector_store %arg12[%swap3A], %select_n3A {strides = array<i32>} : memref<512xf32, #tpu.memory_space<vmem>>, vector<16xf32>,
      } else {
      }
      %lt3A_186 = arith.constant 512 : i32
      %lt3A_187 = arith.cmpi slt, %add3A_177, %lt3A_186 : i32
      %convert_element_type3A_188 = arith.extui %lt3A_187 : i1 to i32
      %cond3A_189 = arith.constant 0 : i32
      %cond3A_190 = arith.cmpi ne, %convert_element_type3A_188, %cond3A_189 : i32
      scf.if %cond3A_190 {
        %broadcast_in_dim3A = arith.constant 0 : i32
        %broadcast_in_dim3A_208 = vector.broadcast %broadcast_in_dim3A : i32 to vector<16xi32>
        %add3A_209 = vector.broadcast %add3A_177 : i32 to vector<16xi32>
        %add3A_210 = arith.addi %broadcast_in_dim3A_208, %add3A_209 : vector<16xi32>
        %gather3A = tpu.vector_load_idx %arg9[%add3A_210] : memref<512xi32, #tpu.memory_space<vmem>>[vector<16xi32>], vector<16xi32>,
        %slice3A = vector.extract_strided_slice %gather3A {offsets = [0], sizes = [1], strides = [1]} : vector<16xi32> to vector<1xi32>
        %squeeze3A = vector.extract %slice3A[0] : i32 from vector<1xi32>
        %gather3A_211 = tpu.vector_load_idx %arg10[%add3A_210] : memref<512xi32, #tpu.memory_space<vmem>>[vector<16xi32>], vector<16xi32>,
        %slice3A_212 = vector.extract_strided_slice %gather3A_211 {offsets = [0], sizes = [1], strides = [1]} : vector<16xi32> to vector<1xi32>
        %squeeze3A_213 = vector.extract %slice3A_212[0] : i32 from vector<1xi32>
        %shift_right_arithmetic3A = arith.constant 7 : i32
        %shift_right_arithmetic3A_214 = arith.shrsi %squeeze3A, %shift_right_arithmetic3A : i32
        %mul3A_215 = arith.constant 128 : i32
        %mul3A_216 = arith.muli %shift_right_arithmetic3A_214, %mul3A_215 : i32
        %multiple_of3A = tpu.assume_multiple %mul3A_216, 128 : i32
        %dma_start3A = arith.constant 10 : i32
        %dma_start3A_217 = arith.constant 0 : i32
        %dma_start3A_218 = arith.constant 0 : i32
        %dma_start3A_219 = arith.constant 0 : i32
        %dma_start3A_220 = tpu.memref_slice %arg11[%dma_start3A, %dma_start3A_217, %dma_start3A_218, %dma_start3A_219] : memref<12x4x16x128xf32, #tpu.memory_space<vmem>> -> memref<1x1x16x128xf32, #tpu.memory_space<vmem>>
        %dma_start3A_221 = tpu.memref_squeeze %dma_start3A_220 : memref<1x1x16x128xf32, #tpu.memory_space<vmem>> -> memref<16x128xf32, #tpu.memory_space<vmem>>
        %dma_start3A_222 = arith.constant 0 : i32
        %dma_start3A_223 = tpu.memref_slice %arg4[%dma_start3A_222, %multiple_of3A] : memref<16x1000000xf32, #tpu.memory_space<hbm>> -> memref<16x128xf32, #tpu.memory_space<hbm>>
        %dma_start3A_224 = arith.constant 0 : i32
        %dma_start3A_225 = arith.constant 0 : i32
        %dma_start3A_226 = tpu.memref_slice %arg11[%dma_start3A, %dma_start3A_217, %dma_start3A_224, %dma_start3A_225] : memref<12x4x16x128xf32, #tpu.memory_space<vmem>> -> memref<1x1x16x128xf32, #tpu.memory_space<vmem>>
        %dma_start3A_227 = tpu.memref_squeeze %dma_start3A_226 : memref<1x1x16x128xf32, #tpu.memory_space<vmem>> -> memref<16x128xf32, #tpu.memory_space<vmem>>
        %dma_start3A_228 = arith.constant 0 : i32
        %dma_start3A_229 = tpu.memref_slice %arg4[%dma_start3A_228, %multiple_of3A] : memref<16x1000000xf32, #tpu.memory_space<hbm>> -> memref<16x128xf32, #tpu.memory_space<hbm>>
        tpu.enqueue_dma source(%dma_start3A_229 : memref<16x128xf32, #tpu.memory_space<hbm>>) target(%dma_start3A_227 : memref<16x128xf32, #tpu.memory_space<vmem>>) target_semaphore(%arg23 : memref<!tpu.dma_semaphore, #tpu.memory_space<semaphore_mem>>)
        %shift_right_arithmetic3A_230 = arith.constant 7 : i32
        %shift_right_arithmetic3A_231 = arith.shrsi %squeeze3A_213, %shift_right_arithmetic3A_230 : i32
        %mul3A_232 = arith.constant 128 : i32
        %mul3A_233 = arith.muli %shift_right_arithmetic3A_231, %mul3A_232 : i32
        %multiple_of3A_234 = tpu.assume_multiple %mul3A_233, 128 : i32
        %dma_start3A_235 = arith.constant 10 : i32
        %dma_start3A_236 = arith.constant 1 : i32
        %dma_start3A_237 = arith.constant 0 : i32
        %dma_start3A_238 = arith.constant 0 : i32
        %dma_start3A_239 = tpu.memref_slice %arg11[%dma_start3A_235, %dma_start3A_236, %dma_start3A_237, %dma_start3A_238] : memref<12x4x16x128xf32, #tpu.memory_space<vmem>> -> memref<1x1x16x128xf32, #tpu.memory_space<vmem>>
        %dma_start3A_240 = tpu.memref_squeeze %dma_start3A_239 : memref<1x1x16x128xf32, #tpu.memory_space<vmem>> -> memref<16x128xf32, #tpu.memory_space<vmem>>
        %dma_start3A_241 = arith.constant 0 : i32
        %dma_start3A_242 = tpu.memref_slice %arg5[%dma_start3A_241, %multiple_of3A_234] : memref<16x1000000xf32, #tpu.memory_space<hbm>> -> memref<16x128xf32, #tpu.memory_space<hbm>>
        %dma_start3A_243 = arith.constant 0 : i32
        %dma_start3A_244 = arith.constant 0 : i32
        %dma_start3A_245 = tpu.memref_slice %arg11[%dma_start3A_235, %dma_start3A_236, %dma_start3A_243, %dma_start3A_244] : memref<12x4x16x128xf32, #tpu.memory_space<vmem>> -> memref<1x1x16x128xf32, #tpu.memory_space<vmem>>
        %dma_start3A_246 = tpu.memref_squeeze %dma_start3A_245 : memref<1x1x16x128xf32, #tpu.memory_space<vmem>> -> memref<16x128xf32, #tpu.memory_space<vmem>>
        %dma_start3A_247 = arith.constant 0 : i32
        %dma_start3A_248 = tpu.memref_slice %arg5[%dma_start3A_247, %multiple_of3A_234] : memref<16x1000000xf32, #tpu.memory_space<hbm>> -> memref<16x128xf32, #tpu.memory_space<hbm>>
        tpu.enqueue_dma source(%dma_start3A_248 : memref<16x128xf32, #tpu.memory_space<hbm>>) target(%dma_start3A_246 : memref<16x128xf32, #tpu.memory_space<vmem>>) target_semaphore(%arg23 : memref<!tpu.dma_semaphore, #tpu.memory_space<semaphore_mem>>)
        %shift_right_arithmetic3A_249 = arith.constant 7 : i32
        %shift_right_arithmetic3A_250 = arith.shrsi %squeeze3A, %shift_right_arithmetic3A_249 : i32
        %mul3A_251 = arith.constant 128 : i32
        %mul3A_252 = arith.muli %shift_right_arithmetic3A_250, %mul3A_251 : i32
        %multiple_of3A_253 = tpu.assume_multiple %mul3A_252, 128 : i32
        %dma_start3A_254 = arith.constant 10 : i32
        %dma_start3A_255 = arith.constant 2 : i32
        %dma_start3A_256 = arith.constant 0 : i32
        %dma_start3A_257 = arith.constant 0 : i32
        %dma_start3A_258 = tpu.memref_slice %arg11[%dma_start3A_254, %dma_start3A_255, %dma_start3A_256, %dma_start3A_257] : memref<12x4x16x128xf32, #tpu.memory_space<vmem>> -> memref<1x1x16x128xf32, #tpu.memory_space<vmem>>
        %dma_start3A_259 = tpu.memref_squeeze %dma_start3A_258 : memref<1x1x16x128xf32, #tpu.memory_space<vmem>> -> memref<16x128xf32, #tpu.memory_space<vmem>>
        %dma_start3A_260 = arith.constant 0 : i32
        %dma_start3A_261 = tpu.memref_slice %arg6[%dma_start3A_260, %multiple_of3A_253] : memref<16x1000000xf32, #tpu.memory_space<hbm>> -> memref<16x128xf32, #tpu.memory_space<hbm>>
        %dma_start3A_262 = arith.constant 0 : i32
        %dma_start3A_263 = arith.constant 0 : i32
        %dma_start3A_264 = tpu.memref_slice %arg11[%dma_start3A_254, %dma_start3A_255, %dma_start3A_262, %dma_start3A_263] : memref<12x4x16x128xf32, #tpu.memory_space<vmem>> -> memref<1x1x16x128xf32, #tpu.memory_space<vmem>>
        %dma_start3A_265 = tpu.memref_squeeze %dma_start3A_264 : memref<1x1x16x128xf32, #tpu.memory_space<vmem>> -> memref<16x128xf32, #tpu.memory_space<vmem>>
        %dma_start3A_266 = arith.constant 0 : i32
        %dma_start3A_267 = tpu.memref_slice %arg6[%dma_start3A_266, %multiple_of3A_253] : memref<16x1000000xf32, #tpu.memory_space<hbm>> -> memref<16x128xf32, #tpu.memory_space<hbm>>
        tpu.enqueue_dma source(%dma_start3A_267 : memref<16x128xf32, #tpu.memory_space<hbm>>) target(%dma_start3A_265 : memref<16x128xf32, #tpu.memory_space<vmem>>) target_semaphore(%arg23 : memref<!tpu.dma_semaphore, #tpu.memory_space<semaphore_mem>>)
        %shift_right_arithmetic3A_268 = arith.constant 7 : i32
        %shift_right_arithmetic3A_269 = arith.shrsi %squeeze3A_213, %shift_right_arithmetic3A_268 : i32
        %mul3A_270 = arith.constant 128 : i32
        %mul3A_271 = arith.muli %shift_right_arithmetic3A_269, %mul3A_270 : i32
        %multiple_of3A_272 = tpu.assume_multiple %mul3A_271, 128 : i32
        %dma_start3A_273 = arith.constant 10 : i32
        %dma_start3A_274 = arith.constant 3 : i32
        %dma_start3A_275 = arith.constant 0 : i32
        %dma_start3A_276 = arith.constant 0 : i32
        %dma_start3A_277 = tpu.memref_slice %arg11[%dma_start3A_273, %dma_start3A_274, %dma_start3A_275, %dma_start3A_276] : memref<12x4x16x128xf32, #tpu.memory_space<vmem>> -> memref<1x1x16x128xf32, #tpu.memory_space<vmem>>
        %dma_start3A_278 = tpu.memref_squeeze %dma_start3A_277 : memref<1x1x16x128xf32, #tpu.memory_space<vmem>> -> memref<16x128xf32, #tpu.memory_space<vmem>>
        %dma_start3A_279 = arith.constant 0 : i32
        %dma_start3A_280 = tpu.memref_slice %arg7[%dma_start3A_279, %multiple_of3A_272] : memref<16x1000000xf32, #tpu.memory_space<hbm>> -> memref<16x128xf32, #tpu.memory_space<hbm>>
        %dma_start3A_281 = arith.constant 0 : i32
        %dma_start3A_282 = arith.constant 0 : i32
        %dma_start3A_283 = tpu.memref_slice %arg11[%dma_start3A_273, %dma_start3A_274, %dma_start3A_281, %dma_start3A_282] : memref<12x4x16x128xf32, #tpu.memory_space<vmem>> -> memref<1x1x16x128xf32, #tpu.memory_space<vmem>>
        %dma_start3A_284 = tpu.memref_squeeze %dma_start3A_283 : memref<1x1x16x128xf32, #tpu.memory_space<vmem>> -> memref<16x128xf32, #tpu.memory_space<vmem>>
        %dma_start3A_285 = arith.constant 0 : i32
        %dma_start3A_286 = tpu.memref_slice %arg7[%dma_start3A_285, %multiple_of3A_272] : memref<16x1000000xf32, #tpu.memory_space<hbm>> -> memref<16x128xf32, #tpu.memory_space<hbm>>
        tpu.enqueue_dma source(%dma_start3A_286 : memref<16x128xf32, #tpu.memory_space<hbm>>) target(%dma_start3A_284 : memref<16x128xf32, #tpu.memory_space<vmem>>) target_semaphore(%arg23 : memref<!tpu.dma_semaphore, #tpu.memory_space<semaphore_mem>>)
      } else {
      }
      %mul3A_191 = arith.constant 12 : i32
      %mul3A_192 = arith.muli %scan3A_8, %mul3A_191 : i32
      %add3A_193 = arith.constant 11 : i32
      %add3A_194 = arith.addi %mul3A_192, %add3A_193 : i32
      %ge3A_195 = arith.constant 12 : i32
      %ge3A_196 = arith.cmpi sge, %add3A_194, %ge3A_195 : i32
      %lt3A_197 = arith.constant 524 : i32
      %lt3A_198 = arith.cmpi slt, %add3A_194, %lt3A_197 : i32
      %and3A_199 = arith.andi %ge3A_196, %lt3A_198 : i1
      %convert_element_type3A_200 = arith.extui %and3A_199 : i1 to i32
      %cond3A_201 = arith.constant 0 : i32
      %cond3A_202 = arith.cmpi ne, %convert_element_type3A_200, %cond3A_201 : i32
      scf.if %cond3A_202 {
        %dma_wait3A = arith.constant 0 : i32
        %dma_wait3A_208 = arith.constant 0 : i32
        %dma_wait3A_209 = arith.constant 0 : i32
        %dma_wait3A_210 = arith.constant 0 : i32
        %dma_wait3A_211 = tpu.memref_slice %arg11[%dma_wait3A, %dma_wait3A_208, %dma_wait3A_209, %dma_wait3A_210] : memref<12x4x16x128xf32, #tpu.memory_space<vmem>> -> memref<1x1x16x128xf32, #tpu.memory_space<vmem>>
        %dma_wait3A_212 = tpu.memref_squeeze %dma_wait3A_211 : memref<1x1x16x128xf32, #tpu.memory_space<vmem>> -> memref<16x128xf32, #tpu.memory_space<vmem>>
        %dma_wait3A_213 = arith.constant 0 : i32
        %dma_wait3A_214 = arith.constant 0 : i32
        %dma_wait3A_215 = tpu.memref_slice %arg4[%dma_wait3A_213, %dma_wait3A_214] : memref<16x1000000xf32, #tpu.memory_space<hbm>> -> memref<16x128xf32, #tpu.memory_space<hbm>>
        %dma_wait3A_216 = arith.constant 0 : i32
        %dma_wait3A_217 = arith.constant 0 : i32
        %dma_wait3A_218 = tpu.memref_slice %arg11[%dma_wait3A, %dma_wait3A_208, %dma_wait3A_216, %dma_wait3A_217] : memref<12x4x16x128xf32, #tpu.memory_space<vmem>> -> memref<1x1x16x128xf32, #tpu.memory_space<vmem>>
        %dma_wait3A_219 = tpu.memref_squeeze %dma_wait3A_218 : memref<1x1x16x128xf32, #tpu.memory_space<vmem>> -> memref<16x128xf32, #tpu.memory_space<vmem>>
        %dma_wait3A_220 = arith.constant 0 : i32
        %dma_wait3A_221 = arith.constant 0 : i32
        %dma_wait3A_222 = tpu.memref_slice %arg4[%dma_wait3A_220, %dma_wait3A_221] : memref<16x1000000xf32, #tpu.memory_space<hbm>> -> memref<16x128xf32, #tpu.memory_space<hbm>>
        tpu.wait_dma2 semaphore(%arg24 : memref<!tpu.dma_semaphore, #tpu.memory_space<semaphore_mem>>) src(%dma_wait3A_222 : memref<16x128xf32, #tpu.memory_space<hbm>>) dst(%dma_wait3A_219 : memref<16x128xf32, #tpu.memory_space<vmem>>)
        %dma_wait3A_223 = arith.constant 0 : i32
        %dma_wait3A_224 = arith.constant 0 : i32
        %dma_wait3A_225 = arith.constant 0 : i32
        %dma_wait3A_226 = arith.constant 0 : i32
        %dma_wait3A_227 = tpu.memref_slice %arg11[%dma_wait3A_223, %dma_wait3A_224, %dma_wait3A_225, %dma_wait3A_226] : memref<12x4x16x128xf32, #tpu.memory_space<vmem>> -> memref<1x1x16x128xf32, #tpu.memory_space<vmem>>
        %dma_wait3A_228 = tpu.memref_squeeze %dma_wait3A_227 : memref<1x1x16x128xf32, #tpu.memory_space<vmem>> -> memref<16x128xf32, #tpu.memory_space<vmem>>
        %dma_wait3A_229 = arith.constant 0 : i32
        %dma_wait3A_230 = arith.constant 0 : i32
        %dma_wait3A_231 = tpu.memref_slice %arg4[%dma_wait3A_229, %dma_wait3A_230] : memref<16x1000000xf32, #tpu.memory_space<hbm>> -> memref<16x128xf32, #tpu.memory_space<hbm>>
        %dma_wait3A_232 = arith.constant 0 : i32
        %dma_wait3A_233 = arith.constant 0 : i32
        %dma_wait3A_234 = tpu.memref_slice %arg11[%dma_wait3A_223, %dma_wait3A_224, %dma_wait3A_232, %dma_wait3A_233] : memref<12x4x16x128xf32, #tpu.memory_space<vmem>> -> memref<1x1x16x128xf32, #tpu.memory_space<vmem>>
        %dma_wait3A_235 = tpu.memref_squeeze %dma_wait3A_234 : memref<1x1x16x128xf32, #tpu.memory_space<vmem>> -> memref<16x128xf32, #tpu.memory_space<vmem>>
        %dma_wait3A_236 = arith.constant 0 : i32
        %dma_wait3A_237 = arith.constant 0 : i32
        %dma_wait3A_238 = tpu.memref_slice %arg4[%dma_wait3A_236, %dma_wait3A_237] : memref<16x1000000xf32, #tpu.memory_space<hbm>> -> memref<16x128xf32, #tpu.memory_space<hbm>>
        tpu.wait_dma2 semaphore(%arg24 : memref<!tpu.dma_semaphore, #tpu.memory_space<semaphore_mem>>) src(%dma_wait3A_238 : memref<16x128xf32, #tpu.memory_space<hbm>>) dst(%dma_wait3A_235 : memref<16x128xf32, #tpu.memory_space<vmem>>)
        %dma_wait3A_239 = arith.constant 0 : i32
        %dma_wait3A_240 = arith.constant 0 : i32
        %dma_wait3A_241 = arith.constant 0 : i32
        %dma_wait3A_242 = arith.constant 0 : i32
        %dma_wait3A_243 = tpu.memref_slice %arg11[%dma_wait3A_239, %dma_wait3A_240, %dma_wait3A_241, %dma_wait3A_242] : memref<12x4x16x128xf32, #tpu.memory_space<vmem>> -> memref<1x1x16x128xf32, #tpu.memory_space<vmem>>
        %dma_wait3A_244 = tpu.memref_squeeze %dma_wait3A_243 : memref<1x1x16x128xf32, #tpu.memory_space<vmem>> -> memref<16x128xf32, #tpu.memory_space<vmem>>
        %dma_wait3A_245 = arith.constant 0 : i32
        %dma_wait3A_246 = arith.constant 0 : i32
        %dma_wait3A_247 = tpu.memref_slice %arg4[%dma_wait3A_245, %dma_wait3A_246] : memref<16x1000000xf32, #tpu.memory_space<hbm>> -> memref<16x128xf32, #tpu.memory_space<hbm>>
        %dma_wait3A_248 = arith.constant 0 : i32
        %dma_wait3A_249 = arith.constant 0 : i32
        %dma_wait3A_250 = tpu.memref_slice %arg11[%dma_wait3A_239, %dma_wait3A_240, %dma_wait3A_248, %dma_wait3A_249] : memref<12x4x16x128xf32, #tpu.memory_space<vmem>> -> memref<1x1x16x128xf32, #tpu.memory_space<vmem>>
        %dma_wait3A_251 = tpu.memref_squeeze %dma_wait3A_250 : memref<1x1x16x128xf32, #tpu.memory_space<vmem>> -> memref<16x128xf32, #tpu.memory_space<vmem>>
        %dma_wait3A_252 = arith.constant 0 : i32
        %dma_wait3A_253 = arith.constant 0 : i32
        %dma_wait3A_254 = tpu.memref_slice %arg4[%dma_wait3A_252, %dma_wait3A_253] : memref<16x1000000xf32, #tpu.memory_space<hbm>> -> memref<16x128xf32, #tpu.memory_space<hbm>>
        tpu.wait_dma2 semaphore(%arg24 : memref<!tpu.dma_semaphore, #tpu.memory_space<semaphore_mem>>) src(%dma_wait3A_254 : memref<16x128xf32, #tpu.memory_space<hbm>>) dst(%dma_wait3A_251 : memref<16x128xf32, #tpu.memory_space<vmem>>)
        %dma_wait3A_255 = arith.constant 0 : i32
        %dma_wait3A_256 = arith.constant 0 : i32
        %dma_wait3A_257 = arith.constant 0 : i32
        %dma_wait3A_258 = arith.constant 0 : i32
        %dma_wait3A_259 = tpu.memref_slice %arg11[%dma_wait3A_255, %dma_wait3A_256, %dma_wait3A_257, %dma_wait3A_258] : memref<12x4x16x128xf32, #tpu.memory_space<vmem>> -> memref<1x1x16x128xf32, #tpu.memory_space<vmem>>
        %dma_wait3A_260 = tpu.memref_squeeze %dma_wait3A_259 : memref<1x1x16x128xf32, #tpu.memory_space<vmem>> -> memref<16x128xf32, #tpu.memory_space<vmem>>
        %dma_wait3A_261 = arith.constant 0 : i32
        %dma_wait3A_262 = arith.constant 0 : i32
        %dma_wait3A_263 = tpu.memref_slice %arg4[%dma_wait3A_261, %dma_wait3A_262] : memref<16x1000000xf32, #tpu.memory_space<hbm>> -> memref<16x128xf32, #tpu.memory_space<hbm>>
        %dma_wait3A_264 = arith.constant 0 : i32
        %dma_wait3A_265 = arith.constant 0 : i32
        %dma_wait3A_266 = tpu.memref_slice %arg11[%dma_wait3A_255, %dma_wait3A_256, %dma_wait3A_264, %dma_wait3A_265] : memref<12x4x16x128xf32, #tpu.memory_space<vmem>> -> memref<1x1x16x128xf32, #tpu.memory_space<vmem>>
        %dma_wait3A_267 = tpu.memref_squeeze %dma_wait3A_266 : memref<1x1x16x128xf32, #tpu.memory_space<vmem>> -> memref<16x128xf32, #tpu.memory_space<vmem>>
        %dma_wait3A_268 = arith.constant 0 : i32
        %dma_wait3A_269 = arith.constant 0 : i32
        %dma_wait3A_270 = tpu.memref_slice %arg4[%dma_wait3A_268, %dma_wait3A_269] : memref<16x1000000xf32, #tpu.memory_space<hbm>> -> memref<16x128xf32, #tpu.memory_space<hbm>>
        tpu.wait_dma2 semaphore(%arg24 : memref<!tpu.dma_semaphore, #tpu.memory_space<semaphore_mem>>) src(%dma_wait3A_270 : memref<16x128xf32, #tpu.memory_space<hbm>>) dst(%dma_wait3A_267 : memref<16x128xf32, #tpu.memory_space<vmem>>)
        %sub3A = arith.constant 12 : i32
        %sub3A_271 = arith.subi %add3A_194, %sub3A : i32
        %broadcast_in_dim3A = arith.constant 0 : i32
        %broadcast_in_dim3A_272 = vector.broadcast %broadcast_in_dim3A : i32 to vector<16xi32>
        %add3A_273 = vector.broadcast %sub3A_271 : i32 to vector<16xi32>
        %add3A_274 = arith.addi %broadcast_in_dim3A_272, %add3A_273 : vector<16xi32>
        %gather3A = tpu.vector_load_idx %arg9[%add3A_274] : memref<512xi32, #tpu.memory_space<vmem>>[vector<16xi32>], vector<16xi32>,
        %and3A_275 = arith.constant 127 : i32
        %and3A_276 = vector.broadcast %and3A_275 : i32 to vector<16xi32>
        %and3A_277 = arith.andi %gather3A, %and3A_276 : vector<16xi32>
        %gather3A_278 = tpu.vector_load_idx %arg10[%add3A_274] : memref<512xi32, #tpu.memory_space<vmem>>[vector<16xi32>], vector<16xi32>,
        %and3A_279 = arith.constant 127 : i32
        %and3A_280 = vector.broadcast %and3A_279 : i32 to vector<16xi32>
        %and3A_281 = arith.andi %gather3A_278, %and3A_280 : vector<16xi32>
        %broadcast_in_dim3A_282 = arith.constant 0 : i32
        %broadcast_in_dim3A_283 = vector.broadcast %broadcast_in_dim3A_282 : i32 to vector<16xi32>
        %add3A_284 = arith.constant 11 : i32
        %add3A_285 = vector.broadcast %add3A_284 : i32 to vector<16xi32>
        %add3A_286 = arith.addi %broadcast_in_dim3A_283, %add3A_285 : vector<16xi32>
        %broadcast_in_dim3A_287 = arith.constant 0 : i32
        %broadcast_in_dim3A_288 = vector.broadcast %broadcast_in_dim3A_287 : i32 to vector<16xi32>
        %add3A_289 = arith.constant 0 : i32
        %add3A_290 = vector.broadcast %add3A_289 : i32 to vector<16xi32>
        %add3A_291 = arith.addi %broadcast_in_dim3A_288, %add3A_290 : vector<16xi32>
        %gather3A_292 = tpu.vector_load_idx %arg11[%add3A_286, %add3A_291, %iota3A, %and3A_277] : memref<12x4x16x128xf32, #tpu.memory_space<vmem>>[vector<16xi32>, vector<16xi32>, vector<16xi32>, vector<16xi32>], vector<16xf32>,
        %broadcast_in_dim3A_293 = arith.constant 0 : i32
        %broadcast_in_dim3A_294 = vector.broadcast %broadcast_in_dim3A_293 : i32 to vector<16xi32>
        %add3A_295 = arith.constant 1 : i32
        %add3A_296 = vector.broadcast %add3A_295 : i32 to vector<16xi32>
        %add3A_297 = arith.addi %broadcast_in_dim3A_294, %add3A_296 : vector<16xi32>
        %gather3A_298 = tpu.vector_load_idx %arg11[%add3A_286, %add3A_297, %iota3A, %and3A_281] : memref<12x4x16x128xf32, #tpu.memory_space<vmem>>[vector<16xi32>, vector<16xi32>, vector<16xi32>, vector<16xi32>], vector<16xf32>,
        %broadcast_in_dim3A_299 = arith.constant 0 : i32
        %broadcast_in_dim3A_300 = vector.broadcast %broadcast_in_dim3A_299 : i32 to vector<16xi32>
        %add3A_301 = arith.constant 2 : i32
        %add3A_302 = vector.broadcast %add3A_301 : i32 to vector<16xi32>
        %add3A_303 = arith.addi %broadcast_in_dim3A_300, %add3A_302 : vector<16xi32>
        %gather3A_304 = tpu.vector_load_idx %arg11[%add3A_286, %add3A_303, %iota3A, %and3A_277] : memref<12x4x16x128xf32, #tpu.memory_space<vmem>>[vector<16xi32>, vector<16xi32>, vector<16xi32>, vector<16xi32>], vector<16xf32>,
        %broadcast_in_dim3A_305 = arith.constant 0 : i32
        %broadcast_in_dim3A_306 = vector.broadcast %broadcast_in_dim3A_305 : i32 to vector<16xi32>
        %add3A_307 = arith.constant 3 : i32
        %add3A_308 = vector.broadcast %add3A_307 : i32 to vector<16xi32>
        %add3A_309 = arith.addi %broadcast_in_dim3A_306, %add3A_308 : vector<16xi32>
        %gather3A_310 = tpu.vector_load_idx %arg11[%add3A_286, %add3A_309, %iota3A, %and3A_281] : memref<12x4x16x128xf32, #tpu.memory_space<vmem>>[vector<16xi32>, vector<16xi32>, vector<16xi32>, vector<16xi32>], vector<16xf32>,
        %mul3A_311 = arith.mulf %gather3A_292, %gather3A_298 : vector<16xf32>
        %mul3A_312 = arith.mulf %gather3A_304, %gather3A_310 : vector<16xf32>
        %add3A_313 = arith.addf %mul3A_311, %mul3A_312 : vector<16xf32>
        %reduce_sum3A = arith.constant true
        %reduce_sum3A_314 = vector.broadcast %reduce_sum3A : i1 to vector<16xi1>
        %reduce_sum3A_315 = tpu.scan <sum>, %add3A_313 masked %reduce_sum3A_314 : vector<16xf32>, vector<16xi1> -> vector<16xf32>
        %reduce_sum3A_316 = vector.extract %reduce_sum3A_315[15] : f32 from vector<16xf32>
        %shift_right_arithmetic3A = arith.constant 4 : i32
        %shift_right_arithmetic3A_317 = arith.shrsi %sub3A_271, %shift_right_arithmetic3A : i32
        %and3A_318 = arith.constant 15 : i32
        %and3A_319 = arith.andi %sub3A_271, %and3A_318 : i32
        %mul3A_320 = arith.constant 16 : i32
        %mul3A_321 = arith.muli %shift_right_arithmetic3A_317, %mul3A_320 : i32
        %multiple_of3A = tpu.assume_multiple %mul3A_321, 16 : i32
        %eq3A = vector.broadcast %and3A_319 : i32 to vector<16xi32>
        %eq3A_322 = arith.cmpi eq, %iota3A, %eq3A : vector<16xi32>
        %get3A = arith.index_cast %multiple_of3A : i32 to index
        %get3A_323 = tpu.vector_load %arg12[%get3A] {strides = array<i32>} : memref<512xf32, #tpu.memory_space<vmem>>, vector<16xf32>,
        %broadcast_in_dim3A_324 = vector.broadcast %reduce_sum3A_316 : f32 to vector<16xf32>
        %select_n3A = arith.select %eq3A_322, %broadcast_in_dim3A_324, %get3A_323 : vector<16xi1>, vector<16xf32>
        %swap3A = arith.index_cast %multiple_of3A : i32 to index
        %swap3A_325 = tpu.vector_load %arg12[%swap3A] {strides = array<i32>} : memref<512xf32, #tpu.memory_space<vmem>>, vector<16xf32>,
        tpu.vector_store %arg12[%swap3A], %select_n3A {strides = array<i32>} : memref<512xf32, #tpu.memory_space<vmem>>, vector<16xf32>,
      } else {
      }
      %lt3A_203 = arith.constant 512 : i32
      %lt3A_204 = arith.cmpi slt, %add3A_194, %lt3A_203 : i32
      %convert_element_type3A_205 = arith.extui %lt3A_204 : i1 to i32
      %cond3A_206 = arith.constant 0 : i32
      %cond3A_207 = arith.cmpi ne, %convert_element_type3A_205, %cond3A_206 : i32
      scf.if %cond3A_207 {
        %broadcast_in_dim3A = arith.constant 0 : i32
        %broadcast_in_dim3A_208 = vector.broadcast %broadcast_in_dim3A : i32 to vector<16xi32>
        %add3A_209 = vector.broadcast %add3A_194 : i32 to vector<16xi32>
        %add3A_210 = arith.addi %broadcast_in_dim3A_208, %add3A_209 : vector<16xi32>
        %gather3A = tpu.vector_load_idx %arg9[%add3A_210] : memref<512xi32, #tpu.memory_space<vmem>>[vector<16xi32>], vector<16xi32>,
        %slice3A = vector.extract_strided_slice %gather3A {offsets = [0], sizes = [1], strides = [1]} : vector<16xi32> to vector<1xi32>
        %squeeze3A = vector.extract %slice3A[0] : i32 from vector<1xi32>
        %gather3A_211 = tpu.vector_load_idx %arg10[%add3A_210] : memref<512xi32, #tpu.memory_space<vmem>>[vector<16xi32>], vector<16xi32>,
        %slice3A_212 = vector.extract_strided_slice %gather3A_211 {offsets = [0], sizes = [1], strides = [1]} : vector<16xi32> to vector<1xi32>
        %squeeze3A_213 = vector.extract %slice3A_212[0] : i32 from vector<1xi32>
        %shift_right_arithmetic3A = arith.constant 7 : i32
        %shift_right_arithmetic3A_214 = arith.shrsi %squeeze3A, %shift_right_arithmetic3A : i32
        %mul3A_215 = arith.constant 128 : i32
        %mul3A_216 = arith.muli %shift_right_arithmetic3A_214, %mul3A_215 : i32
        %multiple_of3A = tpu.assume_multiple %mul3A_216, 128 : i32
        %dma_start3A = arith.constant 11 : i32
        %dma_start3A_217 = arith.constant 0 : i32
        %dma_start3A_218 = arith.constant 0 : i32
        %dma_start3A_219 = arith.constant 0 : i32
        %dma_start3A_220 = tpu.memref_slice %arg11[%dma_start3A, %dma_start3A_217, %dma_start3A_218, %dma_start3A_219] : memref<12x4x16x128xf32, #tpu.memory_space<vmem>> -> memref<1x1x16x128xf32, #tpu.memory_space<vmem>>
        %dma_start3A_221 = tpu.memref_squeeze %dma_start3A_220 : memref<1x1x16x128xf32, #tpu.memory_space<vmem>> -> memref<16x128xf32, #tpu.memory_space<vmem>>
        %dma_start3A_222 = arith.constant 0 : i32
        %dma_start3A_223 = tpu.memref_slice %arg4[%dma_start3A_222, %multiple_of3A] : memref<16x1000000xf32, #tpu.memory_space<hbm>> -> memref<16x128xf32, #tpu.memory_space<hbm>>
        %dma_start3A_224 = arith.constant 0 : i32
        %dma_start3A_225 = arith.constant 0 : i32
        %dma_start3A_226 = tpu.memref_slice %arg11[%dma_start3A, %dma_start3A_217, %dma_start3A_224, %dma_start3A_225] : memref<12x4x16x128xf32, #tpu.memory_space<vmem>> -> memref<1x1x16x128xf32, #tpu.memory_space<vmem>>
        %dma_start3A_227 = tpu.memref_squeeze %dma_start3A_226 : memref<1x1x16x128xf32, #tpu.memory_space<vmem>> -> memref<16x128xf32, #tpu.memory_space<vmem>>
        %dma_start3A_228 = arith.constant 0 : i32
        %dma_start3A_229 = tpu.memref_slice %arg4[%dma_start3A_228, %multiple_of3A] : memref<16x1000000xf32, #tpu.memory_space<hbm>> -> memref<16x128xf32, #tpu.memory_space<hbm>>
        tpu.enqueue_dma source(%dma_start3A_229 : memref<16x128xf32, #tpu.memory_space<hbm>>) target(%dma_start3A_227 : memref<16x128xf32, #tpu.memory_space<vmem>>) target_semaphore(%arg24 : memref<!tpu.dma_semaphore, #tpu.memory_space<semaphore_mem>>)
        %shift_right_arithmetic3A_230 = arith.constant 7 : i32
        %shift_right_arithmetic3A_231 = arith.shrsi %squeeze3A_213, %shift_right_arithmetic3A_230 : i32
        %mul3A_232 = arith.constant 128 : i32
        %mul3A_233 = arith.muli %shift_right_arithmetic3A_231, %mul3A_232 : i32
        %multiple_of3A_234 = tpu.assume_multiple %mul3A_233, 128 : i32
        %dma_start3A_235 = arith.constant 11 : i32
        %dma_start3A_236 = arith.constant 1 : i32
        %dma_start3A_237 = arith.constant 0 : i32
        %dma_start3A_238 = arith.constant 0 : i32
        %dma_start3A_239 = tpu.memref_slice %arg11[%dma_start3A_235, %dma_start3A_236, %dma_start3A_237, %dma_start3A_238] : memref<12x4x16x128xf32, #tpu.memory_space<vmem>> -> memref<1x1x16x128xf32, #tpu.memory_space<vmem>>
        %dma_start3A_240 = tpu.memref_squeeze %dma_start3A_239 : memref<1x1x16x128xf32, #tpu.memory_space<vmem>> -> memref<16x128xf32, #tpu.memory_space<vmem>>
        %dma_start3A_241 = arith.constant 0 : i32
        %dma_start3A_242 = tpu.memref_slice %arg5[%dma_start3A_241, %multiple_of3A_234] : memref<16x1000000xf32, #tpu.memory_space<hbm>> -> memref<16x128xf32, #tpu.memory_space<hbm>>
        %dma_start3A_243 = arith.constant 0 : i32
        %dma_start3A_244 = arith.constant 0 : i32
        %dma_start3A_245 = tpu.memref_slice %arg11[%dma_start3A_235, %dma_start3A_236, %dma_start3A_243, %dma_start3A_244] : memref<12x4x16x128xf32, #tpu.memory_space<vmem>> -> memref<1x1x16x128xf32, #tpu.memory_space<vmem>>
        %dma_start3A_246 = tpu.memref_squeeze %dma_start3A_245 : memref<1x1x16x128xf32, #tpu.memory_space<vmem>> -> memref<16x128xf32, #tpu.memory_space<vmem>>
        %dma_start3A_247 = arith.constant 0 : i32
        %dma_start3A_248 = tpu.memref_slice %arg5[%dma_start3A_247, %multiple_of3A_234] : memref<16x1000000xf32, #tpu.memory_space<hbm>> -> memref<16x128xf32, #tpu.memory_space<hbm>>
        tpu.enqueue_dma source(%dma_start3A_248 : memref<16x128xf32, #tpu.memory_space<hbm>>) target(%dma_start3A_246 : memref<16x128xf32, #tpu.memory_space<vmem>>) target_semaphore(%arg24 : memref<!tpu.dma_semaphore, #tpu.memory_space<semaphore_mem>>)
        %shift_right_arithmetic3A_249 = arith.constant 7 : i32
        %shift_right_arithmetic3A_250 = arith.shrsi %squeeze3A, %shift_right_arithmetic3A_249 : i32
        %mul3A_251 = arith.constant 128 : i32
        %mul3A_252 = arith.muli %shift_right_arithmetic3A_250, %mul3A_251 : i32
        %multiple_of3A_253 = tpu.assume_multiple %mul3A_252, 128 : i32
        %dma_start3A_254 = arith.constant 11 : i32
        %dma_start3A_255 = arith.constant 2 : i32
        %dma_start3A_256 = arith.constant 0 : i32
        %dma_start3A_257 = arith.constant 0 : i32
        %dma_start3A_258 = tpu.memref_slice %arg11[%dma_start3A_254, %dma_start3A_255, %dma_start3A_256, %dma_start3A_257] : memref<12x4x16x128xf32, #tpu.memory_space<vmem>> -> memref<1x1x16x128xf32, #tpu.memory_space<vmem>>
        %dma_start3A_259 = tpu.memref_squeeze %dma_start3A_258 : memref<1x1x16x128xf32, #tpu.memory_space<vmem>> -> memref<16x128xf32, #tpu.memory_space<vmem>>
        %dma_start3A_260 = arith.constant 0 : i32
        %dma_start3A_261 = tpu.memref_slice %arg6[%dma_start3A_260, %multiple_of3A_253] : memref<16x1000000xf32, #tpu.memory_space<hbm>> -> memref<16x128xf32, #tpu.memory_space<hbm>>
        %dma_start3A_262 = arith.constant 0 : i32
        %dma_start3A_263 = arith.constant 0 : i32
        %dma_start3A_264 = tpu.memref_slice %arg11[%dma_start3A_254, %dma_start3A_255, %dma_start3A_262, %dma_start3A_263] : memref<12x4x16x128xf32, #tpu.memory_space<vmem>> -> memref<1x1x16x128xf32, #tpu.memory_space<vmem>>
        %dma_start3A_265 = tpu.memref_squeeze %dma_start3A_264 : memref<1x1x16x128xf32, #tpu.memory_space<vmem>> -> memref<16x128xf32, #tpu.memory_space<vmem>>
        %dma_start3A_266 = arith.constant 0 : i32
        %dma_start3A_267 = tpu.memref_slice %arg6[%dma_start3A_266, %multiple_of3A_253] : memref<16x1000000xf32, #tpu.memory_space<hbm>> -> memref<16x128xf32, #tpu.memory_space<hbm>>
        tpu.enqueue_dma source(%dma_start3A_267 : memref<16x128xf32, #tpu.memory_space<hbm>>) target(%dma_start3A_265 : memref<16x128xf32, #tpu.memory_space<vmem>>) target_semaphore(%arg24 : memref<!tpu.dma_semaphore, #tpu.memory_space<semaphore_mem>>)
        %shift_right_arithmetic3A_268 = arith.constant 7 : i32
        %shift_right_arithmetic3A_269 = arith.shrsi %squeeze3A_213, %shift_right_arithmetic3A_268 : i32
        %mul3A_270 = arith.constant 128 : i32
        %mul3A_271 = arith.muli %shift_right_arithmetic3A_269, %mul3A_270 : i32
        %multiple_of3A_272 = tpu.assume_multiple %mul3A_271, 128 : i32
        %dma_start3A_273 = arith.constant 11 : i32
        %dma_start3A_274 = arith.constant 3 : i32
        %dma_start3A_275 = arith.constant 0 : i32
        %dma_start3A_276 = arith.constant 0 : i32
        %dma_start3A_277 = tpu.memref_slice %arg11[%dma_start3A_273, %dma_start3A_274, %dma_start3A_275, %dma_start3A_276] : memref<12x4x16x128xf32, #tpu.memory_space<vmem>> -> memref<1x1x16x128xf32, #tpu.memory_space<vmem>>
        %dma_start3A_278 = tpu.memref_squeeze %dma_start3A_277 : memref<1x1x16x128xf32, #tpu.memory_space<vmem>> -> memref<16x128xf32, #tpu.memory_space<vmem>>
        %dma_start3A_279 = arith.constant 0 : i32
        %dma_start3A_280 = tpu.memref_slice %arg7[%dma_start3A_279, %multiple_of3A_272] : memref<16x1000000xf32, #tpu.memory_space<hbm>> -> memref<16x128xf32, #tpu.memory_space<hbm>>
        %dma_start3A_281 = arith.constant 0 : i32
        %dma_start3A_282 = arith.constant 0 : i32
        %dma_start3A_283 = tpu.memref_slice %arg11[%dma_start3A_273, %dma_start3A_274, %dma_start3A_281, %dma_start3A_282] : memref<12x4x16x128xf32, #tpu.memory_space<vmem>> -> memref<1x1x16x128xf32, #tpu.memory_space<vmem>>
        %dma_start3A_284 = tpu.memref_squeeze %dma_start3A_283 : memref<1x1x16x128xf32, #tpu.memory_space<vmem>> -> memref<16x128xf32, #tpu.memory_space<vmem>>
        %dma_start3A_285 = arith.constant 0 : i32
        %dma_start3A_286 = tpu.memref_slice %arg7[%dma_start3A_285, %multiple_of3A_272] : memref<16x1000000xf32, #tpu.memory_space<hbm>> -> memref<16x128xf32, #tpu.memory_space<hbm>>
        tpu.enqueue_dma source(%dma_start3A_286 : memref<16x128xf32, #tpu.memory_space<hbm>>) target(%dma_start3A_284 : memref<16x128xf32, #tpu.memory_space<vmem>>) target_semaphore(%arg24 : memref<!tpu.dma_semaphore, #tpu.memory_space<semaphore_mem>>)
      } else {
      }
    }
    %scan3A_7 = arith.constant 44 : i32
    "tpu.region"() ({
      %run_scoped3A = tpu.sem_alloc : memref<!tpu.dma_semaphore, #tpu.memory_space<semaphore_mem>>
      %dma_start3A = tpu.memref_slice %arg8[%mul3A_2] : memref<16384xf32, #tpu.memory_space<hbm>> -> memref<512xf32, #tpu.memory_space<hbm>>
      %dma_start3A_8 = tpu.memref_slice %arg8[%mul3A_2] : memref<16384xf32, #tpu.memory_space<hbm>> -> memref<512xf32, #tpu.memory_space<hbm>>
      tpu.enqueue_dma source(%arg12 : memref<512xf32, #tpu.memory_space<vmem>>) target(%dma_start3A_8 : memref<512xf32, #tpu.memory_space<hbm>>) target_semaphore(%run_scoped3A : memref<!tpu.dma_semaphore, #tpu.memory_space<semaphore_mem>>)
      %dma_wait3A = tpu.memref_slice %arg8[%mul3A_2] : memref<16384xf32, #tpu.memory_space<hbm>> -> memref<512xf32, #tpu.memory_space<hbm>>
      %dma_wait3A_9 = tpu.memref_slice %arg8[%mul3A_2] : memref<16384xf32, #tpu.memory_space<hbm>> -> memref<512xf32, #tpu.memory_space<hbm>>
      tpu.wait_dma2 semaphore(%run_scoped3A : memref<!tpu.dma_semaphore, #tpu.memory_space<semaphore_mem>>) src(%arg12 : memref<512xf32, #tpu.memory_space<vmem>>) dst(%dma_wait3A_9 : memref<512xf32, #tpu.memory_space<hbm>>)
      tpu.yield
    }) : () -> ()
    return
  }
}

</mosaic_0001>

<sc_bundles>
// kernel: kernel.3.cloned.1.call-start
scs
__scs_entry_jumppad:
0x0: {  	(pc) =	sbr.rel $0x88, $3  }
0x1: {  	(tag) =	ssettag $0x0;
	lr =	simm.s32 $0x1  }
0x2: {  	[smem:$0x3F9B] =	sst lr;
	_ =	strace $0xD0000000  }
0x3: {  	_ = 	snop  }
0x4: {  	_ = 	snop  }
0x5: {  	_ = 	snop  }
0x6: {  	_ = 	snop  }
0x7: {  	_ = 	snop  }
__scs_overlays_trampoline_lowered:
0x8: {  	[smem:$0x3FAA] =	sst s0  }
0x9: {  	[smem:$0x3FAB] =	sst s1  }
0xa: {  	[smem:$0x3FAC] =	sst s2  }
0xb: {  	[smem:$0x3FAD] =	sst s3  }
0xc: {  	[smem:$0x3FAE] =	sst s4  }
0xd: {  	[smem:$0x3FAF] =	sst s5  }
0xe: {  	[smem:$0x3FB0] =	sst s6  }
0xf: {  	[smem:$0x3FB1] =	sst s7  }
0x10: {  	[smem:$0x3FB2] =	sst s8  }
0x11: {  	[smem:$0x3FB3] =	sst s9;
	s0 =	simm.s32 @!p0 $0x0  }
0x12: {  	s1 =	sld [smem:$0x3F99];
	s0 =	simm.s32 @p0 $0x1  }
0x13: {  	[smem:$0x3FB4] =	sst s0;
	s0 =	simm.s32 @!p1 $0x0  }
0x14: {  	s2 =	sld [smem:$0x3F98];
	s0 =	simm.s32 @p1 $0x1  }
0x15: {  	[smem:$0x3FB5] =	sst s0;
	s0 =	simm.s32 @!p2 $0x0  }
0x16: {  	s3 =	sld [smem:$0x3FDB];
	s0 =	simm.s32 @p2 $0x1  }
0x17: {  	s4 =	simm.s32 $0x1BF5;
	[smem:$0x3FB7] =	sst s0  }
0x18: {  	s0 =	sld [smem:$0x3F9A];
	_ =	swait.ge [sflag:s4], $0x0  }
0x19: {  	s7 =	sld [smem:$0x3F9B]  }
0x1a: {  	s8 =	sadd.s32 $0xFFFFE003, lr  }
0x1b: {  	s9 =	sadd.s32 $0xFFFFFEF7, lr;
	s5 =	simm.s32 $0xFFFFFFFF;
	p2 =	slt.u32 s8, $0xFFFFF086  }
0x1c: {  	p1 =	slt.u32 s9, $0xF7A;
	s5 =	simm.s32 @!p2 $0x0  }
0x1d: {  	s5 =	simm.s32 @p1 $0x1;
	p0 =	seq.s32 s7, s2  }
0x1e: {  	s7 =	smul.u32 @!p0 $0xF7A, s2;
	p2 =	seq.s32 @!p0 s5, $0x0  }
0x1f: {  	s9 =	smul.u32 $0xF7A, s1;
	s8 =	simm.s32 @!p0 $0x1BF5;
	p2 =	por !p2, p0  }
0x20: {  	[sflag:s8] =	ssyncset.s32 @!p0 $0xFFFFF086;
	s6 =	sadd.s32 @!p0 s3, s7;
	s7 =	simm.s32 @!p0 $0x108  }
0x21: {  	s3 =	sadd.s32 s3, s9;
	s6 =	sadd.s32 @!p0 $0x88, s6;
	s7 =	simm.s32 @p2 $0x1082  }
0x22: {  	[simem:s7], [sflag:s8] =	dma.local @!p0 [hbm:s6], $0xF7A  }
0x23: {  	s9 =	sor.u32 $0xD0000000, s2;
	s6 =	simm.s32 $0x108;
	_ =	swait.ge @!p0 [sflag:s8], $0x0  }
0x24: {  	s3 =	sadd.s32 $0x88, s3;
	s6 =	simm.s32 @!p1 $0x1082;
	[sflag:s4] =	ssyncset.s32 $0xFFFFF086  }
0x25: {  	[simem:s6], [sflag:s4] =	dma.local [hbm:s3], $0xF7A  }
0x26: {  	[smem:$0x3F9B] =	sst s1;
	(tag) =	ssettag s2;
	_ =	strace s9  }
0x27: {  	s1 =	sld [smem:$0x3FAB]  }
0x28: {  	s2 =	sld [smem:$0x3FAC]  }
0x29: {  	s4 =	sld [smem:$0x3FAE]  }
0x2a: {  	p0 =	seq.s32 s5, $0x0;
	s5 =	sld [smem:$0x3FAF]  }
0x2b: {  	s6 =	sld [smem:$0x3FB0]  }
0x2c: {  	s7 =	sld [smem:$0x3FB1]  }
0x2d: {  	s3 =	simm.s32 $0x108;
	s8 =	sld [smem:$0x3FB2]  }
0x2e: {  	s3 =	simm.s32 @!p0 $0x1082;
	s9 =	sld [smem:$0x3FB3]  }
0x2f: {  	lr =	sadd.s32 s0, s3;
	s0 =	sld [smem:$0x3FAA]  }
0x30: {  	s3 =	sld [smem:$0x3FAD]  }
0x31: {  	[smem:$0x3FB6] =	sst s10  }
0x32: {  	s10 =	sld [smem:$0x3FB4];
	_ =	sdelay $0x3  }
0x33: {  	p0 =	seq.s32 s10, $0x1;
	s10 =	sld [smem:$0x3FB6];
	_ =	sdelay $0x3  }
0x34: {  	[smem:$0x3FB6] =	sst s10  }
0x35: {  	s10 =	sld [smem:$0x3FB5];
	_ =	sdelay $0x3  }
0x36: {  	p1 =	seq.s32 s10, $0x1;
	s10 =	sld [smem:$0x3FB6];
	_ =	sdelay $0x3  }
0x37: {  	[smem:$0x3FB6] =	sst s10  }
0x38: {  	s10 =	sld [smem:$0x3FB7]  }
0x39: {  	_ = 	snop;
	(pc) =	sbr.ind lr, $3  }
0x3a: {  	_ = 	snop  }
0x3b: {  	_ = 	snop  }
0x3c: {  	p2 =	seq.s32 s10, $0x1;
	s10 =	sld [smem:$0x3FB6]  }
0x3d: {  	_ =	shalt  }
0x3e: {  	_ =	shalt  }
0x3f: {  	_ =	shalt  }
0x40: {  	_ =	shalt  }
0x41: {  	_ =	shalt  }
0x42: {  	_ =	shalt  }
0x43: {  	_ =	shalt  }
0x44: {  	_ =	shalt  }
0x45: {  	_ =	shalt  }
0x46: {  	_ =	shalt  }
0x47: {  	_ =	shalt  }
0x48: {  	_ =	shalt  }
0x49: {  	_ =	shalt  }
0x4a: {  	_ =	shalt  }
0x4b: {  	_ =	shalt  }
0x4c: {  	_ =	shalt  }
0x4d: {  	_ =	shalt  }
0x4e: {  	_ =	shalt  }
0x4f: {  	_ =	shalt  }
0x50: {  	_ =	shalt  }
0x51: {  	_ =	shalt  }
0x52: {  	_ =	shalt  }
0x53: {  	_ =	shalt  }
0x54: {  	_ =	shalt  }
0x55: {  	_ =	shalt  }
0x56: {  	_ =	shalt  }
0x57: {  	_ =	shalt  }
0x58: {  	_ =	shalt  }
0x59: {  	_ =	shalt  }
0x5a: {  	_ =	shalt  }
0x5b: {  	_ =	shalt  }
0x5c: {  	_ =	shalt  }
0x5d: {  	_ =	shalt  }
0x5e: {  	_ =	shalt  }
0x5f: {  	_ =	shalt  }
0x60: {  	_ =	shalt  }
0x61: {  	_ =	shalt  }
0x62: {  	_ =	shalt  }
0x63: {  	_ =	shalt  }
0x64: {  	_ =	shalt  }
0x65: {  	_ =	shalt  }
0x66: {  	_ =	shalt  }
0x67: {  	_ =	shalt  }
0x68: {  	_ =	shalt  }
0x69: {  	_ =	shalt  }
0x6a: {  	_ =	shalt  }
0x6b: {  	_ =	shalt  }
0x6c: {  	_ =	shalt  }
0x6d: {  	_ =	shalt  }
0x6e: {  	_ =	shalt  }
0x6f: {  	_ =	shalt  }
0x70: {  	_ =	shalt  }
0x71: {  	_ =	shalt  }
0x72: {  	_ =	shalt  }
0x73: {  	_ =	shalt  }
0x74: {  	_ =	shalt  }
0x75: {  	_ =	shalt  }
0x76: {  	_ =	shalt  }
0x77: {  	_ =	shalt  }
0x78: {  	_ =	shalt  }
0x79: {  	_ =	shalt  }
0x7a: {  	_ =	shalt  }
0x7b: {  	_ =	shalt  }
0x7c: {  	_ =	shalt  }
0x7d: {  	_ =	shalt  }
0x7e: {  	_ =	shalt  }
0x7f: {  	_ =	shalt  }
0x80: {  	_ =	shalt  }
0x81: {  	_ =	shalt  }
0x82: {  	_ =	shalt  }
0x83: {  	_ =	shalt  }
0x84: {  	_ =	shalt  }
0x85: {  	_ =	shalt  }
0x86: {  	_ =	shalt  }
0x87: {  	_ =	shalt  }
.Lfunc_end0:
.L_simem_size_0:
called_computation_lowered:
.L_overlay_start_0:
0x88: {  	s2 =	sld [smem:$0x3FD9]  }
0x89: {  	s3 =	sld [smem:$0x3FFE];
	_ =	sdelay $0x1  }
0x8a: {  	s1 =	srdreg.scid  }
0x8b: {  	s0 =	sand.u32 $0x1, s1  }
0x8c: {  	s18 =	sshll.u32 s0, $0xA;
	s2 =	sadd.s32 s3, s2  }
0x8d: {  	s2 =	sadd.s32 s2, s18  }
0x8e: {  	[smem:$0x3FC2] =	sst s2  }
0x8f: {  	_ = 	snop  }
0x90: {  	s2 =	sld [smem:$0x3FC9]  }
0x91: {  	s19 =	sld [smem:$0x3FC8]  }
0x92: {  	s4 =	sld [smem:$0x3FC7]  }
0x93: {  	s5 =	sld [smem:$0x3FC6]  }
0x94: {  	s6 =	sld [smem:$0x3FC5]  }
0x95: {  	s7 =	sld [smem:$0x3FC4]  }
0x96: {  	s8 =	sld [smem:$0x3FD0];
	(tm) =	ssettm $0x1  }
0x97: {  	s9 =	sld [smem:$0x3FFB];
	_ =	sdelay $0x3  }
0x98: {  	_ =	strace s9  }
0x99: {  	s9 =	sld [smem:$0x3FFC];
	_ =	sdelay $0x3  }
0x9a: {  	_ =	strace s9  }
0x9b: {  	s9 =	sld [smem:$0x3FFD];
	_ =	sdelay $0x3  }
0x9c: {  	_ =	strace s9  }
0x9d: {  	_ =	strace $0x8FFFFFFF  }
0x9e: {  	s20 =	sld [smem:$0x3FDB];
	_ =	sdelay $0x1  }
0x9f: {  	s10 =	simm.s32 $_scs_section_size  }
0xa0: {  	s11 =	simm.s32 $_size__tile_overlayer_lowered;
	s12 =	simm.s32 $_tile_overlayer_lowered  }
0xa1: {  	s23 =	simm.s32 $0x1BFF;
	s22 =	sshll.u32 s12, $0x1;
	s9 =	sadd.s32 s10, s20  }
0xa2: {  	s13 =	simm.s32 $0x0;
	s21 =	sshll.u32 s11, $0x1;
	s11 =	sadd.s32 s22, s9  }
0xa3: {  	[timem:s13], [sflag:s23] =	dma.local [hbm:s11], s21  }
0xa4: {  	_ =	swait.ge [sflag:s23], s21  }
0xa5: {  	s10 =	ssub.s32 $0x0, s21;
	[sflag:s23] =	ssyncset.done $0x0  }
0xa6: {  	[sflag:s23] =	ssyncadd.s32 s10;
	_ =	sdelay $0x1  }
0xa7: {  	s24 =	simm.s32 $0x1B8B  }
0xa8: {  	_ =	swait.ge [sflag:s24], $0x1  }
0xa9: {  	[sflag:s24] =	ssyncset.done $0x0  }
0xaa: {  	s25 =	simm.s32 $0x1B8E;
	[sflag:s24] =	ssyncadd.s32 $0xFFFFFFFF  }
0xab: {  	s26 =	simm.s32 $execute0_lowered;
	[smem:$0x3FD2] =	sst s25  }
0xac: {  	s10 =	sshll.u32 s26, $0x1;
	_ =	strace $0x80000046;
	[dreg:$0x1] =	wrdreg $0xFFFFFFFF  }
0xad: {  	s28 =	simm.s32 $_size_execute0_lowered;
	s9 =	sadd.s32 s9, s10;
	[dreg:$0x0] =	wrdreg $0x0  }
0xae: {  	s10 =	sshll.u32 s28, $0x1;
	[dreg:$0x2] =	wrdreg s9  }
0xaf: {  	[dreg:$0x3] =	wrdreg s10  }
0xb0: {  	[dreg:$0x4] =	wrdreg $0xC0  }
0xb1: {  	_ =	task [dreg:s13], $0x5FFFF  }
0xb2: {  	[dreg:$0x1] =	wrdreg $0xFFFFFFFF  }
0xb3: {  	[dreg:$0x0] =	wrdreg $0x60  }
0xb4: {  	[dreg:$0x2] =	wrdreg s2  }
0xb5: {  	[dreg:$0x3] =	wrdreg s19  }
0xb6: {  	[dreg:$0x4] =	wrdreg s4  }
0xb7: {  	[dreg:$0x5] =	wrdreg s5  }
0xb8: {  	[dreg:$0x6] =	wrdreg s6  }
0xb9: {  	[dreg:$0x7] =	wrdreg s7  }
0xba: {  	[dreg:$0x8] =	wrdreg s8  }
0xbb: {  	[dreg:$0x9] =	wrdreg $0x9  }
0xbc: {  	_ =	task.clear_ibuf [dreg:s13], $0xAFFFF;
	_ =	strace $0x90000046  }
0xbd: {  	s29 =	simm.s32 $0x9;
	_ =	strace $0x80000048  }
0xbe: {  	_ =	swait.ge [sflag:s29], $0x1  }
0xbf: {  	[sflag:s29] =	ssyncadd.s32 $0xFFFFFFFF  }
0xc0: {  	_ =	strace $0x90000048  }
0xc1: {  	_ =	sfence  }
0xc2: {  	s30 =	sld [smem:$0x0];
	_ =	sdelay $0x2  }
0xc3: {  	s31 =	sshll.u32 s1, $0xD;
	s1 =	sshrl.u32 s1, $0x2  }
0xc4: {  	s3 =	sand.u32 $0x4000, s31;
	s1 =	sadd.s32 s1, s30  }
0xc5: {  	s0 =	sor.u32 s3, s0;
	s1 =	sshll.u32 s1, $0x11  }
0xc6: {  	s0 =	sor.u32 s1, s0  }
0xc7: {  	s0 =	sadd.s32 $0x8F2B, s0  }
0xc8: {  	[sflag:s0] =	ssyncadd.remote.s32 $0x1  }
0xc9: {  	_ =	sfence.sel $0xFFFF  }
0xca: {  	[dreg:$0x0] =	wrdreg $0xFFFFFFFF;
	(pc) =	sbr.abs _section_cstart, $3  }
0xcb: {  	[dreg:$0x1] =	wrdreg $0xFFFFFFFF  }
0xcc: {  	_ =	task.clear_ibuf [dreg:s13], $0x2FFFF;
	_ =	strace $0x9FFFFFFF  }
0xcd: {  	(tm) =	ssettm $0x7FFFFFFF  }
tec
execute0_lowered:
.L_overlay_start_1:
0x0: {  	(tag) =	ssettag $0x1  }
0x1: {  	s0 =	rddreg [dreg:$0x0]  }
0x2: {  	s5 =	rddreg [dreg:$0x1]  }
0x3: {  	s1 =	rddreg [dreg:$0x2]  }
0x4: {  	s2 =	rddreg [dreg:$0x3]  }
0x5: {  	s3 =	rddreg [dreg:$0x4]  }
0x6: {  	s4 =	rddreg [dreg:$0x5]  }
0x7: {  	s7 =	rddreg [dreg:$0x6];
	v0 =	vlaneseq.u32  }
0x8: {  	s8 =	srdreg.scid;
	s6 =	simm.s32 $0x0;
	s11 =	stileid.u32;
	v1 =	vmul.u32 $0x80, v0  }
0x9: {  	s12 =	simm.s32 $0x200;
	s13 =	simm.s32 $0x400;
	s14 =	simm.s32 $0x7A1400  }
0xa: {  	s19 =	simm.s32 $0x5;
	s20 =	simm.s32 $0x6;
	s21 =	simm.s32 $0x7;
	v2 =	vor.u32 $0x8000, v1  }
0xb: {  	s22 =	simm.s32 $0x8;
	s26 =	simm.s32 $0xF400;
	s28 =	simm.s32 $0xFC00;
	v3 =	vor.u32 $0x8800, v1;
	v4 =	vor.u32 $0x9000, v1;
	v5 =	vor.u32 $0x9800, v1  }
0xc: {  	s23 =	simm.s32 $0x2;
	s8 =	sand.u32 $0x1, s8;
	[smem:$0x7FF] =	sst s6;
	v6 =	vor.u32 $0xA000, v1;
	v7 =	vor.u32 $0xA800, v1;
	v8 =	vor.u32 $0xB000, v1  }
0xd: {  	s11 =	sshll.u32 s11, $0x7;
	s9 =	ssub.s32 $0x2, s8;
	s8 =	sshll.u32 s8, $0x6;
	v9 =	vor.u32 $0xB800, v1;
	v10 =	vor.u32 $0xC000, v1;
	v11 =	vor.u32 $0xC800, v1  }
0xe: {  	_ =	strace $0x80000047;
	s10 =	sshrl.u32 s9, $0x1;
	s8 =	sor.u32 s8, s11;
	v12 =	vor.u32 $0xD000, v1;
	v13 =	vor.u32 $0xD800, v1;
	v14 =	vor.u32 $0xE000, v1  }
.Ltmp0:
0xf: {  	v15 =	vor.u32 $0xE800, v1;
	v16 =	vor.u32 $0xF000, v1;
	v17 =	vor.u32 $0xF800, v1;
	s9 =	ssub.s32 s9, s10;
	s0 =	sadd.s32 s0, s8;
	(pc) =	sbr.rel .LBB2_1-.Ltmp0, $4  }
0x10: {  	v18 =	vor.u32 $0x12000, v1;
	v19 =	vor.u32 $0x12800, v1;
	v20 =	vor.u32 $0x13000, v1;
	s29 =	sadd.s32 s5, s8;
	s30 =	sadd.s32 s7, s8;
	[dreg:$0x8] =	wrdreg s0  }
0x11: {  	v21 =	vor.u32 $0x13800, v1;
	v22 =	vor.u32 $0x14000, v1;
	v23 =	vor.u32 $0x14800, v1;
	s8 =	simm.s32 $0xD;
	s5 =	simm.s32 $0xA;
	[dreg:$0x9] =	wrdreg s29  }
0x12: {  	v24 =	vor.u32 $0x15000, v1;
	v25 =	vor.u32 $0x15800, v1;
	v26 =	vor.u32 $0x16000, v1;
	s10 =	simm.s32 $0xB;
	[dreg:$0xa] =	wrdreg s30;
	s31 =	smax.u32 s9, $0x1  }
0x13: {  	v27 =	vor.u32 $0x16800, v1;
	v28 =	vor.u32 $0x17000, v1;
	v29 =	vor.u32 $0x17800, v1;
	s0 =	simm.s32 $0xC;
	s9 =	simm.s32 $0x0;
	[dreg:$0xb] =	wrdreg s31  }
.LBB2_31:
0x14: {  	s7 =	rddreg [dreg:$0xa];
	s8 =	simm.s32 $0x18400  }
0x15: {  	[hbm4b:s7+s6] =	stream.linear.scatter [tilespmem:s8], [sflag:$0xD], $0x200, $0x38;
	[tilespmem:$0x18600] =	vst v63  }
0x16: {  	s8 =	simm.s32 $0xD  }
0x17: {  	_ =	swait.ge [sflag:s8], $0x200  }
0x18: {  	s9 =	rddreg [dreg:$0xc]  }
0x19: {  	s31 =	rddreg [dreg:$0xb];
	s9 =	sadd.s32 $0x1, s9  }
0x1a: {  	p0 =	sne.s32 s9, s31  }
.Ltmp1:
0x1b: {  	_ = 	snop;
	(pc) =	sbr.rel @!p0 .LBB2_32-.Ltmp1, $3  }
0x1c: {  	_ =	sdelay $0x1  }
0x1d: {  	[sflag:s8] =	ssyncset.done $0x0  }
0x1e: {  	[sflag:s8] =	ssyncadd.s32 $0xFFFFFE00  }
.LBB2_1:
0x1f: {  	[dreg:$0xc] =	wrdreg s9  }
0x20: {  	s7 =	rddreg [dreg:$0x8]  }
0x21: {  	[tilespmem:s6], [sflag:$0xD] =	stream.linear.gather [hbm4b:s7+s6], $0x200, $0x38;
	[tilespmem:$0x18600] =	vst v63  }
0x22: {  	_ =	swait.ge [sflag:s8], $0x200  }
0x23: {  	[sflag:s8] =	ssyncset.done $0x0  }
.Ltmp2:
0x24: {  	s31 =	rddreg [dreg:$0x9];
	[sflag:s8] =	ssyncadd.s32 $0xFFFFFE00;
	(pc) =	sbr.rel .LBB2_2-.Ltmp2, $4  }
0x25: {  	[tilespmem:s12], [sflag:$0xD] =	stream.linear.gather [hbm4b:s31+s6], $0x200, $0x38;
	[tilespmem:$0x18600] =	vst v63  }
0x26: {  	_ =	swait.ge [sflag:s8], $0x200  }
0x27: {  	[sflag:s8] =	ssyncset.done $0x0  }
0x28: {  	s9 =	simm.s32 $0x0;
	[sflag:s8] =	ssyncadd.s32 $0xFFFFFE00;
	s8 =	simm.s32 $0xB  }
.LBB2_27:
0x29: {  	s7 =	sadd.s32 $0xB, s15  }
.LBB2_29:
0x2a: {  	v30 =	vmov s7;
	_ =	sdelay $0x4  }
0x2b: {  	v31 =	vld.idx.msk [tilespmem:v30+s6+$0x0], $0xffff  }
0x2c: {  	v30 =	vld.idx.msk [tilespmem:v30+s12+$0x0], $0xffff;
	_ =	sdelay $0x3  }
0x2d: {  	(v2sf) =	vpush v31, $0x0  }
0x2e: {  	(v2sf) =	vpush v30, $0x0;
	_ =	sdelay $0xd  }
0x2f: {  	s18 =	spop (v2sf)  }
0x30: {  	s7 =	sand.u32 $0xFFFFF80, s18;
	s11 =	spop (v2sf)  }
0x31: {  	s16 =	simm.s32 $0x16400;
	s15 =	sadd.s32 s1, s7;
	s11 =	sand.u32 $0xFFFFF80, s11  }
0x32: {  	[tilespmem:s16], [sflag:$0xC] =	stream.strided.gather [hbm4b:s15+s13], $0x800, s14, s13, $0x38;
	[tilespmem:$0x18600] =	vst v63  }
0x33: {  	s25 =	simm.s32 $0x16C00;
	s24 =	sadd.s32 s2, s11  }
0x34: {  	[tilespmem:s25], [sflag:$0xC] =	stream.strided.gather [hbm4b:s24+s13], $0x800, s14, s13, $0x38;
	[tilespmem:$0x18600] =	vst v63  }
0x35: {  	s29 =	simm.s32 $0x17400;
	s7 =	sadd.s32 s3, s7  }
0x36: {  	[tilespmem:s29], [sflag:$0xC] =	stream.strided.gather [hbm4b:s7+s13], $0x800, s14, s13, $0x38;
	[tilespmem:$0x18600] =	vst v63  }
0x37: {  	s31 =	simm.s32 $0x17C00;
	s30 =	sadd.s32 s4, s11  }
0x38: {  	[tilespmem:s31], [sflag:$0xC] =	stream.strided.gather [hbm4b:s30+s13], $0x800, s14, s13, $0x38;
	[tilespmem:$0x18600] =	vst v63  }
.LBB2_30:
0x39: {  	s8 =	sadd.s32 $0xC, s8  }
0x3a: {  	p0 =	sne.s32 s8, $0x21B  }
.Ltmp3:
0x3b: {  	_ = 	snop;
	(pc) =	sbr.rel @!p0 .LBB2_31-.Ltmp3, $2  }
0x3c: {  	_ =	sdelay $0x2  }
0x3d: {  	s9 =	sadd.s32 $0x1, s9  }
.LBB2_2:
0x3e: {  	s7 =	sadd.s32 $0xFFFFFFE9, s8  }
0x3f: {  	p1 =	sgt.u32 s7, $0x1FF  }
0x40: {  	s11 =	simm.s32 @!p1 $0x1  }
0x41: {  	_ =	swait.ge @!p1 [sflag:s11], $0x800  }
0x42: {  	[sflag:s11] =	ssyncset.done @!p1 $0x0  }
0x43: {  	[sflag:s11] =	ssyncadd.s32 @!p1 $0xFFFFF800  }
0x44: {  	_ =	swait.ge @!p1 [sflag:s11], $0x800  }
0x45: {  	v30 =	vmov @!p1 s7;
	[sflag:s11] =	ssyncset.done @!p1 $0x0  }
0x46: {  	v30 =	vand.u32 @!p1 $0xFFFFFFFC, v30;
	[sflag:s11] =	ssyncadd.s32 @!p1 $0xFFFFF800  }
0x47: {  	v30 =	vbroadcast @!p1 v30, $0x0;
	_ =	swait.ge @!p1 [sflag:s11], $0x800  }
0x48: {  	[sflag:s11] =	ssyncset.done @!p1 $0x0  }
0x49: {  	[sflag:s11] =	ssyncadd.s32 @!p1 $0xFFFFF800  }
0x4a: {  	_ =	swait.ge @!p1 [sflag:s11], $0x800  }
0x4b: {  	[sflag:s11] =	ssyncset.done @!p1 $0x0  }
0x4c: {  	[sflag:s11] =	ssyncadd.s32 @!p1 $0xFFFFF800;
	s11 =	simm.s32 @!p1 $0x0  }
0x4d: {  	v31 =	vld.idx.msk @!p1 [tilespmem:v30+s11+$0x0], $0xffff  }
0x4e: {  	s11 =	simm.s32 @!p1 $0x200  }
0x4f: {  	v30 =	vld.idx.msk @!p1 [tilespmem:v30+s11+$0x0], $0xffff  }
0x50: {  	v32 =	vlaneseq.u32 @!p1  }
0x51: {  	v33 =	vmul.u32 @!p1 $0x80, v32  }
0x52: {  	v31 =	vand.u32 @!p1 $0x7F, v31  }
0x53: {  	v36 =	vor.u32 @!p1 $0x1000, v33;
	v34 =	vor.u32 @!p1 v33, v31  }
0x54: {  	v35 =	vor.u32 @!p1 $0x800, v33;
	v30 =	vand.u32 @!p1 $0x7F, v30;
	v31 =	vor.u32 @!p1 v36, v31  }
0x55: {  	v33 =	vor.u32 @!p1 $0x1800, v33;
	v35 =	vor.u32 @!p1 v35, v30  }
0x56: {  	v30 =	vor.u32 @!p1 v33, v30  }
0x57: {  	s11 =	simm.s32 @!p1 $0x400  }
0x58: {  	v33 =	vld.idx.msk @!p1 [tilespmem:v34+s11+$0x0], $0xffff  }
0x59: {  	v31 =	vld.idx.msk @!p1 [tilespmem:v31+s11+$0x0], $0xffff  }
0x5a: {  	v34 =	vld.idx.msk @!p1 [tilespmem:v35+s11+$0x0], $0xffff  }
0x5b: {  	v30 =	vld.idx.msk @!p1 [tilespmem:v30+s11+$0x0], $0xffff;
	_ =	sdelay $0x4  }
0x5c: {  	v33 =	vmul.f32 @!p1 v34, v33;
	v30 =	vmul.f32 @!p1 v30, v31;
	_ =	sdelay $0x1  }
0x5d: {  	v30 =	vadd.f32 @!p1 v30, v33;
	_ =	sdelay $0x1  }
0x5e: {  	(xrf2) =	vadd.scan.msk.f32 @!p1 $0xffff, v30;
	_ =	sdelay $0x5  }
0x5f: {  	p0 =	seq.s32 s8, $0x20F;
	s11 =	sadd.s32 $0xFFFFFFF5, s8  }
0x60: {  	s15 =	sand.u32 @!p1 $0x1F0, s7;
	v30 =	vmov @!p0 s11  }
0x61: {  	v31 =	vld @!p1 [tilespmem:s15+$0x18400];
	v30 =	vand.u32 @!p0 $0xFFFFFFFC, v30  }
0x62: {  	v30 =	vbroadcast @!p0 v30, $0x0  }
0x63: {  	s7 =	sand.u32 @!p1 $0xC, s7;
	v33, _, _ =	vpop @!p1 (xrf2)  }
0x64: {  	v34 =	vmov @!p1 s7;
	v33 =	vbroadcast @!p1 v33, $0xF  }
0x65: {  	vm0 =	veq.s32 @!p1 v34, v32  }
0x66: {  	v31 =	vsel @!p1 vm0, v33, v31  }
0x67: {  	s7 =	simm.s32 @!p0 $0x0;
	[tilespmem:s15+$0x18400] =	vst @!p1 v31  }
0x68: {  	v31 =	vld.idx.msk @!p0 [tilespmem:v30+s7+$0x0], $0xffff;
	s7 =	simm.s32 @!p0 $0x200  }
0x69: {  	v30 =	vld.idx.msk @!p0 [tilespmem:v30+s7+$0x0], $0xffff;
	_ =	sdelay $0x3  }
0x6a: {  	(v2sf) =	vpush @!p0 v31, $0x0  }
0x6b: {  	(v2sf) =	vpush @!p0 v30, $0x0;
	_ =	sdelay $0xd  }
0x6c: {  	s16 =	simm.s32 @!p0 $0x7A1400;
	s7 =	spop @!p0 (v2sf)  }
0x6d: {  	s17 =	simm.s32 @!p0 $0x400;
	s7 =	sand.u32 @!p0 $0xFFFFF80, s7;
	s11 =	spop @!p0 (v2sf)  }
0x6e: {  	p2 =	seq.s32 @!p0 s8, $0xB;
	s15 =	sadd.s32 @!p0 s1, s7;
	s11 =	sand.u32 @!p0 $0xFFFFF80, s11  }
0x6f: {  	[tilespmem:s17], [sflag:$0x1] =	stream.strided.gather @!p0 [hbm4b:s15+s17], $0x800, s16, s17, $0x38;
	[tilespmem:$0x18600] =	vst v63  }
0x70: {  	s18 =	simm.s32 @!p0 $0xC00;
	p2 =	por p0, !p2;
	s15 =	sadd.s32 @!p0 s2, s11  }
0x71: {  	[tilespmem:s18], [sflag:$0x1] =	stream.strided.gather @!p0 [hbm4b:s15+s17], $0x800, s16, s17, $0x38;
	[tilespmem:$0x18600] =	vst v63  }
.Ltmp4:
0x72: {  	s7 =	sadd.s32 @!p0 s3, s7;
	s15 =	simm.s32 @!p0 $0x1400;
	(pc) =	sbr.rel @!p2 .LBB2_5-.Ltmp4, $4  }
0x73: {  	[tilespmem:s15], [sflag:$0x1] =	stream.strided.gather @!p0 [hbm4b:s7+s17], $0x800, s16, s17, $0x38;
	[tilespmem:$0x18600] =	vst v63  }
0x74: {  	s7 =	sadd.s32 @!p0 s4, s11;
	s11 =	simm.s32 @!p0 $0x1C00  }
0x75: {  	[tilespmem:s11], [sflag:$0x1] =	stream.strided.gather @!p0 [hbm4b:s7+s17], $0x800, s16, s17, $0x38;
	[tilespmem:$0x18600] =	vst v63  }
0x76: {  	s7 =	sadd.s32 @!p0 $0xFFFFFFF6, s8  }
0x77: {  	_ =	swait.ge [sflag:s23], $0x800  }
0x78: {  	[sflag:s23] =	ssyncset.done $0x0  }
0x79: {  	[sflag:s23] =	ssyncadd.s32 $0xFFFFF800  }
0x7a: {  	s11 =	sadd.s32 $0xFFFFFFEA, s8;
	_ =	swait.ge [sflag:s23], $0x800  }
0x7b: {  	v30 =	vmov s11;
	[sflag:s23] =	ssyncset.done $0x0  }
0x7c: {  	v30 =	vand.u32 $0xFFFFFFFD, v30;
	[sflag:s23] =	ssyncadd.s32 $0xFFFFF800  }
0x7d: {  	v30 =	vbroadcast v30, $0x0;
	_ =	swait.ge [sflag:s23], $0x800  }
0x7e: {  	[sflag:s23] =	ssyncset.done $0x0  }
0x7f: {  	[sflag:s23] =	ssyncadd.s32 $0xFFFFF800  }
0x80: {  	_ =	swait.ge [sflag:s23], $0x800  }
0x81: {  	[sflag:s23] =	ssyncset.done $0x0  }
0x82: {  	[sflag:s23] =	ssyncadd.s32 $0xFFFFF800  }
0x83: {  	v31 =	vld.idx.msk [tilespmem:v30+s6+$0x0], $0xffff  }
0x84: {  	v30 =	vld.idx.msk [tilespmem:v30+s12+$0x0], $0xffff;
	_ =	sdelay $0x3  }
0x85: {  	v32 =	vor.u32 $0x2000, v1;
	v31 =	vand.u32 $0x7F, v31  }
0x86: {  	v33 =	vor.u32 $0x2800, v1;
	v30 =	vand.u32 $0x7F, v30;
	v32 =	vor.u32 v32, v31  }
0x87: {  	v34 =	vor.u32 $0x3000, v1;
	v33 =	vor.u32 v33, v30  }
0x88: {  	v62 =	vor.u32 $0x3800, v1;
	v31 =	vor.u32 v34, v31  }
0x89: {  	v30 =	vor.u32 v62, v30;
	_ =	sdelay $0x1  }
0x8a: {  	v32 =	vld.idx.msk [tilespmem:v32+s13+$0x0], $0xffff  }
0x8b: {  	v33 =	vld.idx.msk [tilespmem:v33+s13+$0x0], $0xffff  }
0x8c: {  	v31 =	vld.idx.msk [tilespmem:v31+s13+$0x0], $0xffff  }
0x8d: {  	v30 =	vld.idx.msk [tilespmem:v30+s13+$0x0], $0xffff;
	_ =	sdelay $0x4  }
0x8e: {  	v32 =	vmul.f32 v33, v32;
	v30 =	vmul.f32 v30, v31;
	_ =	sdelay $0x1  }
0x8f: {  	v30 =	vadd.f32 v30, v32;
	_ =	sdelay $0x1  }
0x90: {  	(xrf2) =	vadd.scan.msk.f32 $0xffff, v30;
	_ =	sdelay $0x6  }
0x91: {  	s15 =	sand.u32 $0xFFFFFFF0, s11  }
0x92: {  	v30 =	vld [tilespmem:s15+$0x18400];
	_ =	sdelay $0x1  }
.Ltmp5:
0x93: {  	s11 =	sand.u32 $0xD, s11;
	v31, _, _ =	vpop (xrf2);
	(pc) =	sbr.rel @p0 .LBB2_6-.Ltmp5, $4  }
0x94: {  	v63 =	vmov s11;
	v31 =	vbroadcast v31, $0xF  }
0x95: {  	vm0 =	veq.s32 v63, v0  }
0x96: {  	v30 =	vsel vm0, v31, v30  }
0x97: {  	[tilespmem:s15+$0x18400] =	vst v30  }
0x98: {  	s7 =	simm.s32 @p0 $0x205  }
.LBB2_5:
0x99: {  	v30 =	vmov s7  }
0x9a: {  	v30 =	vand.u32 $0xFFFFFFFD, v30  }
0x9b: {  	v30 =	vbroadcast v30, $0x0;
	_ =	sdelay $0x5  }
0x9c: {  	v31 =	vld.idx.msk [tilespmem:v30+s6+$0x0], $0xffff  }
0x9d: {  	v30 =	vld.idx.msk [tilespmem:v30+s12+$0x0], $0xffff;
	_ =	sdelay $0x3  }
0x9e: {  	(v2sf) =	vpush v31, $0x0  }
0x9f: {  	(v2sf) =	vpush v30, $0x0;
	_ =	sdelay $0xd  }
0xa0: {  	s18 =	spop (v2sf)  }
0xa1: {  	s7 =	sand.u32 $0xFFFFF80, s18;
	s11 =	spop (v2sf)  }
0xa2: {  	s16 =	simm.s32 $0x2400;
	s15 =	sadd.s32 s1, s7;
	s11 =	sand.u32 $0xFFFFF80, s11  }
0xa3: {  	[tilespmem:s16], [sflag:$0x2] =	stream.strided.gather [hbm4b:s15+s13], $0x800, s14, s13, $0x38;
	[tilespmem:$0x18600] =	vst v63  }
0xa4: {  	s25 =	simm.s32 $0x2C00;
	s24 =	sadd.s32 s2, s11  }
0xa5: {  	[tilespmem:s25], [sflag:$0x2] =	stream.strided.gather [hbm4b:s24+s13], $0x800, s14, s13, $0x38;
	[tilespmem:$0x18600] =	vst v63  }
0xa6: {  	s29 =	simm.s32 $0x3400;
	s7 =	sadd.s32 s3, s7  }
0xa7: {  	[tilespmem:s29], [sflag:$0x2] =	stream.strided.gather [hbm4b:s7+s13], $0x800, s14, s13, $0x38;
	[tilespmem:$0x18600] =	vst v63  }
0xa8: {  	s31 =	simm.s32 $0x3C00;
	s30 =	sadd.s32 s4, s11  }
0xa9: {  	[tilespmem:s31], [sflag:$0x2] =	stream.strided.gather [hbm4b:s30+s13], $0x800, s14, s13, $0x38;
	[tilespmem:$0x18600] =	vst v63  }
.LBB2_6:
0xaa: {  	s7 =	simm.s32 @!p1 $0x3  }
0xab: {  	_ =	swait.ge @!p1 [sflag:s7], $0x800  }
0xac: {  	[sflag:s7] =	ssyncset.done @!p1 $0x0  }
0xad: {  	[sflag:s7] =	ssyncadd.s32 @!p1 $0xFFFFF800  }
0xae: {  	s11 =	sadd.s32 @!p1 $0xFFFFFFEB, s8;
	_ =	swait.ge @!p1 [sflag:s7], $0x800  }
0xaf: {  	v30 =	vmov @!p1 s11;
	[sflag:s7] =	ssyncset.done @!p1 $0x0  }
0xb0: {  	v30 =	vand.u32 @!p1 $0xFFFFFFFE, v30;
	[sflag:s7] =	ssyncadd.s32 @!p1 $0xFFFFF800  }
0xb1: {  	v30 =	vbroadcast @!p1 v30, $0x0;
	_ =	swait.ge @!p1 [sflag:s7], $0x800  }
0xb2: {  	[sflag:s7] =	ssyncset.done @!p1 $0x0  }
0xb3: {  	[sflag:s7] =	ssyncadd.s32 @!p1 $0xFFFFF800  }
0xb4: {  	_ =	swait.ge @!p1 [sflag:s7], $0x800  }
0xb5: {  	[sflag:s7] =	ssyncset.done @!p1 $0x0  }
0xb6: {  	s17 =	simm.s32 @!p1 $0x0;
	[sflag:s7] =	ssyncadd.s32 @!p1 $0xFFFFF800  }
0xb7: {  	s18 =	simm.s32 @!p1 $0x200;
	v31 =	vld.idx.msk @!p1 [tilespmem:v30+s17+$0x0], $0xffff  }
0xb8: {  	v30 =	vld.idx.msk @!p1 [tilespmem:v30+s18+$0x0], $0xffff  }
0xb9: {  	v32 =	vlaneseq.u32 @!p1  }
0xba: {  	v33 =	vmul.u32 @!p1 $0x80, v32;
	_ =	sdelay $0x1  }
0xbb: {  	v34 =	vor.u32 @!p1 $0x4000, v33;
	v31 =	vand.u32 @!p1 $0x7F, v31  }
0xbc: {  	v35 =	vor.u32 @!p1 $0x4800, v33;
	v30 =	vand.u32 @!p1 $0x7F, v30;
	v34 =	vor.u32 @!p1 v34, v31  }
0xbd: {  	v36 =	vor.u32 @!p1 $0x5000, v33;
	v35 =	vor.u32 @!p1 v35, v30  }
0xbe: {  	v31 =	vor.u32 @!p1 v36, v31;
	v36 =	vor.u32 @!p1 $0x5800, v33  }
0xbf: {  	v30 =	vor.u32 @!p1 v36, v30  }
0xc0: {  	s7 =	simm.s32 @!p1 $0x400  }
0xc1: {  	v34 =	vld.idx.msk @!p1 [tilespmem:v34+s7+$0x0], $0xffff  }
0xc2: {  	v35 =	vld.idx.msk @!p1 [tilespmem:v35+s7+$0x0], $0xffff  }
0xc3: {  	v31 =	vld.idx.msk @!p1 [tilespmem:v31+s7+$0x0], $0xffff  }
0xc4: {  	v30 =	vld.idx.msk @!p1 [tilespmem:v30+s7+$0x0], $0xffff;
	_ =	sdelay $0x4  }
0xc5: {  	v34 =	vmul.f32 @!p1 v35, v34;
	v30 =	vmul.f32 @!p1 v30, v31;
	_ =	sdelay $0x1  }
0xc6: {  	v30 =	vadd.f32 @!p1 v30, v34;
	_ =	sdelay $0x1  }
0xc7: {  	(xrf2) =	vadd.scan.msk.f32 @!p1 $0xffff, v30;
	_ =	sdelay $0x5  }
0xc8: {  	s15 =	sadd.s32 $0xFFFFFFF7, s8  }
0xc9: {  	s16 =	sand.u32 @!p1 $0xFFFFFFF0, s11;
	v30 =	vmov @!p0 s15  }
0xca: {  	v31 =	vld @!p1 [tilespmem:s16+$0x18400];
	v30 =	vand.u32 @!p0 $0xFFFFFFFE, v30  }
0xcb: {  	v30 =	vbroadcast @!p0 v30, $0x0  }
0xcc: {  	s11 =	sand.u32 @!p1 $0xE, s11;
	v34, _, _ =	vpop @!p1 (xrf2)  }
0xcd: {  	v35 =	vmov @!p1 s11;
	v34 =	vbroadcast @!p1 v34, $0xF  }
0xce: {  	vm0 =	veq.s32 @!p1 v35, v32  }
0xcf: {  	v31 =	vsel @!p1 vm0, v34, v31  }
0xd0: {  	s11 =	simm.s32 @!p0 $0x0;
	[tilespmem:s16+$0x18400] =	vst @!p1 v31  }
0xd1: {  	v31 =	vld.idx.msk @!p0 [tilespmem:v30+s11+$0x0], $0xffff  }
0xd2: {  	s29 =	simm.s32 @!p0 $0x200  }
0xd3: {  	v30 =	vld.idx.msk @!p0 [tilespmem:v30+s29+$0x0], $0xffff;
	_ =	sdelay $0x2  }
0xd4: {  	(v2sf) =	vpush @!p0 v31, $0x0;
	_ =	sdelay $0x1  }
0xd5: {  	(v2sf) =	vpush @!p0 v30, $0x0;
	_ =	sdelay $0xc  }
0xd6: {  	s25 =	simm.s32 @!p0 $0x4400;
	s15 =	spop @!p0 (v2sf)  }
0xd7: {  	s16 =	simm.s32 @!p0 $0x7A1400;
	s30 =	sand.u32 @!p0 $0xFFFFF80, s15  }
0xd8: {  	s31 =	spop @!p0 (v2sf);
	s15 =	simm.s32 @!p0 $0x400;
	s24 =	sadd.s32 @!p0 s1, s30  }
0xd9: {  	[tilespmem:s25], [sflag:$0x3] =	stream.strided.gather @!p0 [hbm4b:s24+s15], $0x800, s16, s15, $0x38;
	[tilespmem:$0x18600] =	vst v63  }
0xda: {  	s24 =	sand.u32 @!p0 $0xFFFFF80, s31  }
0xdb: {  	s31 =	simm.s32 @!p0 $0x4C00;
	s25 =	sadd.s32 @!p0 s2, s24  }
0xdc: {  	[tilespmem:s31], [sflag:$0x3] =	stream.strided.gather @!p0 [hbm4b:s25+s15], $0x800, s16, s15, $0x38;
	[tilespmem:$0x18600] =	vst v63  }
0xdd: {  	s25 =	sadd.s32 @!p0 s3, s30;
	s30 =	simm.s32 @!p0 $0x5400  }
0xde: {  	[tilespmem:s30], [sflag:$0x3] =	stream.strided.gather @!p0 [hbm4b:s25+s15], $0x800, s16, s15, $0x38;
	[tilespmem:$0x18600] =	vst v63  }
0xdf: {  	s24 =	sadd.s32 @!p0 s4, s24;
	s25 =	simm.s32 @!p0 $0x5C00  }
0xe0: {  	[tilespmem:s25], [sflag:$0x3] =	stream.strided.gather @!p0 [hbm4b:s24+s15], $0x800, s16, s15, $0x38;
	[tilespmem:$0x18600] =	vst v63  }
0xe1: {  	s24 =	simm.s32 @!p1 $0x4  }
0xe2: {  	_ =	swait.ge @!p1 [sflag:s24], $0x800  }
0xe3: {  	[sflag:s24] =	ssyncset.done @!p1 $0x0  }
0xe4: {  	[sflag:s24] =	ssyncadd.s32 @!p1 $0xFFFFF800  }
0xe5: {  	_ =	swait.ge @!p1 [sflag:s24], $0x800  }
0xe6: {  	[sflag:s24] =	ssyncset.done @!p1 $0x0  }
0xe7: {  	[sflag:s24] =	ssyncadd.s32 @!p1 $0xFFFFF800  }
0xe8: {  	s25 =	sadd.s32 @!p1 $0xFFFFFFEC, s8;
	_ =	swait.ge @!p1 [sflag:s24], $0x800  }
0xe9: {  	v30 =	vmov @!p1 s25;
	[sflag:s24] =	ssyncset.done @!p1 $0x0  }
0xea: {  	[sflag:s24] =	ssyncadd.s32 @!p1 $0xFFFFF800  }
0xeb: {  	_ =	swait.ge @!p1 [sflag:s24], $0x800  }
0xec: {  	[sflag:s24] =	ssyncset.done @!p1 $0x0  }
0xed: {  	[sflag:s24] =	ssyncadd.s32 @!p1 $0xFFFFF800  }
0xee: {  	v31 =	vld.idx.msk @!p1 [tilespmem:v30+s17+$0x0], $0xffff  }
0xef: {  	v30 =	vld.idx.msk @!p1 [tilespmem:v30+s18+$0x0], $0xffff;
	_ =	sdelay $0x3  }
0xf0: {  	v34 =	vor.u32 @!p1 $0x6000, v33;
	v31 =	vand.u32 @!p1 $0x7F, v31  }
0xf1: {  	v35 =	vor.u32 @!p1 $0x6800, v33;
	v30 =	vand.u32 @!p1 $0x7F, v30;
	v34 =	vor.u32 @!p1 v34, v31  }
0xf2: {  	v36 =	vor.u32 @!p1 $0x7000, v33;
	v35 =	vor.u32 @!p1 v35, v30  }
0xf3: {  	v33 =	vor.u32 @!p1 $0x7800, v33;
	v31 =	vor.u32 @!p1 v36, v31  }
0xf4: {  	v30 =	vor.u32 @!p1 v33, v30;
	_ =	sdelay $0x1  }
0xf5: {  	v33 =	vld.idx.msk @!p1 [tilespmem:v34+s7+$0x0], $0xffff  }
0xf6: {  	v34 =	vld.idx.msk @!p1 [tilespmem:v35+s7+$0x0], $0xffff  }
0xf7: {  	v31 =	vld.idx.msk @!p1 [tilespmem:v31+s7+$0x0], $0xffff  }
0xf8: {  	v30 =	vld.idx.msk @!p1 [tilespmem:v30+s7+$0x0], $0xffff;
	_ =	sdelay $0x4  }
0xf9: {  	v33 =	vmul.f32 @!p1 v34, v33;
	v30 =	vmul.f32 @!p1 v30, v31;
	_ =	sdelay $0x1  }
0xfa: {  	v30 =	vadd.f32 @!p1 v30, v33;
	_ =	sdelay $0x1  }
0xfb: {  	(xrf2) =	vadd.scan.msk.f32 @!p1 $0xffff, v30;
	_ =	sdelay $0x6  }
0xfc: {  	s7 =	sand.u32 @!p1 $0xFFFFFFF0, s25  }
0xfd: {  	v30 =	vld @!p1 [tilespmem:s7+$0x18400]  }
0xfe: {  	s17 =	sadd.s32 $0xFFFFFFF8, s8  }
0xff: {  	s18 =	sand.u32 @!p1 $0xF, s25;
	v33 =	vmov @!p0 s17;
	v31, _, _ =	vpop @!p1 (xrf2)  }
0x100: {  	v34 =	vmov @!p1 s18;
	v31 =	vbroadcast @!p1 v31, $0xF  }
0x101: {  	vm0 =	veq.s32 @!p1 v34, v32  }
0x102: {  	v30 =	vsel @!p1 vm0, v31, v30  }
0x103: {  	[tilespmem:s7+$0x18400] =	vst @!p1 v30  }
0x104: {  	v30 =	vld.idx.msk @!p0 [tilespmem:v33+s11+$0x0], $0xffff  }
0x105: {  	v31 =	vld.idx.msk @!p0 [tilespmem:v33+s29+$0x0], $0xffff;
	_ =	sdelay $0x3  }
0x106: {  	(v2sf) =	vpush @!p0 v30, $0x0  }
0x107: {  	(v2sf) =	vpush @!p0 v31, $0x0;
	_ =	sdelay $0xd  }
0x108: {  	s7 =	spop @!p0 (v2sf)  }
0x109: {  	s7 =	sand.u32 @!p0 $0xFFFFF80, s7;
	s11 =	spop @!p0 (v2sf)  }
0x10a: {  	s18 =	simm.s32 @!p0 $0x6400;
	s17 =	sadd.s32 @!p0 s1, s7;
	s11 =	sand.u32 @!p0 $0xFFFFF80, s11  }
0x10b: {  	[tilespmem:s18], [sflag:$0x4] =	stream.strided.gather @!p0 [hbm4b:s17+s15], $0x800, s16, s15, $0x38;
	[tilespmem:$0x18600] =	vst v63  }
0x10c: {  	s17 =	sadd.s32 @!p0 s2, s11;
	s18 =	simm.s32 @!p0 $0x6C00  }
0x10d: {  	[tilespmem:s18], [sflag:$0x4] =	stream.strided.gather @!p0 [hbm4b:s17+s15], $0x800, s16, s15, $0x38;
	[tilespmem:$0x18600] =	vst v63  }
0x10e: {  	s7 =	sadd.s32 @!p0 s3, s7;
	s17 =	simm.s32 @!p0 $0x7400  }
0x10f: {  	[tilespmem:s17], [sflag:$0x4] =	stream.strided.gather @!p0 [hbm4b:s7+s15], $0x800, s16, s15, $0x38;
	[tilespmem:$0x18600] =	vst v63  }
0x110: {  	s7 =	sadd.s32 @!p0 s4, s11;
	s11 =	simm.s32 @!p0 $0x7C00  }
0x111: {  	[tilespmem:s11], [sflag:$0x4] =	stream.strided.gather @!p0 [hbm4b:s7+s15], $0x800, s16, s15, $0x38;
	[tilespmem:$0x18600] =	vst v63  }
0x112: {  	s11 =	sadd.s32 @!p0 $0xFFFFFFED, s8  }
0x113: {  	p1 =	sgt.u32 @!p0 s11, $0x1FF  }
0x114: {  	p1 =	por p0, !p1  }
.Ltmp6:
0x115: {  	_ = 	snop;
	(pc) =	sbr.rel @!p1 .LBB2_9-.Ltmp6, $2  }
0x116: {  	_ =	sdelay $0x2  }
0x117: {  	p2 =	por @!p0 $0x0, $0x0;
	s7 =	sadd.s32 @!p0 $0xFFFFFFF9, s8  }
0x118: {  	_ =	swait.ge [sflag:s19], $0x800  }
0x119: {  	[sflag:s19] =	ssyncset.done $0x0  }
0x11a: {  	[sflag:s19] =	ssyncadd.s32 $0xFFFFF800  }
0x11b: {  	s11 =	simm.s32 @p0 $0x1FC;
	_ =	swait.ge [sflag:s19], $0x800  }
0x11c: {  	v30 =	vmov s11;
	[sflag:s19] =	ssyncset.done $0x0  }
0x11d: {  	v30 =	vand.u32 $0xFFFFFFFC, v30;
	[sflag:s19] =	ssyncadd.s32 $0xFFFFF800  }
0x11e: {  	v30 =	vbroadcast v30, $0x0;
	_ =	swait.ge [sflag:s19], $0x800  }
0x11f: {  	[sflag:s19] =	ssyncset.done $0x0  }
0x120: {  	[sflag:s19] =	ssyncadd.s32 $0xFFFFF800  }
0x121: {  	_ =	swait.ge [sflag:s19], $0x800  }
0x122: {  	[sflag:s19] =	ssyncset.done $0x0  }
0x123: {  	[sflag:s19] =	ssyncadd.s32 $0xFFFFF800  }
0x124: {  	v31 =	vld.idx.msk [tilespmem:v30+s6+$0x0], $0xffff  }
0x125: {  	v30 =	vld.idx.msk [tilespmem:v30+s12+$0x0], $0xffff;
	_ =	sdelay $0x3  }
0x126: {  	v31 =	vand.u32 $0x7F, v31  }
0x127: {  	v30 =	vand.u32 $0x7F, v30;
	v32 =	vor.u32 v2, v31  }
0x128: {  	v33 =	vor.u32 v3, v30  }
0x129: {  	v31 =	vor.u32 v4, v31  }
0x12a: {  	v30 =	vor.u32 v5, v30;
	_ =	sdelay $0x1  }
0x12b: {  	v32 =	vld.idx.msk [tilespmem:v32+s13+$0x0], $0xffff  }
0x12c: {  	v33 =	vld.idx.msk [tilespmem:v33+s13+$0x0], $0xffff  }
0x12d: {  	v31 =	vld.idx.msk [tilespmem:v31+s13+$0x0], $0xffff  }
0x12e: {  	v30 =	vld.idx.msk [tilespmem:v30+s13+$0x0], $0xffff;
	_ =	sdelay $0x4  }
0x12f: {  	v32 =	vmul.f32 v33, v32;
	v30 =	vmul.f32 v30, v31;
	_ =	sdelay $0x1  }
0x130: {  	v30 =	vadd.f32 v30, v32;
	_ =	sdelay $0x1  }
0x131: {  	(xrf2) =	vadd.scan.msk.f32 $0xffff, v30;
	_ =	sdelay $0x6  }
0x132: {  	s15 =	sand.u32 $0x1F0, s11  }
0x133: {  	v30 =	vld [tilespmem:s15+$0x18400];
	_ =	sdelay $0x1  }
.Ltmp7:
0x134: {  	s11 =	sand.u32 $0xC, s11;
	v31, _, _ =	vpop (xrf2);
	(pc) =	sbr.rel @p0 .LBB2_10-.Ltmp7, $4  }
0x135: {  	v63 =	vmov s11;
	v31 =	vbroadcast v31, $0xF  }
0x136: {  	vm0 =	veq.s32 v63, v0  }
0x137: {  	v30 =	vsel vm0, v31, v30  }
0x138: {  	s11 =	simm.s32 $0x209;
	[tilespmem:s15+$0x18400] =	vst v30  }
0x139: {  	s7 =	simm.s32 @p0 $0x208;
	p2 =	por $0x1, $0x1  }
.LBB2_9:
0x13a: {  	v30 =	vmov s7  }
0x13b: {  	v30 =	vand.u32 $0xFFFFFFFC, v30  }
0x13c: {  	v30 =	vbroadcast v30, $0x0;
	_ =	sdelay $0x5  }
0x13d: {  	v31 =	vld.idx.msk [tilespmem:v30+s6+$0x0], $0xffff  }
0x13e: {  	v30 =	vld.idx.msk [tilespmem:v30+s12+$0x0], $0xffff;
	_ =	sdelay $0x3  }
0x13f: {  	(v2sf) =	vpush v31, $0x0  }
0x140: {  	(v2sf) =	vpush v30, $0x0;
	_ =	sdelay $0xd  }
0x141: {  	s18 =	spop (v2sf)  }
0x142: {  	s7 =	sand.u32 $0xFFFFF80, s18;
	s11 =	spop (v2sf)  }
0x143: {  	s16 =	simm.s32 $0x8400;
	s15 =	sadd.s32 s1, s7;
	s11 =	sand.u32 $0xFFFFF80, s11  }
0x144: {  	[tilespmem:s16], [sflag:$0x5] =	stream.strided.gather [hbm4b:s15+s13], $0x800, s14, s13, $0x38;
	[tilespmem:$0x18600] =	vst v63  }
0x145: {  	s25 =	simm.s32 $0x8C00;
	s24 =	sadd.s32 s2, s11  }
0x146: {  	[tilespmem:s25], [sflag:$0x5] =	stream.strided.gather [hbm4b:s24+s13], $0x800, s14, s13, $0x38;
	[tilespmem:$0x18600] =	vst v63  }
.Ltmp8:
0x147: {  	_ = 	snop;
	(pc) =	sbr.rel @!p2 .LBB2_11-.Ltmp8, $4  }
0x148: {  	s29 =	simm.s32 $0x9400;
	s31 =	simm.s32 $0x9C00;
	s7 =	sadd.s32 s3, s7  }
0x149: {  	[tilespmem:s29], [sflag:$0x5] =	stream.strided.gather [hbm4b:s7+s13], $0x800, s14, s13, $0x38;
	[tilespmem:$0x18600] =	vst v63  }
0x14a: {  	p1 =	por $0x0, $0x0;
	s30 =	sadd.s32 s4, s11;
	s11 =	sadd.s32 $0xFFFFFFFA, s8  }
0x14b: {  	[tilespmem:s31], [sflag:$0x5] =	stream.strided.gather [hbm4b:s30+s13], $0x800, s14, s13, $0x38;
	[tilespmem:$0x18600] =	vst v63  }
.LBB2_10:
0x14c: {  	_ =	swait.ge [sflag:s20], $0x800  }
0x14d: {  	[sflag:s20] =	ssyncset.done $0x0  }
0x14e: {  	[sflag:s20] =	ssyncadd.s32 $0xFFFFF800  }
0x14f: {  	s7 =	sadd.s32 $0xFFFFFFEE, s8;
	_ =	swait.ge [sflag:s20], $0x800  }
0x150: {  	v30 =	vmov s7;
	[sflag:s20] =	ssyncset.done $0x0  }
0x151: {  	v30 =	vand.u32 $0xFFFFFFFD, v30;
	[sflag:s20] =	ssyncadd.s32 $0xFFFFF800  }
0x152: {  	v30 =	vbroadcast v30, $0x0;
	_ =	swait.ge [sflag:s20], $0x800  }
0x153: {  	[sflag:s20] =	ssyncset.done $0x0  }
0x154: {  	[sflag:s20] =	ssyncadd.s32 $0xFFFFF800  }
0x155: {  	_ =	swait.ge [sflag:s20], $0x800  }
0x156: {  	[sflag:s20] =	ssyncset.done $0x0  }
0x157: {  	[sflag:s20] =	ssyncadd.s32 $0xFFFFF800  }
0x158: {  	v31 =	vld.idx.msk [tilespmem:v30+s6+$0x0], $0xffff  }
0x159: {  	v30 =	vld.idx.msk [tilespmem:v30+s12+$0x0], $0xffff;
	_ =	sdelay $0x3  }
0x15a: {  	v31 =	vand.u32 $0x7F, v31  }
0x15b: {  	v30 =	vand.u32 $0x7F, v30;
	v32 =	vor.u32 v6, v31  }
0x15c: {  	v33 =	vor.u32 v7, v30  }
0x15d: {  	v31 =	vor.u32 v8, v31  }
0x15e: {  	v30 =	vor.u32 v9, v30;
	_ =	sdelay $0x1  }
0x15f: {  	v32 =	vld.idx.msk [tilespmem:v32+s13+$0x0], $0xffff  }
0x160: {  	v33 =	vld.idx.msk [tilespmem:v33+s13+$0x0], $0xffff  }
0x161: {  	v31 =	vld.idx.msk [tilespmem:v31+s13+$0x0], $0xffff  }
0x162: {  	v30 =	vld.idx.msk [tilespmem:v30+s13+$0x0], $0xffff;
	_ =	sdelay $0x4  }
0x163: {  	v32 =	vmul.f32 v33, v32;
	v30 =	vmul.f32 v30, v31;
	_ =	sdelay $0x1  }
0x164: {  	v30 =	vadd.f32 v30, v32;
	_ =	sdelay $0x1  }
0x165: {  	(xrf2) =	vadd.scan.msk.f32 $0xffff, v30;
	_ =	sdelay $0x6  }
0x166: {  	s15 =	sand.u32 $0xFFFFFFF0, s7  }
0x167: {  	v30 =	vld [tilespmem:s15+$0x18400];
	_ =	sdelay $0x1  }
.Ltmp9:
0x168: {  	s7 =	sand.u32 $0xD, s7;
	v31, _, _ =	vpop (xrf2);
	(pc) =	sbr.rel @p0 .LBB2_12-.Ltmp9, $4  }
0x169: {  	v63 =	vmov s7;
	v31 =	vbroadcast v31, $0xF  }
0x16a: {  	vm0 =	veq.s32 v63, v0  }
0x16b: {  	v30 =	vsel vm0, v31, v30  }
0x16c: {  	p1 =	por $0x1, $0x1;
	s7 =	simm.s32 $0x20A;
	[tilespmem:s15+$0x18400] =	vst v30  }
.LBB2_11:
0x16d: {  	v30 =	vmov s11  }
0x16e: {  	v30 =	vand.u32 $0xFFFFFFFD, v30  }
0x16f: {  	v30 =	vbroadcast v30, $0x0;
	_ =	sdelay $0x5  }
0x170: {  	v31 =	vld.idx.msk [tilespmem:v30+s6+$0x0], $0xffff  }
0x171: {  	v30 =	vld.idx.msk [tilespmem:v30+s12+$0x0], $0xffff;
	_ =	sdelay $0x3  }
0x172: {  	(v2sf) =	vpush v31, $0x0  }
0x173: {  	(v2sf) =	vpush v30, $0x0;
	_ =	sdelay $0xd  }
0x174: {  	s7 =	spop (v2sf)  }
0x175: {  	s7 =	sand.u32 $0xFFFFF80, s7;
	s18 =	spop (v2sf)  }
0x176: {  	s16 =	simm.s32 $0xA400;
	s15 =	sadd.s32 s1, s7;
	s11 =	sand.u32 $0xFFFFF80, s18  }
0x177: {  	[tilespmem:s16], [sflag:$0x6] =	stream.strided.gather [hbm4b:s15+s13], $0x800, s14, s13, $0x38;
	[tilespmem:$0x18600] =	vst v63  }
0x178: {  	s25 =	simm.s32 $0xAC00;
	s24 =	sadd.s32 s2, s11  }
0x179: {  	[tilespmem:s25], [sflag:$0x6] =	stream.strided.gather [hbm4b:s24+s13], $0x800, s14, s13, $0x38;
	[tilespmem:$0x18600] =	vst v63  }
.Ltmp10:
0x17a: {  	_ = 	snop;
	(pc) =	sbr.rel @!p1 .LBB2_13-.Ltmp10, $4  }
0x17b: {  	s29 =	simm.s32 $0xB400;
	s31 =	simm.s32 $0xBC00;
	s7 =	sadd.s32 s3, s7  }
0x17c: {  	[tilespmem:s29], [sflag:$0x6] =	stream.strided.gather [hbm4b:s7+s13], $0x800, s14, s13, $0x38;
	[tilespmem:$0x18600] =	vst v63  }
0x17d: {  	p2 =	por $0x0, $0x0;
	s30 =	sadd.s32 s4, s11;
	s7 =	sadd.s32 $0xFFFFFFFB, s8  }
0x17e: {  	[tilespmem:s31], [sflag:$0x6] =	stream.strided.gather [hbm4b:s30+s13], $0x800, s14, s13, $0x38;
	[tilespmem:$0x18600] =	vst v63  }
.LBB2_12:
0x17f: {  	_ =	swait.ge [sflag:s21], $0x800  }
0x180: {  	[sflag:s21] =	ssyncset.done $0x0  }
0x181: {  	[sflag:s21] =	ssyncadd.s32 $0xFFFFF800  }
0x182: {  	s11 =	sadd.s32 $0xFFFFFFEF, s8;
	_ =	swait.ge [sflag:s21], $0x800  }
0x183: {  	v30 =	vmov s11;
	[sflag:s21] =	ssyncset.done $0x0  }
0x184: {  	v30 =	vand.u32 $0xFFFFFFFE, v30;
	[sflag:s21] =	ssyncadd.s32 $0xFFFFF800  }
0x185: {  	v30 =	vbroadcast v30, $0x0;
	_ =	swait.ge [sflag:s21], $0x800  }
0x186: {  	[sflag:s21] =	ssyncset.done $0x0  }
0x187: {  	[sflag:s21] =	ssyncadd.s32 $0xFFFFF800  }
0x188: {  	_ =	swait.ge [sflag:s21], $0x800  }
0x189: {  	[sflag:s21] =	ssyncset.done $0x0  }
0x18a: {  	[sflag:s21] =	ssyncadd.s32 $0xFFFFF800  }
0x18b: {  	v31 =	vld.idx.msk [tilespmem:v30+s6+$0x0], $0xffff  }
0x18c: {  	v30 =	vld.idx.msk [tilespmem:v30+s12+$0x0], $0xffff;
	_ =	sdelay $0x3  }
0x18d: {  	v31 =	vand.u32 $0x7F, v31  }
0x18e: {  	v30 =	vand.u32 $0x7F, v30;
	v32 =	vor.u32 v10, v31  }
0x18f: {  	v33 =	vor.u32 v11, v30  }
0x190: {  	v31 =	vor.u32 v12, v31  }
0x191: {  	v30 =	vor.u32 v13, v30;
	_ =	sdelay $0x1  }
0x192: {  	v32 =	vld.idx.msk [tilespmem:v32+s13+$0x0], $0xffff  }
0x193: {  	v33 =	vld.idx.msk [tilespmem:v33+s13+$0x0], $0xffff  }
0x194: {  	v31 =	vld.idx.msk [tilespmem:v31+s13+$0x0], $0xffff  }
0x195: {  	v30 =	vld.idx.msk [tilespmem:v30+s13+$0x0], $0xffff;
	_ =	sdelay $0x4  }
0x196: {  	v32 =	vmul.f32 v33, v32;
	v30 =	vmul.f32 v30, v31;
	_ =	sdelay $0x1  }
0x197: {  	v30 =	vadd.f32 v30, v32;
	_ =	sdelay $0x1  }
0x198: {  	(xrf2) =	vadd.scan.msk.f32 $0xffff, v30;
	_ =	sdelay $0x6  }
0x199: {  	s15 =	sand.u32 $0xFFFFFFF0, s11  }
0x19a: {  	v30 =	vld [tilespmem:s15+$0x18400];
	_ =	sdelay $0x1  }
.Ltmp11:
0x19b: {  	s11 =	sand.u32 $0xE, s11;
	v31, _, _ =	vpop (xrf2);
	(pc) =	sbr.rel @p0 .LBB2_14-.Ltmp11, $4  }
0x19c: {  	v63 =	vmov s11;
	v31 =	vbroadcast v31, $0xF  }
0x19d: {  	vm0 =	veq.s32 v63, v0  }
0x19e: {  	v30 =	vsel vm0, v31, v30  }
0x19f: {  	p2 =	por $0x1, $0x1;
	s11 =	simm.s32 $0x20B;
	[tilespmem:s15+$0x18400] =	vst v30  }
.LBB2_13:
0x1a0: {  	v30 =	vmov s7  }
0x1a1: {  	v30 =	vand.u32 $0xFFFFFFFE, v30  }
0x1a2: {  	v30 =	vbroadcast v30, $0x0;
	_ =	sdelay $0x5  }
0x1a3: {  	v31 =	vld.idx.msk [tilespmem:v30+s6+$0x0], $0xffff  }
0x1a4: {  	v30 =	vld.idx.msk [tilespmem:v30+s12+$0x0], $0xffff;
	_ =	sdelay $0x3  }
0x1a5: {  	(v2sf) =	vpush v31, $0x0  }
0x1a6: {  	(v2sf) =	vpush v30, $0x0;
	_ =	sdelay $0xd  }
0x1a7: {  	s18 =	spop (v2sf)  }
0x1a8: {  	s7 =	sand.u32 $0xFFFFF80, s18;
	s11 =	spop (v2sf)  }
0x1a9: {  	s16 =	simm.s32 $0xC400;
	s15 =	sadd.s32 s1, s7;
	s11 =	sand.u32 $0xFFFFF80, s11  }
0x1aa: {  	[tilespmem:s16], [sflag:$0x7] =	stream.strided.gather [hbm4b:s15+s13], $0x800, s14, s13, $0x38;
	[tilespmem:$0x18600] =	vst v63  }
0x1ab: {  	s25 =	simm.s32 $0xCC00;
	s24 =	sadd.s32 s2, s11  }
0x1ac: {  	[tilespmem:s25], [sflag:$0x7] =	stream.strided.gather [hbm4b:s24+s13], $0x800, s14, s13, $0x38;
	[tilespmem:$0x18600] =	vst v63  }
.Ltmp12:
0x1ad: {  	_ = 	snop;
	(pc) =	sbr.rel @!p2 .LBB2_15-.Ltmp12, $4  }
0x1ae: {  	s29 =	simm.s32 $0xD400;
	s7 =	sadd.s32 s3, s7  }
0x1af: {  	[tilespmem:s29], [sflag:$0x7] =	stream.strided.gather [hbm4b:s7+s13], $0x800, s14, s13, $0x38;
	[tilespmem:$0x18600] =	vst v63  }
0x1b0: {  	s31 =	simm.s32 $0xDC00;
	s30 =	sadd.s32 s4, s11;
	s11 =	sadd.s32 $0xFFFFFFFC, s8  }
0x1b1: {  	[tilespmem:s31], [sflag:$0x7] =	stream.strided.gather [hbm4b:s30+s13], $0x800, s14, s13, $0x38;
	[tilespmem:$0x18600] =	vst v63  }
.LBB2_14:
0x1b2: {  	_ =	swait.ge [sflag:s22], $0x800  }
0x1b3: {  	[sflag:s22] =	ssyncset.done $0x0  }
0x1b4: {  	[sflag:s22] =	ssyncadd.s32 $0xFFFFF800  }
0x1b5: {  	_ =	swait.ge [sflag:s22], $0x800  }
0x1b6: {  	[sflag:s22] =	ssyncset.done $0x0  }
0x1b7: {  	[sflag:s22] =	ssyncadd.s32 $0xFFFFF800  }
0x1b8: {  	s7 =	sadd.s32 $0xFFFFFFF0, s8;
	_ =	swait.ge [sflag:s22], $0x800  }
0x1b9: {  	v30 =	vmov s7;
	[sflag:s22] =	ssyncset.done $0x0  }
0x1ba: {  	[sflag:s22] =	ssyncadd.s32 $0xFFFFF800  }
0x1bb: {  	_ =	swait.ge [sflag:s22], $0x800  }
0x1bc: {  	[sflag:s22] =	ssyncset.done $0x0  }
0x1bd: {  	[sflag:s22] =	ssyncadd.s32 $0xFFFFF800  }
0x1be: {  	v31 =	vld.idx.msk [tilespmem:v30+s6+$0x0], $0xffff  }
0x1bf: {  	v30 =	vld.idx.msk [tilespmem:v30+s12+$0x0], $0xffff;
	_ =	sdelay $0x3  }
0x1c0: {  	v31 =	vand.u32 $0x7F, v31  }
0x1c1: {  	v30 =	vand.u32 $0x7F, v30;
	v32 =	vor.u32 v14, v31  }
0x1c2: {  	v33 =	vor.u32 v15, v30  }
0x1c3: {  	v31 =	vor.u32 v16, v31  }
0x1c4: {  	v30 =	vor.u32 v17, v30;
	_ =	sdelay $0x1  }
0x1c5: {  	v32 =	vld.idx.msk [tilespmem:v32+s13+$0x0], $0xffff  }
0x1c6: {  	v33 =	vld.idx.msk [tilespmem:v33+s13+$0x0], $0xffff  }
0x1c7: {  	v31 =	vld.idx.msk [tilespmem:v31+s13+$0x0], $0xffff  }
0x1c8: {  	v30 =	vld.idx.msk [tilespmem:v30+s13+$0x0], $0xffff;
	_ =	sdelay $0x4  }
0x1c9: {  	v32 =	vmul.f32 v33, v32;
	v30 =	vmul.f32 v30, v31;
	_ =	sdelay $0x1  }
0x1ca: {  	v30 =	vadd.f32 v30, v32;
	_ =	sdelay $0x1  }
0x1cb: {  	(xrf2) =	vadd.scan.msk.f32 $0xffff, v30;
	_ =	sdelay $0x6  }
0x1cc: {  	s15 =	sand.u32 $0xFFFFFFF0, s7  }
0x1cd: {  	v30 =	vld [tilespmem:s15+$0x18400];
	_ =	sdelay $0x1  }
.Ltmp13:
0x1ce: {  	s7 =	sand.u32 $0xF, s7;
	v31, _, _ =	vpop (xrf2);
	(pc) =	sbr.rel @p0 .LBB2_31-.Ltmp13, $4  }
0x1cf: {  	v63 =	vmov s7;
	v31 =	vbroadcast v31, $0xF  }
0x1d0: {  	vm0 =	veq.s32 v63, v0  }
0x1d1: {  	v30 =	vsel vm0, v31, v30  }
0x1d2: {  	[tilespmem:s15+$0x18400] =	vst v30  }
.LBB2_15:
0x1d3: {  	v30 =	vmov s11;
	_ =	sdelay $0x4  }
0x1d4: {  	v31 =	vld.idx.msk [tilespmem:v30+s6+$0x0], $0xffff  }
0x1d5: {  	v30 =	vld.idx.msk [tilespmem:v30+s12+$0x0], $0xffff;
	_ =	sdelay $0x3  }
0x1d6: {  	(v2sf) =	vpush v31, $0x0  }
0x1d7: {  	(v2sf) =	vpush v30, $0x0;
	_ =	sdelay $0xd  }
0x1d8: {  	s7 =	spop (v2sf)  }
0x1d9: {  	s7 =	sand.u32 $0xFFFFF80, s7;
	s25 =	spop (v2sf)  }
0x1da: {  	s16 =	simm.s32 $0xE400;
	s15 =	sadd.s32 s1, s7;
	s11 =	sand.u32 $0xFFFFF80, s25  }
0x1db: {  	[tilespmem:s16], [sflag:$0x8] =	stream.strided.gather [hbm4b:s15+s13], $0x800, s14, s13, $0x38;
	[tilespmem:$0x18600] =	vst v63  }
0x1dc: {  	s30 =	simm.s32 $0xEC00;
	s29 =	sadd.s32 s2, s11;
	s16 =	sadd.s32 $0xFFFFFFF1, s8  }
0x1dd: {  	[tilespmem:s30], [sflag:$0x8] =	stream.strided.gather [hbm4b:s29+s13], $0x800, s14, s13, $0x38;
	[tilespmem:$0x18600] =	vst v63  }
0x1de: {  	s7 =	sadd.s32 s3, s7;
	p1 =	sgt.u32 s16, $0x1FF  }
0x1df: {  	[tilespmem:s26], [sflag:$0x8] =	stream.strided.gather [hbm4b:s7+s13], $0x800, s14, s13, $0x38;
	[tilespmem:$0x18600] =	vst v63  }
0x1e0: {  	s31 =	sadd.s32 s4, s11;
	s7 =	simm.s32 @!p1 $0x9  }
0x1e1: {  	[tilespmem:s28], [sflag:$0x8] =	stream.strided.gather [hbm4b:s31+s13], $0x800, s14, s13, $0x38;
	[tilespmem:$0x18600] =	vst v63  }
0x1e2: {  	_ =	swait.ge @!p1 [sflag:s7], $0x800  }
0x1e3: {  	[sflag:s7] =	ssyncset.done @!p1 $0x0  }
0x1e4: {  	[sflag:s7] =	ssyncadd.s32 @!p1 $0xFFFFF800  }
0x1e5: {  	_ =	swait.ge @!p1 [sflag:s7], $0x800  }
0x1e6: {  	v30 =	vmov @!p1 s16;
	[sflag:s7] =	ssyncset.done @!p1 $0x0  }
0x1e7: {  	v30 =	vand.u32 @!p1 $0xFFFFFFFC, v30;
	[sflag:s7] =	ssyncadd.s32 @!p1 $0xFFFFF800  }
0x1e8: {  	v30 =	vbroadcast @!p1 v30, $0x0;
	_ =	swait.ge @!p1 [sflag:s7], $0x800  }
0x1e9: {  	[sflag:s7] =	ssyncset.done @!p1 $0x0  }
0x1ea: {  	[sflag:s7] =	ssyncadd.s32 @!p1 $0xFFFFF800  }
0x1eb: {  	_ =	swait.ge @!p1 [sflag:s7], $0x800  }
0x1ec: {  	[sflag:s7] =	ssyncset.done @!p1 $0x0  }
0x1ed: {  	[sflag:s7] =	ssyncadd.s32 @!p1 $0xFFFFF800;
	s7 =	simm.s32 @!p1 $0x0  }
0x1ee: {  	v31 =	vld.idx.msk @!p1 [tilespmem:v30+s7+$0x0], $0xffff  }
0x1ef: {  	s7 =	simm.s32 @!p1 $0x200  }
0x1f0: {  	v32 =	vlaneseq.u32 @!p1;
	v30 =	vld.idx.msk @!p1 [tilespmem:v30+s7+$0x0], $0xffff  }
0x1f1: {  	v33 =	vmul.u32 @!p1 $0x80, v32;
	_ =	sdelay $0x1  }
0x1f2: {  	v34 =	vor.u32 @!p1 $0x10000, v33;
	v31 =	vand.u32 @!p1 $0x7F, v31  }
0x1f3: {  	v36 =	vor.u32 @!p1 $0x11000, v33;
	v34 =	vor.u32 @!p1 v34, v31  }
0x1f4: {  	v35 =	vor.u32 @!p1 $0x10800, v33;
	v30 =	vand.u32 @!p1 $0x7F, v30;
	v31 =	vor.u32 @!p1 v36, v31  }
0x1f5: {  	v33 =	vor.u32 @!p1 $0x11800, v33;
	v35 =	vor.u32 @!p1 v35, v30  }
0x1f6: {  	v30 =	vor.u32 @!p1 v33, v30  }
0x1f7: {  	s7 =	simm.s32 @!p1 $0x400  }
0x1f8: {  	v33 =	vld.idx.msk @!p1 [tilespmem:v34+s7+$0x0], $0xffff  }
0x1f9: {  	v31 =	vld.idx.msk @!p1 [tilespmem:v31+s7+$0x0], $0xffff  }
0x1fa: {  	v34 =	vld.idx.msk @!p1 [tilespmem:v35+s7+$0x0], $0xffff  }
0x1fb: {  	v30 =	vld.idx.msk @!p1 [tilespmem:v30+s7+$0x0], $0xffff;
	_ =	sdelay $0x4  }
0x1fc: {  	v33 =	vmul.f32 @!p1 v34, v33;
	v30 =	vmul.f32 @!p1 v30, v31;
	_ =	sdelay $0x1  }
0x1fd: {  	v30 =	vadd.f32 @!p1 v30, v33;
	_ =	sdelay $0x1  }
0x1fe: {  	(xrf2) =	vadd.scan.msk.f32 @!p1 $0xffff, v30;
	_ =	sdelay $0x6  }
0x1ff: {  	s7 =	sand.u32 @!p1 $0x1F0, s16  }
0x200: {  	v30 =	vld @!p1 [tilespmem:s7+$0x18400]  }
0x201: {  	p0 =	sgt.u32 s9, $0x29  }
.Ltmp14:
0x202: {  	s11 =	sand.u32 @!p1 $0xC, s16;
	v31, _, _ =	vpop @!p1 (xrf2);
	(pc) =	sbr.rel @p0 .LBB2_19-.Ltmp14, $4  }
0x203: {  	v33 =	vmov @!p1 s11;
	v31 =	vbroadcast @!p1 v31, $0xF  }
0x204: {  	vm0 =	veq.s32 @!p1 v33, v32  }
0x205: {  	s15 =	smul.u32 $0xC, s9;
	v30 =	vsel @!p1 vm0, v31, v30  }
0x206: {  	[tilespmem:s7+$0x18400] =	vst @!p1 v30  }
0x207: {  	s7 =	sadd.s32 $0xFFFFFFFD, s8  }
0x208: {  	v30 =	vmov s7  }
0x209: {  	v30 =	vand.u32 $0xFFFFFFFC, v30  }
0x20a: {  	v30 =	vbroadcast v30, $0x0;
	_ =	sdelay $0x5  }
0x20b: {  	v31 =	vld.idx.msk [tilespmem:v30+s6+$0x0], $0xffff  }
0x20c: {  	v30 =	vld.idx.msk [tilespmem:v30+s12+$0x0], $0xffff;
	_ =	sdelay $0x3  }
0x20d: {  	(v2sf) =	vpush v31, $0x0  }
0x20e: {  	(v2sf) =	vpush v30, $0x0;
	_ =	sdelay $0xd  }
0x20f: {  	s18 =	spop (v2sf)  }
0x210: {  	s7 =	sand.u32 $0xFFFFF80, s18;
	s11 =	spop (v2sf)  }
0x211: {  	s18 =	simm.s32 $0x10400;
	s17 =	sadd.s32 s1, s7;
	s11 =	sand.u32 $0xFFFFF80, s11  }
0x212: {  	[tilespmem:s18], [sflag:$0x9] =	stream.strided.gather [hbm4b:s17+s13], $0x800, s14, s13, $0x38;
	[tilespmem:$0x18600] =	vst v63  }
0x213: {  	s25 =	simm.s32 $0x10C00;
	p1 =	slt.u32 s16, $0x200;
	s24 =	sadd.s32 s2, s11  }
0x214: {  	[tilespmem:s25], [sflag:$0x9] =	stream.strided.gather [hbm4b:s24+s13], $0x800, s14, s13, $0x38;
	[tilespmem:$0x18600] =	vst v63  }
.Ltmp15:
0x215: {  	_ = 	snop;
	(pc) =	sbr.rel @!p1 .LBB2_18-.Ltmp15, $4  }
0x216: {  	s29 =	simm.s32 $0x11400;
	s7 =	sadd.s32 s3, s7  }
0x217: {  	[tilespmem:s29], [sflag:$0x9] =	stream.strided.gather [hbm4b:s7+s13], $0x800, s14, s13, $0x38;
	[tilespmem:$0x18600] =	vst v63  }
0x218: {  	s31 =	simm.s32 $0x11C00;
	s30 =	sadd.s32 s4, s11  }
0x219: {  	[tilespmem:s31], [sflag:$0x9] =	stream.strided.gather [hbm4b:s30+s13], $0x800, s14, s13, $0x38;
	[tilespmem:$0x18600] =	vst v63  }
.Ltmp16:
0x21a: {  	(pc) =	sbr.rel .LBB2_21-.Ltmp16, $2  }
0x21b: {  	_ =	sdelay $0x2  }
0x21c: {  	s7 =	sadd.s32 $0x9, s15  }
.LBB2_19:
.Ltmp17:
0x21d: {  	(pc) =	sbr.rel @p1 .LBB2_30-.Ltmp17, $1  }
0x21e: {  	_ =	sdelay $0x3  }
0x21f: {  	s7 =	sadd.s32 $0x9, s15  }
.LBB2_21:
0x220: {  	_ =	swait.ge [sflag:s5], $0x800  }
0x221: {  	[sflag:s5] =	ssyncset.done $0x0  }
0x222: {  	[sflag:s5] =	ssyncadd.s32 $0xFFFFF800  }
0x223: {  	s11 =	sadd.s32 $0xFFFFFFF2, s8;
	_ =	swait.ge [sflag:s5], $0x800  }
0x224: {  	v30 =	vmov s11;
	[sflag:s5] =	ssyncset.done $0x0  }
0x225: {  	v30 =	vand.u32 $0xFFFFFFFD, v30;
	[sflag:s5] =	ssyncadd.s32 $0xFFFFF800  }
0x226: {  	v30 =	vbroadcast v30, $0x0;
	_ =	swait.ge [sflag:s5], $0x800  }
0x227: {  	[sflag:s5] =	ssyncset.done $0x0  }
0x228: {  	[sflag:s5] =	ssyncadd.s32 $0xFFFFF800  }
0x229: {  	_ =	swait.ge [sflag:s5], $0x800  }
0x22a: {  	[sflag:s5] =	ssyncset.done $0x0  }
0x22b: {  	[sflag:s5] =	ssyncadd.s32 $0xFFFFF800  }
0x22c: {  	v31 =	vld.idx.msk [tilespmem:v30+s6+$0x0], $0xffff  }
0x22d: {  	v30 =	vld.idx.msk [tilespmem:v30+s12+$0x0], $0xffff;
	_ =	sdelay $0x3  }
0x22e: {  	v31 =	vand.u32 $0x7F, v31  }
0x22f: {  	v30 =	vand.u32 $0x7F, v30;
	v32 =	vor.u32 v18, v31  }
0x230: {  	v33 =	vor.u32 v19, v30  }
0x231: {  	v31 =	vor.u32 v20, v31  }
0x232: {  	v30 =	vor.u32 v21, v30;
	_ =	sdelay $0x1  }
0x233: {  	v32 =	vld.idx.msk [tilespmem:v32+s13+$0x0], $0xffff  }
0x234: {  	v33 =	vld.idx.msk [tilespmem:v33+s13+$0x0], $0xffff  }
0x235: {  	v31 =	vld.idx.msk [tilespmem:v31+s13+$0x0], $0xffff  }
0x236: {  	v30 =	vld.idx.msk [tilespmem:v30+s13+$0x0], $0xffff;
	_ =	sdelay $0x4  }
0x237: {  	v32 =	vmul.f32 v33, v32;
	v30 =	vmul.f32 v30, v31;
	_ =	sdelay $0x1  }
0x238: {  	v30 =	vadd.f32 v30, v32;
	_ =	sdelay $0x1  }
0x239: {  	(xrf2) =	vadd.scan.msk.f32 $0xffff, v30;
	_ =	sdelay $0x6  }
0x23a: {  	s16 =	sand.u32 $0xFFFFFFF0, s11  }
0x23b: {  	v30 =	vld [tilespmem:s16+$0x18400];
	_ =	sdelay $0x1  }
.Ltmp18:
0x23c: {  	s11 =	sand.u32 $0xD, s11;
	v31, _, _ =	vpop (xrf2);
	(pc) =	sbr.rel @p0 .LBB2_24-.Ltmp18, $4  }
.Ltmp19:
0x23d: {  	v63 =	vmov s11;
	v31 =	vbroadcast v31, $0xF;
	(pc) =	sbr.rel @!p0 .LBB2_22-.Ltmp19, $4  }
0x23e: {  	vm0 =	veq.s32 v63, v0  }
0x23f: {  	v30 =	vsel vm0, v31, v30  }
0x240: {  	p1 =	por $0x0, $0x0;
	p2 =	por $0x1, $0x1;
	[tilespmem:s16+$0x18400] =	vst v30  }
0x241: {  	_ = 	snop  }
.LBB2_18:
0x242: {  	s7 =	sadd.s32 $0xFFFFFFFE, s8;
	p2 =	por $0x0, $0x0  }
.LBB2_22:
0x243: {  	v30 =	vmov s7  }
0x244: {  	v30 =	vand.u32 $0xFFFFFFFD, v30  }
0x245: {  	v30 =	vbroadcast v30, $0x0;
	_ =	sdelay $0x5  }
0x246: {  	v31 =	vld.idx.msk [tilespmem:v30+s6+$0x0], $0xffff  }
0x247: {  	v30 =	vld.idx.msk [tilespmem:v30+s12+$0x0], $0xffff;
	_ =	sdelay $0x3  }
0x248: {  	(v2sf) =	vpush v31, $0x0  }
0x249: {  	(v2sf) =	vpush v30, $0x0;
	_ =	sdelay $0xd  }
0x24a: {  	s18 =	spop (v2sf)  }
0x24b: {  	s7 =	sand.u32 $0xFFFFF80, s18;
	s11 =	spop (v2sf)  }
0x24c: {  	s17 =	simm.s32 $0x12400;
	s16 =	sadd.s32 s1, s7;
	s11 =	sand.u32 $0xFFFFF80, s11  }
0x24d: {  	[tilespmem:s17], [sflag:$0xA] =	stream.strided.gather [hbm4b:s16+s13], $0x800, s14, s13, $0x38;
	[tilespmem:$0x18600] =	vst v63  }
0x24e: {  	s25 =	simm.s32 $0x12C00;
	s24 =	sadd.s32 s2, s11  }
0x24f: {  	[tilespmem:s25], [sflag:$0xA] =	stream.strided.gather [hbm4b:s24+s13], $0x800, s14, s13, $0x38;
	[tilespmem:$0x18600] =	vst v63  }
.Ltmp20:
0x250: {  	_ = 	snop;
	(pc) =	sbr.rel @!p2 .LBB2_23-.Ltmp20, $4  }
0x251: {  	s29 =	simm.s32 $0x13400;
	s7 =	sadd.s32 s3, s7  }
0x252: {  	[tilespmem:s29], [sflag:$0xA] =	stream.strided.gather [hbm4b:s7+s13], $0x800, s14, s13, $0x38;
	[tilespmem:$0x18600] =	vst v63  }
0x253: {  	s31 =	simm.s32 $0x13C00;
	p1 =	por $0x1, $0x1;
	s30 =	sadd.s32 s4, s11  }
0x254: {  	[tilespmem:s31], [sflag:$0xA] =	stream.strided.gather [hbm4b:s30+s13], $0x800, s14, s13, $0x38;
	[tilespmem:$0x18600] =	vst v63  }
.LBB2_24:
0x255: {  	_ =	swait.ge [sflag:s10], $0x800  }
0x256: {  	[sflag:s10] =	ssyncset.done $0x0  }
0x257: {  	[sflag:s10] =	ssyncadd.s32 $0xFFFFF800  }
0x258: {  	s7 =	sadd.s32 $0xFFFFFFF3, s8;
	_ =	swait.ge [sflag:s10], $0x800  }
0x259: {  	v30 =	vmov s7;
	[sflag:s10] =	ssyncset.done $0x0  }
0x25a: {  	v30 =	vand.u32 $0xFFFFFFFE, v30;
	[sflag:s10] =	ssyncadd.s32 $0xFFFFF800  }
0x25b: {  	v30 =	vbroadcast v30, $0x0;
	_ =	swait.ge [sflag:s10], $0x800  }
0x25c: {  	[sflag:s10] =	ssyncset.done $0x0  }
0x25d: {  	[sflag:s10] =	ssyncadd.s32 $0xFFFFF800  }
0x25e: {  	_ =	swait.ge [sflag:s10], $0x800  }
0x25f: {  	[sflag:s10] =	ssyncset.done $0x0  }
0x260: {  	[sflag:s10] =	ssyncadd.s32 $0xFFFFF800  }
0x261: {  	v31 =	vld.idx.msk [tilespmem:v30+s6+$0x0], $0xffff  }
0x262: {  	v30 =	vld.idx.msk [tilespmem:v30+s12+$0x0], $0xffff;
	_ =	sdelay $0x3  }
0x263: {  	v31 =	vand.u32 $0x7F, v31  }
0x264: {  	v30 =	vand.u32 $0x7F, v30;
	v32 =	vor.u32 v22, v31  }
0x265: {  	v33 =	vor.u32 v23, v30  }
0x266: {  	v31 =	vor.u32 v24, v31  }
0x267: {  	v30 =	vor.u32 v25, v30;
	_ =	sdelay $0x1  }
0x268: {  	v32 =	vld.idx.msk [tilespmem:v32+s13+$0x0], $0xffff  }
0x269: {  	v33 =	vld.idx.msk [tilespmem:v33+s13+$0x0], $0xffff  }
0x26a: {  	v31 =	vld.idx.msk [tilespmem:v31+s13+$0x0], $0xffff  }
0x26b: {  	v30 =	vld.idx.msk [tilespmem:v30+s13+$0x0], $0xffff;
	_ =	sdelay $0x4  }
0x26c: {  	v32 =	vmul.f32 v33, v32;
	v30 =	vmul.f32 v30, v31;
	_ =	sdelay $0x1  }
0x26d: {  	v30 =	vadd.f32 v30, v32;
	_ =	sdelay $0x1  }
0x26e: {  	(xrf2) =	vadd.scan.msk.f32 $0xffff, v30;
	_ =	sdelay $0x6  }
0x26f: {  	s11 =	sand.u32 $0xFFFFFFF0, s7  }
0x270: {  	v30 =	vld [tilespmem:s11+$0x18400];
	_ =	sdelay $0x1  }
.Ltmp21:
0x271: {  	s7 =	sand.u32 $0xE, s7;
	v31, _, _ =	vpop (xrf2);
	(pc) =	sbr.rel @!p1 .LBB2_28-.Ltmp21, $4  }
0x272: {  	v63 =	vmov s7;
	v31 =	vbroadcast v31, $0xF  }
0x273: {  	vm0 =	veq.s32 v63, v0  }
0x274: {  	v30 =	vsel vm0, v31, v30  }
0x275: {  	p0 =	por $0x0, $0x0;
	[tilespmem:s11+$0x18400] =	vst v30  }
.Ltmp22:
0x276: {  	(pc) =	sbr.rel .LBB2_26-.Ltmp22, $2  }
0x277: {  	_ =	sdelay $0x2  }
0x278: {  	s7 =	sadd.s32 $0xFFFFFFFF, s8;
	p1 =	por $0x1, $0x1  }
.LBB2_23:
0x279: {  	s7 =	sadd.s32 $0xA, s15;
	p1 =	por $0x0, $0x0  }
.LBB2_26:
0x27a: {  	v30 =	vmov s7  }
0x27b: {  	v30 =	vand.u32 $0xFFFFFFFE, v30  }
0x27c: {  	v30 =	vbroadcast v30, $0x0;
	_ =	sdelay $0x5  }
0x27d: {  	v31 =	vld.idx.msk [tilespmem:v30+s6+$0x0], $0xffff  }
0x27e: {  	v30 =	vld.idx.msk [tilespmem:v30+s12+$0x0], $0xffff;
	_ =	sdelay $0x3  }
0x27f: {  	(v2sf) =	vpush v31, $0x0  }
0x280: {  	(v2sf) =	vpush v30, $0x0;
	_ =	sdelay $0xd  }
0x281: {  	s18 =	spop (v2sf)  }
0x282: {  	s7 =	sand.u32 $0xFFFFF80, s18;
	s11 =	spop (v2sf)  }
0x283: {  	s17 =	simm.s32 $0x14400;
	s16 =	sadd.s32 s1, s7;
	s11 =	sand.u32 $0xFFFFF80, s11  }
0x284: {  	[tilespmem:s17], [sflag:$0xB] =	stream.strided.gather [hbm4b:s16+s13], $0x800, s14, s13, $0x38;
	[tilespmem:$0x18600] =	vst v63  }
0x285: {  	s25 =	simm.s32 $0x14C00;
	s24 =	sadd.s32 s2, s11  }
0x286: {  	[tilespmem:s25], [sflag:$0xB] =	stream.strided.gather [hbm4b:s24+s13], $0x800, s14, s13, $0x38;
	[tilespmem:$0x18600] =	vst v63  }
.Ltmp23:
0x287: {  	_ = 	snop;
	(pc) =	sbr.rel @!p1 .LBB2_27-.Ltmp23, $4  }
0x288: {  	s29 =	simm.s32 $0x15400;
	s7 =	sadd.s32 s3, s7  }
0x289: {  	[tilespmem:s29], [sflag:$0xB] =	stream.strided.gather [hbm4b:s7+s13], $0x800, s14, s13, $0x38;
	[tilespmem:$0x18600] =	vst v63  }
0x28a: {  	s31 =	simm.s32 $0x15C00;
	p0 =	por $0x1, $0x1;
	s30 =	sadd.s32 s4, s11  }
0x28b: {  	[tilespmem:s31], [sflag:$0xB] =	stream.strided.gather [hbm4b:s30+s13], $0x800, s14, s13, $0x38;
	[tilespmem:$0x18600] =	vst v63  }
.LBB2_28:
0x28c: {  	_ =	swait.ge [sflag:s0], $0x800  }
0x28d: {  	[sflag:s0] =	ssyncset.done $0x0  }
0x28e: {  	[sflag:s0] =	ssyncadd.s32 $0xFFFFF800  }
0x28f: {  	_ =	swait.ge [sflag:s0], $0x800  }
0x290: {  	[sflag:s0] =	ssyncset.done $0x0  }
0x291: {  	[sflag:s0] =	ssyncadd.s32 $0xFFFFF800  }
0x292: {  	s7 =	sadd.s32 $0xFFFFFFF4, s8;
	_ =	swait.ge [sflag:s0], $0x800  }
0x293: {  	v30 =	vmov s7;
	[sflag:s0] =	ssyncset.done $0x0  }
0x294: {  	[sflag:s0] =	ssyncadd.s32 $0xFFFFF800  }
0x295: {  	_ =	swait.ge [sflag:s0], $0x800  }
0x296: {  	[sflag:s0] =	ssyncset.done $0x0  }
0x297: {  	[sflag:s0] =	ssyncadd.s32 $0xFFFFF800  }
0x298: {  	v31 =	vld.idx.msk [tilespmem:v30+s6+$0x0], $0xffff  }
0x299: {  	v30 =	vld.idx.msk [tilespmem:v30+s12+$0x0], $0xffff;
	_ =	sdelay $0x3  }
0x29a: {  	v31 =	vand.u32 $0x7F, v31  }
0x29b: {  	v30 =	vand.u32 $0x7F, v30;
	v32 =	vor.u32 v26, v31  }
0x29c: {  	v33 =	vor.u32 v27, v30  }
0x29d: {  	v31 =	vor.u32 v28, v31  }
0x29e: {  	v30 =	vor.u32 v29, v30;
	_ =	sdelay $0x1  }
0x29f: {  	v32 =	vld.idx.msk [tilespmem:v32+s13+$0x0], $0xffff  }
0x2a0: {  	v33 =	vld.idx.msk [tilespmem:v33+s13+$0x0], $0xffff  }
0x2a1: {  	v31 =	vld.idx.msk [tilespmem:v31+s13+$0x0], $0xffff  }
0x2a2: {  	v30 =	vld.idx.msk [tilespmem:v30+s13+$0x0], $0xffff;
	_ =	sdelay $0x4  }
0x2a3: {  	v32 =	vmul.f32 v33, v32;
	v30 =	vmul.f32 v30, v31;
	_ =	sdelay $0x1  }
0x2a4: {  	v30 =	vadd.f32 v30, v32;
	_ =	sdelay $0x1  }
0x2a5: {  	(xrf2) =	vadd.scan.msk.f32 $0xffff, v30;
	_ =	sdelay $0x6  }
0x2a6: {  	s11 =	sand.u32 $0xFFFFFFF0, s7  }
0x2a7: {  	v30 =	vld [tilespmem:s11+$0x18400];
	_ =	sdelay $0x1  }
.Ltmp24:
0x2a8: {  	s7 =	sand.u32 $0xF, s7;
	v31, _, _ =	vpop (xrf2);
	(pc) =	sbr.rel @!p0 .LBB2_30-.Ltmp24, $4  }
.Ltmp25:
0x2a9: {  	v63 =	vmov s7;
	v31 =	vbroadcast v31, $0xF;
	(pc) =	sbr.rel @p0 .LBB2_29-.Ltmp25, $4  }
0x2aa: {  	vm0 =	veq.s32 v63, v0  }
0x2ab: {  	v30 =	vsel vm0, v31, v30  }
0x2ac: {  	s7 =	smov.u32 s8;
	[tilespmem:s11+$0x18400] =	vst v30  }
0x2ad: {  	_ = 	snop  }
.LBB2_32:
0x2ae: {  	_ =	sfence.sel $0x180000  }
0x2af: {  	[bflag:$0x0] =	sbarrier.arrive $0xFFFF  }
0x2b0: {  	_ =	strace $0x90000047  }
0x2b1: {  	s0 =	stileid.u32;
	[bflag:$0x2] =	sbarrier.arrive $0xFFFF  }
0x2b2: {  	p0 =	sne.s32 s0, $0x0;
	s0 =	rddreg [dreg:$0x7]  }
0x2b3: {  	s0 =	sadd.s32 @!p0 $0x100000, s0  }
0x2b4: {  	[sflag:s0] =	ssyncadd.tile.s32 @!p0 $0x1;
	_ =	shalt  }
.Lfunc_end2:
_tile_overlayer_lowered:
.L_overlay_start_2:
0x2b5: {  	(tag) =	ssettag $0x2  }
0x2b6: {  	s0 =	rddreg [dreg:$0x0];
	s2 =	stileid.u32  }
0x2b7: {  	s1 =	rddreg [dreg:$0x1];
	p0 =	sne.s32 s2, $0x0  }
0x2b8: {  	s3 =	rddreg [dreg:$0x2];
	[bflag:$0x3] =	sbarrier.arrive $0xFFFF;
	s2 =	simm.s32 @!p0 $0x1C0D  }
0x2b9: {  	[timem:s3], [sflag:s2] =	dma.local @!p0 [hbm:s0], s1  }
0x2ba: {  	s0 =	simm.s32 @!p0 $0xD  }
0x2bb: {  	_ =	swait.ge @!p0 [sflag:s0], s1  }
0x2bc: {  	s1 =	ssub.s32 @!p0 $0x0, s1;
	[sflag:s0] =	ssyncset.done @!p0 $0x0  }
0x2bd: {  	[sflag:s0] =	ssyncadd.s32 @!p0 s1  }
0x2be: {  	[bflag:$0x3] =	sbarrier.arrive $0xFFFF  }
0x2bf: {  	_ =	shalt  }

</sc_bundles>
